<compile_context>
chip_gen: v7x
topology: tpu7x:2x2x1
jax: 0.10.2.dev20260603
libtpu: 0.0.44.dev20260713+nightly
codegen_flags: <defaults>
</compile_context>

<pallas_src>
import functools

import jax
import jax.numpy as jnp
from jax import lax
from jax.experimental import pallas as pl
from jax.experimental.pallas import tpu as pltpu
from jax.experimental.pallas import tpu_sc as plsc

N = 10000
E = 320000
D = 128
NL = 3

NC = 2
NS = 16
NW = NC * NS

E_TILE = E // NW
CHUNK = 128
N_CHUNKS = 78
HALF = N_CHUNKS // 2
XTRA = E_TILE - N_CHUNKS * CHUNK
STRIPE = 624
TAIL0 = NS * STRIPE
TAIL = N - TAIL0


def _sc_partial_segsum(h, src_r, dst_r, srcx, dstx):
  mesh = plsc.VectorSubcoreMesh(core_axis_name="c", subcore_axis_name="s")

  @functools.partial(
      pl.kernel,
      out_type=jax.ShapeDtypeStruct((NC, N, D), jnp.float32),
      mesh=mesh,
      scratch_types=[
          pltpu.VMEM((N_CHUNKS, CHUNK), jnp.int32),
          pltpu.VMEM((HALF, CHUNK), jnp.int32),
          pltpu.VMEM((XTRA,), jnp.int32),
          pltpu.VMEM((XTRA,), jnp.int32),
          pltpu.VMEM((CHUNK, D), jnp.float32),
          pltpu.VMEM((CHUNK, D), jnp.float32),
          pltpu.VMEM_SHARED((N, D), jnp.float32),
          pltpu.SemaphoreType.DMA,
          pltpu.SemaphoreType.DMA,
      ],
  )
  def k(h_hbm, src_hbm, dst_hbm, srcx_hbm, dstx_hbm, out_hbm,
        src_v, dst_v, srcx_v, dstx_v, rows0, rows1, acc_sh, sem0, sem1):
    cid = lax.axis_index("c")
    sid = lax.axis_index("s")
    wid = cid * NS + sid
    row0 = sid * STRIPE

    bufs = ((rows0, sem0), (rows1, sem1))

    def fire(chunk, buf):
      pltpu.async_copy(h_hbm.at[src_v.at[chunk]], buf[0], buf[1])

    pltpu.sync_copy(src_hbm.at[wid], src_v)
    pltpu.sync_copy(srcx_hbm.at[wid], srcx_v)
    pltpu.sync_copy(dstx_hbm.at[wid], dstx_v)
    fire(0, bufs[0])

    zv = jnp.zeros((16,), jnp.float32)

    @pl.loop(0, CHUNK)
    def _(r):
      for kk in range(D // 16):
        rows1[r, pl.ds(kk * 16, 16)] = zv

    for j in range(STRIPE // CHUNK):
      pltpu.sync_copy(rows1, acc_sh.at[pl.ds(row0 + j * CHUNK, CHUNK)])
    rem = STRIPE % CHUNK
    pltpu.sync_copy(rows1.at[pl.ds(0, rem)],
                    acc_sh.at[pl.ds(row0 + (STRIPE // CHUNK) * CHUNK, rem)])

    @pl.when(sid == NS - 1)
    def _():
      pltpu.sync_copy(rows1.at[pl.ds(0, TAIL)], acc_sh.at[pl.ds(TAIL0, TAIL)])

    plsc.subcore_barrier()

    def wait(buf):
      pltpu.make_async_copy(h_hbm.at[pl.ds(0, CHUNK)], buf[0], buf[1]).wait()

    def scatter(buf, c):
      pltpu.sync_copy(buf[0], acc_sh.at[dst_v.at[c]], add=True)

    for half in range(2):
      pltpu.sync_copy(dst_hbm.at[wid].at[half], dst_v)
      base = half * HALF
      lead, other = bufs[half], bufs[1 - half]

      @pl.loop(0, HALF - 2, step=2)
      def _(c):
        fire(base + c + 1, other)
        wait(lead)
        scatter(lead, c)
        fire(base + c + 2, lead)
        wait(other)
        scatter(other, c + 1)

      if half == 0:
        fire(HALF, other)
      wait(lead)
      scatter(lead, HALF - 1)

    pltpu.async_copy(h_hbm.at[srcx_v], rows0.at[pl.ds(0, XTRA)], sem0).wait()
    pltpu.sync_copy(rows0.at[pl.ds(0, XTRA)], acc_sh.at[dstx_v], add=True)

    plsc.subcore_barrier()
    pltpu.sync_copy(acc_sh.at[pl.ds(row0, STRIPE)],
                    out_hbm.at[cid].at[pl.ds(row0, STRIPE)])

    @pl.when(sid == NS - 1)
    def _():
      pltpu.sync_copy(acc_sh.at[pl.ds(TAIL0, TAIL)],
                      out_hbm.at[cid].at[pl.ds(TAIL0, TAIL)])

  return k(h, src_r, dst_r, srcx, dstx)


def _tc_self(h, Wm, Ws, Wu, bias):
  BLK = 1000

  def body(h_ref, wm_ref, ws_ref, wu_ref, b_ref, p_ref, wc_ref):
    p_ref[...] = (jnp.dot(h_ref[...], ws_ref[...],
                          preferred_element_type=jnp.float32) + b_ref[...])
    @pl.when(pl.program_id(0) == 0)
    def _():
      wc_ref[...] = jnp.dot(wm_ref[...], wu_ref[...],
                            preferred_element_type=jnp.float32)

  return pl.pallas_call(
      body,
      grid=(N // BLK,),
      in_specs=[
          pl.BlockSpec((BLK, D), lambda i: (i, 0)),
          pl.BlockSpec((D, D), lambda i: (0, 0)),
          pl.BlockSpec((D, D), lambda i: (0, 0)),
          pl.BlockSpec((D, D), lambda i: (0, 0)),
          pl.BlockSpec((1, D), lambda i: (0, 0)),
      ],
      out_specs=[
          pl.BlockSpec((BLK, D), lambda i: (i, 0)),
          pl.BlockSpec((D, D), lambda i: (0, 0)),
      ],
      out_shape=[
          jax.ShapeDtypeStruct((N, D), jnp.float32),
          jax.ShapeDtypeStruct((D, D), jnp.float32),
      ],
  )(h, Wm, Ws, Wu, bias)


def _tc_combine(P, A, Wc):
  BLK = 2000

  def body(p_ref, a_ref, wc_ref, o_ref):
    a = a_ref[0] + a_ref[1]
    out = p_ref[...] + jnp.dot(a, wc_ref[...],
                               preferred_element_type=jnp.float32)
    o_ref[...] = jnp.maximum(out, 0.0)

  return pl.pallas_call(
      body,
      grid=(N // BLK,),
      in_specs=[
          pl.BlockSpec((BLK, D), lambda i: (i, 0)),
          pl.BlockSpec((2, BLK, D), lambda i: (0, i, 0)),
          pl.BlockSpec((D, D), lambda i: (0, 0)),
      ],
      out_specs=pl.BlockSpec((BLK, D), lambda i: (i, 0)),
      out_shape=jax.ShapeDtypeStruct((N, D), jnp.float32),
  )(P, A, Wc)


def kernel(x, edge_index, W_msg, W_self, W_upd, b):
  ei = edge_index.astype(jnp.int32).reshape(2, NW, E_TILE)
  main = N_CHUNKS * CHUNK
  src = ei[0, :, :main].reshape(NW, N_CHUNKS, CHUNK)
  dst = ei[1, :, :main].reshape(NW, 2, HALF, CHUNK)
  srcx = ei[0, :, main:]
  dstx = ei[1, :, main:]
  bias = b.reshape(NL, 1, D)
  h = x
  for l in range(NL):
    A = _sc_partial_segsum(h, src, dst, srcx, dstx)
    P, Wc = _tc_self(h, W_msg[l], W_self[l], W_upd[l], bias[l])
    h = _tc_combine(P, A, Wc)
  return h

# --- scband reference (transcript-rebuilt; emitter-appended) ---
"""Pipeline reference for scband-graph-neural-network-75831942578635 (READ-ONLY COPY).

The authoritative reference and input builder live on the scoring server;
editing this copy changes nothing except your own understanding.
"""

import jax, jax.numpy as jnp
import numpy as np

N_NODES = 10000
N_EDGES = 320000
D = 128
N_LAYERS = 3


def setup_inputs(seed: int = 0) -> dict:
    key = jax.random.key(seed)
    ks = jax.random.split(key, 7)
    x = jax.random.normal(ks[0], (N_NODES, D), dtype=jnp.float32)
    edge_index = jax.random.randint(ks[1], (2, N_EDGES), 0, N_NODES).astype(jnp.int64)
    scale = 1.0 / np.sqrt(D)
    W_msg = jax.random.normal(ks[2], (N_LAYERS, D, D), dtype=jnp.float32) * scale
    W_self = jax.random.normal(ks[3], (N_LAYERS, D, D), dtype=jnp.float32) * scale
    W_upd = jax.random.normal(ks[4], (N_LAYERS, D, D), dtype=jnp.float32) * scale
    b = jax.random.normal(ks[5], (N_LAYERS, D), dtype=jnp.float32) * 0.01
    return {"x": x, "edge_index": edge_index, "W_msg": W_msg, "W_self": W_self, "W_upd": W_upd, "b": b}


def reference(x, edge_index, W_msg, W_self, W_upd, b):
    """GraphNeuralNetwork.__call__: build graph, run n_interactions MessagePassingLayer
    updates (edge update -> aggregate edges for nodes -> node update), return node
    embeddings [N, embedding_dim]."""
    src = edge_index[0]
    dst = edge_index[1]
    h = x
    for l in range(N_LAYERS):
        # update_edges_fn: compute per-edge messages from sender embeddings
        msg = jnp.take(h, src, axis=0) @ W_msg[l]
        # aggregate_edges_for_nodes_fn: scatter-add messages onto receiver nodes
        agg = jax.ops.segment_sum(msg, dst, num_segments=N_NODES)
        # update_nodes_fn: combine self embedding with aggregated messages
        h = jax.nn.relu(h @ W_self[l] + agg @ W_upd[l] + b[l])
    return h

if __name__ == "__main__":
    import jax
    _d = setup_inputs()
    print(jax.jit(kernel)(*tuple(_d.values())))

</pallas_src>

<mosaic_0001>
#map = affine_map<(d0, d1) -> (0, 0)>
#map1 = affine_map<(d0, d1) -> (0, 0, 0)>
#map2 = affine_map<(d0, d1) -> (0, 0, 0, 0)>
module attributes {stable_mosaic.version = 14 : i64} {
  func.func @k(%arg0: i32, %arg1: i32, %arg2: memref<10000x128xf32, #tpu.memory_space<hbm>>, %arg3: memref<32x78x128xi32, #tpu.memory_space<hbm>>, %arg4: memref<32x2x39x128xi32, #tpu.memory_space<hbm>>, %arg5: memref<32x16xi32, #tpu.memory_space<hbm>>, %arg6: memref<32x16xi32, #tpu.memory_space<hbm>>, %arg7: memref<2x10000x128xf32, #tpu.memory_space<hbm>>, %arg8: memref<78x128xi32, #tpu.memory_space<vmem>>, %arg9: memref<39x128xi32, #tpu.memory_space<vmem>>, %arg10: memref<16xi32, #tpu.memory_space<vmem>>, %arg11: memref<16xi32, #tpu.memory_space<vmem>>, %arg12: memref<128x128xf32, #tpu.memory_space<vmem>>, %arg13: memref<128x128xf32, #tpu.memory_space<vmem>>, %arg14: memref<10000x128xf32, #tpu.memory_space<vmem_shared>>, %arg15: memref<!tpu.dma_semaphore, #tpu.memory_space<semaphore_mem>>, %arg16: memref<!tpu.dma_semaphore, #tpu.memory_space<semaphore_mem>>) attributes {dimension_semantics = [#tpu.dimension_semantics<core_parallel>, #tpu.dimension_semantics<subcore_parallel>], iteration_bounds = array<i64: 2, 16>, scalar_prefetch = 0 : i64, scratch_operands = 9 : i64, tpu.core_type = #tpu.core_type<sc_vector_subcore>, window_params = [{transform_indices = #map}, {transform_indices = #map1}, {transform_indices = #map2}, {transform_indices = #map}, {transform_indices = #map}, {transform_indices = #map1}]} {
    %mul3A = arith.constant 16 : i32
    %mul3A_0 = arith.muli %arg0, %mul3A : i32
    %add3A = arith.addi %mul3A_0, %arg1 : i32
    %mul3A_1 = arith.constant 624 : i32
    %mul3A_2 = arith.muli %arg1, %mul3A_1 : i32
    "tpu.region"() ({
      %run_scoped3A_75 = tpu.sem_alloc : memref<!tpu.dma_semaphore, #tpu.memory_space<semaphore_mem>>
      %dma_start3A_76 = arith.constant 0 : i32
      %dma_start3A_77 = arith.constant 0 : i32
      %dma_start3A_78 = tpu.memref_slice %arg3[%add3A, %dma_start3A_76, %dma_start3A_77] : memref<32x78x128xi32, #tpu.memory_space<hbm>> -> memref<1x78x128xi32, #tpu.memory_space<hbm>>
      %dma_start3A_79 = tpu.memref_squeeze %dma_start3A_78 : memref<1x78x128xi32, #tpu.memory_space<hbm>> -> memref<78x128xi32, #tpu.memory_space<hbm>>
      %dma_start3A_80 = arith.constant 0 : i32
      %dma_start3A_81 = arith.constant 0 : i32
      %dma_start3A_82 = tpu.memref_slice %arg3[%add3A, %dma_start3A_80, %dma_start3A_81] : memref<32x78x128xi32, #tpu.memory_space<hbm>> -> memref<1x78x128xi32, #tpu.memory_space<hbm>>
      %dma_start3A_83 = tpu.memref_squeeze %dma_start3A_82 : memref<1x78x128xi32, #tpu.memory_space<hbm>> -> memref<78x128xi32, #tpu.memory_space<hbm>>
      tpu.enqueue_dma source(%dma_start3A_83 : memref<78x128xi32, #tpu.memory_space<hbm>>) target(%arg8 : memref<78x128xi32, #tpu.memory_space<vmem>>) target_semaphore(%run_scoped3A_75 : memref<!tpu.dma_semaphore, #tpu.memory_space<semaphore_mem>>)
      %dma_wait3A_84 = arith.constant 0 : i32
      %dma_wait3A_85 = arith.constant 0 : i32
      %dma_wait3A_86 = tpu.memref_slice %arg3[%add3A, %dma_wait3A_84, %dma_wait3A_85] : memref<32x78x128xi32, #tpu.memory_space<hbm>> -> memref<1x78x128xi32, #tpu.memory_space<hbm>>
      %dma_wait3A_87 = tpu.memref_squeeze %dma_wait3A_86 : memref<1x78x128xi32, #tpu.memory_space<hbm>> -> memref<78x128xi32, #tpu.memory_space<hbm>>
      %dma_wait3A_88 = arith.constant 0 : i32
      %dma_wait3A_89 = arith.constant 0 : i32
      %dma_wait3A_90 = tpu.memref_slice %arg3[%add3A, %dma_wait3A_88, %dma_wait3A_89] : memref<32x78x128xi32, #tpu.memory_space<hbm>> -> memref<1x78x128xi32, #tpu.memory_space<hbm>>
      %dma_wait3A_91 = tpu.memref_squeeze %dma_wait3A_90 : memref<1x78x128xi32, #tpu.memory_space<hbm>> -> memref<78x128xi32, #tpu.memory_space<hbm>>
      tpu.wait_dma2 semaphore(%run_scoped3A_75 : memref<!tpu.dma_semaphore, #tpu.memory_space<semaphore_mem>>) src(%dma_wait3A_91 : memref<78x128xi32, #tpu.memory_space<hbm>>) dst(%arg8 : memref<78x128xi32, #tpu.memory_space<vmem>>)
      tpu.yield
    }) : () -> ()
    "tpu.region"() ({
      %run_scoped3A_75 = tpu.sem_alloc : memref<!tpu.dma_semaphore, #tpu.memory_space<semaphore_mem>>
      %dma_start3A_76 = arith.constant 0 : i32
      %dma_start3A_77 = tpu.memref_slice %arg5[%add3A, %dma_start3A_76] : memref<32x16xi32, #tpu.memory_space<hbm>> -> memref<1x16xi32, #tpu.memory_space<hbm>>
      %dma_start3A_78 = tpu.memref_squeeze %dma_start3A_77 : memref<1x16xi32, #tpu.memory_space<hbm>> -> memref<16xi32, #tpu.memory_space<hbm>>
      %dma_start3A_79 = arith.constant 0 : i32
      %dma_start3A_80 = tpu.memref_slice %arg5[%add3A, %dma_start3A_79] : memref<32x16xi32, #tpu.memory_space<hbm>> -> memref<1x16xi32, #tpu.memory_space<hbm>>
      %dma_start3A_81 = tpu.memref_squeeze %dma_start3A_80 : memref<1x16xi32, #tpu.memory_space<hbm>> -> memref<16xi32, #tpu.memory_space<hbm>>
      tpu.enqueue_dma source(%dma_start3A_81 : memref<16xi32, #tpu.memory_space<hbm>>) target(%arg10 : memref<16xi32, #tpu.memory_space<vmem>>) target_semaphore(%run_scoped3A_75 : memref<!tpu.dma_semaphore, #tpu.memory_space<semaphore_mem>>)
      %dma_wait3A_82 = arith.constant 0 : i32
      %dma_wait3A_83 = tpu.memref_slice %arg5[%add3A, %dma_wait3A_82] : memref<32x16xi32, #tpu.memory_space<hbm>> -> memref<1x16xi32, #tpu.memory_space<hbm>>
      %dma_wait3A_84 = tpu.memref_squeeze %dma_wait3A_83 : memref<1x16xi32, #tpu.memory_space<hbm>> -> memref<16xi32, #tpu.memory_space<hbm>>
      %dma_wait3A_85 = arith.constant 0 : i32
      %dma_wait3A_86 = tpu.memref_slice %arg5[%add3A, %dma_wait3A_85] : memref<32x16xi32, #tpu.memory_space<hbm>> -> memref<1x16xi32, #tpu.memory_space<hbm>>
      %dma_wait3A_87 = tpu.memref_squeeze %dma_wait3A_86 : memref<1x16xi32, #tpu.memory_space<hbm>> -> memref<16xi32, #tpu.memory_space<hbm>>
      tpu.wait_dma2 semaphore(%run_scoped3A_75 : memref<!tpu.dma_semaphore, #tpu.memory_space<semaphore_mem>>) src(%dma_wait3A_87 : memref<16xi32, #tpu.memory_space<hbm>>) dst(%arg10 : memref<16xi32, #tpu.memory_space<vmem>>)
      tpu.yield
    }) : () -> ()
    "tpu.region"() ({
      %run_scoped3A_75 = tpu.sem_alloc : memref<!tpu.dma_semaphore, #tpu.memory_space<semaphore_mem>>
      %dma_start3A_76 = arith.constant 0 : i32
      %dma_start3A_77 = tpu.memref_slice %arg6[%add3A, %dma_start3A_76] : memref<32x16xi32, #tpu.memory_space<hbm>> -> memref<1x16xi32, #tpu.memory_space<hbm>>
      %dma_start3A_78 = tpu.memref_squeeze %dma_start3A_77 : memref<1x16xi32, #tpu.memory_space<hbm>> -> memref<16xi32, #tpu.memory_space<hbm>>
      %dma_start3A_79 = arith.constant 0 : i32
      %dma_start3A_80 = tpu.memref_slice %arg6[%add3A, %dma_start3A_79] : memref<32x16xi32, #tpu.memory_space<hbm>> -> memref<1x16xi32, #tpu.memory_space<hbm>>
      %dma_start3A_81 = tpu.memref_squeeze %dma_start3A_80 : memref<1x16xi32, #tpu.memory_space<hbm>> -> memref<16xi32, #tpu.memory_space<hbm>>
      tpu.enqueue_dma source(%dma_start3A_81 : memref<16xi32, #tpu.memory_space<hbm>>) target(%arg11 : memref<16xi32, #tpu.memory_space<vmem>>) target_semaphore(%run_scoped3A_75 : memref<!tpu.dma_semaphore, #tpu.memory_space<semaphore_mem>>)
      %dma_wait3A_82 = arith.constant 0 : i32
      %dma_wait3A_83 = tpu.memref_slice %arg6[%add3A, %dma_wait3A_82] : memref<32x16xi32, #tpu.memory_space<hbm>> -> memref<1x16xi32, #tpu.memory_space<hbm>>
      %dma_wait3A_84 = tpu.memref_squeeze %dma_wait3A_83 : memref<1x16xi32, #tpu.memory_space<hbm>> -> memref<16xi32, #tpu.memory_space<hbm>>
      %dma_wait3A_85 = arith.constant 0 : i32
      %dma_wait3A_86 = tpu.memref_slice %arg6[%add3A, %dma_wait3A_85] : memref<32x16xi32, #tpu.memory_space<hbm>> -> memref<1x16xi32, #tpu.memory_space<hbm>>
      %dma_wait3A_87 = tpu.memref_squeeze %dma_wait3A_86 : memref<1x16xi32, #tpu.memory_space<hbm>> -> memref<16xi32, #tpu.memory_space<hbm>>
      tpu.wait_dma2 semaphore(%run_scoped3A_75 : memref<!tpu.dma_semaphore, #tpu.memory_space<semaphore_mem>>) src(%dma_wait3A_87 : memref<16xi32, #tpu.memory_space<hbm>>) dst(%arg11 : memref<16xi32, #tpu.memory_space<vmem>>)
      tpu.yield
    }) : () -> ()
    %dma_start3A = arith.constant 0 : i32
    %dma_start3A_3 = arith.constant 0 : i32
    %dma_start3A_4 = tpu.memref_slice %arg8[%dma_start3A, %dma_start3A_3] : memref<78x128xi32, #tpu.memory_space<vmem>> -> memref<1x128xi32, #tpu.memory_space<vmem>>
    %dma_start3A_5 = tpu.memref_squeeze %dma_start3A_4 : memref<1x128xi32, #tpu.memory_space<vmem>> -> memref<128xi32, #tpu.memory_space<vmem>>
    %dma_start3A_6 = arith.constant 0 : i32
    %dma_start3A_7 = arith.constant 0 : i32
    %dma_start3A_8 = tpu.memref_slice %arg2[%dma_start3A_6, %dma_start3A_7] : memref<10000x128xf32, #tpu.memory_space<hbm>> -> memref<10000x128xf32, #tpu.memory_space<hbm>>
    tpu.enqueue_indirect_dma source(%dma_start3A_8 : memref<10000x128xf32, #tpu.memory_space<hbm>>) target(%arg12 : memref<128x128xf32, #tpu.memory_space<vmem>>) offsets(%dma_start3A_5 : memref<128xi32, #tpu.memory_space<vmem>>) semaphore(%arg15 : memref<!tpu.dma_semaphore, #tpu.memory_space<semaphore_mem>>)
    %broadcast_in_dim3A = arith.constant 0.000000e+00 : f32
    %broadcast_in_dim3A_9 = vector.broadcast %broadcast_in_dim3A : f32 to vector<16xf32>
    %scan3A = arith.constant 0 : i32
    %scan3A_10 = arith.constant 128 : i32
    %scan3A_11 = arith.addi %scan3A, %scan3A_10 : i32
    %scan3A_12 = arith.constant 1 : i32
    scf.for %scan3A_75 = %scan3A to %scan3A_11 step %scan3A_12  : i32 {
      %mul3A_76 = arith.constant 1 : i32
      %mul3A_77 = arith.muli %scan3A_75, %mul3A_76 : i32
      %add3A_78 = arith.constant 0 : i32
      %add3A_79 = arith.addi %add3A_78, %mul3A_77 : i32
      %swap3A = arith.index_cast %add3A_79 : i32 to index
      %swap3A_80 = arith.constant 0 : index
      %swap3A_81 = tpu.vector_load %arg13[%swap3A, %swap3A_80] {strides = array<i32>} : memref<128x128xf32, #tpu.memory_space<vmem>>, vector<1x16xf32>,
      %swap3A_82 = vector.shape_cast %swap3A_81 : vector<1x16xf32> to vector<16xf32>
      %swap3A_83 = vector.shape_cast %broadcast_in_dim3A_9 : vector<16xf32> to vector<1x16xf32>
      tpu.vector_store %arg13[%swap3A, %swap3A_80], %swap3A_83 {strides = array<i32>} : memref<128x128xf32, #tpu.memory_space<vmem>>, vector<1x16xf32>,
      %swap3A_84 = arith.index_cast %add3A_79 : i32 to index
      %swap3A_85 = arith.constant 16 : index
      %swap3A_86 = tpu.vector_load %arg13[%swap3A_84, %swap3A_85] {strides = array<i32>} : memref<128x128xf32, #tpu.memory_space<vmem>>, vector<1x16xf32>,
      %swap3A_87 = vector.shape_cast %swap3A_86 : vector<1x16xf32> to vector<16xf32>
      %swap3A_88 = vector.shape_cast %broadcast_in_dim3A_9 : vector<16xf32> to vector<1x16xf32>
      tpu.vector_store %arg13[%swap3A_84, %swap3A_85], %swap3A_88 {strides = array<i32>} : memref<128x128xf32, #tpu.memory_space<vmem>>, vector<1x16xf32>,
      %swap3A_89 = arith.index_cast %add3A_79 : i32 to index
      %swap3A_90 = arith.constant 32 : index
      %swap3A_91 = tpu.vector_load %arg13[%swap3A_89, %swap3A_90] {strides = array<i32>} : memref<128x128xf32, #tpu.memory_space<vmem>>, vector<1x16xf32>,
      %swap3A_92 = vector.shape_cast %swap3A_91 : vector<1x16xf32> to vector<16xf32>
      %swap3A_93 = vector.shape_cast %broadcast_in_dim3A_9 : vector<16xf32> to vector<1x16xf32>
      tpu.vector_store %arg13[%swap3A_89, %swap3A_90], %swap3A_93 {strides = array<i32>} : memref<128x128xf32, #tpu.memory_space<vmem>>, vector<1x16xf32>,
      %swap3A_94 = arith.index_cast %add3A_79 : i32 to index
      %swap3A_95 = arith.constant 48 : index
      %swap3A_96 = tpu.vector_load %arg13[%swap3A_94, %swap3A_95] {strides = array<i32>} : memref<128x128xf32, #tpu.memory_space<vmem>>, vector<1x16xf32>,
      %swap3A_97 = vector.shape_cast %swap3A_96 : vector<1x16xf32> to vector<16xf32>
      %swap3A_98 = vector.shape_cast %broadcast_in_dim3A_9 : vector<16xf32> to vector<1x16xf32>
      tpu.vector_store %arg13[%swap3A_94, %swap3A_95], %swap3A_98 {strides = array<i32>} : memref<128x128xf32, #tpu.memory_space<vmem>>, vector<1x16xf32>,
      %swap3A_99 = arith.index_cast %add3A_79 : i32 to index
      %swap3A_100 = arith.constant 64 : index
      %swap3A_101 = tpu.vector_load %arg13[%swap3A_99, %swap3A_100] {strides = array<i32>} : memref<128x128xf32, #tpu.memory_space<vmem>>, vector<1x16xf32>,
      %swap3A_102 = vector.shape_cast %swap3A_101 : vector<1x16xf32> to vector<16xf32>
      %swap3A_103 = vector.shape_cast %broadcast_in_dim3A_9 : vector<16xf32> to vector<1x16xf32>
      tpu.vector_store %arg13[%swap3A_99, %swap3A_100], %swap3A_103 {strides = array<i32>} : memref<128x128xf32, #tpu.memory_space<vmem>>, vector<1x16xf32>,
      %swap3A_104 = arith.index_cast %add3A_79 : i32 to index
      %swap3A_105 = arith.constant 80 : index
      %swap3A_106 = tpu.vector_load %arg13[%swap3A_104, %swap3A_105] {strides = array<i32>} : memref<128x128xf32, #tpu.memory_space<vmem>>, vector<1x16xf32>,
      %swap3A_107 = vector.shape_cast %swap3A_106 : vector<1x16xf32> to vector<16xf32>
      %swap3A_108 = vector.shape_cast %broadcast_in_dim3A_9 : vector<16xf32> to vector<1x16xf32>
      tpu.vector_store %arg13[%swap3A_104, %swap3A_105], %swap3A_108 {strides = array<i32>} : memref<128x128xf32, #tpu.memory_space<vmem>>, vector<1x16xf32>,
      %swap3A_109 = arith.index_cast %add3A_79 : i32 to index
      %swap3A_110 = arith.constant 96 : index
      %swap3A_111 = tpu.vector_load %arg13[%swap3A_109, %swap3A_110] {strides = array<i32>} : memref<128x128xf32, #tpu.memory_space<vmem>>, vector<1x16xf32>,
      %swap3A_112 = vector.shape_cast %swap3A_111 : vector<1x16xf32> to vector<16xf32>
      %swap3A_113 = vector.shape_cast %broadcast_in_dim3A_9 : vector<16xf32> to vector<1x16xf32>
      tpu.vector_store %arg13[%swap3A_109, %swap3A_110], %swap3A_113 {strides = array<i32>} : memref<128x128xf32, #tpu.memory_space<vmem>>, vector<1x16xf32>,
      %swap3A_114 = arith.index_cast %add3A_79 : i32 to index
      %swap3A_115 = arith.constant 112 : index
      %swap3A_116 = tpu.vector_load %arg13[%swap3A_114, %swap3A_115] {strides = array<i32>} : memref<128x128xf32, #tpu.memory_space<vmem>>, vector<1x16xf32>,
      %swap3A_117 = vector.shape_cast %swap3A_116 : vector<1x16xf32> to vector<16xf32>
      %swap3A_118 = vector.shape_cast %broadcast_in_dim3A_9 : vector<16xf32> to vector<1x16xf32>
      tpu.vector_store %arg13[%swap3A_114, %swap3A_115], %swap3A_118 {strides = array<i32>} : memref<128x128xf32, #tpu.memory_space<vmem>>, vector<1x16xf32>,
    }
    %scan3A_13 = arith.constant 128 : i32
    %add3A_14 = arith.constant 0 : i32
    %add3A_15 = arith.addi %mul3A_2, %add3A_14 : i32
    "tpu.region"() ({
      %run_scoped3A_75 = tpu.sem_alloc : memref<!tpu.dma_semaphore, #tpu.memory_space<semaphore_mem>>
      %dma_start3A_76 = arith.constant 0 : i32
      %dma_start3A_77 = tpu.memref_slice %arg14[%add3A_15, %dma_start3A_76] : memref<10000x128xf32, #tpu.memory_space<vmem_shared>> -> memref<128x128xf32, #tpu.memory_space<vmem_shared>>
      %dma_start3A_78 = arith.constant 0 : i32
      %dma_start3A_79 = tpu.memref_slice %arg14[%add3A_15, %dma_start3A_78] : memref<10000x128xf32, #tpu.memory_space<vmem_shared>> -> memref<128x128xf32, #tpu.memory_space<vmem_shared>>
      tpu.enqueue_dma source(%arg13 : memref<128x128xf32, #tpu.memory_space<vmem>>) target(%dma_start3A_79 : memref<128x128xf32, #tpu.memory_space<vmem_shared>>) target_semaphore(%run_scoped3A_75 : memref<!tpu.dma_semaphore, #tpu.memory_space<semaphore_mem>>)
      %dma_wait3A_80 = arith.constant 0 : i32
      %dma_wait3A_81 = tpu.memref_slice %arg14[%add3A_15, %dma_wait3A_80] : memref<10000x128xf32, #tpu.memory_space<vmem_shared>> -> memref<128x128xf32, #tpu.memory_space<vmem_shared>>
      %dma_wait3A_82 = arith.constant 0 : i32
      %dma_wait3A_83 = tpu.memref_slice %arg14[%add3A_15, %dma_wait3A_82] : memref<10000x128xf32, #tpu.memory_space<vmem_shared>> -> memref<128x128xf32, #tpu.memory_space<vmem_shared>>
      tpu.wait_dma2 semaphore(%run_scoped3A_75 : memref<!tpu.dma_semaphore, #tpu.memory_space<semaphore_mem>>) src(%arg13 : memref<128x128xf32, #tpu.memory_space<vmem>>) dst(%dma_wait3A_83 : memref<128x128xf32, #tpu.memory_space<vmem_shared>>)
      tpu.yield
    }) : () -> ()
    %add3A_16 = arith.constant 128 : i32
    %add3A_17 = arith.addi %mul3A_2, %add3A_16 : i32
    "tpu.region"() ({
      %run_scoped3A_75 = tpu.sem_alloc : memref<!tpu.dma_semaphore, #tpu.memory_space<semaphore_mem>>
      %dma_start3A_76 = arith.constant 0 : i32
      %dma_start3A_77 = tpu.memref_slice %arg14[%add3A_17, %dma_start3A_76] : memref<10000x128xf32, #tpu.memory_space<vmem_shared>> -> memref<128x128xf32, #tpu.memory_space<vmem_shared>>
      %dma_start3A_78 = arith.constant 0 : i32
      %dma_start3A_79 = tpu.memref_slice %arg14[%add3A_17, %dma_start3A_78] : memref<10000x128xf32, #tpu.memory_space<vmem_shared>> -> memref<128x128xf32, #tpu.memory_space<vmem_shared>>
      tpu.enqueue_dma source(%arg13 : memref<128x128xf32, #tpu.memory_space<vmem>>) target(%dma_start3A_79 : memref<128x128xf32, #tpu.memory_space<vmem_shared>>) target_semaphore(%run_scoped3A_75 : memref<!tpu.dma_semaphore, #tpu.memory_space<semaphore_mem>>)
      %dma_wait3A_80 = arith.constant 0 : i32
      %dma_wait3A_81 = tpu.memref_slice %arg14[%add3A_17, %dma_wait3A_80] : memref<10000x128xf32, #tpu.memory_space<vmem_shared>> -> memref<128x128xf32, #tpu.memory_space<vmem_shared>>
      %dma_wait3A_82 = arith.constant 0 : i32
      %dma_wait3A_83 = tpu.memref_slice %arg14[%add3A_17, %dma_wait3A_82] : memref<10000x128xf32, #tpu.memory_space<vmem_shared>> -> memref<128x128xf32, #tpu.memory_space<vmem_shared>>
      tpu.wait_dma2 semaphore(%run_scoped3A_75 : memref<!tpu.dma_semaphore, #tpu.memory_space<semaphore_mem>>) src(%arg13 : memref<128x128xf32, #tpu.memory_space<vmem>>) dst(%dma_wait3A_83 : memref<128x128xf32, #tpu.memory_space<vmem_shared>>)
      tpu.yield
    }) : () -> ()
    %add3A_18 = arith.constant 256 : i32
    %add3A_19 = arith.addi %mul3A_2, %add3A_18 : i32
    "tpu.region"() ({
      %run_scoped3A_75 = tpu.sem_alloc : memref<!tpu.dma_semaphore, #tpu.memory_space<semaphore_mem>>
      %dma_start3A_76 = arith.constant 0 : i32
      %dma_start3A_77 = tpu.memref_slice %arg14[%add3A_19, %dma_start3A_76] : memref<10000x128xf32, #tpu.memory_space<vmem_shared>> -> memref<128x128xf32, #tpu.memory_space<vmem_shared>>
      %dma_start3A_78 = arith.constant 0 : i32
      %dma_start3A_79 = tpu.memref_slice %arg14[%add3A_19, %dma_start3A_78] : memref<10000x128xf32, #tpu.memory_space<vmem_shared>> -> memref<128x128xf32, #tpu.memory_space<vmem_shared>>
      tpu.enqueue_dma source(%arg13 : memref<128x128xf32, #tpu.memory_space<vmem>>) target(%dma_start3A_79 : memref<128x128xf32, #tpu.memory_space<vmem_shared>>) target_semaphore(%run_scoped3A_75 : memref<!tpu.dma_semaphore, #tpu.memory_space<semaphore_mem>>)
      %dma_wait3A_80 = arith.constant 0 : i32
      %dma_wait3A_81 = tpu.memref_slice %arg14[%add3A_19, %dma_wait3A_80] : memref<10000x128xf32, #tpu.memory_space<vmem_shared>> -> memref<128x128xf32, #tpu.memory_space<vmem_shared>>
      %dma_wait3A_82 = arith.constant 0 : i32
      %dma_wait3A_83 = tpu.memref_slice %arg14[%add3A_19, %dma_wait3A_82] : memref<10000x128xf32, #tpu.memory_space<vmem_shared>> -> memref<128x128xf32, #tpu.memory_space<vmem_shared>>
      tpu.wait_dma2 semaphore(%run_scoped3A_75 : memref<!tpu.dma_semaphore, #tpu.memory_space<semaphore_mem>>) src(%arg13 : memref<128x128xf32, #tpu.memory_space<vmem>>) dst(%dma_wait3A_83 : memref<128x128xf32, #tpu.memory_space<vmem_shared>>)
      tpu.yield
    }) : () -> ()
    %add3A_20 = arith.constant 384 : i32
    %add3A_21 = arith.addi %mul3A_2, %add3A_20 : i32
    "tpu.region"() ({
      %run_scoped3A_75 = tpu.sem_alloc : memref<!tpu.dma_semaphore, #tpu.memory_space<semaphore_mem>>
      %dma_start3A_76 = arith.constant 0 : i32
      %dma_start3A_77 = tpu.memref_slice %arg14[%add3A_21, %dma_start3A_76] : memref<10000x128xf32, #tpu.memory_space<vmem_shared>> -> memref<128x128xf32, #tpu.memory_space<vmem_shared>>
      %dma_start3A_78 = arith.constant 0 : i32
      %dma_start3A_79 = tpu.memref_slice %arg14[%add3A_21, %dma_start3A_78] : memref<10000x128xf32, #tpu.memory_space<vmem_shared>> -> memref<128x128xf32, #tpu.memory_space<vmem_shared>>
      tpu.enqueue_dma source(%arg13 : memref<128x128xf32, #tpu.memory_space<vmem>>) target(%dma_start3A_79 : memref<128x128xf32, #tpu.memory_space<vmem_shared>>) target_semaphore(%run_scoped3A_75 : memref<!tpu.dma_semaphore, #tpu.memory_space<semaphore_mem>>)
      %dma_wait3A_80 = arith.constant 0 : i32
      %dma_wait3A_81 = tpu.memref_slice %arg14[%add3A_21, %dma_wait3A_80] : memref<10000x128xf32, #tpu.memory_space<vmem_shared>> -> memref<128x128xf32, #tpu.memory_space<vmem_shared>>
      %dma_wait3A_82 = arith.constant 0 : i32
      %dma_wait3A_83 = tpu.memref_slice %arg14[%add3A_21, %dma_wait3A_82] : memref<10000x128xf32, #tpu.memory_space<vmem_shared>> -> memref<128x128xf32, #tpu.memory_space<vmem_shared>>
      tpu.wait_dma2 semaphore(%run_scoped3A_75 : memref<!tpu.dma_semaphore, #tpu.memory_space<semaphore_mem>>) src(%arg13 : memref<128x128xf32, #tpu.memory_space<vmem>>) dst(%dma_wait3A_83 : memref<128x128xf32, #tpu.memory_space<vmem_shared>>)
      tpu.yield
    }) : () -> ()
    %add3A_22 = arith.constant 512 : i32
    %add3A_23 = arith.addi %mul3A_2, %add3A_22 : i32
    "tpu.region"() ({
      %run_scoped3A_75 = tpu.sem_alloc : memref<!tpu.dma_semaphore, #tpu.memory_space<semaphore_mem>>
      %dma_start3A_76 = arith.constant 0 : i32
      %dma_start3A_77 = arith.constant 0 : i32
      %dma_start3A_78 = tpu.memref_slice %arg13[%dma_start3A_76, %dma_start3A_77] : memref<128x128xf32, #tpu.memory_space<vmem>> -> memref<112x128xf32, #tpu.memory_space<vmem>>
      %dma_start3A_79 = arith.constant 0 : i32
      %dma_start3A_80 = tpu.memref_slice %arg14[%add3A_23, %dma_start3A_79] : memref<10000x128xf32, #tpu.memory_space<vmem_shared>> -> memref<112x128xf32, #tpu.memory_space<vmem_shared>>
      %dma_start3A_81 = arith.constant 0 : i32
      %dma_start3A_82 = tpu.memref_slice %arg14[%add3A_23, %dma_start3A_81] : memref<10000x128xf32, #tpu.memory_space<vmem_shared>> -> memref<112x128xf32, #tpu.memory_space<vmem_shared>>
      %dma_start3A_83 = arith.constant 0 : i32
      %dma_start3A_84 = arith.constant 0 : i32
      %dma_start3A_85 = tpu.memref_slice %arg13[%dma_start3A_83, %dma_start3A_84] : memref<128x128xf32, #tpu.memory_space<vmem>> -> memref<112x128xf32, #tpu.memory_space<vmem>>
      tpu.enqueue_dma source(%dma_start3A_85 : memref<112x128xf32, #tpu.memory_space<vmem>>) target(%dma_start3A_82 : memref<112x128xf32, #tpu.memory_space<vmem_shared>>) target_semaphore(%run_scoped3A_75 : memref<!tpu.dma_semaphore, #tpu.memory_space<semaphore_mem>>)
      %dma_wait3A_86 = arith.constant 0 : i32
      %dma_wait3A_87 = arith.constant 0 : i32
      %dma_wait3A_88 = tpu.memref_slice %arg13[%dma_wait3A_86, %dma_wait3A_87] : memref<128x128xf32, #tpu.memory_space<vmem>> -> memref<112x128xf32, #tpu.memory_space<vmem>>
      %dma_wait3A_89 = arith.constant 0 : i32
      %dma_wait3A_90 = tpu.memref_slice %arg14[%add3A_23, %dma_wait3A_89] : memref<10000x128xf32, #tpu.memory_space<vmem_shared>> -> memref<112x128xf32, #tpu.memory_space<vmem_shared>>
      %dma_wait3A_91 = arith.constant 0 : i32
      %dma_wait3A_92 = tpu.memref_slice %arg14[%add3A_23, %dma_wait3A_91] : memref<10000x128xf32, #tpu.memory_space<vmem_shared>> -> memref<112x128xf32, #tpu.memory_space<vmem_shared>>
      %dma_wait3A_93 = arith.constant 0 : i32
      %dma_wait3A_94 = arith.constant 0 : i32
      %dma_wait3A_95 = tpu.memref_slice %arg13[%dma_wait3A_93, %dma_wait3A_94] : memref<128x128xf32, #tpu.memory_space<vmem>> -> memref<112x128xf32, #tpu.memory_space<vmem>>
      tpu.wait_dma2 semaphore(%run_scoped3A_75 : memref<!tpu.dma_semaphore, #tpu.memory_space<semaphore_mem>>) src(%dma_wait3A_95 : memref<112x128xf32, #tpu.memory_space<vmem>>) dst(%dma_wait3A_92 : memref<112x128xf32, #tpu.memory_space<vmem_shared>>)
      tpu.yield
    }) : () -> ()
    %eq3A = arith.constant 15 : i32
    %eq3A_24 = arith.cmpi eq, %arg1, %eq3A : i32
    %convert_element_type3A = arith.extui %eq3A_24 : i1 to i32
    %cond3A = arith.constant 0 : i32
    %cond3A_25 = arith.cmpi ne, %convert_element_type3A, %cond3A : i32
    scf.if %cond3A_25 {
      "tpu.region"() ({
        %run_scoped3A_75 = tpu.sem_alloc : memref<!tpu.dma_semaphore, #tpu.memory_space<semaphore_mem>>
        %dma_start3A_76 = arith.constant 0 : i32
        %dma_start3A_77 = arith.constant 0 : i32
        %dma_start3A_78 = tpu.memref_slice %arg13[%dma_start3A_76, %dma_start3A_77] : memref<128x128xf32, #tpu.memory_space<vmem>> -> memref<16x128xf32, #tpu.memory_space<vmem>>
        %dma_start3A_79 = arith.constant 9984 : i32
        %dma_start3A_80 = arith.constant 0 : i32
        %dma_start3A_81 = tpu.memref_slice %arg14[%dma_start3A_79, %dma_start3A_80] : memref<10000x128xf32, #tpu.memory_space<vmem_shared>> -> memref<16x128xf32, #tpu.memory_space<vmem_shared>>
        %dma_start3A_82 = arith.constant 9984 : i32
        %dma_start3A_83 = arith.constant 0 : i32
        %dma_start3A_84 = tpu.memref_slice %arg14[%dma_start3A_82, %dma_start3A_83] : memref<10000x128xf32, #tpu.memory_space<vmem_shared>> -> memref<16x128xf32, #tpu.memory_space<vmem_shared>>
        %dma_start3A_85 = arith.constant 0 : i32
        %dma_start3A_86 = arith.constant 0 : i32
        %dma_start3A_87 = tpu.memref_slice %arg13[%dma_start3A_85, %dma_start3A_86] : memref<128x128xf32, #tpu.memory_space<vmem>> -> memref<16x128xf32, #tpu.memory_space<vmem>>
        tpu.enqueue_dma source(%dma_start3A_87 : memref<16x128xf32, #tpu.memory_space<vmem>>) target(%dma_start3A_84 : memref<16x128xf32, #tpu.memory_space<vmem_shared>>) target_semaphore(%run_scoped3A_75 : memref<!tpu.dma_semaphore, #tpu.memory_space<semaphore_mem>>)
        %dma_wait3A_88 = arith.constant 0 : i32
        %dma_wait3A_89 = arith.constant 0 : i32
        %dma_wait3A_90 = tpu.memref_slice %arg13[%dma_wait3A_88, %dma_wait3A_89] : memref<128x128xf32, #tpu.memory_space<vmem>> -> memref<16x128xf32, #tpu.memory_space<vmem>>
        %dma_wait3A_91 = arith.constant 9984 : i32
        %dma_wait3A_92 = arith.constant 0 : i32
        %dma_wait3A_93 = tpu.memref_slice %arg14[%dma_wait3A_91, %dma_wait3A_92] : memref<10000x128xf32, #tpu.memory_space<vmem_shared>> -> memref<16x128xf32, #tpu.memory_space<vmem_shared>>
        %dma_wait3A_94 = arith.constant 9984 : i32
        %dma_wait3A_95 = arith.constant 0 : i32
        %dma_wait3A_96 = tpu.memref_slice %arg14[%dma_wait3A_94, %dma_wait3A_95] : memref<10000x128xf32, #tpu.memory_space<vmem_shared>> -> memref<16x128xf32, #tpu.memory_space<vmem_shared>>
        %dma_wait3A_97 = arith.constant 0 : i32
        %dma_wait3A_98 = arith.constant 0 : i32
        %dma_wait3A_99 = tpu.memref_slice %arg13[%dma_wait3A_97, %dma_wait3A_98] : memref<128x128xf32, #tpu.memory_space<vmem>> -> memref<16x128xf32, #tpu.memory_space<vmem>>
        tpu.wait_dma2 semaphore(%run_scoped3A_75 : memref<!tpu.dma_semaphore, #tpu.memory_space<semaphore_mem>>) src(%dma_wait3A_99 : memref<16x128xf32, #tpu.memory_space<vmem>>) dst(%dma_wait3A_96 : memref<16x128xf32, #tpu.memory_space<vmem_shared>>)
        tpu.yield
      }) : () -> ()
    } else {
    }
    %barrier3A = arith.constant 0 : index
    tpu.barrier barrier_id(%barrier3A)
    %run_scoped3A = arith.constant 0 : i32
    "tpu.region"() ({
      %run_scoped3A_75 = tpu.sem_alloc : memref<!tpu.dma_semaphore, #tpu.memory_space<semaphore_mem>>
      %dma_start3A_76 = arith.constant 0 : i32
      %dma_start3A_77 = arith.constant 0 : i32
      %dma_start3A_78 = arith.constant 0 : i32
      %dma_start3A_79 = tpu.memref_slice %arg4[%add3A, %dma_start3A_76, %dma_start3A_77, %dma_start3A_78] : memref<32x2x39x128xi32, #tpu.memory_space<hbm>> -> memref<1x2x39x128xi32, #tpu.memory_space<hbm>>
      %dma_start3A_80 = tpu.memref_squeeze %dma_start3A_79 : memref<1x2x39x128xi32, #tpu.memory_space<hbm>> -> memref<2x39x128xi32, #tpu.memory_space<hbm>>
      %dma_start3A_81 = arith.constant 0 : i32
      %dma_start3A_82 = arith.constant 0 : i32
      %dma_start3A_83 = tpu.memref_slice %dma_start3A_80[%run_scoped3A, %dma_start3A_81, %dma_start3A_82] : memref<2x39x128xi32, #tpu.memory_space<hbm>> -> memref<1x39x128xi32, #tpu.memory_space<hbm>>
      %dma_start3A_84 = tpu.memref_squeeze %dma_start3A_83 : memref<1x39x128xi32, #tpu.memory_space<hbm>> -> memref<39x128xi32, #tpu.memory_space<hbm>>
      %dma_start3A_85 = arith.constant 0 : i32
      %dma_start3A_86 = arith.constant 0 : i32
      %dma_start3A_87 = arith.constant 0 : i32
      %dma_start3A_88 = tpu.memref_slice %arg4[%add3A, %dma_start3A_85, %dma_start3A_86, %dma_start3A_87] : memref<32x2x39x128xi32, #tpu.memory_space<hbm>> -> memref<1x2x39x128xi32, #tpu.memory_space<hbm>>
      %dma_start3A_89 = tpu.memref_squeeze %dma_start3A_88 : memref<1x2x39x128xi32, #tpu.memory_space<hbm>> -> memref<2x39x128xi32, #tpu.memory_space<hbm>>
      %dma_start3A_90 = arith.constant 0 : i32
      %dma_start3A_91 = arith.constant 0 : i32
      %dma_start3A_92 = tpu.memref_slice %dma_start3A_89[%run_scoped3A, %dma_start3A_90, %dma_start3A_91] : memref<2x39x128xi32, #tpu.memory_space<hbm>> -> memref<1x39x128xi32, #tpu.memory_space<hbm>>
      %dma_start3A_93 = tpu.memref_squeeze %dma_start3A_92 : memref<1x39x128xi32, #tpu.memory_space<hbm>> -> memref<39x128xi32, #tpu.memory_space<hbm>>
      tpu.enqueue_dma source(%dma_start3A_93 : memref<39x128xi32, #tpu.memory_space<hbm>>) target(%arg9 : memref<39x128xi32, #tpu.memory_space<vmem>>) target_semaphore(%run_scoped3A_75 : memref<!tpu.dma_semaphore, #tpu.memory_space<semaphore_mem>>)
      %dma_wait3A_94 = arith.constant 0 : i32
      %dma_wait3A_95 = arith.constant 0 : i32
      %dma_wait3A_96 = arith.constant 0 : i32
      %dma_wait3A_97 = tpu.memref_slice %arg4[%add3A, %dma_wait3A_94, %dma_wait3A_95, %dma_wait3A_96] : memref<32x2x39x128xi32, #tpu.memory_space<hbm>> -> memref<1x2x39x128xi32, #tpu.memory_space<hbm>>
      %dma_wait3A_98 = tpu.memref_squeeze %dma_wait3A_97 : memref<1x2x39x128xi32, #tpu.memory_space<hbm>> -> memref<2x39x128xi32, #tpu.memory_space<hbm>>
      %dma_wait3A_99 = arith.constant 0 : i32
      %dma_wait3A_100 = arith.constant 0 : i32
      %dma_wait3A_101 = tpu.memref_slice %dma_wait3A_98[%run_scoped3A, %dma_wait3A_99, %dma_wait3A_100] : memref<2x39x128xi32, #tpu.memory_space<hbm>> -> memref<1x39x128xi32, #tpu.memory_space<hbm>>
      %dma_wait3A_102 = tpu.memref_squeeze %dma_wait3A_101 : memref<1x39x128xi32, #tpu.memory_space<hbm>> -> memref<39x128xi32, #tpu.memory_space<hbm>>
      %dma_wait3A_103 = arith.constant 0 : i32
      %dma_wait3A_104 = arith.constant 0 : i32
      %dma_wait3A_105 = arith.constant 0 : i32
      %dma_wait3A_106 = tpu.memref_slice %arg4[%add3A, %dma_wait3A_103, %dma_wait3A_104, %dma_wait3A_105] : memref<32x2x39x128xi32, #tpu.memory_space<hbm>> -> memref<1x2x39x128xi32, #tpu.memory_space<hbm>>
      %dma_wait3A_107 = tpu.memref_squeeze %dma_wait3A_106 : memref<1x2x39x128xi32, #tpu.memory_space<hbm>> -> memref<2x39x128xi32, #tpu.memory_space<hbm>>
      %dma_wait3A_108 = arith.constant 0 : i32
      %dma_wait3A_109 = arith.constant 0 : i32
      %dma_wait3A_110 = tpu.memref_slice %dma_wait3A_107[%run_scoped3A, %dma_wait3A_108, %dma_wait3A_109] : memref<2x39x128xi32, #tpu.memory_space<hbm>> -> memref<1x39x128xi32, #tpu.memory_space<hbm>>
      %dma_wait3A_111 = tpu.memref_squeeze %dma_wait3A_110 : memref<1x39x128xi32, #tpu.memory_space<hbm>> -> memref<39x128xi32, #tpu.memory_space<hbm>>
      tpu.wait_dma2 semaphore(%run_scoped3A_75 : memref<!tpu.dma_semaphore, #tpu.memory_space<semaphore_mem>>) src(%dma_wait3A_111 : memref<39x128xi32, #tpu.memory_space<hbm>>) dst(%arg9 : memref<39x128xi32, #tpu.memory_space<vmem>>)
      tpu.yield
    }) : () -> ()
    %scan3A_26 = arith.constant 0 : i32
    %scan3A_27 = arith.constant 19 : i32
    %scan3A_28 = arith.addi %scan3A_26, %scan3A_27 : i32
    %scan3A_29 = arith.constant 1 : i32
    scf.for %scan3A_75 = %scan3A_26 to %scan3A_28 step %scan3A_29  : i32 {
      %mul3A_76 = arith.constant 2 : i32
      %mul3A_77 = arith.muli %scan3A_75, %mul3A_76 : i32
      %add3A_78 = arith.constant 0 : i32
      %add3A_79 = arith.addi %add3A_78, %mul3A_77 : i32
      %add3A_80 = arith.constant 0 : i32
      %add3A_81 = arith.addi %add3A_80, %add3A_79 : i32
      %add3A_82 = arith.constant 1 : i32
      %add3A_83 = arith.addi %add3A_81, %add3A_82 : i32
      %dma_start3A_84 = arith.constant 0 : i32
      %dma_start3A_85 = tpu.memref_slice %arg8[%add3A_83, %dma_start3A_84] : memref<78x128xi32, #tpu.memory_space<vmem>> -> memref<1x128xi32, #tpu.memory_space<vmem>>
      %dma_start3A_86 = tpu.memref_squeeze %dma_start3A_85 : memref<1x128xi32, #tpu.memory_space<vmem>> -> memref<128xi32, #tpu.memory_space<vmem>>
      %dma_start3A_87 = arith.constant 0 : i32
      %dma_start3A_88 = arith.constant 0 : i32
      %dma_start3A_89 = tpu.memref_slice %arg2[%dma_start3A_87, %dma_start3A_88] : memref<10000x128xf32, #tpu.memory_space<hbm>> -> memref<10000x128xf32, #tpu.memory_space<hbm>>
      tpu.enqueue_indirect_dma source(%dma_start3A_89 : memref<10000x128xf32, #tpu.memory_space<hbm>>) target(%arg13 : memref<128x128xf32, #tpu.memory_space<vmem>>) offsets(%dma_start3A_86 : memref<128xi32, #tpu.memory_space<vmem>>) semaphore(%arg16 : memref<!tpu.dma_semaphore, #tpu.memory_space<semaphore_mem>>)
      %dma_wait3A_90 = arith.constant 0 : i32
      %dma_wait3A_91 = arith.constant 0 : i32
      %dma_wait3A_92 = tpu.memref_slice %arg2[%dma_wait3A_90, %dma_wait3A_91] : memref<10000x128xf32, #tpu.memory_space<hbm>> -> memref<128x128xf32, #tpu.memory_space<hbm>>
      %dma_wait3A_93 = arith.constant 0 : i32
      %dma_wait3A_94 = arith.constant 0 : i32
      %dma_wait3A_95 = tpu.memref_slice %arg2[%dma_wait3A_93, %dma_wait3A_94] : memref<10000x128xf32, #tpu.memory_space<hbm>> -> memref<128x128xf32, #tpu.memory_space<hbm>>
      tpu.wait_dma2 semaphore(%arg15 : memref<!tpu.dma_semaphore, #tpu.memory_space<semaphore_mem>>) src(%dma_wait3A_95 : memref<128x128xf32, #tpu.memory_space<hbm>>) dst(%arg12 : memref<128x128xf32, #tpu.memory_space<vmem>>)
      "tpu.region"() ({
        %run_scoped3A_114 = tpu.sem_alloc : memref<!tpu.dma_semaphore, #tpu.memory_space<semaphore_mem>>
        %dma_start3A_115 = arith.constant 0 : i32
        %dma_start3A_116 = tpu.memref_slice %arg9[%add3A_79, %dma_start3A_115] : memref<39x128xi32, #tpu.memory_space<vmem>> -> memref<1x128xi32, #tpu.memory_space<vmem>>
        %dma_start3A_117 = tpu.memref_squeeze %dma_start3A_116 : memref<1x128xi32, #tpu.memory_space<vmem>> -> memref<128xi32, #tpu.memory_space<vmem>>
        %dma_start3A_118 = arith.constant 0 : i32
        %dma_start3A_119 = arith.constant 0 : i32
        %dma_start3A_120 = tpu.memref_slice %arg14[%dma_start3A_118, %dma_start3A_119] : memref<10000x128xf32, #tpu.memory_space<vmem_shared>> -> memref<10000x128xf32, #tpu.memory_space<vmem_shared>>
        tpu.enqueue_indirect_dma source(%arg12 : memref<128x128xf32, #tpu.memory_space<vmem>>) target(%dma_start3A_120 : memref<10000x128xf32, #tpu.memory_space<vmem_shared>>) offsets(%dma_start3A_117 : memref<128xi32, #tpu.memory_space<vmem>>) semaphore(%run_scoped3A_114 : memref<!tpu.dma_semaphore, #tpu.memory_space<semaphore_mem>>) {add = true}
        %dma_wait3A_121 = arith.constant 0 : i32
        %dma_wait3A_122 = tpu.memref_slice %arg9[%add3A_79, %dma_wait3A_121] : memref<39x128xi32, #tpu.memory_space<vmem>> -> memref<1x128xi32, #tpu.memory_space<vmem>>
        %dma_wait3A_123 = tpu.memref_squeeze %dma_wait3A_122 : memref<1x128xi32, #tpu.memory_space<vmem>> -> memref<128xi32, #tpu.memory_space<vmem>>
        %dma_wait3A_124 = arith.constant 0 : i32
        %dma_wait3A_125 = arith.constant 0 : i32
        %dma_wait3A_126 = tpu.memref_slice %arg14[%dma_wait3A_124, %dma_wait3A_125] : memref<10000x128xf32, #tpu.memory_space<vmem_shared>> -> memref<10000x128xf32, #tpu.memory_space<vmem_shared>>
        tpu.wait_indirect_dma semaphore(%run_scoped3A_114 : memref<!tpu.dma_semaphore, #tpu.memory_space<semaphore_mem>>) src(%arg12 : memref<128x128xf32, #tpu.memory_space<vmem>>) dst(%dma_wait3A_126 : memref<10000x128xf32, #tpu.memory_space<vmem_shared>>)
        tpu.yield
      }) : () -> ()
      %add3A_96 = arith.constant 0 : i32
      %add3A_97 = arith.addi %add3A_96, %add3A_79 : i32
      %add3A_98 = arith.constant 2 : i32
      %add3A_99 = arith.addi %add3A_97, %add3A_98 : i32
      %dma_start3A_100 = arith.constant 0 : i32
      %dma_start3A_101 = tpu.memref_slice %arg8[%add3A_99, %dma_start3A_100] : memref<78x128xi32, #tpu.memory_space<vmem>> -> memref<1x128xi32, #tpu.memory_space<vmem>>
      %dma_start3A_102 = tpu.memref_squeeze %dma_start3A_101 : memref<1x128xi32, #tpu.memory_space<vmem>> -> memref<128xi32, #tpu.memory_space<vmem>>
      %dma_start3A_103 = arith.constant 0 : i32
      %dma_start3A_104 = arith.constant 0 : i32
      %dma_start3A_105 = tpu.memref_slice %arg2[%dma_start3A_103, %dma_start3A_104] : memref<10000x128xf32, #tpu.memory_space<hbm>> -> memref<10000x128xf32, #tpu.memory_space<hbm>>
      tpu.enqueue_indirect_dma source(%dma_start3A_105 : memref<10000x128xf32, #tpu.memory_space<hbm>>) target(%arg12 : memref<128x128xf32, #tpu.memory_space<vmem>>) offsets(%dma_start3A_102 : memref<128xi32, #tpu.memory_space<vmem>>) semaphore(%arg15 : memref<!tpu.dma_semaphore, #tpu.memory_space<semaphore_mem>>)
      %dma_wait3A_106 = arith.constant 0 : i32
      %dma_wait3A_107 = arith.constant 0 : i32
      %dma_wait3A_108 = tpu.memref_slice %arg2[%dma_wait3A_106, %dma_wait3A_107] : memref<10000x128xf32, #tpu.memory_space<hbm>> -> memref<128x128xf32, #tpu.memory_space<hbm>>
      %dma_wait3A_109 = arith.constant 0 : i32
      %dma_wait3A_110 = arith.constant 0 : i32
      %dma_wait3A_111 = tpu.memref_slice %arg2[%dma_wait3A_109, %dma_wait3A_110] : memref<10000x128xf32, #tpu.memory_space<hbm>> -> memref<128x128xf32, #tpu.memory_space<hbm>>
      tpu.wait_dma2 semaphore(%arg16 : memref<!tpu.dma_semaphore, #tpu.memory_space<semaphore_mem>>) src(%dma_wait3A_111 : memref<128x128xf32, #tpu.memory_space<hbm>>) dst(%arg13 : memref<128x128xf32, #tpu.memory_space<vmem>>)
      %add3A_112 = arith.constant 1 : i32
      %add3A_113 = arith.addi %add3A_79, %add3A_112 : i32
      "tpu.region"() ({
        %run_scoped3A_114 = tpu.sem_alloc : memref<!tpu.dma_semaphore, #tpu.memory_space<semaphore_mem>>
        %dma_start3A_115 = arith.constant 0 : i32
        %dma_start3A_116 = tpu.memref_slice %arg9[%add3A_113, %dma_start3A_115] : memref<39x128xi32, #tpu.memory_space<vmem>> -> memref<1x128xi32, #tpu.memory_space<vmem>>
        %dma_start3A_117 = tpu.memref_squeeze %dma_start3A_116 : memref<1x128xi32, #tpu.memory_space<vmem>> -> memref<128xi32, #tpu.memory_space<vmem>>
        %dma_start3A_118 = arith.constant 0 : i32
        %dma_start3A_119 = arith.constant 0 : i32
        %dma_start3A_120 = tpu.memref_slice %arg14[%dma_start3A_118, %dma_start3A_119] : memref<10000x128xf32, #tpu.memory_space<vmem_shared>> -> memref<10000x128xf32, #tpu.memory_space<vmem_shared>>
        tpu.enqueue_indirect_dma source(%arg13 : memref<128x128xf32, #tpu.memory_space<vmem>>) target(%dma_start3A_120 : memref<10000x128xf32, #tpu.memory_space<vmem_shared>>) offsets(%dma_start3A_117 : memref<128xi32, #tpu.memory_space<vmem>>) semaphore(%run_scoped3A_114 : memref<!tpu.dma_semaphore, #tpu.memory_space<semaphore_mem>>) {add = true}
        %dma_wait3A_121 = arith.constant 0 : i32
        %dma_wait3A_122 = tpu.memref_slice %arg9[%add3A_113, %dma_wait3A_121] : memref<39x128xi32, #tpu.memory_space<vmem>> -> memref<1x128xi32, #tpu.memory_space<vmem>>
        %dma_wait3A_123 = tpu.memref_squeeze %dma_wait3A_122 : memref<1x128xi32, #tpu.memory_space<vmem>> -> memref<128xi32, #tpu.memory_space<vmem>>
        %dma_wait3A_124 = arith.constant 0 : i32
        %dma_wait3A_125 = arith.constant 0 : i32
        %dma_wait3A_126 = tpu.memref_slice %arg14[%dma_wait3A_124, %dma_wait3A_125] : memref<10000x128xf32, #tpu.memory_space<vmem_shared>> -> memref<10000x128xf32, #tpu.memory_space<vmem_shared>>
        tpu.wait_indirect_dma semaphore(%run_scoped3A_114 : memref<!tpu.dma_semaphore, #tpu.memory_space<semaphore_mem>>) src(%arg13 : memref<128x128xf32, #tpu.memory_space<vmem>>) dst(%dma_wait3A_126 : memref<10000x128xf32, #tpu.memory_space<vmem_shared>>)
        tpu.yield
      }) : () -> ()
    }
    %scan3A_30 = arith.constant 19 : i32
    %dma_start3A_31 = arith.constant 39 : i32
    %dma_start3A_32 = arith.constant 0 : i32
    %dma_start3A_33 = tpu.memref_slice %arg8[%dma_start3A_31, %dma_start3A_32] : memref<78x128xi32, #tpu.memory_space<vmem>> -> memref<1x128xi32, #tpu.memory_space<vmem>>
    %dma_start3A_34 = tpu.memref_squeeze %dma_start3A_33 : memref<1x128xi32, #tpu.memory_space<vmem>> -> memref<128xi32, #tpu.memory_space<vmem>>
    %dma_start3A_35 = arith.constant 0 : i32
    %dma_start3A_36 = arith.constant 0 : i32
    %dma_start3A_37 = tpu.memref_slice %arg2[%dma_start3A_35, %dma_start3A_36] : memref<10000x128xf32, #tpu.memory_space<hbm>> -> memref<10000x128xf32, #tpu.memory_space<hbm>>
    tpu.enqueue_indirect_dma source(%dma_start3A_37 : memref<10000x128xf32, #tpu.memory_space<hbm>>) target(%arg13 : memref<128x128xf32, #tpu.memory_space<vmem>>) offsets(%dma_start3A_34 : memref<128xi32, #tpu.memory_space<vmem>>) semaphore(%arg16 : memref<!tpu.dma_semaphore, #tpu.memory_space<semaphore_mem>>)
    %dma_wait3A = arith.constant 0 : i32
    %dma_wait3A_38 = arith.constant 0 : i32
    %dma_wait3A_39 = tpu.memref_slice %arg2[%dma_wait3A, %dma_wait3A_38] : memref<10000x128xf32, #tpu.memory_space<hbm>> -> memref<128x128xf32, #tpu.memory_space<hbm>>
    %dma_wait3A_40 = arith.constant 0 : i32
    %dma_wait3A_41 = arith.constant 0 : i32
    %dma_wait3A_42 = tpu.memref_slice %arg2[%dma_wait3A_40, %dma_wait3A_41] : memref<10000x128xf32, #tpu.memory_space<hbm>> -> memref<128x128xf32, #tpu.memory_space<hbm>>
    tpu.wait_dma2 semaphore(%arg15 : memref<!tpu.dma_semaphore, #tpu.memory_space<semaphore_mem>>) src(%dma_wait3A_42 : memref<128x128xf32, #tpu.memory_space<hbm>>) dst(%arg12 : memref<128x128xf32, #tpu.memory_space<vmem>>)
    %run_scoped3A_43 = arith.constant 38 : i32
    "tpu.region"() ({
      %run_scoped3A_75 = tpu.sem_alloc : memref<!tpu.dma_semaphore, #tpu.memory_space<semaphore_mem>>
      %dma_start3A_76 = arith.constant 0 : i32
      %dma_start3A_77 = tpu.memref_slice %arg9[%run_scoped3A_43, %dma_start3A_76] : memref<39x128xi32, #tpu.memory_space<vmem>> -> memref<1x128xi32, #tpu.memory_space<vmem>>
      %dma_start3A_78 = tpu.memref_squeeze %dma_start3A_77 : memref<1x128xi32, #tpu.memory_space<vmem>> -> memref<128xi32, #tpu.memory_space<vmem>>
      %dma_start3A_79 = arith.constant 0 : i32
      %dma_start3A_80 = arith.constant 0 : i32
      %dma_start3A_81 = tpu.memref_slice %arg14[%dma_start3A_79, %dma_start3A_80] : memref<10000x128xf32, #tpu.memory_space<vmem_shared>> -> memref<10000x128xf32, #tpu.memory_space<vmem_shared>>
      tpu.enqueue_indirect_dma source(%arg12 : memref<128x128xf32, #tpu.memory_space<vmem>>) target(%dma_start3A_81 : memref<10000x128xf32, #tpu.memory_space<vmem_shared>>) offsets(%dma_start3A_78 : memref<128xi32, #tpu.memory_space<vmem>>) semaphore(%run_scoped3A_75 : memref<!tpu.dma_semaphore, #tpu.memory_space<semaphore_mem>>) {add = true}
      %dma_wait3A_82 = arith.constant 0 : i32
      %dma_wait3A_83 = tpu.memref_slice %arg9[%run_scoped3A_43, %dma_wait3A_82] : memref<39x128xi32, #tpu.memory_space<vmem>> -> memref<1x128xi32, #tpu.memory_space<vmem>>
      %dma_wait3A_84 = tpu.memref_squeeze %dma_wait3A_83 : memref<1x128xi32, #tpu.memory_space<vmem>> -> memref<128xi32, #tpu.memory_space<vmem>>
      %dma_wait3A_85 = arith.constant 0 : i32
      %dma_wait3A_86 = arith.constant 0 : i32
      %dma_wait3A_87 = tpu.memref_slice %arg14[%dma_wait3A_85, %dma_wait3A_86] : memref<10000x128xf32, #tpu.memory_space<vmem_shared>> -> memref<10000x128xf32, #tpu.memory_space<vmem_shared>>
      tpu.wait_indirect_dma semaphore(%run_scoped3A_75 : memref<!tpu.dma_semaphore, #tpu.memory_space<semaphore_mem>>) src(%arg12 : memref<128x128xf32, #tpu.memory_space<vmem>>) dst(%dma_wait3A_87 : memref<10000x128xf32, #tpu.memory_space<vmem_shared>>)
      tpu.yield
    }) : () -> ()
    %run_scoped3A_44 = arith.constant 1 : i32
    "tpu.region"() ({
      %run_scoped3A_75 = tpu.sem_alloc : memref<!tpu.dma_semaphore, #tpu.memory_space<semaphore_mem>>
      %dma_start3A_76 = arith.constant 0 : i32
      %dma_start3A_77 = arith.constant 0 : i32
      %dma_start3A_78 = arith.constant 0 : i32
      %dma_start3A_79 = tpu.memref_slice %arg4[%add3A, %dma_start3A_76, %dma_start3A_77, %dma_start3A_78] : memref<32x2x39x128xi32, #tpu.memory_space<hbm>> -> memref<1x2x39x128xi32, #tpu.memory_space<hbm>>
      %dma_start3A_80 = tpu.memref_squeeze %dma_start3A_79 : memref<1x2x39x128xi32, #tpu.memory_space<hbm>> -> memref<2x39x128xi32, #tpu.memory_space<hbm>>
      %dma_start3A_81 = arith.constant 0 : i32
      %dma_start3A_82 = arith.constant 0 : i32
      %dma_start3A_83 = tpu.memref_slice %dma_start3A_80[%run_scoped3A_44, %dma_start3A_81, %dma_start3A_82] : memref<2x39x128xi32, #tpu.memory_space<hbm>> -> memref<1x39x128xi32, #tpu.memory_space<hbm>>
      %dma_start3A_84 = tpu.memref_squeeze %dma_start3A_83 : memref<1x39x128xi32, #tpu.memory_space<hbm>> -> memref<39x128xi32, #tpu.memory_space<hbm>>
      %dma_start3A_85 = arith.constant 0 : i32
      %dma_start3A_86 = arith.constant 0 : i32
      %dma_start3A_87 = arith.constant 0 : i32
      %dma_start3A_88 = tpu.memref_slice %arg4[%add3A, %dma_start3A_85, %dma_start3A_86, %dma_start3A_87] : memref<32x2x39x128xi32, #tpu.memory_space<hbm>> -> memref<1x2x39x128xi32, #tpu.memory_space<hbm>>
      %dma_start3A_89 = tpu.memref_squeeze %dma_start3A_88 : memref<1x2x39x128xi32, #tpu.memory_space<hbm>> -> memref<2x39x128xi32, #tpu.memory_space<hbm>>
      %dma_start3A_90 = arith.constant 0 : i32
      %dma_start3A_91 = arith.constant 0 : i32
      %dma_start3A_92 = tpu.memref_slice %dma_start3A_89[%run_scoped3A_44, %dma_start3A_90, %dma_start3A_91] : memref<2x39x128xi32, #tpu.memory_space<hbm>> -> memref<1x39x128xi32, #tpu.memory_space<hbm>>
      %dma_start3A_93 = tpu.memref_squeeze %dma_start3A_92 : memref<1x39x128xi32, #tpu.memory_space<hbm>> -> memref<39x128xi32, #tpu.memory_space<hbm>>
      tpu.enqueue_dma source(%dma_start3A_93 : memref<39x128xi32, #tpu.memory_space<hbm>>) target(%arg9 : memref<39x128xi32, #tpu.memory_space<vmem>>) target_semaphore(%run_scoped3A_75 : memref<!tpu.dma_semaphore, #tpu.memory_space<semaphore_mem>>)
      %dma_wait3A_94 = arith.constant 0 : i32
      %dma_wait3A_95 = arith.constant 0 : i32
      %dma_wait3A_96 = arith.constant 0 : i32
      %dma_wait3A_97 = tpu.memref_slice %arg4[%add3A, %dma_wait3A_94, %dma_wait3A_95, %dma_wait3A_96] : memref<32x2x39x128xi32, #tpu.memory_space<hbm>> -> memref<1x2x39x128xi32, #tpu.memory_space<hbm>>
      %dma_wait3A_98 = tpu.memref_squeeze %dma_wait3A_97 : memref<1x2x39x128xi32, #tpu.memory_space<hbm>> -> memref<2x39x128xi32, #tpu.memory_space<hbm>>
      %dma_wait3A_99 = arith.constant 0 : i32
      %dma_wait3A_100 = arith.constant 0 : i32
      %dma_wait3A_101 = tpu.memref_slice %dma_wait3A_98[%run_scoped3A_44, %dma_wait3A_99, %dma_wait3A_100] : memref<2x39x128xi32, #tpu.memory_space<hbm>> -> memref<1x39x128xi32, #tpu.memory_space<hbm>>
      %dma_wait3A_102 = tpu.memref_squeeze %dma_wait3A_101 : memref<1x39x128xi32, #tpu.memory_space<hbm>> -> memref<39x128xi32, #tpu.memory_space<hbm>>
      %dma_wait3A_103 = arith.constant 0 : i32
      %dma_wait3A_104 = arith.constant 0 : i32
      %dma_wait3A_105 = arith.constant 0 : i32
      %dma_wait3A_106 = tpu.memref_slice %arg4[%add3A, %dma_wait3A_103, %dma_wait3A_104, %dma_wait3A_105] : memref<32x2x39x128xi32, #tpu.memory_space<hbm>> -> memref<1x2x39x128xi32, #tpu.memory_space<hbm>>
      %dma_wait3A_107 = tpu.memref_squeeze %dma_wait3A_106 : memref<1x2x39x128xi32, #tpu.memory_space<hbm>> -> memref<2x39x128xi32, #tpu.memory_space<hbm>>
      %dma_wait3A_108 = arith.constant 0 : i32
      %dma_wait3A_109 = arith.constant 0 : i32
      %dma_wait3A_110 = tpu.memref_slice %dma_wait3A_107[%run_scoped3A_44, %dma_wait3A_108, %dma_wait3A_109] : memref<2x39x128xi32, #tpu.memory_space<hbm>> -> memref<1x39x128xi32, #tpu.memory_space<hbm>>
      %dma_wait3A_111 = tpu.memref_squeeze %dma_wait3A_110 : memref<1x39x128xi32, #tpu.memory_space<hbm>> -> memref<39x128xi32, #tpu.memory_space<hbm>>
      tpu.wait_dma2 semaphore(%run_scoped3A_75 : memref<!tpu.dma_semaphore, #tpu.memory_space<semaphore_mem>>) src(%dma_wait3A_111 : memref<39x128xi32, #tpu.memory_space<hbm>>) dst(%arg9 : memref<39x128xi32, #tpu.memory_space<vmem>>)
      tpu.yield
    }) : () -> ()
    %scan3A_45 = arith.constant 0 : i32
    %scan3A_46 = arith.constant 19 : i32
    %scan3A_47 = arith.addi %scan3A_45, %scan3A_46 : i32
    %scan3A_48 = arith.constant 1 : i32
    scf.for %scan3A_75 = %scan3A_45 to %scan3A_47 step %scan3A_48  : i32 {
      %mul3A_76 = arith.constant 2 : i32
      %mul3A_77 = arith.muli %scan3A_75, %mul3A_76 : i32
      %add3A_78 = arith.constant 0 : i32
      %add3A_79 = arith.addi %add3A_78, %mul3A_77 : i32
      %add3A_80 = arith.constant 39 : i32
      %add3A_81 = arith.addi %add3A_80, %add3A_79 : i32
      %add3A_82 = arith.constant 1 : i32
      %add3A_83 = arith.addi %add3A_81, %add3A_82 : i32
      %dma_start3A_84 = arith.constant 0 : i32
      %dma_start3A_85 = tpu.memref_slice %arg8[%add3A_83, %dma_start3A_84] : memref<78x128xi32, #tpu.memory_space<vmem>> -> memref<1x128xi32, #tpu.memory_space<vmem>>
      %dma_start3A_86 = tpu.memref_squeeze %dma_start3A_85 : memref<1x128xi32, #tpu.memory_space<vmem>> -> memref<128xi32, #tpu.memory_space<vmem>>
      %dma_start3A_87 = arith.constant 0 : i32
      %dma_start3A_88 = arith.constant 0 : i32
      %dma_start3A_89 = tpu.memref_slice %arg2[%dma_start3A_87, %dma_start3A_88] : memref<10000x128xf32, #tpu.memory_space<hbm>> -> memref<10000x128xf32, #tpu.memory_space<hbm>>
      tpu.enqueue_indirect_dma source(%dma_start3A_89 : memref<10000x128xf32, #tpu.memory_space<hbm>>) target(%arg12 : memref<128x128xf32, #tpu.memory_space<vmem>>) offsets(%dma_start3A_86 : memref<128xi32, #tpu.memory_space<vmem>>) semaphore(%arg15 : memref<!tpu.dma_semaphore, #tpu.memory_space<semaphore_mem>>)
      %dma_wait3A_90 = arith.constant 0 : i32
      %dma_wait3A_91 = arith.constant 0 : i32
      %dma_wait3A_92 = tpu.memref_slice %arg2[%dma_wait3A_90, %dma_wait3A_91] : memref<10000x128xf32, #tpu.memory_space<hbm>> -> memref<128x128xf32, #tpu.memory_space<hbm>>
      %dma_wait3A_93 = arith.constant 0 : i32
      %dma_wait3A_94 = arith.constant 0 : i32
      %dma_wait3A_95 = tpu.memref_slice %arg2[%dma_wait3A_93, %dma_wait3A_94] : memref<10000x128xf32, #tpu.memory_space<hbm>> -> memref<128x128xf32, #tpu.memory_space<hbm>>
      tpu.wait_dma2 semaphore(%arg16 : memref<!tpu.dma_semaphore, #tpu.memory_space<semaphore_mem>>) src(%dma_wait3A_95 : memref<128x128xf32, #tpu.memory_space<hbm>>) dst(%arg13 : memref<128x128xf32, #tpu.memory_space<vmem>>)
      "tpu.region"() ({
        %run_scoped3A_114 = tpu.sem_alloc : memref<!tpu.dma_semaphore, #tpu.memory_space<semaphore_mem>>
        %dma_start3A_115 = arith.constant 0 : i32
        %dma_start3A_116 = tpu.memref_slice %arg9[%add3A_79, %dma_start3A_115] : memref<39x128xi32, #tpu.memory_space<vmem>> -> memref<1x128xi32, #tpu.memory_space<vmem>>
        %dma_start3A_117 = tpu.memref_squeeze %dma_start3A_116 : memref<1x128xi32, #tpu.memory_space<vmem>> -> memref<128xi32, #tpu.memory_space<vmem>>
        %dma_start3A_118 = arith.constant 0 : i32
        %dma_start3A_119 = arith.constant 0 : i32
        %dma_start3A_120 = tpu.memref_slice %arg14[%dma_start3A_118, %dma_start3A_119] : memref<10000x128xf32, #tpu.memory_space<vmem_shared>> -> memref<10000x128xf32, #tpu.memory_space<vmem_shared>>
        tpu.enqueue_indirect_dma source(%arg13 : memref<128x128xf32, #tpu.memory_space<vmem>>) target(%dma_start3A_120 : memref<10000x128xf32, #tpu.memory_space<vmem_shared>>) offsets(%dma_start3A_117 : memref<128xi32, #tpu.memory_space<vmem>>) semaphore(%run_scoped3A_114 : memref<!tpu.dma_semaphore, #tpu.memory_space<semaphore_mem>>) {add = true}
        %dma_wait3A_121 = arith.constant 0 : i32
        %dma_wait3A_122 = tpu.memref_slice %arg9[%add3A_79, %dma_wait3A_121] : memref<39x128xi32, #tpu.memory_space<vmem>> -> memref<1x128xi32, #tpu.memory_space<vmem>>
        %dma_wait3A_123 = tpu.memref_squeeze %dma_wait3A_122 : memref<1x128xi32, #tpu.memory_space<vmem>> -> memref<128xi32, #tpu.memory_space<vmem>>
        %dma_wait3A_124 = arith.constant 0 : i32
        %dma_wait3A_125 = arith.constant 0 : i32
        %dma_wait3A_126 = tpu.memref_slice %arg14[%dma_wait3A_124, %dma_wait3A_125] : memref<10000x128xf32, #tpu.memory_space<vmem_shared>> -> memref<10000x128xf32, #tpu.memory_space<vmem_shared>>
        tpu.wait_indirect_dma semaphore(%run_scoped3A_114 : memref<!tpu.dma_semaphore, #tpu.memory_space<semaphore_mem>>) src(%arg13 : memref<128x128xf32, #tpu.memory_space<vmem>>) dst(%dma_wait3A_126 : memref<10000x128xf32, #tpu.memory_space<vmem_shared>>)
        tpu.yield
      }) : () -> ()
      %add3A_96 = arith.constant 39 : i32
      %add3A_97 = arith.addi %add3A_96, %add3A_79 : i32
      %add3A_98 = arith.constant 2 : i32
      %add3A_99 = arith.addi %add3A_97, %add3A_98 : i32
      %dma_start3A_100 = arith.constant 0 : i32
      %dma_start3A_101 = tpu.memref_slice %arg8[%add3A_99, %dma_start3A_100] : memref<78x128xi32, #tpu.memory_space<vmem>> -> memref<1x128xi32, #tpu.memory_space<vmem>>
      %dma_start3A_102 = tpu.memref_squeeze %dma_start3A_101 : memref<1x128xi32, #tpu.memory_space<vmem>> -> memref<128xi32, #tpu.memory_space<vmem>>
      %dma_start3A_103 = arith.constant 0 : i32
      %dma_start3A_104 = arith.constant 0 : i32
      %dma_start3A_105 = tpu.memref_slice %arg2[%dma_start3A_103, %dma_start3A_104] : memref<10000x128xf32, #tpu.memory_space<hbm>> -> memref<10000x128xf32, #tpu.memory_space<hbm>>
      tpu.enqueue_indirect_dma source(%dma_start3A_105 : memref<10000x128xf32, #tpu.memory_space<hbm>>) target(%arg13 : memref<128x128xf32, #tpu.memory_space<vmem>>) offsets(%dma_start3A_102 : memref<128xi32, #tpu.memory_space<vmem>>) semaphore(%arg16 : memref<!tpu.dma_semaphore, #tpu.memory_space<semaphore_mem>>)
      %dma_wait3A_106 = arith.constant 0 : i32
      %dma_wait3A_107 = arith.constant 0 : i32
      %dma_wait3A_108 = tpu.memref_slice %arg2[%dma_wait3A_106, %dma_wait3A_107] : memref<10000x128xf32, #tpu.memory_space<hbm>> -> memref<128x128xf32, #tpu.memory_space<hbm>>
      %dma_wait3A_109 = arith.constant 0 : i32
      %dma_wait3A_110 = arith.constant 0 : i32
      %dma_wait3A_111 = tpu.memref_slice %arg2[%dma_wait3A_109, %dma_wait3A_110] : memref<10000x128xf32, #tpu.memory_space<hbm>> -> memref<128x128xf32, #tpu.memory_space<hbm>>
      tpu.wait_dma2 semaphore(%arg15 : memref<!tpu.dma_semaphore, #tpu.memory_space<semaphore_mem>>) src(%dma_wait3A_111 : memref<128x128xf32, #tpu.memory_space<hbm>>) dst(%arg12 : memref<128x128xf32, #tpu.memory_space<vmem>>)
      %add3A_112 = arith.constant 1 : i32
      %add3A_113 = arith.addi %add3A_79, %add3A_112 : i32
      "tpu.region"() ({
        %run_scoped3A_114 = tpu.sem_alloc : memref<!tpu.dma_semaphore, #tpu.memory_space<semaphore_mem>>
        %dma_start3A_115 = arith.constant 0 : i32
        %dma_start3A_116 = tpu.memref_slice %arg9[%add3A_113, %dma_start3A_115] : memref<39x128xi32, #tpu.memory_space<vmem>> -> memref<1x128xi32, #tpu.memory_space<vmem>>
        %dma_start3A_117 = tpu.memref_squeeze %dma_start3A_116 : memref<1x128xi32, #tpu.memory_space<vmem>> -> memref<128xi32, #tpu.memory_space<vmem>>
        %dma_start3A_118 = arith.constant 0 : i32
        %dma_start3A_119 = arith.constant 0 : i32
        %dma_start3A_120 = tpu.memref_slice %arg14[%dma_start3A_118, %dma_start3A_119] : memref<10000x128xf32, #tpu.memory_space<vmem_shared>> -> memref<10000x128xf32, #tpu.memory_space<vmem_shared>>
        tpu.enqueue_indirect_dma source(%arg12 : memref<128x128xf32, #tpu.memory_space<vmem>>) target(%dma_start3A_120 : memref<10000x128xf32, #tpu.memory_space<vmem_shared>>) offsets(%dma_start3A_117 : memref<128xi32, #tpu.memory_space<vmem>>) semaphore(%run_scoped3A_114 : memref<!tpu.dma_semaphore, #tpu.memory_space<semaphore_mem>>) {add = true}
        %dma_wait3A_121 = arith.constant 0 : i32
        %dma_wait3A_122 = tpu.memref_slice %arg9[%add3A_113, %dma_wait3A_121] : memref<39x128xi32, #tpu.memory_space<vmem>> -> memref<1x128xi32, #tpu.memory_space<vmem>>
        %dma_wait3A_123 = tpu.memref_squeeze %dma_wait3A_122 : memref<1x128xi32, #tpu.memory_space<vmem>> -> memref<128xi32, #tpu.memory_space<vmem>>
        %dma_wait3A_124 = arith.constant 0 : i32
        %dma_wait3A_125 = arith.constant 0 : i32
        %dma_wait3A_126 = tpu.memref_slice %arg14[%dma_wait3A_124, %dma_wait3A_125] : memref<10000x128xf32, #tpu.memory_space<vmem_shared>> -> memref<10000x128xf32, #tpu.memory_space<vmem_shared>>
        tpu.wait_indirect_dma semaphore(%run_scoped3A_114 : memref<!tpu.dma_semaphore, #tpu.memory_space<semaphore_mem>>) src(%arg12 : memref<128x128xf32, #tpu.memory_space<vmem>>) dst(%dma_wait3A_126 : memref<10000x128xf32, #tpu.memory_space<vmem_shared>>)
        tpu.yield
      }) : () -> ()
    }
    %scan3A_49 = arith.constant 19 : i32
    %dma_wait3A_50 = arith.constant 0 : i32
    %dma_wait3A_51 = arith.constant 0 : i32
    %dma_wait3A_52 = tpu.memref_slice %arg2[%dma_wait3A_50, %dma_wait3A_51] : memref<10000x128xf32, #tpu.memory_space<hbm>> -> memref<128x128xf32, #tpu.memory_space<hbm>>
    %dma_wait3A_53 = arith.constant 0 : i32
    %dma_wait3A_54 = arith.constant 0 : i32
    %dma_wait3A_55 = tpu.memref_slice %arg2[%dma_wait3A_53, %dma_wait3A_54] : memref<10000x128xf32, #tpu.memory_space<hbm>> -> memref<128x128xf32, #tpu.memory_space<hbm>>
    tpu.wait_dma2 semaphore(%arg16 : memref<!tpu.dma_semaphore, #tpu.memory_space<semaphore_mem>>) src(%dma_wait3A_55 : memref<128x128xf32, #tpu.memory_space<hbm>>) dst(%arg13 : memref<128x128xf32, #tpu.memory_space<vmem>>)
    %run_scoped3A_56 = arith.constant 38 : i32
    "tpu.region"() ({
      %run_scoped3A_75 = tpu.sem_alloc : memref<!tpu.dma_semaphore, #tpu.memory_space<semaphore_mem>>
      %dma_start3A_76 = arith.constant 0 : i32
      %dma_start3A_77 = tpu.memref_slice %arg9[%run_scoped3A_56, %dma_start3A_76] : memref<39x128xi32, #tpu.memory_space<vmem>> -> memref<1x128xi32, #tpu.memory_space<vmem>>
      %dma_start3A_78 = tpu.memref_squeeze %dma_start3A_77 : memref<1x128xi32, #tpu.memory_space<vmem>> -> memref<128xi32, #tpu.memory_space<vmem>>
      %dma_start3A_79 = arith.constant 0 : i32
      %dma_start3A_80 = arith.constant 0 : i32
      %dma_start3A_81 = tpu.memref_slice %arg14[%dma_start3A_79, %dma_start3A_80] : memref<10000x128xf32, #tpu.memory_space<vmem_shared>> -> memref<10000x128xf32, #tpu.memory_space<vmem_shared>>
      tpu.enqueue_indirect_dma source(%arg13 : memref<128x128xf32, #tpu.memory_space<vmem>>) target(%dma_start3A_81 : memref<10000x128xf32, #tpu.memory_space<vmem_shared>>) offsets(%dma_start3A_78 : memref<128xi32, #tpu.memory_space<vmem>>) semaphore(%run_scoped3A_75 : memref<!tpu.dma_semaphore, #tpu.memory_space<semaphore_mem>>) {add = true}
      %dma_wait3A_82 = arith.constant 0 : i32
      %dma_wait3A_83 = tpu.memref_slice %arg9[%run_scoped3A_56, %dma_wait3A_82] : memref<39x128xi32, #tpu.memory_space<vmem>> -> memref<1x128xi32, #tpu.memory_space<vmem>>
      %dma_wait3A_84 = tpu.memref_squeeze %dma_wait3A_83 : memref<1x128xi32, #tpu.memory_space<vmem>> -> memref<128xi32, #tpu.memory_space<vmem>>
      %dma_wait3A_85 = arith.constant 0 : i32
      %dma_wait3A_86 = arith.constant 0 : i32
      %dma_wait3A_87 = tpu.memref_slice %arg14[%dma_wait3A_85, %dma_wait3A_86] : memref<10000x128xf32, #tpu.memory_space<vmem_shared>> -> memref<10000x128xf32, #tpu.memory_space<vmem_shared>>
      tpu.wait_indirect_dma semaphore(%run_scoped3A_75 : memref<!tpu.dma_semaphore, #tpu.memory_space<semaphore_mem>>) src(%arg13 : memref<128x128xf32, #tpu.memory_space<vmem>>) dst(%dma_wait3A_87 : memref<10000x128xf32, #tpu.memory_space<vmem_shared>>)
      tpu.yield
    }) : () -> ()
    %dma_start3A_57 = arith.constant 0 : i32
    %dma_start3A_58 = arith.constant 0 : i32
    %dma_start3A_59 = tpu.memref_slice %arg12[%dma_start3A_57, %dma_start3A_58] : memref<128x128xf32, #tpu.memory_space<vmem>> -> memref<16x128xf32, #tpu.memory_space<vmem>>
    %dma_start3A_60 = arith.constant 0 : i32
    %dma_start3A_61 = arith.constant 0 : i32
    %dma_start3A_62 = tpu.memref_slice %arg2[%dma_start3A_60, %dma_start3A_61] : memref<10000x128xf32, #tpu.memory_space<hbm>> -> memref<10000x128xf32, #tpu.memory_space<hbm>>
    tpu.enqueue_indirect_dma source(%dma_start3A_62 : memref<10000x128xf32, #tpu.memory_space<hbm>>) target(%dma_start3A_59 : memref<16x128xf32, #tpu.memory_space<vmem>>) offsets(%arg10 : memref<16xi32, #tpu.memory_space<vmem>>) semaphore(%arg15 : memref<!tpu.dma_semaphore, #tpu.memory_space<semaphore_mem>>)
    %dma_wait3A_63 = arith.constant 0 : i32
    %dma_wait3A_64 = arith.constant 0 : i32
    %dma_wait3A_65 = tpu.memref_slice %arg12[%dma_wait3A_63, %dma_wait3A_64] : memref<128x128xf32, #tpu.memory_space<vmem>> -> memref<16x128xf32, #tpu.memory_space<vmem>>
    %dma_wait3A_66 = arith.constant 0 : i32
    %dma_wait3A_67 = arith.constant 0 : i32
    %dma_wait3A_68 = tpu.memref_slice %arg2[%dma_wait3A_66, %dma_wait3A_67] : memref<10000x128xf32, #tpu.memory_space<hbm>> -> memref<10000x128xf32, #tpu.memory_space<hbm>>
    tpu.wait_indirect_dma semaphore(%arg15 : memref<!tpu.dma_semaphore, #tpu.memory_space<semaphore_mem>>) src(%dma_wait3A_68 : memref<10000x128xf32, #tpu.memory_space<hbm>>) dst(%dma_wait3A_65 : memref<16x128xf32, #tpu.memory_space<vmem>>)
    "tpu.region"() ({
      %run_scoped3A_75 = tpu.sem_alloc : memref<!tpu.dma_semaphore, #tpu.memory_space<semaphore_mem>>
      %dma_start3A_76 = arith.constant 0 : i32
      %dma_start3A_77 = arith.constant 0 : i32
      %dma_start3A_78 = tpu.memref_slice %arg12[%dma_start3A_76, %dma_start3A_77] : memref<128x128xf32, #tpu.memory_space<vmem>> -> memref<16x128xf32, #tpu.memory_space<vmem>>
      %dma_start3A_79 = arith.constant 0 : i32
      %dma_start3A_80 = arith.constant 0 : i32
      %dma_start3A_81 = tpu.memref_slice %arg14[%dma_start3A_79, %dma_start3A_80] : memref<10000x128xf32, #tpu.memory_space<vmem_shared>> -> memref<10000x128xf32, #tpu.memory_space<vmem_shared>>
      tpu.enqueue_indirect_dma source(%dma_start3A_78 : memref<16x128xf32, #tpu.memory_space<vmem>>) target(%dma_start3A_81 : memref<10000x128xf32, #tpu.memory_space<vmem_shared>>) offsets(%arg11 : memref<16xi32, #tpu.memory_space<vmem>>) semaphore(%run_scoped3A_75 : memref<!tpu.dma_semaphore, #tpu.memory_space<semaphore_mem>>) {add = true}
      %dma_wait3A_82 = arith.constant 0 : i32
      %dma_wait3A_83 = arith.constant 0 : i32
      %dma_wait3A_84 = tpu.memref_slice %arg12[%dma_wait3A_82, %dma_wait3A_83] : memref<128x128xf32, #tpu.memory_space<vmem>> -> memref<16x128xf32, #tpu.memory_space<vmem>>
      %dma_wait3A_85 = arith.constant 0 : i32
      %dma_wait3A_86 = arith.constant 0 : i32
      %dma_wait3A_87 = tpu.memref_slice %arg14[%dma_wait3A_85, %dma_wait3A_86] : memref<10000x128xf32, #tpu.memory_space<vmem_shared>> -> memref<10000x128xf32, #tpu.memory_space<vmem_shared>>
      tpu.wait_indirect_dma semaphore(%run_scoped3A_75 : memref<!tpu.dma_semaphore, #tpu.memory_space<semaphore_mem>>) src(%dma_wait3A_84 : memref<16x128xf32, #tpu.memory_space<vmem>>) dst(%dma_wait3A_87 : memref<10000x128xf32, #tpu.memory_space<vmem_shared>>)
      tpu.yield
    }) : () -> ()
    %barrier3A_69 = arith.constant 0 : index
    tpu.barrier barrier_id(%barrier3A_69)
    "tpu.region"() ({
      %run_scoped3A_75 = tpu.sem_alloc : memref<!tpu.dma_semaphore, #tpu.memory_space<semaphore_mem>>
      %dma_start3A_76 = arith.constant 0 : i32
      %dma_start3A_77 = arith.constant 0 : i32
      %dma_start3A_78 = tpu.memref_slice %arg7[%arg0, %dma_start3A_76, %dma_start3A_77] : memref<2x10000x128xf32, #tpu.memory_space<hbm>> -> memref<1x10000x128xf32, #tpu.memory_space<hbm>>
      %dma_start3A_79 = tpu.memref_squeeze %dma_start3A_78 : memref<1x10000x128xf32, #tpu.memory_space<hbm>> -> memref<10000x128xf32, #tpu.memory_space<hbm>>
      %dma_start3A_80 = arith.constant 0 : i32
      %dma_start3A_81 = tpu.memref_slice %dma_start3A_79[%mul3A_2, %dma_start3A_80] : memref<10000x128xf32, #tpu.memory_space<hbm>> -> memref<624x128xf32, #tpu.memory_space<hbm>>
      %dma_start3A_82 = arith.constant 0 : i32
      %dma_start3A_83 = tpu.memref_slice %arg14[%mul3A_2, %dma_start3A_82] : memref<10000x128xf32, #tpu.memory_space<vmem_shared>> -> memref<624x128xf32, #tpu.memory_space<vmem_shared>>
      tpu.enqueue_dma source(%dma_start3A_83 : memref<624x128xf32, #tpu.memory_space<vmem_shared>>) target(%dma_start3A_81 : memref<624x128xf32, #tpu.memory_space<hbm>>) target_semaphore(%run_scoped3A_75 : memref<!tpu.dma_semaphore, #tpu.memory_space<semaphore_mem>>)
      %dma_wait3A_84 = arith.constant 0 : i32
      %dma_wait3A_85 = arith.constant 0 : i32
      %dma_wait3A_86 = tpu.memref_slice %arg7[%arg0, %dma_wait3A_84, %dma_wait3A_85] : memref<2x10000x128xf32, #tpu.memory_space<hbm>> -> memref<1x10000x128xf32, #tpu.memory_space<hbm>>
      %dma_wait3A_87 = tpu.memref_squeeze %dma_wait3A_86 : memref<1x10000x128xf32, #tpu.memory_space<hbm>> -> memref<10000x128xf32, #tpu.memory_space<hbm>>
      %dma_wait3A_88 = arith.constant 0 : i32
      %dma_wait3A_89 = tpu.memref_slice %dma_wait3A_87[%mul3A_2, %dma_wait3A_88] : memref<10000x128xf32, #tpu.memory_space<hbm>> -> memref<624x128xf32, #tpu.memory_space<hbm>>
      %dma_wait3A_90 = arith.constant 0 : i32
      %dma_wait3A_91 = tpu.memref_slice %arg14[%mul3A_2, %dma_wait3A_90] : memref<10000x128xf32, #tpu.memory_space<vmem_shared>> -> memref<624x128xf32, #tpu.memory_space<vmem_shared>>
      tpu.wait_dma2 semaphore(%run_scoped3A_75 : memref<!tpu.dma_semaphore, #tpu.memory_space<semaphore_mem>>) src(%dma_wait3A_91 : memref<624x128xf32, #tpu.memory_space<vmem_shared>>) dst(%dma_wait3A_89 : memref<624x128xf32, #tpu.memory_space<hbm>>)
      tpu.yield
    }) : () -> ()
    %eq3A_70 = arith.constant 15 : i32
    %eq3A_71 = arith.cmpi eq, %arg1, %eq3A_70 : i32
    %convert_element_type3A_72 = arith.extui %eq3A_71 : i1 to i32
    %cond3A_73 = arith.constant 0 : i32
    %cond3A_74 = arith.cmpi ne, %convert_element_type3A_72, %cond3A_73 : i32
    scf.if %cond3A_74 {
      "tpu.region"() ({
        %run_scoped3A_75 = tpu.sem_alloc : memref<!tpu.dma_semaphore, #tpu.memory_space<semaphore_mem>>
        %dma_start3A_76 = arith.constant 0 : i32
        %dma_start3A_77 = arith.constant 0 : i32
        %dma_start3A_78 = tpu.memref_slice %arg7[%arg0, %dma_start3A_76, %dma_start3A_77] : memref<2x10000x128xf32, #tpu.memory_space<hbm>> -> memref<1x10000x128xf32, #tpu.memory_space<hbm>>
        %dma_start3A_79 = tpu.memref_squeeze %dma_start3A_78 : memref<1x10000x128xf32, #tpu.memory_space<hbm>> -> memref<10000x128xf32, #tpu.memory_space<hbm>>
        %dma_start3A_80 = arith.constant 9984 : i32
        %dma_start3A_81 = arith.constant 0 : i32
        %dma_start3A_82 = tpu.memref_slice %dma_start3A_79[%dma_start3A_80, %dma_start3A_81] : memref<10000x128xf32, #tpu.memory_space<hbm>> -> memref<16x128xf32, #tpu.memory_space<hbm>>
        %dma_start3A_83 = arith.constant 9984 : i32
        %dma_start3A_84 = arith.constant 0 : i32
        %dma_start3A_85 = tpu.memref_slice %arg14[%dma_start3A_83, %dma_start3A_84] : memref<10000x128xf32, #tpu.memory_space<vmem_shared>> -> memref<16x128xf32, #tpu.memory_space<vmem_shared>>
        tpu.enqueue_dma source(%dma_start3A_85 : memref<16x128xf32, #tpu.memory_space<vmem_shared>>) target(%dma_start3A_82 : memref<16x128xf32, #tpu.memory_space<hbm>>) target_semaphore(%run_scoped3A_75 : memref<!tpu.dma_semaphore, #tpu.memory_space<semaphore_mem>>)
        %dma_wait3A_86 = arith.constant 0 : i32
        %dma_wait3A_87 = arith.constant 0 : i32
        %dma_wait3A_88 = tpu.memref_slice %arg7[%arg0, %dma_wait3A_86, %dma_wait3A_87] : memref<2x10000x128xf32, #tpu.memory_space<hbm>> -> memref<1x10000x128xf32, #tpu.memory_space<hbm>>
        %dma_wait3A_89 = tpu.memref_squeeze %dma_wait3A_88 : memref<1x10000x128xf32, #tpu.memory_space<hbm>> -> memref<10000x128xf32, #tpu.memory_space<hbm>>
        %dma_wait3A_90 = arith.constant 9984 : i32
        %dma_wait3A_91 = arith.constant 0 : i32
        %dma_wait3A_92 = tpu.memref_slice %dma_wait3A_89[%dma_wait3A_90, %dma_wait3A_91] : memref<10000x128xf32, #tpu.memory_space<hbm>> -> memref<16x128xf32, #tpu.memory_space<hbm>>
        %dma_wait3A_93 = arith.constant 9984 : i32
        %dma_wait3A_94 = arith.constant 0 : i32
        %dma_wait3A_95 = tpu.memref_slice %arg14[%dma_wait3A_93, %dma_wait3A_94] : memref<10000x128xf32, #tpu.memory_space<vmem_shared>> -> memref<16x128xf32, #tpu.memory_space<vmem_shared>>
        tpu.wait_dma2 semaphore(%run_scoped3A_75 : memref<!tpu.dma_semaphore, #tpu.memory_space<semaphore_mem>>) src(%dma_wait3A_95 : memref<16x128xf32, #tpu.memory_space<vmem_shared>>) dst(%dma_wait3A_92 : memref<16x128xf32, #tpu.memory_space<hbm>>)
        tpu.yield
      }) : () -> ()
    } else {
    }
    return
  }
}

#map = affine_map<(d0, d1) -> (0, 0)>
#map1 = affine_map<(d0, d1) -> (0, 0, 0)>
#map2 = affine_map<(d0, d1) -> (0, 0, 0, 0)>
module attributes {stable_mosaic.version = 14 : i64} {
  func.func @k(%arg0: i32, %arg1: i32, %arg2: memref<10000x128xf32, #tpu.memory_space<hbm>>, %arg3: memref<32x78x128xi32, #tpu.memory_space<hbm>>, %arg4: memref<32x2x39x128xi32, #tpu.memory_space<hbm>>, %arg5: memref<32x16xi32, #tpu.memory_space<hbm>>, %arg6: memref<32x16xi32, #tpu.memory_space<hbm>>, %arg7: memref<2x10000x128xf32, #tpu.memory_space<hbm>>, %arg8: memref<78x128xi32, #tpu.memory_space<vmem>>, %arg9: memref<39x128xi32, #tpu.memory_space<vmem>>, %arg10: memref<16xi32, #tpu.memory_space<vmem>>, %arg11: memref<16xi32, #tpu.memory_space<vmem>>, %arg12: memref<128x128xf32, #tpu.memory_space<vmem>>, %arg13: memref<128x128xf32, #tpu.memory_space<vmem>>, %arg14: memref<10000x128xf32, #tpu.memory_space<vmem_shared>>, %arg15: memref<!tpu.dma_semaphore, #tpu.memory_space<semaphore_mem>>, %arg16: memref<!tpu.dma_semaphore, #tpu.memory_space<semaphore_mem>>) attributes {dimension_semantics = [#tpu.dimension_semantics<core_parallel>, #tpu.dimension_semantics<subcore_parallel>], iteration_bounds = array<i64: 2, 16>, scalar_prefetch = 0 : i64, scratch_operands = 9 : i64, tpu.core_type = #tpu.core_type<sc_vector_subcore>, window_params = [{transform_indices = #map}, {transform_indices = #map1}, {transform_indices = #map2}, {transform_indices = #map}, {transform_indices = #map}, {transform_indices = #map1}]} {
    %mul3A = arith.constant 16 : i32
    %mul3A_0 = arith.muli %arg0, %mul3A : i32
    %add3A = arith.addi %mul3A_0, %arg1 : i32
    %mul3A_1 = arith.constant 624 : i32
    %mul3A_2 = arith.muli %arg1, %mul3A_1 : i32
    "tpu.region"() ({
      %run_scoped3A_75 = tpu.sem_alloc : memref<!tpu.dma_semaphore, #tpu.memory_space<semaphore_mem>>
      %dma_start3A_76 = arith.constant 0 : i32
      %dma_start3A_77 = arith.constant 0 : i32
      %dma_start3A_78 = tpu.memref_slice %arg3[%add3A, %dma_start3A_76, %dma_start3A_77] : memref<32x78x128xi32, #tpu.memory_space<hbm>> -> memref<1x78x128xi32, #tpu.memory_space<hbm>>
      %dma_start3A_79 = tpu.memref_squeeze %dma_start3A_78 : memref<1x78x128xi32, #tpu.memory_space<hbm>> -> memref<78x128xi32, #tpu.memory_space<hbm>>
      %dma_start3A_80 = arith.constant 0 : i32
      %dma_start3A_81 = arith.constant 0 : i32
      %dma_start3A_82 = tpu.memref_slice %arg3[%add3A, %dma_start3A_80, %dma_start3A_81] : memref<32x78x128xi32, #tpu.memory_space<hbm>> -> memref<1x78x128xi32, #tpu.memory_space<hbm>>
      %dma_start3A_83 = tpu.memref_squeeze %dma_start3A_82 : memref<1x78x128xi32, #tpu.memory_space<hbm>> -> memref<78x128xi32, #tpu.memory_space<hbm>>
      tpu.enqueue_dma source(%dma_start3A_83 : memref<78x128xi32, #tpu.memory_space<hbm>>) target(%arg8 : memref<78x128xi32, #tpu.memory_space<vmem>>) target_semaphore(%run_scoped3A_75 : memref<!tpu.dma_semaphore, #tpu.memory_space<semaphore_mem>>)
      %dma_wait3A_84 = arith.constant 0 : i32
      %dma_wait3A_85 = arith.constant 0 : i32
      %dma_wait3A_86 = tpu.memref_slice %arg3[%add3A, %dma_wait3A_84, %dma_wait3A_85] : memref<32x78x128xi32, #tpu.memory_space<hbm>> -> memref<1x78x128xi32, #tpu.memory_space<hbm>>
      %dma_wait3A_87 = tpu.memref_squeeze %dma_wait3A_86 : memref<1x78x128xi32, #tpu.memory_space<hbm>> -> memref<78x128xi32, #tpu.memory_space<hbm>>
      %dma_wait3A_88 = arith.constant 0 : i32
      %dma_wait3A_89 = arith.constant 0 : i32
      %dma_wait3A_90 = tpu.memref_slice %arg3[%add3A, %dma_wait3A_88, %dma_wait3A_89] : memref<32x78x128xi32, #tpu.memory_space<hbm>> -> memref<1x78x128xi32, #tpu.memory_space<hbm>>
      %dma_wait3A_91 = tpu.memref_squeeze %dma_wait3A_90 : memref<1x78x128xi32, #tpu.memory_space<hbm>> -> memref<78x128xi32, #tpu.memory_space<hbm>>
      tpu.wait_dma2 semaphore(%run_scoped3A_75 : memref<!tpu.dma_semaphore, #tpu.memory_space<semaphore_mem>>) src(%dma_wait3A_91 : memref<78x128xi32, #tpu.memory_space<hbm>>) dst(%arg8 : memref<78x128xi32, #tpu.memory_space<vmem>>)
      tpu.yield
    }) : () -> ()
    "tpu.region"() ({
      %run_scoped3A_75 = tpu.sem_alloc : memref<!tpu.dma_semaphore, #tpu.memory_space<semaphore_mem>>
      %dma_start3A_76 = arith.constant 0 : i32
      %dma_start3A_77 = tpu.memref_slice %arg5[%add3A, %dma_start3A_76] : memref<32x16xi32, #tpu.memory_space<hbm>> -> memref<1x16xi32, #tpu.memory_space<hbm>>
      %dma_start3A_78 = tpu.memref_squeeze %dma_start3A_77 : memref<1x16xi32, #tpu.memory_space<hbm>> -> memref<16xi32, #tpu.memory_space<hbm>>
      %dma_start3A_79 = arith.constant 0 : i32
      %dma_start3A_80 = tpu.memref_slice %arg5[%add3A, %dma_start3A_79] : memref<32x16xi32, #tpu.memory_space<hbm>> -> memref<1x16xi32, #tpu.memory_space<hbm>>
      %dma_start3A_81 = tpu.memref_squeeze %dma_start3A_80 : memref<1x16xi32, #tpu.memory_space<hbm>> -> memref<16xi32, #tpu.memory_space<hbm>>
      tpu.enqueue_dma source(%dma_start3A_81 : memref<16xi32, #tpu.memory_space<hbm>>) target(%arg10 : memref<16xi32, #tpu.memory_space<vmem>>) target_semaphore(%run_scoped3A_75 : memref<!tpu.dma_semaphore, #tpu.memory_space<semaphore_mem>>)
      %dma_wait3A_82 = arith.constant 0 : i32
      %dma_wait3A_83 = tpu.memref_slice %arg5[%add3A, %dma_wait3A_82] : memref<32x16xi32, #tpu.memory_space<hbm>> -> memref<1x16xi32, #tpu.memory_space<hbm>>
      %dma_wait3A_84 = tpu.memref_squeeze %dma_wait3A_83 : memref<1x16xi32, #tpu.memory_space<hbm>> -> memref<16xi32, #tpu.memory_space<hbm>>
      %dma_wait3A_85 = arith.constant 0 : i32
      %dma_wait3A_86 = tpu.memref_slice %arg5[%add3A, %dma_wait3A_85] : memref<32x16xi32, #tpu.memory_space<hbm>> -> memref<1x16xi32, #tpu.memory_space<hbm>>
      %dma_wait3A_87 = tpu.memref_squeeze %dma_wait3A_86 : memref<1x16xi32, #tpu.memory_space<hbm>> -> memref<16xi32, #tpu.memory_space<hbm>>
      tpu.wait_dma2 semaphore(%run_scoped3A_75 : memref<!tpu.dma_semaphore, #tpu.memory_space<semaphore_mem>>) src(%dma_wait3A_87 : memref<16xi32, #tpu.memory_space<hbm>>) dst(%arg10 : memref<16xi32, #tpu.memory_space<vmem>>)
      tpu.yield
    }) : () -> ()
    "tpu.region"() ({
      %run_scoped3A_75 = tpu.sem_alloc : memref<!tpu.dma_semaphore, #tpu.memory_space<semaphore_mem>>
      %dma_start3A_76 = arith.constant 0 : i32
      %dma_start3A_77 = tpu.memref_slice %arg6[%add3A, %dma_start3A_76] : memref<32x16xi32, #tpu.memory_space<hbm>> -> memref<1x16xi32, #tpu.memory_space<hbm>>
      %dma_start3A_78 = tpu.memref_squeeze %dma_start3A_77 : memref<1x16xi32, #tpu.memory_space<hbm>> -> memref<16xi32, #tpu.memory_space<hbm>>
      %dma_start3A_79 = arith.constant 0 : i32
      %dma_start3A_80 = tpu.memref_slice %arg6[%add3A, %dma_start3A_79] : memref<32x16xi32, #tpu.memory_space<hbm>> -> memref<1x16xi32, #tpu.memory_space<hbm>>
      %dma_start3A_81 = tpu.memref_squeeze %dma_start3A_80 : memref<1x16xi32, #tpu.memory_space<hbm>> -> memref<16xi32, #tpu.memory_space<hbm>>
      tpu.enqueue_dma source(%dma_start3A_81 : memref<16xi32, #tpu.memory_space<hbm>>) target(%arg11 : memref<16xi32, #tpu.memory_space<vmem>>) target_semaphore(%run_scoped3A_75 : memref<!tpu.dma_semaphore, #tpu.memory_space<semaphore_mem>>)
      %dma_wait3A_82 = arith.constant 0 : i32
      %dma_wait3A_83 = tpu.memref_slice %arg6[%add3A, %dma_wait3A_82] : memref<32x16xi32, #tpu.memory_space<hbm>> -> memref<1x16xi32, #tpu.memory_space<hbm>>
      %dma_wait3A_84 = tpu.memref_squeeze %dma_wait3A_83 : memref<1x16xi32, #tpu.memory_space<hbm>> -> memref<16xi32, #tpu.memory_space<hbm>>
      %dma_wait3A_85 = arith.constant 0 : i32
      %dma_wait3A_86 = tpu.memref_slice %arg6[%add3A, %dma_wait3A_85] : memref<32x16xi32, #tpu.memory_space<hbm>> -> memref<1x16xi32, #tpu.memory_space<hbm>>
      %dma_wait3A_87 = tpu.memref_squeeze %dma_wait3A_86 : memref<1x16xi32, #tpu.memory_space<hbm>> -> memref<16xi32, #tpu.memory_space<hbm>>
      tpu.wait_dma2 semaphore(%run_scoped3A_75 : memref<!tpu.dma_semaphore, #tpu.memory_space<semaphore_mem>>) src(%dma_wait3A_87 : memref<16xi32, #tpu.memory_space<hbm>>) dst(%arg11 : memref<16xi32, #tpu.memory_space<vmem>>)
      tpu.yield
    }) : () -> ()
    %dma_start3A = arith.constant 0 : i32
    %dma_start3A_3 = arith.constant 0 : i32
    %dma_start3A_4 = tpu.memref_slice %arg8[%dma_start3A, %dma_start3A_3] : memref<78x128xi32, #tpu.memory_space<vmem>> -> memref<1x128xi32, #tpu.memory_space<vmem>>
    %dma_start3A_5 = tpu.memref_squeeze %dma_start3A_4 : memref<1x128xi32, #tpu.memory_space<vmem>> -> memref<128xi32, #tpu.memory_space<vmem>>
    %dma_start3A_6 = arith.constant 0 : i32
    %dma_start3A_7 = arith.constant 0 : i32
    %dma_start3A_8 = tpu.memref_slice %arg2[%dma_start3A_6, %dma_start3A_7] : memref<10000x128xf32, #tpu.memory_space<hbm>> -> memref<10000x128xf32, #tpu.memory_space<hbm>>
    tpu.enqueue_indirect_dma source(%dma_start3A_8 : memref<10000x128xf32, #tpu.memory_space<hbm>>) target(%arg12 : memref<128x128xf32, #tpu.memory_space<vmem>>) offsets(%dma_start3A_5 : memref<128xi32, #tpu.memory_space<vmem>>) semaphore(%arg15 : memref<!tpu.dma_semaphore, #tpu.memory_space<semaphore_mem>>)
    %broadcast_in_dim3A = arith.constant 0.000000e+00 : f32
    %broadcast_in_dim3A_9 = vector.broadcast %broadcast_in_dim3A : f32 to vector<16xf32>
    %scan3A = arith.constant 0 : i32
    %scan3A_10 = arith.constant 128 : i32
    %scan3A_11 = arith.addi %scan3A, %scan3A_10 : i32
    %scan3A_12 = arith.constant 1 : i32
    scf.for %scan3A_75 = %scan3A to %scan3A_11 step %scan3A_12  : i32 {
      %mul3A_76 = arith.constant 1 : i32
      %mul3A_77 = arith.muli %scan3A_75, %mul3A_76 : i32
      %add3A_78 = arith.constant 0 : i32
      %add3A_79 = arith.addi %add3A_78, %mul3A_77 : i32
      %swap3A = arith.index_cast %add3A_79 : i32 to index
      %swap3A_80 = arith.constant 0 : index
      %swap3A_81 = tpu.vector_load %arg13[%swap3A, %swap3A_80] {strides = array<i32>} : memref<128x128xf32, #tpu.memory_space<vmem>>, vector<1x16xf32>,
      %swap3A_82 = vector.shape_cast %swap3A_81 : vector<1x16xf32> to vector<16xf32>
      %swap3A_83 = vector.shape_cast %broadcast_in_dim3A_9 : vector<16xf32> to vector<1x16xf32>
      tpu.vector_store %arg13[%swap3A, %swap3A_80], %swap3A_83 {strides = array<i32>} : memref<128x128xf32, #tpu.memory_space<vmem>>, vector<1x16xf32>,
      %swap3A_84 = arith.index_cast %add3A_79 : i32 to index
      %swap3A_85 = arith.constant 16 : index
      %swap3A_86 = tpu.vector_load %arg13[%swap3A_84, %swap3A_85] {strides = array<i32>} : memref<128x128xf32, #tpu.memory_space<vmem>>, vector<1x16xf32>,
      %swap3A_87 = vector.shape_cast %swap3A_86 : vector<1x16xf32> to vector<16xf32>
      %swap3A_88 = vector.shape_cast %broadcast_in_dim3A_9 : vector<16xf32> to vector<1x16xf32>
      tpu.vector_store %arg13[%swap3A_84, %swap3A_85], %swap3A_88 {strides = array<i32>} : memref<128x128xf32, #tpu.memory_space<vmem>>, vector<1x16xf32>,
      %swap3A_89 = arith.index_cast %add3A_79 : i32 to index
      %swap3A_90 = arith.constant 32 : index
      %swap3A_91 = tpu.vector_load %arg13[%swap3A_89, %swap3A_90] {strides = array<i32>} : memref<128x128xf32, #tpu.memory_space<vmem>>, vector<1x16xf32>,
      %swap3A_92 = vector.shape_cast %swap3A_91 : vector<1x16xf32> to vector<16xf32>
      %swap3A_93 = vector.shape_cast %broadcast_in_dim3A_9 : vector<16xf32> to vector<1x16xf32>
      tpu.vector_store %arg13[%swap3A_89, %swap3A_90], %swap3A_93 {strides = array<i32>} : memref<128x128xf32, #tpu.memory_space<vmem>>, vector<1x16xf32>,
      %swap3A_94 = arith.index_cast %add3A_79 : i32 to index
      %swap3A_95 = arith.constant 48 : index
      %swap3A_96 = tpu.vector_load %arg13[%swap3A_94, %swap3A_95] {strides = array<i32>} : memref<128x128xf32, #tpu.memory_space<vmem>>, vector<1x16xf32>,
      %swap3A_97 = vector.shape_cast %swap3A_96 : vector<1x16xf32> to vector<16xf32>
      %swap3A_98 = vector.shape_cast %broadcast_in_dim3A_9 : vector<16xf32> to vector<1x16xf32>
      tpu.vector_store %arg13[%swap3A_94, %swap3A_95], %swap3A_98 {strides = array<i32>} : memref<128x128xf32, #tpu.memory_space<vmem>>, vector<1x16xf32>,
      %swap3A_99 = arith.index_cast %add3A_79 : i32 to index
      %swap3A_100 = arith.constant 64 : index
      %swap3A_101 = tpu.vector_load %arg13[%swap3A_99, %swap3A_100] {strides = array<i32>} : memref<128x128xf32, #tpu.memory_space<vmem>>, vector<1x16xf32>,
      %swap3A_102 = vector.shape_cast %swap3A_101 : vector<1x16xf32> to vector<16xf32>
      %swap3A_103 = vector.shape_cast %broadcast_in_dim3A_9 : vector<16xf32> to vector<1x16xf32>
      tpu.vector_store %arg13[%swap3A_99, %swap3A_100], %swap3A_103 {strides = array<i32>} : memref<128x128xf32, #tpu.memory_space<vmem>>, vector<1x16xf32>,
      %swap3A_104 = arith.index_cast %add3A_79 : i32 to index
      %swap3A_105 = arith.constant 80 : index
      %swap3A_106 = tpu.vector_load %arg13[%swap3A_104, %swap3A_105] {strides = array<i32>} : memref<128x128xf32, #tpu.memory_space<vmem>>, vector<1x16xf32>,
      %swap3A_107 = vector.shape_cast %swap3A_106 : vector<1x16xf32> to vector<16xf32>
      %swap3A_108 = vector.shape_cast %broadcast_in_dim3A_9 : vector<16xf32> to vector<1x16xf32>
      tpu.vector_store %arg13[%swap3A_104, %swap3A_105], %swap3A_108 {strides = array<i32>} : memref<128x128xf32, #tpu.memory_space<vmem>>, vector<1x16xf32>,
      %swap3A_109 = arith.index_cast %add3A_79 : i32 to index
      %swap3A_110 = arith.constant 96 : index
      %swap3A_111 = tpu.vector_load %arg13[%swap3A_109, %swap3A_110] {strides = array<i32>} : memref<128x128xf32, #tpu.memory_space<vmem>>, vector<1x16xf32>,
      %swap3A_112 = vector.shape_cast %swap3A_111 : vector<1x16xf32> to vector<16xf32>
      %swap3A_113 = vector.shape_cast %broadcast_in_dim3A_9 : vector<16xf32> to vector<1x16xf32>
      tpu.vector_store %arg13[%swap3A_109, %swap3A_110], %swap3A_113 {strides = array<i32>} : memref<128x128xf32, #tpu.memory_space<vmem>>, vector<1x16xf32>,
      %swap3A_114 = arith.index_cast %add3A_79 : i32 to index
      %swap3A_115 = arith.constant 112 : index
      %swap3A_116 = tpu.vector_load %arg13[%swap3A_114, %swap3A_115] {strides = array<i32>} : memref<128x128xf32, #tpu.memory_space<vmem>>, vector<1x16xf32>,
      %swap3A_117 = vector.shape_cast %swap3A_116 : vector<1x16xf32> to vector<16xf32>
      %swap3A_118 = vector.shape_cast %broadcast_in_dim3A_9 : vector<16xf32> to vector<1x16xf32>
      tpu.vector_store %arg13[%swap3A_114, %swap3A_115], %swap3A_118 {strides = array<i32>} : memref<128x128xf32, #tpu.memory_space<vmem>>, vector<1x16xf32>,
    }
    %scan3A_13 = arith.constant 128 : i32
    %add3A_14 = arith.constant 0 : i32
    %add3A_15 = arith.addi %mul3A_2, %add3A_14 : i32
    "tpu.region"() ({
      %run_scoped3A_75 = tpu.sem_alloc : memref<!tpu.dma_semaphore, #tpu.memory_space<semaphore_mem>>
      %dma_start3A_76 = arith.constant 0 : i32
      %dma_start3A_77 = tpu.memref_slice %arg14[%add3A_15, %dma_start3A_76] : memref<10000x128xf32, #tpu.memory_space<vmem_shared>> -> memref<128x128xf32, #tpu.memory_space<vmem_shared>>
      %dma_start3A_78 = arith.constant 0 : i32
      %dma_start3A_79 = tpu.memref_slice %arg14[%add3A_15, %dma_start3A_78] : memref<10000x128xf32, #tpu.memory_space<vmem_shared>> -> memref<128x128xf32, #tpu.memory_space<vmem_shared>>
      tpu.enqueue_dma source(%arg13 : memref<128x128xf32, #tpu.memory_space<vmem>>) target(%dma_start3A_79 : memref<128x128xf32, #tpu.memory_space<vmem_shared>>) target_semaphore(%run_scoped3A_75 : memref<!tpu.dma_semaphore, #tpu.memory_space<semaphore_mem>>)
      %dma_wait3A_80 = arith.constant 0 : i32
      %dma_wait3A_81 = tpu.memref_slice %arg14[%add3A_15, %dma_wait3A_80] : memref<10000x128xf32, #tpu.memory_space<vmem_shared>> -> memref<128x128xf32, #tpu.memory_space<vmem_shared>>
      %dma_wait3A_82 = arith.constant 0 : i32
      %dma_wait3A_83 = tpu.memref_slice %arg14[%add3A_15, %dma_wait3A_82] : memref<10000x128xf32, #tpu.memory_space<vmem_shared>> -> memref<128x128xf32, #tpu.memory_space<vmem_shared>>
      tpu.wait_dma2 semaphore(%run_scoped3A_75 : memref<!tpu.dma_semaphore, #tpu.memory_space<semaphore_mem>>) src(%arg13 : memref<128x128xf32, #tpu.memory_space<vmem>>) dst(%dma_wait3A_83 : memref<128x128xf32, #tpu.memory_space<vmem_shared>>)
      tpu.yield
    }) : () -> ()
    %add3A_16 = arith.constant 128 : i32
    %add3A_17 = arith.addi %mul3A_2, %add3A_16 : i32
    "tpu.region"() ({
      %run_scoped3A_75 = tpu.sem_alloc : memref<!tpu.dma_semaphore, #tpu.memory_space<semaphore_mem>>
      %dma_start3A_76 = arith.constant 0 : i32
      %dma_start3A_77 = tpu.memref_slice %arg14[%add3A_17, %dma_start3A_76] : memref<10000x128xf32, #tpu.memory_space<vmem_shared>> -> memref<128x128xf32, #tpu.memory_space<vmem_shared>>
      %dma_start3A_78 = arith.constant 0 : i32
      %dma_start3A_79 = tpu.memref_slice %arg14[%add3A_17, %dma_start3A_78] : memref<10000x128xf32, #tpu.memory_space<vmem_shared>> -> memref<128x128xf32, #tpu.memory_space<vmem_shared>>
      tpu.enqueue_dma source(%arg13 : memref<128x128xf32, #tpu.memory_space<vmem>>) target(%dma_start3A_79 : memref<128x128xf32, #tpu.memory_space<vmem_shared>>) target_semaphore(%run_scoped3A_75 : memref<!tpu.dma_semaphore, #tpu.memory_space<semaphore_mem>>)
      %dma_wait3A_80 = arith.constant 0 : i32
      %dma_wait3A_81 = tpu.memref_slice %arg14[%add3A_17, %dma_wait3A_80] : memref<10000x128xf32, #tpu.memory_space<vmem_shared>> -> memref<128x128xf32, #tpu.memory_space<vmem_shared>>
      %dma_wait3A_82 = arith.constant 0 : i32
      %dma_wait3A_83 = tpu.memref_slice %arg14[%add3A_17, %dma_wait3A_82] : memref<10000x128xf32, #tpu.memory_space<vmem_shared>> -> memref<128x128xf32, #tpu.memory_space<vmem_shared>>
      tpu.wait_dma2 semaphore(%run_scoped3A_75 : memref<!tpu.dma_semaphore, #tpu.memory_space<semaphore_mem>>) src(%arg13 : memref<128x128xf32, #tpu.memory_space<vmem>>) dst(%dma_wait3A_83 : memref<128x128xf32, #tpu.memory_space<vmem_shared>>)
      tpu.yield
    }) : () -> ()
    %add3A_18 = arith.constant 256 : i32
    %add3A_19 = arith.addi %mul3A_2, %add3A_18 : i32
    "tpu.region"() ({
      %run_scoped3A_75 = tpu.sem_alloc : memref<!tpu.dma_semaphore, #tpu.memory_space<semaphore_mem>>
      %dma_start3A_76 = arith.constant 0 : i32
      %dma_start3A_77 = tpu.memref_slice %arg14[%add3A_19, %dma_start3A_76] : memref<10000x128xf32, #tpu.memory_space<vmem_shared>> -> memref<128x128xf32, #tpu.memory_space<vmem_shared>>
      %dma_start3A_78 = arith.constant 0 : i32
      %dma_start3A_79 = tpu.memref_slice %arg14[%add3A_19, %dma_start3A_78] : memref<10000x128xf32, #tpu.memory_space<vmem_shared>> -> memref<128x128xf32, #tpu.memory_space<vmem_shared>>
      tpu.enqueue_dma source(%arg13 : memref<128x128xf32, #tpu.memory_space<vmem>>) target(%dma_start3A_79 : memref<128x128xf32, #tpu.memory_space<vmem_shared>>) target_semaphore(%run_scoped3A_75 : memref<!tpu.dma_semaphore, #tpu.memory_space<semaphore_mem>>)
      %dma_wait3A_80 = arith.constant 0 : i32
      %dma_wait3A_81 = tpu.memref_slice %arg14[%add3A_19, %dma_wait3A_80] : memref<10000x128xf32, #tpu.memory_space<vmem_shared>> -> memref<128x128xf32, #tpu.memory_space<vmem_shared>>
      %dma_wait3A_82 = arith.constant 0 : i32
      %dma_wait3A_83 = tpu.memref_slice %arg14[%add3A_19, %dma_wait3A_82] : memref<10000x128xf32, #tpu.memory_space<vmem_shared>> -> memref<128x128xf32, #tpu.memory_space<vmem_shared>>
      tpu.wait_dma2 semaphore(%run_scoped3A_75 : memref<!tpu.dma_semaphore, #tpu.memory_space<semaphore_mem>>) src(%arg13 : memref<128x128xf32, #tpu.memory_space<vmem>>) dst(%dma_wait3A_83 : memref<128x128xf32, #tpu.memory_space<vmem_shared>>)
      tpu.yield
    }) : () -> ()
    %add3A_20 = arith.constant 384 : i32
    %add3A_21 = arith.addi %mul3A_2, %add3A_20 : i32
    "tpu.region"() ({
      %run_scoped3A_75 = tpu.sem_alloc : memref<!tpu.dma_semaphore, #tpu.memory_space<semaphore_mem>>
      %dma_start3A_76 = arith.constant 0 : i32
      %dma_start3A_77 = tpu.memref_slice %arg14[%add3A_21, %dma_start3A_76] : memref<10000x128xf32, #tpu.memory_space<vmem_shared>> -> memref<128x128xf32, #tpu.memory_space<vmem_shared>>
      %dma_start3A_78 = arith.constant 0 : i32
      %dma_start3A_79 = tpu.memref_slice %arg14[%add3A_21, %dma_start3A_78] : memref<10000x128xf32, #tpu.memory_space<vmem_shared>> -> memref<128x128xf32, #tpu.memory_space<vmem_shared>>
      tpu.enqueue_dma source(%arg13 : memref<128x128xf32, #tpu.memory_space<vmem>>) target(%dma_start3A_79 : memref<128x128xf32, #tpu.memory_space<vmem_shared>>) target_semaphore(%run_scoped3A_75 : memref<!tpu.dma_semaphore, #tpu.memory_space<semaphore_mem>>)
      %dma_wait3A_80 = arith.constant 0 : i32
      %dma_wait3A_81 = tpu.memref_slice %arg14[%add3A_21, %dma_wait3A_80] : memref<10000x128xf32, #tpu.memory_space<vmem_shared>> -> memref<128x128xf32, #tpu.memory_space<vmem_shared>>
      %dma_wait3A_82 = arith.constant 0 : i32
      %dma_wait3A_83 = tpu.memref_slice %arg14[%add3A_21, %dma_wait3A_82] : memref<10000x128xf32, #tpu.memory_space<vmem_shared>> -> memref<128x128xf32, #tpu.memory_space<vmem_shared>>
      tpu.wait_dma2 semaphore(%run_scoped3A_75 : memref<!tpu.dma_semaphore, #tpu.memory_space<semaphore_mem>>) src(%arg13 : memref<128x128xf32, #tpu.memory_space<vmem>>) dst(%dma_wait3A_83 : memref<128x128xf32, #tpu.memory_space<vmem_shared>>)
      tpu.yield
    }) : () -> ()
    %add3A_22 = arith.constant 512 : i32
    %add3A_23 = arith.addi %mul3A_2, %add3A_22 : i32
    "tpu.region"() ({
      %run_scoped3A_75 = tpu.sem_alloc : memref<!tpu.dma_semaphore, #tpu.memory_space<semaphore_mem>>
      %dma_start3A_76 = arith.constant 0 : i32
      %dma_start3A_77 = arith.constant 0 : i32
      %dma_start3A_78 = tpu.memref_slice %arg13[%dma_start3A_76, %dma_start3A_77] : memref<128x128xf32, #tpu.memory_space<vmem>> -> memref<112x128xf32, #tpu.memory_space<vmem>>
      %dma_start3A_79 = arith.constant 0 : i32
      %dma_start3A_80 = tpu.memref_slice %arg14[%add3A_23, %dma_start3A_79] : memref<10000x128xf32, #tpu.memory_space<vmem_shared>> -> memref<112x128xf32, #tpu.memory_space<vmem_shared>>
      %dma_start3A_81 = arith.constant 0 : i32
      %dma_start3A_82 = tpu.memref_slice %arg14[%add3A_23, %dma_start3A_81] : memref<10000x128xf32, #tpu.memory_space<vmem_shared>> -> memref<112x128xf32, #tpu.memory_space<vmem_shared>>
      %dma_start3A_83 = arith.constant 0 : i32
      %dma_start3A_84 = arith.constant 0 : i32
      %dma_start3A_85 = tpu.memref_slice %arg13[%dma_start3A_83, %dma_start3A_84] : memref<128x128xf32, #tpu.memory_space<vmem>> -> memref<112x128xf32, #tpu.memory_space<vmem>>
      tpu.enqueue_dma source(%dma_start3A_85 : memref<112x128xf32, #tpu.memory_space<vmem>>) target(%dma_start3A_82 : memref<112x128xf32, #tpu.memory_space<vmem_shared>>) target_semaphore(%run_scoped3A_75 : memref<!tpu.dma_semaphore, #tpu.memory_space<semaphore_mem>>)
      %dma_wait3A_86 = arith.constant 0 : i32
      %dma_wait3A_87 = arith.constant 0 : i32
      %dma_wait3A_88 = tpu.memref_slice %arg13[%dma_wait3A_86, %dma_wait3A_87] : memref<128x128xf32, #tpu.memory_space<vmem>> -> memref<112x128xf32, #tpu.memory_space<vmem>>
      %dma_wait3A_89 = arith.constant 0 : i32
      %dma_wait3A_90 = tpu.memref_slice %arg14[%add3A_23, %dma_wait3A_89] : memref<10000x128xf32, #tpu.memory_space<vmem_shared>> -> memref<112x128xf32, #tpu.memory_space<vmem_shared>>
      %dma_wait3A_91 = arith.constant 0 : i32
      %dma_wait3A_92 = tpu.memref_slice %arg14[%add3A_23, %dma_wait3A_91] : memref<10000x128xf32, #tpu.memory_space<vmem_shared>> -> memref<112x128xf32, #tpu.memory_space<vmem_shared>>
      %dma_wait3A_93 = arith.constant 0 : i32
      %dma_wait3A_94 = arith.constant 0 : i32
      %dma_wait3A_95 = tpu.memref_slice %arg13[%dma_wait3A_93, %dma_wait3A_94] : memref<128x128xf32, #tpu.memory_space<vmem>> -> memref<112x128xf32, #tpu.memory_space<vmem>>
      tpu.wait_dma2 semaphore(%run_scoped3A_75 : memref<!tpu.dma_semaphore, #tpu.memory_space<semaphore_mem>>) src(%dma_wait3A_95 : memref<112x128xf32, #tpu.memory_space<vmem>>) dst(%dma_wait3A_92 : memref<112x128xf32, #tpu.memory_space<vmem_shared>>)
      tpu.yield
    }) : () -> ()
    %eq3A = arith.constant 15 : i32
    %eq3A_24 = arith.cmpi eq, %arg1, %eq3A : i32
    %convert_element_type3A = arith.extui %eq3A_24 : i1 to i32
    %cond3A = arith.constant 0 : i32
    %cond3A_25 = arith.cmpi ne, %convert_element_type3A, %cond3A : i32
    scf.if %cond3A_25 {
      "tpu.region"() ({
        %run_scoped3A_75 = tpu.sem_alloc : memref<!tpu.dma_semaphore, #tpu.memory_space<semaphore_mem>>
        %dma_start3A_76 = arith.constant 0 : i32
        %dma_start3A_77 = arith.constant 0 : i32
        %dma_start3A_78 = tpu.memref_slice %arg13[%dma_start3A_76, %dma_start3A_77] : memref<128x128xf32, #tpu.memory_space<vmem>> -> memref<16x128xf32, #tpu.memory_space<vmem>>
        %dma_start3A_79 = arith.constant 9984 : i32
        %dma_start3A_80 = arith.constant 0 : i32
        %dma_start3A_81 = tpu.memref_slice %arg14[%dma_start3A_79, %dma_start3A_80] : memref<10000x128xf32, #tpu.memory_space<vmem_shared>> -> memref<16x128xf32, #tpu.memory_space<vmem_shared>>
        %dma_start3A_82 = arith.constant 9984 : i32
        %dma_start3A_83 = arith.constant 0 : i32
        %dma_start3A_84 = tpu.memref_slice %arg14[%dma_start3A_82, %dma_start3A_83] : memref<10000x128xf32, #tpu.memory_space<vmem_shared>> -> memref<16x128xf32, #tpu.memory_space<vmem_shared>>
        %dma_start3A_85 = arith.constant 0 : i32
        %dma_start3A_86 = arith.constant 0 : i32
        %dma_start3A_87 = tpu.memref_slice %arg13[%dma_start3A_85, %dma_start3A_86] : memref<128x128xf32, #tpu.memory_space<vmem>> -> memref<16x128xf32, #tpu.memory_space<vmem>>
        tpu.enqueue_dma source(%dma_start3A_87 : memref<16x128xf32, #tpu.memory_space<vmem>>) target(%dma_start3A_84 : memref<16x128xf32, #tpu.memory_space<vmem_shared>>) target_semaphore(%run_scoped3A_75 : memref<!tpu.dma_semaphore, #tpu.memory_space<semaphore_mem>>)
        %dma_wait3A_88 = arith.constant 0 : i32
        %dma_wait3A_89 = arith.constant 0 : i32
        %dma_wait3A_90 = tpu.memref_slice %arg13[%dma_wait3A_88, %dma_wait3A_89] : memref<128x128xf32, #tpu.memory_space<vmem>> -> memref<16x128xf32, #tpu.memory_space<vmem>>
        %dma_wait3A_91 = arith.constant 9984 : i32
        %dma_wait3A_92 = arith.constant 0 : i32
        %dma_wait3A_93 = tpu.memref_slice %arg14[%dma_wait3A_91, %dma_wait3A_92] : memref<10000x128xf32, #tpu.memory_space<vmem_shared>> -> memref<16x128xf32, #tpu.memory_space<vmem_shared>>
        %dma_wait3A_94 = arith.constant 9984 : i32
        %dma_wait3A_95 = arith.constant 0 : i32
        %dma_wait3A_96 = tpu.memref_slice %arg14[%dma_wait3A_94, %dma_wait3A_95] : memref<10000x128xf32, #tpu.memory_space<vmem_shared>> -> memref<16x128xf32, #tpu.memory_space<vmem_shared>>
        %dma_wait3A_97 = arith.constant 0 : i32
        %dma_wait3A_98 = arith.constant 0 : i32
        %dma_wait3A_99 = tpu.memref_slice %arg13[%dma_wait3A_97, %dma_wait3A_98] : memref<128x128xf32, #tpu.memory_space<vmem>> -> memref<16x128xf32, #tpu.memory_space<vmem>>
        tpu.wait_dma2 semaphore(%run_scoped3A_75 : memref<!tpu.dma_semaphore, #tpu.memory_space<semaphore_mem>>) src(%dma_wait3A_99 : memref<16x128xf32, #tpu.memory_space<vmem>>) dst(%dma_wait3A_96 : memref<16x128xf32, #tpu.memory_space<vmem_shared>>)
        tpu.yield
      }) : () -> ()
    } else {
    }
    %barrier3A = arith.constant 0 : index
    tpu.barrier barrier_id(%barrier3A)
    %run_scoped3A = arith.constant 0 : i32
    "tpu.region"() ({
      %run_scoped3A_75 = tpu.sem_alloc : memref<!tpu.dma_semaphore, #tpu.memory_space<semaphore_mem>>
      %dma_start3A_76 = arith.constant 0 : i32
      %dma_start3A_77 = arith.constant 0 : i32
      %dma_start3A_78 = arith.constant 0 : i32
      %dma_start3A_79 = tpu.memref_slice %arg4[%add3A, %dma_start3A_76, %dma_start3A_77, %dma_start3A_78] : memref<32x2x39x128xi32, #tpu.memory_space<hbm>> -> memref<1x2x39x128xi32, #tpu.memory_space<hbm>>
      %dma_start3A_80 = tpu.memref_squeeze %dma_start3A_79 : memref<1x2x39x128xi32, #tpu.memory_space<hbm>> -> memref<2x39x128xi32, #tpu.memory_space<hbm>>
      %dma_start3A_81 = arith.constant 0 : i32
      %dma_start3A_82 = arith.constant 0 : i32
      %dma_start3A_83 = tpu.memref_slice %dma_start3A_80[%run_scoped3A, %dma_start3A_81, %dma_start3A_82] : memref<2x39x128xi32, #tpu.memory_space<hbm>> -> memref<1x39x128xi32, #tpu.memory_space<hbm>>
      %dma_start3A_84 = tpu.memref_squeeze %dma_start3A_83 : memref<1x39x128xi32, #tpu.memory_space<hbm>> -> memref<39x128xi32, #tpu.memory_space<hbm>>
      %dma_start3A_85 = arith.constant 0 : i32
      %dma_start3A_86 = arith.constant 0 : i32
      %dma_start3A_87 = arith.constant 0 : i32
      %dma_start3A_88 = tpu.memref_slice %arg4[%add3A, %dma_start3A_85, %dma_start3A_86, %dma_start3A_87] : memref<32x2x39x128xi32, #tpu.memory_space<hbm>> -> memref<1x2x39x128xi32, #tpu.memory_space<hbm>>
      %dma_start3A_89 = tpu.memref_squeeze %dma_start3A_88 : memref<1x2x39x128xi32, #tpu.memory_space<hbm>> -> memref<2x39x128xi32, #tpu.memory_space<hbm>>
      %dma_start3A_90 = arith.constant 0 : i32
      %dma_start3A_91 = arith.constant 0 : i32
      %dma_start3A_92 = tpu.memref_slice %dma_start3A_89[%run_scoped3A, %dma_start3A_90, %dma_start3A_91] : memref<2x39x128xi32, #tpu.memory_space<hbm>> -> memref<1x39x128xi32, #tpu.memory_space<hbm>>
      %dma_start3A_93 = tpu.memref_squeeze %dma_start3A_92 : memref<1x39x128xi32, #tpu.memory_space<hbm>> -> memref<39x128xi32, #tpu.memory_space<hbm>>
      tpu.enqueue_dma source(%dma_start3A_93 : memref<39x128xi32, #tpu.memory_space<hbm>>) target(%arg9 : memref<39x128xi32, #tpu.memory_space<vmem>>) target_semaphore(%run_scoped3A_75 : memref<!tpu.dma_semaphore, #tpu.memory_space<semaphore_mem>>)
      %dma_wait3A_94 = arith.constant 0 : i32
      %dma_wait3A_95 = arith.constant 0 : i32
      %dma_wait3A_96 = arith.constant 0 : i32
      %dma_wait3A_97 = tpu.memref_slice %arg4[%add3A, %dma_wait3A_94, %dma_wait3A_95, %dma_wait3A_96] : memref<32x2x39x128xi32, #tpu.memory_space<hbm>> -> memref<1x2x39x128xi32, #tpu.memory_space<hbm>>
      %dma_wait3A_98 = tpu.memref_squeeze %dma_wait3A_97 : memref<1x2x39x128xi32, #tpu.memory_space<hbm>> -> memref<2x39x128xi32, #tpu.memory_space<hbm>>
      %dma_wait3A_99 = arith.constant 0 : i32
      %dma_wait3A_100 = arith.constant 0 : i32
      %dma_wait3A_101 = tpu.memref_slice %dma_wait3A_98[%run_scoped3A, %dma_wait3A_99, %dma_wait3A_100] : memref<2x39x128xi32, #tpu.memory_space<hbm>> -> memref<1x39x128xi32, #tpu.memory_space<hbm>>
      %dma_wait3A_102 = tpu.memref_squeeze %dma_wait3A_101 : memref<1x39x128xi32, #tpu.memory_space<hbm>> -> memref<39x128xi32, #tpu.memory_space<hbm>>
      %dma_wait3A_103 = arith.constant 0 : i32
      %dma_wait3A_104 = arith.constant 0 : i32
      %dma_wait3A_105 = arith.constant 0 : i32
      %dma_wait3A_106 = tpu.memref_slice %arg4[%add3A, %dma_wait3A_103, %dma_wait3A_104, %dma_wait3A_105] : memref<32x2x39x128xi32, #tpu.memory_space<hbm>> -> memref<1x2x39x128xi32, #tpu.memory_space<hbm>>
      %dma_wait3A_107 = tpu.memref_squeeze %dma_wait3A_106 : memref<1x2x39x128xi32, #tpu.memory_space<hbm>> -> memref<2x39x128xi32, #tpu.memory_space<hbm>>
      %dma_wait3A_108 = arith.constant 0 : i32
      %dma_wait3A_109 = arith.constant 0 : i32
      %dma_wait3A_110 = tpu.memref_slice %dma_wait3A_107[%run_scoped3A, %dma_wait3A_108, %dma_wait3A_109] : memref<2x39x128xi32, #tpu.memory_space<hbm>> -> memref<1x39x128xi32, #tpu.memory_space<hbm>>
      %dma_wait3A_111 = tpu.memref_squeeze %dma_wait3A_110 : memref<1x39x128xi32, #tpu.memory_space<hbm>> -> memref<39x128xi32, #tpu.memory_space<hbm>>
      tpu.wait_dma2 semaphore(%run_scoped3A_75 : memref<!tpu.dma_semaphore, #tpu.memory_space<semaphore_mem>>) src(%dma_wait3A_111 : memref<39x128xi32, #tpu.memory_space<hbm>>) dst(%arg9 : memref<39x128xi32, #tpu.memory_space<vmem>>)
      tpu.yield
    }) : () -> ()
    %scan3A_26 = arith.constant 0 : i32
    %scan3A_27 = arith.constant 19 : i32
    %scan3A_28 = arith.addi %scan3A_26, %scan3A_27 : i32
    %scan3A_29 = arith.constant 1 : i32
    scf.for %scan3A_75 = %scan3A_26 to %scan3A_28 step %scan3A_29  : i32 {
      %mul3A_76 = arith.constant 2 : i32
      %mul3A_77 = arith.muli %scan3A_75, %mul3A_76 : i32
      %add3A_78 = arith.constant 0 : i32
      %add3A_79 = arith.addi %add3A_78, %mul3A_77 : i32
      %add3A_80 = arith.constant 0 : i32
      %add3A_81 = arith.addi %add3A_80, %add3A_79 : i32
      %add3A_82 = arith.constant 1 : i32
      %add3A_83 = arith.addi %add3A_81, %add3A_82 : i32
      %dma_start3A_84 = arith.constant 0 : i32
      %dma_start3A_85 = tpu.memref_slice %arg8[%add3A_83, %dma_start3A_84] : memref<78x128xi32, #tpu.memory_space<vmem>> -> memref<1x128xi32, #tpu.memory_space<vmem>>
      %dma_start3A_86 = tpu.memref_squeeze %dma_start3A_85 : memref<1x128xi32, #tpu.memory_space<vmem>> -> memref<128xi32, #tpu.memory_space<vmem>>
      %dma_start3A_87 = arith.constant 0 : i32
      %dma_start3A_88 = arith.constant 0 : i32
      %dma_start3A_89 = tpu.memref_slice %arg2[%dma_start3A_87, %dma_start3A_88] : memref<10000x128xf32, #tpu.memory_space<hbm>> -> memref<10000x128xf32, #tpu.memory_space<hbm>>
      tpu.enqueue_indirect_dma source(%dma_start3A_89 : memref<10000x128xf32, #tpu.memory_space<hbm>>) target(%arg13 : memref<128x128xf32, #tpu.memory_space<vmem>>) offsets(%dma_start3A_86 : memref<128xi32, #tpu.memory_space<vmem>>) semaphore(%arg16 : memref<!tpu.dma_semaphore, #tpu.memory_space<semaphore_mem>>)
      %dma_wait3A_90 = arith.constant 0 : i32
      %dma_wait3A_91 = arith.constant 0 : i32
      %dma_wait3A_92 = tpu.memref_slice %arg2[%dma_wait3A_90, %dma_wait3A_91] : memref<10000x128xf32, #tpu.memory_space<hbm>> -> memref<128x128xf32, #tpu.memory_space<hbm>>
      %dma_wait3A_93 = arith.constant 0 : i32
      %dma_wait3A_94 = arith.constant 0 : i32
      %dma_wait3A_95 = tpu.memref_slice %arg2[%dma_wait3A_93, %dma_wait3A_94] : memref<10000x128xf32, #tpu.memory_space<hbm>> -> memref<128x128xf32, #tpu.memory_space<hbm>>
      tpu.wait_dma2 semaphore(%arg15 : memref<!tpu.dma_semaphore, #tpu.memory_space<semaphore_mem>>) src(%dma_wait3A_95 : memref<128x128xf32, #tpu.memory_space<hbm>>) dst(%arg12 : memref<128x128xf32, #tpu.memory_space<vmem>>)
      "tpu.region"() ({
        %run_scoped3A_114 = tpu.sem_alloc : memref<!tpu.dma_semaphore, #tpu.memory_space<semaphore_mem>>
        %dma_start3A_115 = arith.constant 0 : i32
        %dma_start3A_116 = tpu.memref_slice %arg9[%add3A_79, %dma_start3A_115] : memref<39x128xi32, #tpu.memory_space<vmem>> -> memref<1x128xi32, #tpu.memory_space<vmem>>
        %dma_start3A_117 = tpu.memref_squeeze %dma_start3A_116 : memref<1x128xi32, #tpu.memory_space<vmem>> -> memref<128xi32, #tpu.memory_space<vmem>>
        %dma_start3A_118 = arith.constant 0 : i32
        %dma_start3A_119 = arith.constant 0 : i32
        %dma_start3A_120 = tpu.memref_slice %arg14[%dma_start3A_118, %dma_start3A_119] : memref<10000x128xf32, #tpu.memory_space<vmem_shared>> -> memref<10000x128xf32, #tpu.memory_space<vmem_shared>>
        tpu.enqueue_indirect_dma source(%arg12 : memref<128x128xf32, #tpu.memory_space<vmem>>) target(%dma_start3A_120 : memref<10000x128xf32, #tpu.memory_space<vmem_shared>>) offsets(%dma_start3A_117 : memref<128xi32, #tpu.memory_space<vmem>>) semaphore(%run_scoped3A_114 : memref<!tpu.dma_semaphore, #tpu.memory_space<semaphore_mem>>) {add = true}
        %dma_wait3A_121 = arith.constant 0 : i32
        %dma_wait3A_122 = tpu.memref_slice %arg9[%add3A_79, %dma_wait3A_121] : memref<39x128xi32, #tpu.memory_space<vmem>> -> memref<1x128xi32, #tpu.memory_space<vmem>>
        %dma_wait3A_123 = tpu.memref_squeeze %dma_wait3A_122 : memref<1x128xi32, #tpu.memory_space<vmem>> -> memref<128xi32, #tpu.memory_space<vmem>>
        %dma_wait3A_124 = arith.constant 0 : i32
        %dma_wait3A_125 = arith.constant 0 : i32
        %dma_wait3A_126 = tpu.memref_slice %arg14[%dma_wait3A_124, %dma_wait3A_125] : memref<10000x128xf32, #tpu.memory_space<vmem_shared>> -> memref<10000x128xf32, #tpu.memory_space<vmem_shared>>
        tpu.wait_indirect_dma semaphore(%run_scoped3A_114 : memref<!tpu.dma_semaphore, #tpu.memory_space<semaphore_mem>>) src(%arg12 : memref<128x128xf32, #tpu.memory_space<vmem>>) dst(%dma_wait3A_126 : memref<10000x128xf32, #tpu.memory_space<vmem_shared>>)
        tpu.yield
      }) : () -> ()
      %add3A_96 = arith.constant 0 : i32
      %add3A_97 = arith.addi %add3A_96, %add3A_79 : i32
      %add3A_98 = arith.constant 2 : i32
      %add3A_99 = arith.addi %add3A_97, %add3A_98 : i32
      %dma_start3A_100 = arith.constant 0 : i32
      %dma_start3A_101 = tpu.memref_slice %arg8[%add3A_99, %dma_start3A_100] : memref<78x128xi32, #tpu.memory_space<vmem>> -> memref<1x128xi32, #tpu.memory_space<vmem>>
      %dma_start3A_102 = tpu.memref_squeeze %dma_start3A_101 : memref<1x128xi32, #tpu.memory_space<vmem>> -> memref<128xi32, #tpu.memory_space<vmem>>
      %dma_start3A_103 = arith.constant 0 : i32
      %dma_start3A_104 = arith.constant 0 : i32
      %dma_start3A_105 = tpu.memref_slice %arg2[%dma_start3A_103, %dma_start3A_104] : memref<10000x128xf32, #tpu.memory_space<hbm>> -> memref<10000x128xf32, #tpu.memory_space<hbm>>
      tpu.enqueue_indirect_dma source(%dma_start3A_105 : memref<10000x128xf32, #tpu.memory_space<hbm>>) target(%arg12 : memref<128x128xf32, #tpu.memory_space<vmem>>) offsets(%dma_start3A_102 : memref<128xi32, #tpu.memory_space<vmem>>) semaphore(%arg15 : memref<!tpu.dma_semaphore, #tpu.memory_space<semaphore_mem>>)
      %dma_wait3A_106 = arith.constant 0 : i32
      %dma_wait3A_107 = arith.constant 0 : i32
      %dma_wait3A_108 = tpu.memref_slice %arg2[%dma_wait3A_106, %dma_wait3A_107] : memref<10000x128xf32, #tpu.memory_space<hbm>> -> memref<128x128xf32, #tpu.memory_space<hbm>>
      %dma_wait3A_109 = arith.constant 0 : i32
      %dma_wait3A_110 = arith.constant 0 : i32
      %dma_wait3A_111 = tpu.memref_slice %arg2[%dma_wait3A_109, %dma_wait3A_110] : memref<10000x128xf32, #tpu.memory_space<hbm>> -> memref<128x128xf32, #tpu.memory_space<hbm>>
      tpu.wait_dma2 semaphore(%arg16 : memref<!tpu.dma_semaphore, #tpu.memory_space<semaphore_mem>>) src(%dma_wait3A_111 : memref<128x128xf32, #tpu.memory_space<hbm>>) dst(%arg13 : memref<128x128xf32, #tpu.memory_space<vmem>>)
      %add3A_112 = arith.constant 1 : i32
      %add3A_113 = arith.addi %add3A_79, %add3A_112 : i32
      "tpu.region"() ({
        %run_scoped3A_114 = tpu.sem_alloc : memref<!tpu.dma_semaphore, #tpu.memory_space<semaphore_mem>>
        %dma_start3A_115 = arith.constant 0 : i32
        %dma_start3A_116 = tpu.memref_slice %arg9[%add3A_113, %dma_start3A_115] : memref<39x128xi32, #tpu.memory_space<vmem>> -> memref<1x128xi32, #tpu.memory_space<vmem>>
        %dma_start3A_117 = tpu.memref_squeeze %dma_start3A_116 : memref<1x128xi32, #tpu.memory_space<vmem>> -> memref<128xi32, #tpu.memory_space<vmem>>
        %dma_start3A_118 = arith.constant 0 : i32
        %dma_start3A_119 = arith.constant 0 : i32
        %dma_start3A_120 = tpu.memref_slice %arg14[%dma_start3A_118, %dma_start3A_119] : memref<10000x128xf32, #tpu.memory_space<vmem_shared>> -> memref<10000x128xf32, #tpu.memory_space<vmem_shared>>
        tpu.enqueue_indirect_dma source(%arg13 : memref<128x128xf32, #tpu.memory_space<vmem>>) target(%dma_start3A_120 : memref<10000x128xf32, #tpu.memory_space<vmem_shared>>) offsets(%dma_start3A_117 : memref<128xi32, #tpu.memory_space<vmem>>) semaphore(%run_scoped3A_114 : memref<!tpu.dma_semaphore, #tpu.memory_space<semaphore_mem>>) {add = true}
        %dma_wait3A_121 = arith.constant 0 : i32
        %dma_wait3A_122 = tpu.memref_slice %arg9[%add3A_113, %dma_wait3A_121] : memref<39x128xi32, #tpu.memory_space<vmem>> -> memref<1x128xi32, #tpu.memory_space<vmem>>
        %dma_wait3A_123 = tpu.memref_squeeze %dma_wait3A_122 : memref<1x128xi32, #tpu.memory_space<vmem>> -> memref<128xi32, #tpu.memory_space<vmem>>
        %dma_wait3A_124 = arith.constant 0 : i32
        %dma_wait3A_125 = arith.constant 0 : i32
        %dma_wait3A_126 = tpu.memref_slice %arg14[%dma_wait3A_124, %dma_wait3A_125] : memref<10000x128xf32, #tpu.memory_space<vmem_shared>> -> memref<10000x128xf32, #tpu.memory_space<vmem_shared>>
        tpu.wait_indirect_dma semaphore(%run_scoped3A_114 : memref<!tpu.dma_semaphore, #tpu.memory_space<semaphore_mem>>) src(%arg13 : memref<128x128xf32, #tpu.memory_space<vmem>>) dst(%dma_wait3A_126 : memref<10000x128xf32, #tpu.memory_space<vmem_shared>>)
        tpu.yield
      }) : () -> ()
    }
    %scan3A_30 = arith.constant 19 : i32
    %dma_start3A_31 = arith.constant 39 : i32
    %dma_start3A_32 = arith.constant 0 : i32
    %dma_start3A_33 = tpu.memref_slice %arg8[%dma_start3A_31, %dma_start3A_32] : memref<78x128xi32, #tpu.memory_space<vmem>> -> memref<1x128xi32, #tpu.memory_space<vmem>>
    %dma_start3A_34 = tpu.memref_squeeze %dma_start3A_33 : memref<1x128xi32, #tpu.memory_space<vmem>> -> memref<128xi32, #tpu.memory_space<vmem>>
    %dma_start3A_35 = arith.constant 0 : i32
    %dma_start3A_36 = arith.constant 0 : i32
    %dma_start3A_37 = tpu.memref_slice %arg2[%dma_start3A_35, %dma_start3A_36] : memref<10000x128xf32, #tpu.memory_space<hbm>> -> memref<10000x128xf32, #tpu.memory_space<hbm>>
    tpu.enqueue_indirect_dma source(%dma_start3A_37 : memref<10000x128xf32, #tpu.memory_space<hbm>>) target(%arg13 : memref<128x128xf32, #tpu.memory_space<vmem>>) offsets(%dma_start3A_34 : memref<128xi32, #tpu.memory_space<vmem>>) semaphore(%arg16 : memref<!tpu.dma_semaphore, #tpu.memory_space<semaphore_mem>>)
    %dma_wait3A = arith.constant 0 : i32
    %dma_wait3A_38 = arith.constant 0 : i32
    %dma_wait3A_39 = tpu.memref_slice %arg2[%dma_wait3A, %dma_wait3A_38] : memref<10000x128xf32, #tpu.memory_space<hbm>> -> memref<128x128xf32, #tpu.memory_space<hbm>>
    %dma_wait3A_40 = arith.constant 0 : i32
    %dma_wait3A_41 = arith.constant 0 : i32
    %dma_wait3A_42 = tpu.memref_slice %arg2[%dma_wait3A_40, %dma_wait3A_41] : memref<10000x128xf32, #tpu.memory_space<hbm>> -> memref<128x128xf32, #tpu.memory_space<hbm>>
    tpu.wait_dma2 semaphore(%arg15 : memref<!tpu.dma_semaphore, #tpu.memory_space<semaphore_mem>>) src(%dma_wait3A_42 : memref<128x128xf32, #tpu.memory_space<hbm>>) dst(%arg12 : memref<128x128xf32, #tpu.memory_space<vmem>>)
    %run_scoped3A_43 = arith.constant 38 : i32
    "tpu.region"() ({
      %run_scoped3A_75 = tpu.sem_alloc : memref<!tpu.dma_semaphore, #tpu.memory_space<semaphore_mem>>
      %dma_start3A_76 = arith.constant 0 : i32
      %dma_start3A_77 = tpu.memref_slice %arg9[%run_scoped3A_43, %dma_start3A_76] : memref<39x128xi32, #tpu.memory_space<vmem>> -> memref<1x128xi32, #tpu.memory_space<vmem>>
      %dma_start3A_78 = tpu.memref_squeeze %dma_start3A_77 : memref<1x128xi32, #tpu.memory_space<vmem>> -> memref<128xi32, #tpu.memory_space<vmem>>
      %dma_start3A_79 = arith.constant 0 : i32
      %dma_start3A_80 = arith.constant 0 : i32
      %dma_start3A_81 = tpu.memref_slice %arg14[%dma_start3A_79, %dma_start3A_80] : memref<10000x128xf32, #tpu.memory_space<vmem_shared>> -> memref<10000x128xf32, #tpu.memory_space<vmem_shared>>
      tpu.enqueue_indirect_dma source(%arg12 : memref<128x128xf32, #tpu.memory_space<vmem>>) target(%dma_start3A_81 : memref<10000x128xf32, #tpu.memory_space<vmem_shared>>) offsets(%dma_start3A_78 : memref<128xi32, #tpu.memory_space<vmem>>) semaphore(%run_scoped3A_75 : memref<!tpu.dma_semaphore, #tpu.memory_space<semaphore_mem>>) {add = true}
      %dma_wait3A_82 = arith.constant 0 : i32
      %dma_wait3A_83 = tpu.memref_slice %arg9[%run_scoped3A_43, %dma_wait3A_82] : memref<39x128xi32, #tpu.memory_space<vmem>> -> memref<1x128xi32, #tpu.memory_space<vmem>>
      %dma_wait3A_84 = tpu.memref_squeeze %dma_wait3A_83 : memref<1x128xi32, #tpu.memory_space<vmem>> -> memref<128xi32, #tpu.memory_space<vmem>>
      %dma_wait3A_85 = arith.constant 0 : i32
      %dma_wait3A_86 = arith.constant 0 : i32
      %dma_wait3A_87 = tpu.memref_slice %arg14[%dma_wait3A_85, %dma_wait3A_86] : memref<10000x128xf32, #tpu.memory_space<vmem_shared>> -> memref<10000x128xf32, #tpu.memory_space<vmem_shared>>
      tpu.wait_indirect_dma semaphore(%run_scoped3A_75 : memref<!tpu.dma_semaphore, #tpu.memory_space<semaphore_mem>>) src(%arg12 : memref<128x128xf32, #tpu.memory_space<vmem>>) dst(%dma_wait3A_87 : memref<10000x128xf32, #tpu.memory_space<vmem_shared>>)
      tpu.yield
    }) : () -> ()
    %run_scoped3A_44 = arith.constant 1 : i32
    "tpu.region"() ({
      %run_scoped3A_75 = tpu.sem_alloc : memref<!tpu.dma_semaphore, #tpu.memory_space<semaphore_mem>>
      %dma_start3A_76 = arith.constant 0 : i32
      %dma_start3A_77 = arith.constant 0 : i32
      %dma_start3A_78 = arith.constant 0 : i32
      %dma_start3A_79 = tpu.memref_slice %arg4[%add3A, %dma_start3A_76, %dma_start3A_77, %dma_start3A_78] : memref<32x2x39x128xi32, #tpu.memory_space<hbm>> -> memref<1x2x39x128xi32, #tpu.memory_space<hbm>>
      %dma_start3A_80 = tpu.memref_squeeze %dma_start3A_79 : memref<1x2x39x128xi32, #tpu.memory_space<hbm>> -> memref<2x39x128xi32, #tpu.memory_space<hbm>>
      %dma_start3A_81 = arith.constant 0 : i32
      %dma_start3A_82 = arith.constant 0 : i32
      %dma_start3A_83 = tpu.memref_slice %dma_start3A_80[%run_scoped3A_44, %dma_start3A_81, %dma_start3A_82] : memref<2x39x128xi32, #tpu.memory_space<hbm>> -> memref<1x39x128xi32, #tpu.memory_space<hbm>>
      %dma_start3A_84 = tpu.memref_squeeze %dma_start3A_83 : memref<1x39x128xi32, #tpu.memory_space<hbm>> -> memref<39x128xi32, #tpu.memory_space<hbm>>
      %dma_start3A_85 = arith.constant 0 : i32
      %dma_start3A_86 = arith.constant 0 : i32
      %dma_start3A_87 = arith.constant 0 : i32
      %dma_start3A_88 = tpu.memref_slice %arg4[%add3A, %dma_start3A_85, %dma_start3A_86, %dma_start3A_87] : memref<32x2x39x128xi32, #tpu.memory_space<hbm>> -> memref<1x2x39x128xi32, #tpu.memory_space<hbm>>
      %dma_start3A_89 = tpu.memref_squeeze %dma_start3A_88 : memref<1x2x39x128xi32, #tpu.memory_space<hbm>> -> memref<2x39x128xi32, #tpu.memory_space<hbm>>
      %dma_start3A_90 = arith.constant 0 : i32
      %dma_start3A_91 = arith.constant 0 : i32
      %dma_start3A_92 = tpu.memref_slice %dma_start3A_89[%run_scoped3A_44, %dma_start3A_90, %dma_start3A_91] : memref<2x39x128xi32, #tpu.memory_space<hbm>> -> memref<1x39x128xi32, #tpu.memory_space<hbm>>
      %dma_start3A_93 = tpu.memref_squeeze %dma_start3A_92 : memref<1x39x128xi32, #tpu.memory_space<hbm>> -> memref<39x128xi32, #tpu.memory_space<hbm>>
      tpu.enqueue_dma source(%dma_start3A_93 : memref<39x128xi32, #tpu.memory_space<hbm>>) target(%arg9 : memref<39x128xi32, #tpu.memory_space<vmem>>) target_semaphore(%run_scoped3A_75 : memref<!tpu.dma_semaphore, #tpu.memory_space<semaphore_mem>>)
      %dma_wait3A_94 = arith.constant 0 : i32
      %dma_wait3A_95 = arith.constant 0 : i32
      %dma_wait3A_96 = arith.constant 0 : i32
      %dma_wait3A_97 = tpu.memref_slice %arg4[%add3A, %dma_wait3A_94, %dma_wait3A_95, %dma_wait3A_96] : memref<32x2x39x128xi32, #tpu.memory_space<hbm>> -> memref<1x2x39x128xi32, #tpu.memory_space<hbm>>
      %dma_wait3A_98 = tpu.memref_squeeze %dma_wait3A_97 : memref<1x2x39x128xi32, #tpu.memory_space<hbm>> -> memref<2x39x128xi32, #tpu.memory_space<hbm>>
      %dma_wait3A_99 = arith.constant 0 : i32
      %dma_wait3A_100 = arith.constant 0 : i32
      %dma_wait3A_101 = tpu.memref_slice %dma_wait3A_98[%run_scoped3A_44, %dma_wait3A_99, %dma_wait3A_100] : memref<2x39x128xi32, #tpu.memory_space<hbm>> -> memref<1x39x128xi32, #tpu.memory_space<hbm>>
      %dma_wait3A_102 = tpu.memref_squeeze %dma_wait3A_101 : memref<1x39x128xi32, #tpu.memory_space<hbm>> -> memref<39x128xi32, #tpu.memory_space<hbm>>
      %dma_wait3A_103 = arith.constant 0 : i32
      %dma_wait3A_104 = arith.constant 0 : i32
      %dma_wait3A_105 = arith.constant 0 : i32
      %dma_wait3A_106 = tpu.memref_slice %arg4[%add3A, %dma_wait3A_103, %dma_wait3A_104, %dma_wait3A_105] : memref<32x2x39x128xi32, #tpu.memory_space<hbm>> -> memref<1x2x39x128xi32, #tpu.memory_space<hbm>>
      %dma_wait3A_107 = tpu.memref_squeeze %dma_wait3A_106 : memref<1x2x39x128xi32, #tpu.memory_space<hbm>> -> memref<2x39x128xi32, #tpu.memory_space<hbm>>
      %dma_wait3A_108 = arith.constant 0 : i32
      %dma_wait3A_109 = arith.constant 0 : i32
      %dma_wait3A_110 = tpu.memref_slice %dma_wait3A_107[%run_scoped3A_44, %dma_wait3A_108, %dma_wait3A_109] : memref<2x39x128xi32, #tpu.memory_space<hbm>> -> memref<1x39x128xi32, #tpu.memory_space<hbm>>
      %dma_wait3A_111 = tpu.memref_squeeze %dma_wait3A_110 : memref<1x39x128xi32, #tpu.memory_space<hbm>> -> memref<39x128xi32, #tpu.memory_space<hbm>>
      tpu.wait_dma2 semaphore(%run_scoped3A_75 : memref<!tpu.dma_semaphore, #tpu.memory_space<semaphore_mem>>) src(%dma_wait3A_111 : memref<39x128xi32, #tpu.memory_space<hbm>>) dst(%arg9 : memref<39x128xi32, #tpu.memory_space<vmem>>)
      tpu.yield
    }) : () -> ()
    %scan3A_45 = arith.constant 0 : i32
    %scan3A_46 = arith.constant 19 : i32
    %scan3A_47 = arith.addi %scan3A_45, %scan3A_46 : i32
    %scan3A_48 = arith.constant 1 : i32
    scf.for %scan3A_75 = %scan3A_45 to %scan3A_47 step %scan3A_48  : i32 {
      %mul3A_76 = arith.constant 2 : i32
      %mul3A_77 = arith.muli %scan3A_75, %mul3A_76 : i32
      %add3A_78 = arith.constant 0 : i32
      %add3A_79 = arith.addi %add3A_78, %mul3A_77 : i32
      %add3A_80 = arith.constant 39 : i32
      %add3A_81 = arith.addi %add3A_80, %add3A_79 : i32
      %add3A_82 = arith.constant 1 : i32
      %add3A_83 = arith.addi %add3A_81, %add3A_82 : i32
      %dma_start3A_84 = arith.constant 0 : i32
      %dma_start3A_85 = tpu.memref_slice %arg8[%add3A_83, %dma_start3A_84] : memref<78x128xi32, #tpu.memory_space<vmem>> -> memref<1x128xi32, #tpu.memory_space<vmem>>
      %dma_start3A_86 = tpu.memref_squeeze %dma_start3A_85 : memref<1x128xi32, #tpu.memory_space<vmem>> -> memref<128xi32, #tpu.memory_space<vmem>>
      %dma_start3A_87 = arith.constant 0 : i32
      %dma_start3A_88 = arith.constant 0 : i32
      %dma_start3A_89 = tpu.memref_slice %arg2[%dma_start3A_87, %dma_start3A_88] : memref<10000x128xf32, #tpu.memory_space<hbm>> -> memref<10000x128xf32, #tpu.memory_space<hbm>>
      tpu.enqueue_indirect_dma source(%dma_start3A_89 : memref<10000x128xf32, #tpu.memory_space<hbm>>) target(%arg12 : memref<128x128xf32, #tpu.memory_space<vmem>>) offsets(%dma_start3A_86 : memref<128xi32, #tpu.memory_space<vmem>>) semaphore(%arg15 : memref<!tpu.dma_semaphore, #tpu.memory_space<semaphore_mem>>)
      %dma_wait3A_90 = arith.constant 0 : i32
      %dma_wait3A_91 = arith.constant 0 : i32
      %dma_wait3A_92 = tpu.memref_slice %arg2[%dma_wait3A_90, %dma_wait3A_91] : memref<10000x128xf32, #tpu.memory_space<hbm>> -> memref<128x128xf32, #tpu.memory_space<hbm>>
      %dma_wait3A_93 = arith.constant 0 : i32
      %dma_wait3A_94 = arith.constant 0 : i32
      %dma_wait3A_95 = tpu.memref_slice %arg2[%dma_wait3A_93, %dma_wait3A_94] : memref<10000x128xf32, #tpu.memory_space<hbm>> -> memref<128x128xf32, #tpu.memory_space<hbm>>
      tpu.wait_dma2 semaphore(%arg16 : memref<!tpu.dma_semaphore, #tpu.memory_space<semaphore_mem>>) src(%dma_wait3A_95 : memref<128x128xf32, #tpu.memory_space<hbm>>) dst(%arg13 : memref<128x128xf32, #tpu.memory_space<vmem>>)
      "tpu.region"() ({
        %run_scoped3A_114 = tpu.sem_alloc : memref<!tpu.dma_semaphore, #tpu.memory_space<semaphore_mem>>
        %dma_start3A_115 = arith.constant 0 : i32
        %dma_start3A_116 = tpu.memref_slice %arg9[%add3A_79, %dma_start3A_115] : memref<39x128xi32, #tpu.memory_space<vmem>> -> memref<1x128xi32, #tpu.memory_space<vmem>>
        %dma_start3A_117 = tpu.memref_squeeze %dma_start3A_116 : memref<1x128xi32, #tpu.memory_space<vmem>> -> memref<128xi32, #tpu.memory_space<vmem>>
        %dma_start3A_118 = arith.constant 0 : i32
        %dma_start3A_119 = arith.constant 0 : i32
        %dma_start3A_120 = tpu.memref_slice %arg14[%dma_start3A_118, %dma_start3A_119] : memref<10000x128xf32, #tpu.memory_space<vmem_shared>> -> memref<10000x128xf32, #tpu.memory_space<vmem_shared>>
        tpu.enqueue_indirect_dma source(%arg13 : memref<128x128xf32, #tpu.memory_space<vmem>>) target(%dma_start3A_120 : memref<10000x128xf32, #tpu.memory_space<vmem_shared>>) offsets(%dma_start3A_117 : memref<128xi32, #tpu.memory_space<vmem>>) semaphore(%run_scoped3A_114 : memref<!tpu.dma_semaphore, #tpu.memory_space<semaphore_mem>>) {add = true}
        %dma_wait3A_121 = arith.constant 0 : i32
        %dma_wait3A_122 = tpu.memref_slice %arg9[%add3A_79, %dma_wait3A_121] : memref<39x128xi32, #tpu.memory_space<vmem>> -> memref<1x128xi32, #tpu.memory_space<vmem>>
        %dma_wait3A_123 = tpu.memref_squeeze %dma_wait3A_122 : memref<1x128xi32, #tpu.memory_space<vmem>> -> memref<128xi32, #tpu.memory_space<vmem>>
        %dma_wait3A_124 = arith.constant 0 : i32
        %dma_wait3A_125 = arith.constant 0 : i32
        %dma_wait3A_126 = tpu.memref_slice %arg14[%dma_wait3A_124, %dma_wait3A_125] : memref<10000x128xf32, #tpu.memory_space<vmem_shared>> -> memref<10000x128xf32, #tpu.memory_space<vmem_shared>>
        tpu.wait_indirect_dma semaphore(%run_scoped3A_114 : memref<!tpu.dma_semaphore, #tpu.memory_space<semaphore_mem>>) src(%arg13 : memref<128x128xf32, #tpu.memory_space<vmem>>) dst(%dma_wait3A_126 : memref<10000x128xf32, #tpu.memory_space<vmem_shared>>)
        tpu.yield
      }) : () -> ()
      %add3A_96 = arith.constant 39 : i32
      %add3A_97 = arith.addi %add3A_96, %add3A_79 : i32
      %add3A_98 = arith.constant 2 : i32
      %add3A_99 = arith.addi %add3A_97, %add3A_98 : i32
      %dma_start3A_100 = arith.constant 0 : i32
      %dma_start3A_101 = tpu.memref_slice %arg8[%add3A_99, %dma_start3A_100] : memref<78x128xi32, #tpu.memory_space<vmem>> -> memref<1x128xi32, #tpu.memory_space<vmem>>
      %dma_start3A_102 = tpu.memref_squeeze %dma_start3A_101 : memref<1x128xi32, #tpu.memory_space<vmem>> -> memref<128xi32, #tpu.memory_space<vmem>>
      %dma_start3A_103 = arith.constant 0 : i32
      %dma_start3A_104 = arith.constant 0 : i32
      %dma_start3A_105 = tpu.memref_slice %arg2[%dma_start3A_103, %dma_start3A_104] : memref<10000x128xf32, #tpu.memory_space<hbm>> -> memref<10000x128xf32, #tpu.memory_space<hbm>>
      tpu.enqueue_indirect_dma source(%dma_start3A_105 : memref<10000x128xf32, #tpu.memory_space<hbm>>) target(%arg13 : memref<128x128xf32, #tpu.memory_space<vmem>>) offsets(%dma_start3A_102 : memref<128xi32, #tpu.memory_space<vmem>>) semaphore(%arg16 : memref<!tpu.dma_semaphore, #tpu.memory_space<semaphore_mem>>)
      %dma_wait3A_106 = arith.constant 0 : i32
      %dma_wait3A_107 = arith.constant 0 : i32
      %dma_wait3A_108 = tpu.memref_slice %arg2[%dma_wait3A_106, %dma_wait3A_107] : memref<10000x128xf32, #tpu.memory_space<hbm>> -> memref<128x128xf32, #tpu.memory_space<hbm>>
      %dma_wait3A_109 = arith.constant 0 : i32
      %dma_wait3A_110 = arith.constant 0 : i32
      %dma_wait3A_111 = tpu.memref_slice %arg2[%dma_wait3A_109, %dma_wait3A_110] : memref<10000x128xf32, #tpu.memory_space<hbm>> -> memref<128x128xf32, #tpu.memory_space<hbm>>
      tpu.wait_dma2 semaphore(%arg15 : memref<!tpu.dma_semaphore, #tpu.memory_space<semaphore_mem>>) src(%dma_wait3A_111 : memref<128x128xf32, #tpu.memory_space<hbm>>) dst(%arg12 : memref<128x128xf32, #tpu.memory_space<vmem>>)
      %add3A_112 = arith.constant 1 : i32
      %add3A_113 = arith.addi %add3A_79, %add3A_112 : i32
      "tpu.region"() ({
        %run_scoped3A_114 = tpu.sem_alloc : memref<!tpu.dma_semaphore, #tpu.memory_space<semaphore_mem>>
        %dma_start3A_115 = arith.constant 0 : i32
        %dma_start3A_116 = tpu.memref_slice %arg9[%add3A_113, %dma_start3A_115] : memref<39x128xi32, #tpu.memory_space<vmem>> -> memref<1x128xi32, #tpu.memory_space<vmem>>
        %dma_start3A_117 = tpu.memref_squeeze %dma_start3A_116 : memref<1x128xi32, #tpu.memory_space<vmem>> -> memref<128xi32, #tpu.memory_space<vmem>>
        %dma_start3A_118 = arith.constant 0 : i32
        %dma_start3A_119 = arith.constant 0 : i32
        %dma_start3A_120 = tpu.memref_slice %arg14[%dma_start3A_118, %dma_start3A_119] : memref<10000x128xf32, #tpu.memory_space<vmem_shared>> -> memref<10000x128xf32, #tpu.memory_space<vmem_shared>>
        tpu.enqueue_indirect_dma source(%arg12 : memref<128x128xf32, #tpu.memory_space<vmem>>) target(%dma_start3A_120 : memref<10000x128xf32, #tpu.memory_space<vmem_shared>>) offsets(%dma_start3A_117 : memref<128xi32, #tpu.memory_space<vmem>>) semaphore(%run_scoped3A_114 : memref<!tpu.dma_semaphore, #tpu.memory_space<semaphore_mem>>) {add = true}
        %dma_wait3A_121 = arith.constant 0 : i32
        %dma_wait3A_122 = tpu.memref_slice %arg9[%add3A_113, %dma_wait3A_121] : memref<39x128xi32, #tpu.memory_space<vmem>> -> memref<1x128xi32, #tpu.memory_space<vmem>>
        %dma_wait3A_123 = tpu.memref_squeeze %dma_wait3A_122 : memref<1x128xi32, #tpu.memory_space<vmem>> -> memref<128xi32, #tpu.memory_space<vmem>>
        %dma_wait3A_124 = arith.constant 0 : i32
        %dma_wait3A_125 = arith.constant 0 : i32
        %dma_wait3A_126 = tpu.memref_slice %arg14[%dma_wait3A_124, %dma_wait3A_125] : memref<10000x128xf32, #tpu.memory_space<vmem_shared>> -> memref<10000x128xf32, #tpu.memory_space<vmem_shared>>
        tpu.wait_indirect_dma semaphore(%run_scoped3A_114 : memref<!tpu.dma_semaphore, #tpu.memory_space<semaphore_mem>>) src(%arg12 : memref<128x128xf32, #tpu.memory_space<vmem>>) dst(%dma_wait3A_126 : memref<10000x128xf32, #tpu.memory_space<vmem_shared>>)
        tpu.yield
      }) : () -> ()
    }
    %scan3A_49 = arith.constant 19 : i32
    %dma_wait3A_50 = arith.constant 0 : i32
    %dma_wait3A_51 = arith.constant 0 : i32
    %dma_wait3A_52 = tpu.memref_slice %arg2[%dma_wait3A_50, %dma_wait3A_51] : memref<10000x128xf32, #tpu.memory_space<hbm>> -> memref<128x128xf32, #tpu.memory_space<hbm>>
    %dma_wait3A_53 = arith.constant 0 : i32
    %dma_wait3A_54 = arith.constant 0 : i32
    %dma_wait3A_55 = tpu.memref_slice %arg2[%dma_wait3A_53, %dma_wait3A_54] : memref<10000x128xf32, #tpu.memory_space<hbm>> -> memref<128x128xf32, #tpu.memory_space<hbm>>
    tpu.wait_dma2 semaphore(%arg16 : memref<!tpu.dma_semaphore, #tpu.memory_space<semaphore_mem>>) src(%dma_wait3A_55 : memref<128x128xf32, #tpu.memory_space<hbm>>) dst(%arg13 : memref<128x128xf32, #tpu.memory_space<vmem>>)
    %run_scoped3A_56 = arith.constant 38 : i32
    "tpu.region"() ({
      %run_scoped3A_75 = tpu.sem_alloc : memref<!tpu.dma_semaphore, #tpu.memory_space<semaphore_mem>>
      %dma_start3A_76 = arith.constant 0 : i32
      %dma_start3A_77 = tpu.memref_slice %arg9[%run_scoped3A_56, %dma_start3A_76] : memref<39x128xi32, #tpu.memory_space<vmem>> -> memref<1x128xi32, #tpu.memory_space<vmem>>
      %dma_start3A_78 = tpu.memref_squeeze %dma_start3A_77 : memref<1x128xi32, #tpu.memory_space<vmem>> -> memref<128xi32, #tpu.memory_space<vmem>>
      %dma_start3A_79 = arith.constant 0 : i32
      %dma_start3A_80 = arith.constant 0 : i32
      %dma_start3A_81 = tpu.memref_slice %arg14[%dma_start3A_79, %dma_start3A_80] : memref<10000x128xf32, #tpu.memory_space<vmem_shared>> -> memref<10000x128xf32, #tpu.memory_space<vmem_shared>>
      tpu.enqueue_indirect_dma source(%arg13 : memref<128x128xf32, #tpu.memory_space<vmem>>) target(%dma_start3A_81 : memref<10000x128xf32, #tpu.memory_space<vmem_shared>>) offsets(%dma_start3A_78 : memref<128xi32, #tpu.memory_space<vmem>>) semaphore(%run_scoped3A_75 : memref<!tpu.dma_semaphore, #tpu.memory_space<semaphore_mem>>) {add = true}
      %dma_wait3A_82 = arith.constant 0 : i32
      %dma_wait3A_83 = tpu.memref_slice %arg9[%run_scoped3A_56, %dma_wait3A_82] : memref<39x128xi32, #tpu.memory_space<vmem>> -> memref<1x128xi32, #tpu.memory_space<vmem>>
      %dma_wait3A_84 = tpu.memref_squeeze %dma_wait3A_83 : memref<1x128xi32, #tpu.memory_space<vmem>> -> memref<128xi32, #tpu.memory_space<vmem>>
      %dma_wait3A_85 = arith.constant 0 : i32
      %dma_wait3A_86 = arith.constant 0 : i32
      %dma_wait3A_87 = tpu.memref_slice %arg14[%dma_wait3A_85, %dma_wait3A_86] : memref<10000x128xf32, #tpu.memory_space<vmem_shared>> -> memref<10000x128xf32, #tpu.memory_space<vmem_shared>>
      tpu.wait_indirect_dma semaphore(%run_scoped3A_75 : memref<!tpu.dma_semaphore, #tpu.memory_space<semaphore_mem>>) src(%arg13 : memref<128x128xf32, #tpu.memory_space<vmem>>) dst(%dma_wait3A_87 : memref<10000x128xf32, #tpu.memory_space<vmem_shared>>)
      tpu.yield
    }) : () -> ()
    %dma_start3A_57 = arith.constant 0 : i32
    %dma_start3A_58 = arith.constant 0 : i32
    %dma_start3A_59 = tpu.memref_slice %arg12[%dma_start3A_57, %dma_start3A_58] : memref<128x128xf32, #tpu.memory_space<vmem>> -> memref<16x128xf32, #tpu.memory_space<vmem>>
    %dma_start3A_60 = arith.constant 0 : i32
    %dma_start3A_61 = arith.constant 0 : i32
    %dma_start3A_62 = tpu.memref_slice %arg2[%dma_start3A_60, %dma_start3A_61] : memref<10000x128xf32, #tpu.memory_space<hbm>> -> memref<10000x128xf32, #tpu.memory_space<hbm>>
    tpu.enqueue_indirect_dma source(%dma_start3A_62 : memref<10000x128xf32, #tpu.memory_space<hbm>>) target(%dma_start3A_59 : memref<16x128xf32, #tpu.memory_space<vmem>>) offsets(%arg10 : memref<16xi32, #tpu.memory_space<vmem>>) semaphore(%arg15 : memref<!tpu.dma_semaphore, #tpu.memory_space<semaphore_mem>>)
    %dma_wait3A_63 = arith.constant 0 : i32
    %dma_wait3A_64 = arith.constant 0 : i32
    %dma_wait3A_65 = tpu.memref_slice %arg12[%dma_wait3A_63, %dma_wait3A_64] : memref<128x128xf32, #tpu.memory_space<vmem>> -> memref<16x128xf32, #tpu.memory_space<vmem>>
    %dma_wait3A_66 = arith.constant 0 : i32
    %dma_wait3A_67 = arith.constant 0 : i32
    %dma_wait3A_68 = tpu.memref_slice %arg2[%dma_wait3A_66, %dma_wait3A_67] : memref<10000x128xf32, #tpu.memory_space<hbm>> -> memref<10000x128xf32, #tpu.memory_space<hbm>>
    tpu.wait_indirect_dma semaphore(%arg15 : memref<!tpu.dma_semaphore, #tpu.memory_space<semaphore_mem>>) src(%dma_wait3A_68 : memref<10000x128xf32, #tpu.memory_space<hbm>>) dst(%dma_wait3A_65 : memref<16x128xf32, #tpu.memory_space<vmem>>)
    "tpu.region"() ({
      %run_scoped3A_75 = tpu.sem_alloc : memref<!tpu.dma_semaphore, #tpu.memory_space<semaphore_mem>>
      %dma_start3A_76 = arith.constant 0 : i32
      %dma_start3A_77 = arith.constant 0 : i32
      %dma_start3A_78 = tpu.memref_slice %arg12[%dma_start3A_76, %dma_start3A_77] : memref<128x128xf32, #tpu.memory_space<vmem>> -> memref<16x128xf32, #tpu.memory_space<vmem>>
      %dma_start3A_79 = arith.constant 0 : i32
      %dma_start3A_80 = arith.constant 0 : i32
      %dma_start3A_81 = tpu.memref_slice %arg14[%dma_start3A_79, %dma_start3A_80] : memref<10000x128xf32, #tpu.memory_space<vmem_shared>> -> memref<10000x128xf32, #tpu.memory_space<vmem_shared>>
      tpu.enqueue_indirect_dma source(%dma_start3A_78 : memref<16x128xf32, #tpu.memory_space<vmem>>) target(%dma_start3A_81 : memref<10000x128xf32, #tpu.memory_space<vmem_shared>>) offsets(%arg11 : memref<16xi32, #tpu.memory_space<vmem>>) semaphore(%run_scoped3A_75 : memref<!tpu.dma_semaphore, #tpu.memory_space<semaphore_mem>>) {add = true}
      %dma_wait3A_82 = arith.constant 0 : i32
      %dma_wait3A_83 = arith.constant 0 : i32
      %dma_wait3A_84 = tpu.memref_slice %arg12[%dma_wait3A_82, %dma_wait3A_83] : memref<128x128xf32, #tpu.memory_space<vmem>> -> memref<16x128xf32, #tpu.memory_space<vmem>>
      %dma_wait3A_85 = arith.constant 0 : i32
      %dma_wait3A_86 = arith.constant 0 : i32
      %dma_wait3A_87 = tpu.memref_slice %arg14[%dma_wait3A_85, %dma_wait3A_86] : memref<10000x128xf32, #tpu.memory_space<vmem_shared>> -> memref<10000x128xf32, #tpu.memory_space<vmem_shared>>
      tpu.wait_indirect_dma semaphore(%run_scoped3A_75 : memref<!tpu.dma_semaphore, #tpu.memory_space<semaphore_mem>>) src(%dma_wait3A_84 : memref<16x128xf32, #tpu.memory_space<vmem>>) dst(%dma_wait3A_87 : memref<10000x128xf32, #tpu.memory_space<vmem_shared>>)
      tpu.yield
    }) : () -> ()
    %barrier3A_69 = arith.constant 0 : index
    tpu.barrier barrier_id(%barrier3A_69)
    "tpu.region"() ({
      %run_scoped3A_75 = tpu.sem_alloc : memref<!tpu.dma_semaphore, #tpu.memory_space<semaphore_mem>>
      %dma_start3A_76 = arith.constant 0 : i32
      %dma_start3A_77 = arith.constant 0 : i32
      %dma_start3A_78 = tpu.memref_slice %arg7[%arg0, %dma_start3A_76, %dma_start3A_77] : memref<2x10000x128xf32, #tpu.memory_space<hbm>> -> memref<1x10000x128xf32, #tpu.memory_space<hbm>>
      %dma_start3A_79 = tpu.memref_squeeze %dma_start3A_78 : memref<1x10000x128xf32, #tpu.memory_space<hbm>> -> memref<10000x128xf32, #tpu.memory_space<hbm>>
      %dma_start3A_80 = arith.constant 0 : i32
      %dma_start3A_81 = tpu.memref_slice %dma_start3A_79[%mul3A_2, %dma_start3A_80] : memref<10000x128xf32, #tpu.memory_space<hbm>> -> memref<624x128xf32, #tpu.memory_space<hbm>>
      %dma_start3A_82 = arith.constant 0 : i32
      %dma_start3A_83 = tpu.memref_slice %arg14[%mul3A_2, %dma_start3A_82] : memref<10000x128xf32, #tpu.memory_space<vmem_shared>> -> memref<624x128xf32, #tpu.memory_space<vmem_shared>>
      tpu.enqueue_dma source(%dma_start3A_83 : memref<624x128xf32, #tpu.memory_space<vmem_shared>>) target(%dma_start3A_81 : memref<624x128xf32, #tpu.memory_space<hbm>>) target_semaphore(%run_scoped3A_75 : memref<!tpu.dma_semaphore, #tpu.memory_space<semaphore_mem>>)
      %dma_wait3A_84 = arith.constant 0 : i32
      %dma_wait3A_85 = arith.constant 0 : i32
      %dma_wait3A_86 = tpu.memref_slice %arg7[%arg0, %dma_wait3A_84, %dma_wait3A_85] : memref<2x10000x128xf32, #tpu.memory_space<hbm>> -> memref<1x10000x128xf32, #tpu.memory_space<hbm>>
      %dma_wait3A_87 = tpu.memref_squeeze %dma_wait3A_86 : memref<1x10000x128xf32, #tpu.memory_space<hbm>> -> memref<10000x128xf32, #tpu.memory_space<hbm>>
      %dma_wait3A_88 = arith.constant 0 : i32
      %dma_wait3A_89 = tpu.memref_slice %dma_wait3A_87[%mul3A_2, %dma_wait3A_88] : memref<10000x128xf32, #tpu.memory_space<hbm>> -> memref<624x128xf32, #tpu.memory_space<hbm>>
      %dma_wait3A_90 = arith.constant 0 : i32
      %dma_wait3A_91 = tpu.memref_slice %arg14[%mul3A_2, %dma_wait3A_90] : memref<10000x128xf32, #tpu.memory_space<vmem_shared>> -> memref<624x128xf32, #tpu.memory_space<vmem_shared>>
      tpu.wait_dma2 semaphore(%run_scoped3A_75 : memref<!tpu.dma_semaphore, #tpu.memory_space<semaphore_mem>>) src(%dma_wait3A_91 : memref<624x128xf32, #tpu.memory_space<vmem_shared>>) dst(%dma_wait3A_89 : memref<624x128xf32, #tpu.memory_space<hbm>>)
      tpu.yield
    }) : () -> ()
    %eq3A_70 = arith.constant 15 : i32
    %eq3A_71 = arith.cmpi eq, %arg1, %eq3A_70 : i32
    %convert_element_type3A_72 = arith.extui %eq3A_71 : i1 to i32
    %cond3A_73 = arith.constant 0 : i32
    %cond3A_74 = arith.cmpi ne, %convert_element_type3A_72, %cond3A_73 : i32
    scf.if %cond3A_74 {
      "tpu.region"() ({
        %run_scoped3A_75 = tpu.sem_alloc : memref<!tpu.dma_semaphore, #tpu.memory_space<semaphore_mem>>
        %dma_start3A_76 = arith.constant 0 : i32
        %dma_start3A_77 = arith.constant 0 : i32
        %dma_start3A_78 = tpu.memref_slice %arg7[%arg0, %dma_start3A_76, %dma_start3A_77] : memref<2x10000x128xf32, #tpu.memory_space<hbm>> -> memref<1x10000x128xf32, #tpu.memory_space<hbm>>
        %dma_start3A_79 = tpu.memref_squeeze %dma_start3A_78 : memref<1x10000x128xf32, #tpu.memory_space<hbm>> -> memref<10000x128xf32, #tpu.memory_space<hbm>>
        %dma_start3A_80 = arith.constant 9984 : i32
        %dma_start3A_81 = arith.constant 0 : i32
        %dma_start3A_82 = tpu.memref_slice %dma_start3A_79[%dma_start3A_80, %dma_start3A_81] : memref<10000x128xf32, #tpu.memory_space<hbm>> -> memref<16x128xf32, #tpu.memory_space<hbm>>
        %dma_start3A_83 = arith.constant 9984 : i32
        %dma_start3A_84 = arith.constant 0 : i32
        %dma_start3A_85 = tpu.memref_slice %arg14[%dma_start3A_83, %dma_start3A_84] : memref<10000x128xf32, #tpu.memory_space<vmem_shared>> -> memref<16x128xf32, #tpu.memory_space<vmem_shared>>
        tpu.enqueue_dma source(%dma_start3A_85 : memref<16x128xf32, #tpu.memory_space<vmem_shared>>) target(%dma_start3A_82 : memref<16x128xf32, #tpu.memory_space<hbm>>) target_semaphore(%run_scoped3A_75 : memref<!tpu.dma_semaphore, #tpu.memory_space<semaphore_mem>>)
        %dma_wait3A_86 = arith.constant 0 : i32
        %dma_wait3A_87 = arith.constant 0 : i32
        %dma_wait3A_88 = tpu.memref_slice %arg7[%arg0, %dma_wait3A_86, %dma_wait3A_87] : memref<2x10000x128xf32, #tpu.memory_space<hbm>> -> memref<1x10000x128xf32, #tpu.memory_space<hbm>>
        %dma_wait3A_89 = tpu.memref_squeeze %dma_wait3A_88 : memref<1x10000x128xf32, #tpu.memory_space<hbm>> -> memref<10000x128xf32, #tpu.memory_space<hbm>>
        %dma_wait3A_90 = arith.constant 9984 : i32
        %dma_wait3A_91 = arith.constant 0 : i32
        %dma_wait3A_92 = tpu.memref_slice %dma_wait3A_89[%dma_wait3A_90, %dma_wait3A_91] : memref<10000x128xf32, #tpu.memory_space<hbm>> -> memref<16x128xf32, #tpu.memory_space<hbm>>
        %dma_wait3A_93 = arith.constant 9984 : i32
        %dma_wait3A_94 = arith.constant 0 : i32
        %dma_wait3A_95 = tpu.memref_slice %arg14[%dma_wait3A_93, %dma_wait3A_94] : memref<10000x128xf32, #tpu.memory_space<vmem_shared>> -> memref<16x128xf32, #tpu.memory_space<vmem_shared>>
        tpu.wait_dma2 semaphore(%run_scoped3A_75 : memref<!tpu.dma_semaphore, #tpu.memory_space<semaphore_mem>>) src(%dma_wait3A_95 : memref<16x128xf32, #tpu.memory_space<vmem_shared>>) dst(%dma_wait3A_92 : memref<16x128xf32, #tpu.memory_space<hbm>>)
        tpu.yield
      }) : () -> ()
    } else {
    }
    return
  }
}

#map = affine_map<(d0, d1) -> (0, 0)>
#map1 = affine_map<(d0, d1) -> (0, 0, 0)>
#map2 = affine_map<(d0, d1) -> (0, 0, 0, 0)>
module attributes {stable_mosaic.version = 14 : i64} {
  func.func @k(%arg0: i32, %arg1: i32, %arg2: memref<10000x128xf32, #tpu.memory_space<hbm>>, %arg3: memref<32x78x128xi32, #tpu.memory_space<hbm>>, %arg4: memref<32x2x39x128xi32, #tpu.memory_space<hbm>>, %arg5: memref<32x16xi32, #tpu.memory_space<hbm>>, %arg6: memref<32x16xi32, #tpu.memory_space<hbm>>, %arg7: memref<2x10000x128xf32, #tpu.memory_space<hbm>>, %arg8: memref<78x128xi32, #tpu.memory_space<vmem>>, %arg9: memref<39x128xi32, #tpu.memory_space<vmem>>, %arg10: memref<16xi32, #tpu.memory_space<vmem>>, %arg11: memref<16xi32, #tpu.memory_space<vmem>>, %arg12: memref<128x128xf32, #tpu.memory_space<vmem>>, %arg13: memref<128x128xf32, #tpu.memory_space<vmem>>, %arg14: memref<10000x128xf32, #tpu.memory_space<vmem_shared>>, %arg15: memref<!tpu.dma_semaphore, #tpu.memory_space<semaphore_mem>>, %arg16: memref<!tpu.dma_semaphore, #tpu.memory_space<semaphore_mem>>) attributes {dimension_semantics = [#tpu.dimension_semantics<core_parallel>, #tpu.dimension_semantics<subcore_parallel>], iteration_bounds = array<i64: 2, 16>, scalar_prefetch = 0 : i64, scratch_operands = 9 : i64, tpu.core_type = #tpu.core_type<sc_vector_subcore>, window_params = [{transform_indices = #map}, {transform_indices = #map1}, {transform_indices = #map2}, {transform_indices = #map}, {transform_indices = #map}, {transform_indices = #map1}]} {
    %mul3A = arith.constant 16 : i32
    %mul3A_0 = arith.muli %arg0, %mul3A : i32
    %add3A = arith.addi %mul3A_0, %arg1 : i32
    %mul3A_1 = arith.constant 624 : i32
    %mul3A_2 = arith.muli %arg1, %mul3A_1 : i32
    "tpu.region"() ({
      %run_scoped3A_75 = tpu.sem_alloc : memref<!tpu.dma_semaphore, #tpu.memory_space<semaphore_mem>>
      %dma_start3A_76 = arith.constant 0 : i32
      %dma_start3A_77 = arith.constant 0 : i32
      %dma_start3A_78 = tpu.memref_slice %arg3[%add3A, %dma_start3A_76, %dma_start3A_77] : memref<32x78x128xi32, #tpu.memory_space<hbm>> -> memref<1x78x128xi32, #tpu.memory_space<hbm>>
      %dma_start3A_79 = tpu.memref_squeeze %dma_start3A_78 : memref<1x78x128xi32, #tpu.memory_space<hbm>> -> memref<78x128xi32, #tpu.memory_space<hbm>>
      %dma_start3A_80 = arith.constant 0 : i32
      %dma_start3A_81 = arith.constant 0 : i32
      %dma_start3A_82 = tpu.memref_slice %arg3[%add3A, %dma_start3A_80, %dma_start3A_81] : memref<32x78x128xi32, #tpu.memory_space<hbm>> -> memref<1x78x128xi32, #tpu.memory_space<hbm>>
      %dma_start3A_83 = tpu.memref_squeeze %dma_start3A_82 : memref<1x78x128xi32, #tpu.memory_space<hbm>> -> memref<78x128xi32, #tpu.memory_space<hbm>>
      tpu.enqueue_dma source(%dma_start3A_83 : memref<78x128xi32, #tpu.memory_space<hbm>>) target(%arg8 : memref<78x128xi32, #tpu.memory_space<vmem>>) target_semaphore(%run_scoped3A_75 : memref<!tpu.dma_semaphore, #tpu.memory_space<semaphore_mem>>)
      %dma_wait3A_84 = arith.constant 0 : i32
      %dma_wait3A_85 = arith.constant 0 : i32
      %dma_wait3A_86 = tpu.memref_slice %arg3[%add3A, %dma_wait3A_84, %dma_wait3A_85] : memref<32x78x128xi32, #tpu.memory_space<hbm>> -> memref<1x78x128xi32, #tpu.memory_space<hbm>>
      %dma_wait3A_87 = tpu.memref_squeeze %dma_wait3A_86 : memref<1x78x128xi32, #tpu.memory_space<hbm>> -> memref<78x128xi32, #tpu.memory_space<hbm>>
      %dma_wait3A_88 = arith.constant 0 : i32
      %dma_wait3A_89 = arith.constant 0 : i32
      %dma_wait3A_90 = tpu.memref_slice %arg3[%add3A, %dma_wait3A_88, %dma_wait3A_89] : memref<32x78x128xi32, #tpu.memory_space<hbm>> -> memref<1x78x128xi32, #tpu.memory_space<hbm>>
      %dma_wait3A_91 = tpu.memref_squeeze %dma_wait3A_90 : memref<1x78x128xi32, #tpu.memory_space<hbm>> -> memref<78x128xi32, #tpu.memory_space<hbm>>
      tpu.wait_dma2 semaphore(%run_scoped3A_75 : memref<!tpu.dma_semaphore, #tpu.memory_space<semaphore_mem>>) src(%dma_wait3A_91 : memref<78x128xi32, #tpu.memory_space<hbm>>) dst(%arg8 : memref<78x128xi32, #tpu.memory_space<vmem>>)
      tpu.yield
    }) : () -> ()
    "tpu.region"() ({
      %run_scoped3A_75 = tpu.sem_alloc : memref<!tpu.dma_semaphore, #tpu.memory_space<semaphore_mem>>
      %dma_start3A_76 = arith.constant 0 : i32
      %dma_start3A_77 = tpu.memref_slice %arg5[%add3A, %dma_start3A_76] : memref<32x16xi32, #tpu.memory_space<hbm>> -> memref<1x16xi32, #tpu.memory_space<hbm>>
      %dma_start3A_78 = tpu.memref_squeeze %dma_start3A_77 : memref<1x16xi32, #tpu.memory_space<hbm>> -> memref<16xi32, #tpu.memory_space<hbm>>
      %dma_start3A_79 = arith.constant 0 : i32
      %dma_start3A_80 = tpu.memref_slice %arg5[%add3A, %dma_start3A_79] : memref<32x16xi32, #tpu.memory_space<hbm>> -> memref<1x16xi32, #tpu.memory_space<hbm>>
      %dma_start3A_81 = tpu.memref_squeeze %dma_start3A_80 : memref<1x16xi32, #tpu.memory_space<hbm>> -> memref<16xi32, #tpu.memory_space<hbm>>
      tpu.enqueue_dma source(%dma_start3A_81 : memref<16xi32, #tpu.memory_space<hbm>>) target(%arg10 : memref<16xi32, #tpu.memory_space<vmem>>) target_semaphore(%run_scoped3A_75 : memref<!tpu.dma_semaphore, #tpu.memory_space<semaphore_mem>>)
      %dma_wait3A_82 = arith.constant 0 : i32
      %dma_wait3A_83 = tpu.memref_slice %arg5[%add3A, %dma_wait3A_82] : memref<32x16xi32, #tpu.memory_space<hbm>> -> memref<1x16xi32, #tpu.memory_space<hbm>>
      %dma_wait3A_84 = tpu.memref_squeeze %dma_wait3A_83 : memref<1x16xi32, #tpu.memory_space<hbm>> -> memref<16xi32, #tpu.memory_space<hbm>>
      %dma_wait3A_85 = arith.constant 0 : i32
      %dma_wait3A_86 = tpu.memref_slice %arg5[%add3A, %dma_wait3A_85] : memref<32x16xi32, #tpu.memory_space<hbm>> -> memref<1x16xi32, #tpu.memory_space<hbm>>
      %dma_wait3A_87 = tpu.memref_squeeze %dma_wait3A_86 : memref<1x16xi32, #tpu.memory_space<hbm>> -> memref<16xi32, #tpu.memory_space<hbm>>
      tpu.wait_dma2 semaphore(%run_scoped3A_75 : memref<!tpu.dma_semaphore, #tpu.memory_space<semaphore_mem>>) src(%dma_wait3A_87 : memref<16xi32, #tpu.memory_space<hbm>>) dst(%arg10 : memref<16xi32, #tpu.memory_space<vmem>>)
      tpu.yield
    }) : () -> ()
    "tpu.region"() ({
      %run_scoped3A_75 = tpu.sem_alloc : memref<!tpu.dma_semaphore, #tpu.memory_space<semaphore_mem>>
      %dma_start3A_76 = arith.constant 0 : i32
      %dma_start3A_77 = tpu.memref_slice %arg6[%add3A, %dma_start3A_76] : memref<32x16xi32, #tpu.memory_space<hbm>> -> memref<1x16xi32, #tpu.memory_space<hbm>>
      %dma_start3A_78 = tpu.memref_squeeze %dma_start3A_77 : memref<1x16xi32, #tpu.memory_space<hbm>> -> memref<16xi32, #tpu.memory_space<hbm>>
      %dma_start3A_79 = arith.constant 0 : i32
      %dma_start3A_80 = tpu.memref_slice %arg6[%add3A, %dma_start3A_79] : memref<32x16xi32, #tpu.memory_space<hbm>> -> memref<1x16xi32, #tpu.memory_space<hbm>>
      %dma_start3A_81 = tpu.memref_squeeze %dma_start3A_80 : memref<1x16xi32, #tpu.memory_space<hbm>> -> memref<16xi32, #tpu.memory_space<hbm>>
      tpu.enqueue_dma source(%dma_start3A_81 : memref<16xi32, #tpu.memory_space<hbm>>) target(%arg11 : memref<16xi32, #tpu.memory_space<vmem>>) target_semaphore(%run_scoped3A_75 : memref<!tpu.dma_semaphore, #tpu.memory_space<semaphore_mem>>)
      %dma_wait3A_82 = arith.constant 0 : i32
      %dma_wait3A_83 = tpu.memref_slice %arg6[%add3A, %dma_wait3A_82] : memref<32x16xi32, #tpu.memory_space<hbm>> -> memref<1x16xi32, #tpu.memory_space<hbm>>
      %dma_wait3A_84 = tpu.memref_squeeze %dma_wait3A_83 : memref<1x16xi32, #tpu.memory_space<hbm>> -> memref<16xi32, #tpu.memory_space<hbm>>
      %dma_wait3A_85 = arith.constant 0 : i32
      %dma_wait3A_86 = tpu.memref_slice %arg6[%add3A, %dma_wait3A_85] : memref<32x16xi32, #tpu.memory_space<hbm>> -> memref<1x16xi32, #tpu.memory_space<hbm>>
      %dma_wait3A_87 = tpu.memref_squeeze %dma_wait3A_86 : memref<1x16xi32, #tpu.memory_space<hbm>> -> memref<16xi32, #tpu.memory_space<hbm>>
      tpu.wait_dma2 semaphore(%run_scoped3A_75 : memref<!tpu.dma_semaphore, #tpu.memory_space<semaphore_mem>>) src(%dma_wait3A_87 : memref<16xi32, #tpu.memory_space<hbm>>) dst(%arg11 : memref<16xi32, #tpu.memory_space<vmem>>)
      tpu.yield
    }) : () -> ()
    %dma_start3A = arith.constant 0 : i32
    %dma_start3A_3 = arith.constant 0 : i32
    %dma_start3A_4 = tpu.memref_slice %arg8[%dma_start3A, %dma_start3A_3] : memref<78x128xi32, #tpu.memory_space<vmem>> -> memref<1x128xi32, #tpu.memory_space<vmem>>
    %dma_start3A_5 = tpu.memref_squeeze %dma_start3A_4 : memref<1x128xi32, #tpu.memory_space<vmem>> -> memref<128xi32, #tpu.memory_space<vmem>>
    %dma_start3A_6 = arith.constant 0 : i32
    %dma_start3A_7 = arith.constant 0 : i32
    %dma_start3A_8 = tpu.memref_slice %arg2[%dma_start3A_6, %dma_start3A_7] : memref<10000x128xf32, #tpu.memory_space<hbm>> -> memref<10000x128xf32, #tpu.memory_space<hbm>>
    tpu.enqueue_indirect_dma source(%dma_start3A_8 : memref<10000x128xf32, #tpu.memory_space<hbm>>) target(%arg12 : memref<128x128xf32, #tpu.memory_space<vmem>>) offsets(%dma_start3A_5 : memref<128xi32, #tpu.memory_space<vmem>>) semaphore(%arg15 : memref<!tpu.dma_semaphore, #tpu.memory_space<semaphore_mem>>)
    %broadcast_in_dim3A = arith.constant 0.000000e+00 : f32
    %broadcast_in_dim3A_9 = vector.broadcast %broadcast_in_dim3A : f32 to vector<16xf32>
    %scan3A = arith.constant 0 : i32
    %scan3A_10 = arith.constant 128 : i32
    %scan3A_11 = arith.addi %scan3A, %scan3A_10 : i32
    %scan3A_12 = arith.constant 1 : i32
    scf.for %scan3A_75 = %scan3A to %scan3A_11 step %scan3A_12  : i32 {
      %mul3A_76 = arith.constant 1 : i32
      %mul3A_77 = arith.muli %scan3A_75, %mul3A_76 : i32
      %add3A_78 = arith.constant 0 : i32
      %add3A_79 = arith.addi %add3A_78, %mul3A_77 : i32
      %swap3A = arith.index_cast %add3A_79 : i32 to index
      %swap3A_80 = arith.constant 0 : index
      %swap3A_81 = tpu.vector_load %arg13[%swap3A, %swap3A_80] {strides = array<i32>} : memref<128x128xf32, #tpu.memory_space<vmem>>, vector<1x16xf32>,
      %swap3A_82 = vector.shape_cast %swap3A_81 : vector<1x16xf32> to vector<16xf32>
      %swap3A_83 = vector.shape_cast %broadcast_in_dim3A_9 : vector<16xf32> to vector<1x16xf32>
      tpu.vector_store %arg13[%swap3A, %swap3A_80], %swap3A_83 {strides = array<i32>} : memref<128x128xf32, #tpu.memory_space<vmem>>, vector<1x16xf32>,
      %swap3A_84 = arith.index_cast %add3A_79 : i32 to index
      %swap3A_85 = arith.constant 16 : index
      %swap3A_86 = tpu.vector_load %arg13[%swap3A_84, %swap3A_85] {strides = array<i32>} : memref<128x128xf32, #tpu.memory_space<vmem>>, vector<1x16xf32>,
      %swap3A_87 = vector.shape_cast %swap3A_86 : vector<1x16xf32> to vector<16xf32>
      %swap3A_88 = vector.shape_cast %broadcast_in_dim3A_9 : vector<16xf32> to vector<1x16xf32>
      tpu.vector_store %arg13[%swap3A_84, %swap3A_85], %swap3A_88 {strides = array<i32>} : memref<128x128xf32, #tpu.memory_space<vmem>>, vector<1x16xf32>,
      %swap3A_89 = arith.index_cast %add3A_79 : i32 to index
      %swap3A_90 = arith.constant 32 : index
      %swap3A_91 = tpu.vector_load %arg13[%swap3A_89, %swap3A_90] {strides = array<i32>} : memref<128x128xf32, #tpu.memory_space<vmem>>, vector<1x16xf32>,
      %swap3A_92 = vector.shape_cast %swap3A_91 : vector<1x16xf32> to vector<16xf32>
      %swap3A_93 = vector.shape_cast %broadcast_in_dim3A_9 : vector<16xf32> to vector<1x16xf32>
      tpu.vector_store %arg13[%swap3A_89, %swap3A_90], %swap3A_93 {strides = array<i32>} : memref<128x128xf32, #tpu.memory_space<vmem>>, vector<1x16xf32>,
      %swap3A_94 = arith.index_cast %add3A_79 : i32 to index
      %swap3A_95 = arith.constant 48 : index
      %swap3A_96 = tpu.vector_load %arg13[%swap3A_94, %swap3A_95] {strides = array<i32>} : memref<128x128xf32, #tpu.memory_space<vmem>>, vector<1x16xf32>,
      %swap3A_97 = vector.shape_cast %swap3A_96 : vector<1x16xf32> to vector<16xf32>
      %swap3A_98 = vector.shape_cast %broadcast_in_dim3A_9 : vector<16xf32> to vector<1x16xf32>
      tpu.vector_store %arg13[%swap3A_94, %swap3A_95], %swap3A_98 {strides = array<i32>} : memref<128x128xf32, #tpu.memory_space<vmem>>, vector<1x16xf32>,
      %swap3A_99 = arith.index_cast %add3A_79 : i32 to index
      %swap3A_100 = arith.constant 64 : index
      %swap3A_101 = tpu.vector_load %arg13[%swap3A_99, %swap3A_100] {strides = array<i32>} : memref<128x128xf32, #tpu.memory_space<vmem>>, vector<1x16xf32>,
      %swap3A_102 = vector.shape_cast %swap3A_101 : vector<1x16xf32> to vector<16xf32>
      %swap3A_103 = vector.shape_cast %broadcast_in_dim3A_9 : vector<16xf32> to vector<1x16xf32>
      tpu.vector_store %arg13[%swap3A_99, %swap3A_100], %swap3A_103 {strides = array<i32>} : memref<128x128xf32, #tpu.memory_space<vmem>>, vector<1x16xf32>,
      %swap3A_104 = arith.index_cast %add3A_79 : i32 to index
      %swap3A_105 = arith.constant 80 : index
      %swap3A_106 = tpu.vector_load %arg13[%swap3A_104, %swap3A_105] {strides = array<i32>} : memref<128x128xf32, #tpu.memory_space<vmem>>, vector<1x16xf32>,
      %swap3A_107 = vector.shape_cast %swap3A_106 : vector<1x16xf32> to vector<16xf32>
      %swap3A_108 = vector.shape_cast %broadcast_in_dim3A_9 : vector<16xf32> to vector<1x16xf32>
      tpu.vector_store %arg13[%swap3A_104, %swap3A_105], %swap3A_108 {strides = array<i32>} : memref<128x128xf32, #tpu.memory_space<vmem>>, vector<1x16xf32>,
      %swap3A_109 = arith.index_cast %add3A_79 : i32 to index
      %swap3A_110 = arith.constant 96 : index
      %swap3A_111 = tpu.vector_load %arg13[%swap3A_109, %swap3A_110] {strides = array<i32>} : memref<128x128xf32, #tpu.memory_space<vmem>>, vector<1x16xf32>,
      %swap3A_112 = vector.shape_cast %swap3A_111 : vector<1x16xf32> to vector<16xf32>
      %swap3A_113 = vector.shape_cast %broadcast_in_dim3A_9 : vector<16xf32> to vector<1x16xf32>
      tpu.vector_store %arg13[%swap3A_109, %swap3A_110], %swap3A_113 {strides = array<i32>} : memref<128x128xf32, #tpu.memory_space<vmem>>, vector<1x16xf32>,
      %swap3A_114 = arith.index_cast %add3A_79 : i32 to index
      %swap3A_115 = arith.constant 112 : index
      %swap3A_116 = tpu.vector_load %arg13[%swap3A_114, %swap3A_115] {strides = array<i32>} : memref<128x128xf32, #tpu.memory_space<vmem>>, vector<1x16xf32>,
      %swap3A_117 = vector.shape_cast %swap3A_116 : vector<1x16xf32> to vector<16xf32>
      %swap3A_118 = vector.shape_cast %broadcast_in_dim3A_9 : vector<16xf32> to vector<1x16xf32>
      tpu.vector_store %arg13[%swap3A_114, %swap3A_115], %swap3A_118 {strides = array<i32>} : memref<128x128xf32, #tpu.memory_space<vmem>>, vector<1x16xf32>,
    }
    %scan3A_13 = arith.constant 128 : i32
    %add3A_14 = arith.constant 0 : i32
    %add3A_15 = arith.addi %mul3A_2, %add3A_14 : i32
    "tpu.region"() ({
      %run_scoped3A_75 = tpu.sem_alloc : memref<!tpu.dma_semaphore, #tpu.memory_space<semaphore_mem>>
      %dma_start3A_76 = arith.constant 0 : i32
      %dma_start3A_77 = tpu.memref_slice %arg14[%add3A_15, %dma_start3A_76] : memref<10000x128xf32, #tpu.memory_space<vmem_shared>> -> memref<128x128xf32, #tpu.memory_space<vmem_shared>>
      %dma_start3A_78 = arith.constant 0 : i32
      %dma_start3A_79 = tpu.memref_slice %arg14[%add3A_15, %dma_start3A_78] : memref<10000x128xf32, #tpu.memory_space<vmem_shared>> -> memref<128x128xf32, #tpu.memory_space<vmem_shared>>
      tpu.enqueue_dma source(%arg13 : memref<128x128xf32, #tpu.memory_space<vmem>>) target(%dma_start3A_79 : memref<128x128xf32, #tpu.memory_space<vmem_shared>>) target_semaphore(%run_scoped3A_75 : memref<!tpu.dma_semaphore, #tpu.memory_space<semaphore_mem>>)
      %dma_wait3A_80 = arith.constant 0 : i32
      %dma_wait3A_81 = tpu.memref_slice %arg14[%add3A_15, %dma_wait3A_80] : memref<10000x128xf32, #tpu.memory_space<vmem_shared>> -> memref<128x128xf32, #tpu.memory_space<vmem_shared>>
      %dma_wait3A_82 = arith.constant 0 : i32
      %dma_wait3A_83 = tpu.memref_slice %arg14[%add3A_15, %dma_wait3A_82] : memref<10000x128xf32, #tpu.memory_space<vmem_shared>> -> memref<128x128xf32, #tpu.memory_space<vmem_shared>>
      tpu.wait_dma2 semaphore(%run_scoped3A_75 : memref<!tpu.dma_semaphore, #tpu.memory_space<semaphore_mem>>) src(%arg13 : memref<128x128xf32, #tpu.memory_space<vmem>>) dst(%dma_wait3A_83 : memref<128x128xf32, #tpu.memory_space<vmem_shared>>)
      tpu.yield
    }) : () -> ()
    %add3A_16 = arith.constant 128 : i32
    %add3A_17 = arith.addi %mul3A_2, %add3A_16 : i32
    "tpu.region"() ({
      %run_scoped3A_75 = tpu.sem_alloc : memref<!tpu.dma_semaphore, #tpu.memory_space<semaphore_mem>>
      %dma_start3A_76 = arith.constant 0 : i32
      %dma_start3A_77 = tpu.memref_slice %arg14[%add3A_17, %dma_start3A_76] : memref<10000x128xf32, #tpu.memory_space<vmem_shared>> -> memref<128x128xf32, #tpu.memory_space<vmem_shared>>
      %dma_start3A_78 = arith.constant 0 : i32
      %dma_start3A_79 = tpu.memref_slice %arg14[%add3A_17, %dma_start3A_78] : memref<10000x128xf32, #tpu.memory_space<vmem_shared>> -> memref<128x128xf32, #tpu.memory_space<vmem_shared>>
      tpu.enqueue_dma source(%arg13 : memref<128x128xf32, #tpu.memory_space<vmem>>) target(%dma_start3A_79 : memref<128x128xf32, #tpu.memory_space<vmem_shared>>) target_semaphore(%run_scoped3A_75 : memref<!tpu.dma_semaphore, #tpu.memory_space<semaphore_mem>>)
      %dma_wait3A_80 = arith.constant 0 : i32
      %dma_wait3A_81 = tpu.memref_slice %arg14[%add3A_17, %dma_wait3A_80] : memref<10000x128xf32, #tpu.memory_space<vmem_shared>> -> memref<128x128xf32, #tpu.memory_space<vmem_shared>>
      %dma_wait3A_82 = arith.constant 0 : i32
      %dma_wait3A_83 = tpu.memref_slice %arg14[%add3A_17, %dma_wait3A_82] : memref<10000x128xf32, #tpu.memory_space<vmem_shared>> -> memref<128x128xf32, #tpu.memory_space<vmem_shared>>
      tpu.wait_dma2 semaphore(%run_scoped3A_75 : memref<!tpu.dma_semaphore, #tpu.memory_space<semaphore_mem>>) src(%arg13 : memref<128x128xf32, #tpu.memory_space<vmem>>) dst(%dma_wait3A_83 : memref<128x128xf32, #tpu.memory_space<vmem_shared>>)
      tpu.yield
    }) : () -> ()
    %add3A_18 = arith.constant 256 : i32
    %add3A_19 = arith.addi %mul3A_2, %add3A_18 : i32
    "tpu.region"() ({
      %run_scoped3A_75 = tpu.sem_alloc : memref<!tpu.dma_semaphore, #tpu.memory_space<semaphore_mem>>
      %dma_start3A_76 = arith.constant 0 : i32
      %dma_start3A_77 = tpu.memref_slice %arg14[%add3A_19, %dma_start3A_76] : memref<10000x128xf32, #tpu.memory_space<vmem_shared>> -> memref<128x128xf32, #tpu.memory_space<vmem_shared>>
      %dma_start3A_78 = arith.constant 0 : i32
      %dma_start3A_79 = tpu.memref_slice %arg14[%add3A_19, %dma_start3A_78] : memref<10000x128xf32, #tpu.memory_space<vmem_shared>> -> memref<128x128xf32, #tpu.memory_space<vmem_shared>>
      tpu.enqueue_dma source(%arg13 : memref<128x128xf32, #tpu.memory_space<vmem>>) target(%dma_start3A_79 : memref<128x128xf32, #tpu.memory_space<vmem_shared>>) target_semaphore(%run_scoped3A_75 : memref<!tpu.dma_semaphore, #tpu.memory_space<semaphore_mem>>)
      %dma_wait3A_80 = arith.constant 0 : i32
      %dma_wait3A_81 = tpu.memref_slice %arg14[%add3A_19, %dma_wait3A_80] : memref<10000x128xf32, #tpu.memory_space<vmem_shared>> -> memref<128x128xf32, #tpu.memory_space<vmem_shared>>
      %dma_wait3A_82 = arith.constant 0 : i32
      %dma_wait3A_83 = tpu.memref_slice %arg14[%add3A_19, %dma_wait3A_82] : memref<10000x128xf32, #tpu.memory_space<vmem_shared>> -> memref<128x128xf32, #tpu.memory_space<vmem_shared>>
      tpu.wait_dma2 semaphore(%run_scoped3A_75 : memref<!tpu.dma_semaphore, #tpu.memory_space<semaphore_mem>>) src(%arg13 : memref<128x128xf32, #tpu.memory_space<vmem>>) dst(%dma_wait3A_83 : memref<128x128xf32, #tpu.memory_space<vmem_shared>>)
      tpu.yield
    }) : () -> ()
    %add3A_20 = arith.constant 384 : i32
    %add3A_21 = arith.addi %mul3A_2, %add3A_20 : i32
    "tpu.region"() ({
      %run_scoped3A_75 = tpu.sem_alloc : memref<!tpu.dma_semaphore, #tpu.memory_space<semaphore_mem>>
      %dma_start3A_76 = arith.constant 0 : i32
      %dma_start3A_77 = tpu.memref_slice %arg14[%add3A_21, %dma_start3A_76] : memref<10000x128xf32, #tpu.memory_space<vmem_shared>> -> memref<128x128xf32, #tpu.memory_space<vmem_shared>>
      %dma_start3A_78 = arith.constant 0 : i32
      %dma_start3A_79 = tpu.memref_slice %arg14[%add3A_21, %dma_start3A_78] : memref<10000x128xf32, #tpu.memory_space<vmem_shared>> -> memref<128x128xf32, #tpu.memory_space<vmem_shared>>
      tpu.enqueue_dma source(%arg13 : memref<128x128xf32, #tpu.memory_space<vmem>>) target(%dma_start3A_79 : memref<128x128xf32, #tpu.memory_space<vmem_shared>>) target_semaphore(%run_scoped3A_75 : memref<!tpu.dma_semaphore, #tpu.memory_space<semaphore_mem>>)
      %dma_wait3A_80 = arith.constant 0 : i32
      %dma_wait3A_81 = tpu.memref_slice %arg14[%add3A_21, %dma_wait3A_80] : memref<10000x128xf32, #tpu.memory_space<vmem_shared>> -> memref<128x128xf32, #tpu.memory_space<vmem_shared>>
      %dma_wait3A_82 = arith.constant 0 : i32
      %dma_wait3A_83 = tpu.memref_slice %arg14[%add3A_21, %dma_wait3A_82] : memref<10000x128xf32, #tpu.memory_space<vmem_shared>> -> memref<128x128xf32, #tpu.memory_space<vmem_shared>>
      tpu.wait_dma2 semaphore(%run_scoped3A_75 : memref<!tpu.dma_semaphore, #tpu.memory_space<semaphore_mem>>) src(%arg13 : memref<128x128xf32, #tpu.memory_space<vmem>>) dst(%dma_wait3A_83 : memref<128x128xf32, #tpu.memory_space<vmem_shared>>)
      tpu.yield
    }) : () -> ()
    %add3A_22 = arith.constant 512 : i32
    %add3A_23 = arith.addi %mul3A_2, %add3A_22 : i32
    "tpu.region"() ({
      %run_scoped3A_75 = tpu.sem_alloc : memref<!tpu.dma_semaphore, #tpu.memory_space<semaphore_mem>>
      %dma_start3A_76 = arith.constant 0 : i32
      %dma_start3A_77 = arith.constant 0 : i32
      %dma_start3A_78 = tpu.memref_slice %arg13[%dma_start3A_76, %dma_start3A_77] : memref<128x128xf32, #tpu.memory_space<vmem>> -> memref<112x128xf32, #tpu.memory_space<vmem>>
      %dma_start3A_79 = arith.constant 0 : i32
      %dma_start3A_80 = tpu.memref_slice %arg14[%add3A_23, %dma_start3A_79] : memref<10000x128xf32, #tpu.memory_space<vmem_shared>> -> memref<112x128xf32, #tpu.memory_space<vmem_shared>>
      %dma_start3A_81 = arith.constant 0 : i32
      %dma_start3A_82 = tpu.memref_slice %arg14[%add3A_23, %dma_start3A_81] : memref<10000x128xf32, #tpu.memory_space<vmem_shared>> -> memref<112x128xf32, #tpu.memory_space<vmem_shared>>
      %dma_start3A_83 = arith.constant 0 : i32
      %dma_start3A_84 = arith.constant 0 : i32
      %dma_start3A_85 = tpu.memref_slice %arg13[%dma_start3A_83, %dma_start3A_84] : memref<128x128xf32, #tpu.memory_space<vmem>> -> memref<112x128xf32, #tpu.memory_space<vmem>>
      tpu.enqueue_dma source(%dma_start3A_85 : memref<112x128xf32, #tpu.memory_space<vmem>>) target(%dma_start3A_82 : memref<112x128xf32, #tpu.memory_space<vmem_shared>>) target_semaphore(%run_scoped3A_75 : memref<!tpu.dma_semaphore, #tpu.memory_space<semaphore_mem>>)
      %dma_wait3A_86 = arith.constant 0 : i32
      %dma_wait3A_87 = arith.constant 0 : i32
      %dma_wait3A_88 = tpu.memref_slice %arg13[%dma_wait3A_86, %dma_wait3A_87] : memref<128x128xf32, #tpu.memory_space<vmem>> -> memref<112x128xf32, #tpu.memory_space<vmem>>
      %dma_wait3A_89 = arith.constant 0 : i32
      %dma_wait3A_90 = tpu.memref_slice %arg14[%add3A_23, %dma_wait3A_89] : memref<10000x128xf32, #tpu.memory_space<vmem_shared>> -> memref<112x128xf32, #tpu.memory_space<vmem_shared>>
      %dma_wait3A_91 = arith.constant 0 : i32
      %dma_wait3A_92 = tpu.memref_slice %arg14[%add3A_23, %dma_wait3A_91] : memref<10000x128xf32, #tpu.memory_space<vmem_shared>> -> memref<112x128xf32, #tpu.memory_space<vmem_shared>>
      %dma_wait3A_93 = arith.constant 0 : i32
      %dma_wait3A_94 = arith.constant 0 : i32
      %dma_wait3A_95 = tpu.memref_slice %arg13[%dma_wait3A_93, %dma_wait3A_94] : memref<128x128xf32, #tpu.memory_space<vmem>> -> memref<112x128xf32, #tpu.memory_space<vmem>>
      tpu.wait_dma2 semaphore(%run_scoped3A_75 : memref<!tpu.dma_semaphore, #tpu.memory_space<semaphore_mem>>) src(%dma_wait3A_95 : memref<112x128xf32, #tpu.memory_space<vmem>>) dst(%dma_wait3A_92 : memref<112x128xf32, #tpu.memory_space<vmem_shared>>)
      tpu.yield
    }) : () -> ()
    %eq3A = arith.constant 15 : i32
    %eq3A_24 = arith.cmpi eq, %arg1, %eq3A : i32
    %convert_element_type3A = arith.extui %eq3A_24 : i1 to i32
    %cond3A = arith.constant 0 : i32
    %cond3A_25 = arith.cmpi ne, %convert_element_type3A, %cond3A : i32
    scf.if %cond3A_25 {
      "tpu.region"() ({
        %run_scoped3A_75 = tpu.sem_alloc : memref<!tpu.dma_semaphore, #tpu.memory_space<semaphore_mem>>
        %dma_start3A_76 = arith.constant 0 : i32
        %dma_start3A_77 = arith.constant 0 : i32
        %dma_start3A_78 = tpu.memref_slice %arg13[%dma_start3A_76, %dma_start3A_77] : memref<128x128xf32, #tpu.memory_space<vmem>> -> memref<16x128xf32, #tpu.memory_space<vmem>>
        %dma_start3A_79 = arith.constant 9984 : i32
        %dma_start3A_80 = arith.constant 0 : i32
        %dma_start3A_81 = tpu.memref_slice %arg14[%dma_start3A_79, %dma_start3A_80] : memref<10000x128xf32, #tpu.memory_space<vmem_shared>> -> memref<16x128xf32, #tpu.memory_space<vmem_shared>>
        %dma_start3A_82 = arith.constant 9984 : i32
        %dma_start3A_83 = arith.constant 0 : i32
        %dma_start3A_84 = tpu.memref_slice %arg14[%dma_start3A_82, %dma_start3A_83] : memref<10000x128xf32, #tpu.memory_space<vmem_shared>> -> memref<16x128xf32, #tpu.memory_space<vmem_shared>>
        %dma_start3A_85 = arith.constant 0 : i32
        %dma_start3A_86 = arith.constant 0 : i32
        %dma_start3A_87 = tpu.memref_slice %arg13[%dma_start3A_85, %dma_start3A_86] : memref<128x128xf32, #tpu.memory_space<vmem>> -> memref<16x128xf32, #tpu.memory_space<vmem>>
        tpu.enqueue_dma source(%dma_start3A_87 : memref<16x128xf32, #tpu.memory_space<vmem>>) target(%dma_start3A_84 : memref<16x128xf32, #tpu.memory_space<vmem_shared>>) target_semaphore(%run_scoped3A_75 : memref<!tpu.dma_semaphore, #tpu.memory_space<semaphore_mem>>)
        %dma_wait3A_88 = arith.constant 0 : i32
        %dma_wait3A_89 = arith.constant 0 : i32
        %dma_wait3A_90 = tpu.memref_slice %arg13[%dma_wait3A_88, %dma_wait3A_89] : memref<128x128xf32, #tpu.memory_space<vmem>> -> memref<16x128xf32, #tpu.memory_space<vmem>>
        %dma_wait3A_91 = arith.constant 9984 : i32
        %dma_wait3A_92 = arith.constant 0 : i32
        %dma_wait3A_93 = tpu.memref_slice %arg14[%dma_wait3A_91, %dma_wait3A_92] : memref<10000x128xf32, #tpu.memory_space<vmem_shared>> -> memref<16x128xf32, #tpu.memory_space<vmem_shared>>
        %dma_wait3A_94 = arith.constant 9984 : i32
        %dma_wait3A_95 = arith.constant 0 : i32
        %dma_wait3A_96 = tpu.memref_slice %arg14[%dma_wait3A_94, %dma_wait3A_95] : memref<10000x128xf32, #tpu.memory_space<vmem_shared>> -> memref<16x128xf32, #tpu.memory_space<vmem_shared>>
        %dma_wait3A_97 = arith.constant 0 : i32
        %dma_wait3A_98 = arith.constant 0 : i32
        %dma_wait3A_99 = tpu.memref_slice %arg13[%dma_wait3A_97, %dma_wait3A_98] : memref<128x128xf32, #tpu.memory_space<vmem>> -> memref<16x128xf32, #tpu.memory_space<vmem>>
        tpu.wait_dma2 semaphore(%run_scoped3A_75 : memref<!tpu.dma_semaphore, #tpu.memory_space<semaphore_mem>>) src(%dma_wait3A_99 : memref<16x128xf32, #tpu.memory_space<vmem>>) dst(%dma_wait3A_96 : memref<16x128xf32, #tpu.memory_space<vmem_shared>>)
        tpu.yield
      }) : () -> ()
    } else {
    }
    %barrier3A = arith.constant 0 : index
    tpu.barrier barrier_id(%barrier3A)
    %run_scoped3A = arith.constant 0 : i32
    "tpu.region"() ({
      %run_scoped3A_75 = tpu.sem_alloc : memref<!tpu.dma_semaphore, #tpu.memory_space<semaphore_mem>>
      %dma_start3A_76 = arith.constant 0 : i32
      %dma_start3A_77 = arith.constant 0 : i32
      %dma_start3A_78 = arith.constant 0 : i32
      %dma_start3A_79 = tpu.memref_slice %arg4[%add3A, %dma_start3A_76, %dma_start3A_77, %dma_start3A_78] : memref<32x2x39x128xi32, #tpu.memory_space<hbm>> -> memref<1x2x39x128xi32, #tpu.memory_space<hbm>>
      %dma_start3A_80 = tpu.memref_squeeze %dma_start3A_79 : memref<1x2x39x128xi32, #tpu.memory_space<hbm>> -> memref<2x39x128xi32, #tpu.memory_space<hbm>>
      %dma_start3A_81 = arith.constant 0 : i32
      %dma_start3A_82 = arith.constant 0 : i32
      %dma_start3A_83 = tpu.memref_slice %dma_start3A_80[%run_scoped3A, %dma_start3A_81, %dma_start3A_82] : memref<2x39x128xi32, #tpu.memory_space<hbm>> -> memref<1x39x128xi32, #tpu.memory_space<hbm>>
      %dma_start3A_84 = tpu.memref_squeeze %dma_start3A_83 : memref<1x39x128xi32, #tpu.memory_space<hbm>> -> memref<39x128xi32, #tpu.memory_space<hbm>>
      %dma_start3A_85 = arith.constant 0 : i32
      %dma_start3A_86 = arith.constant 0 : i32
      %dma_start3A_87 = arith.constant 0 : i32
      %dma_start3A_88 = tpu.memref_slice %arg4[%add3A, %dma_start3A_85, %dma_start3A_86, %dma_start3A_87] : memref<32x2x39x128xi32, #tpu.memory_space<hbm>> -> memref<1x2x39x128xi32, #tpu.memory_space<hbm>>
      %dma_start3A_89 = tpu.memref_squeeze %dma_start3A_88 : memref<1x2x39x128xi32, #tpu.memory_space<hbm>> -> memref<2x39x128xi32, #tpu.memory_space<hbm>>
      %dma_start3A_90 = arith.constant 0 : i32
      %dma_start3A_91 = arith.constant 0 : i32
      %dma_start3A_92 = tpu.memref_slice %dma_start3A_89[%run_scoped3A, %dma_start3A_90, %dma_start3A_91] : memref<2x39x128xi32, #tpu.memory_space<hbm>> -> memref<1x39x128xi32, #tpu.memory_space<hbm>>
      %dma_start3A_93 = tpu.memref_squeeze %dma_start3A_92 : memref<1x39x128xi32, #tpu.memory_space<hbm>> -> memref<39x128xi32, #tpu.memory_space<hbm>>
      tpu.enqueue_dma source(%dma_start3A_93 : memref<39x128xi32, #tpu.memory_space<hbm>>) target(%arg9 : memref<39x128xi32, #tpu.memory_space<vmem>>) target_semaphore(%run_scoped3A_75 : memref<!tpu.dma_semaphore, #tpu.memory_space<semaphore_mem>>)
      %dma_wait3A_94 = arith.constant 0 : i32
      %dma_wait3A_95 = arith.constant 0 : i32
      %dma_wait3A_96 = arith.constant 0 : i32
      %dma_wait3A_97 = tpu.memref_slice %arg4[%add3A, %dma_wait3A_94, %dma_wait3A_95, %dma_wait3A_96] : memref<32x2x39x128xi32, #tpu.memory_space<hbm>> -> memref<1x2x39x128xi32, #tpu.memory_space<hbm>>
      %dma_wait3A_98 = tpu.memref_squeeze %dma_wait3A_97 : memref<1x2x39x128xi32, #tpu.memory_space<hbm>> -> memref<2x39x128xi32, #tpu.memory_space<hbm>>
      %dma_wait3A_99 = arith.constant 0 : i32
      %dma_wait3A_100 = arith.constant 0 : i32
      %dma_wait3A_101 = tpu.memref_slice %dma_wait3A_98[%run_scoped3A, %dma_wait3A_99, %dma_wait3A_100] : memref<2x39x128xi32, #tpu.memory_space<hbm>> -> memref<1x39x128xi32, #tpu.memory_space<hbm>>
      %dma_wait3A_102 = tpu.memref_squeeze %dma_wait3A_101 : memref<1x39x128xi32, #tpu.memory_space<hbm>> -> memref<39x128xi32, #tpu.memory_space<hbm>>
      %dma_wait3A_103 = arith.constant 0 : i32
      %dma_wait3A_104 = arith.constant 0 : i32
      %dma_wait3A_105 = arith.constant 0 : i32
      %dma_wait3A_106 = tpu.memref_slice %arg4[%add3A, %dma_wait3A_103, %dma_wait3A_104, %dma_wait3A_105] : memref<32x2x39x128xi32, #tpu.memory_space<hbm>> -> memref<1x2x39x128xi32, #tpu.memory_space<hbm>>
      %dma_wait3A_107 = tpu.memref_squeeze %dma_wait3A_106 : memref<1x2x39x128xi32, #tpu.memory_space<hbm>> -> memref<2x39x128xi32, #tpu.memory_space<hbm>>
      %dma_wait3A_108 = arith.constant 0 : i32
      %dma_wait3A_109 = arith.constant 0 : i32
      %dma_wait3A_110 = tpu.memref_slice %dma_wait3A_107[%run_scoped3A, %dma_wait3A_108, %dma_wait3A_109] : memref<2x39x128xi32, #tpu.memory_space<hbm>> -> memref<1x39x128xi32, #tpu.memory_space<hbm>>
      %dma_wait3A_111 = tpu.memref_squeeze %dma_wait3A_110 : memref<1x39x128xi32, #tpu.memory_space<hbm>> -> memref<39x128xi32, #tpu.memory_space<hbm>>
      tpu.wait_dma2 semaphore(%run_scoped3A_75 : memref<!tpu.dma_semaphore, #tpu.memory_space<semaphore_mem>>) src(%dma_wait3A_111 : memref<39x128xi32, #tpu.memory_space<hbm>>) dst(%arg9 : memref<39x128xi32, #tpu.memory_space<vmem>>)
      tpu.yield
    }) : () -> ()
    %scan3A_26 = arith.constant 0 : i32
    %scan3A_27 = arith.constant 19 : i32
    %scan3A_28 = arith.addi %scan3A_26, %scan3A_27 : i32
    %scan3A_29 = arith.constant 1 : i32
    scf.for %scan3A_75 = %scan3A_26 to %scan3A_28 step %scan3A_29  : i32 {
      %mul3A_76 = arith.constant 2 : i32
      %mul3A_77 = arith.muli %scan3A_75, %mul3A_76 : i32
      %add3A_78 = arith.constant 0 : i32
      %add3A_79 = arith.addi %add3A_78, %mul3A_77 : i32
      %add3A_80 = arith.constant 0 : i32
      %add3A_81 = arith.addi %add3A_80, %add3A_79 : i32
      %add3A_82 = arith.constant 1 : i32
      %add3A_83 = arith.addi %add3A_81, %add3A_82 : i32
      %dma_start3A_84 = arith.constant 0 : i32
      %dma_start3A_85 = tpu.memref_slice %arg8[%add3A_83, %dma_start3A_84] : memref<78x128xi32, #tpu.memory_space<vmem>> -> memref<1x128xi32, #tpu.memory_space<vmem>>
      %dma_start3A_86 = tpu.memref_squeeze %dma_start3A_85 : memref<1x128xi32, #tpu.memory_space<vmem>> -> memref<128xi32, #tpu.memory_space<vmem>>
      %dma_start3A_87 = arith.constant 0 : i32
      %dma_start3A_88 = arith.constant 0 : i32
      %dma_start3A_89 = tpu.memref_slice %arg2[%dma_start3A_87, %dma_start3A_88] : memref<10000x128xf32, #tpu.memory_space<hbm>> -> memref<10000x128xf32, #tpu.memory_space<hbm>>
      tpu.enqueue_indirect_dma source(%dma_start3A_89 : memref<10000x128xf32, #tpu.memory_space<hbm>>) target(%arg13 : memref<128x128xf32, #tpu.memory_space<vmem>>) offsets(%dma_start3A_86 : memref<128xi32, #tpu.memory_space<vmem>>) semaphore(%arg16 : memref<!tpu.dma_semaphore, #tpu.memory_space<semaphore_mem>>)
      %dma_wait3A_90 = arith.constant 0 : i32
      %dma_wait3A_91 = arith.constant 0 : i32
      %dma_wait3A_92 = tpu.memref_slice %arg2[%dma_wait3A_90, %dma_wait3A_91] : memref<10000x128xf32, #tpu.memory_space<hbm>> -> memref<128x128xf32, #tpu.memory_space<hbm>>
      %dma_wait3A_93 = arith.constant 0 : i32
      %dma_wait3A_94 = arith.constant 0 : i32
      %dma_wait3A_95 = tpu.memref_slice %arg2[%dma_wait3A_93, %dma_wait3A_94] : memref<10000x128xf32, #tpu.memory_space<hbm>> -> memref<128x128xf32, #tpu.memory_space<hbm>>
      tpu.wait_dma2 semaphore(%arg15 : memref<!tpu.dma_semaphore, #tpu.memory_space<semaphore_mem>>) src(%dma_wait3A_95 : memref<128x128xf32, #tpu.memory_space<hbm>>) dst(%arg12 : memref<128x128xf32, #tpu.memory_space<vmem>>)
      "tpu.region"() ({
        %run_scoped3A_114 = tpu.sem_alloc : memref<!tpu.dma_semaphore, #tpu.memory_space<semaphore_mem>>
        %dma_start3A_115 = arith.constant 0 : i32
        %dma_start3A_116 = tpu.memref_slice %arg9[%add3A_79, %dma_start3A_115] : memref<39x128xi32, #tpu.memory_space<vmem>> -> memref<1x128xi32, #tpu.memory_space<vmem>>
        %dma_start3A_117 = tpu.memref_squeeze %dma_start3A_116 : memref<1x128xi32, #tpu.memory_space<vmem>> -> memref<128xi32, #tpu.memory_space<vmem>>
        %dma_start3A_118 = arith.constant 0 : i32
        %dma_start3A_119 = arith.constant 0 : i32
        %dma_start3A_120 = tpu.memref_slice %arg14[%dma_start3A_118, %dma_start3A_119] : memref<10000x128xf32, #tpu.memory_space<vmem_shared>> -> memref<10000x128xf32, #tpu.memory_space<vmem_shared>>
        tpu.enqueue_indirect_dma source(%arg12 : memref<128x128xf32, #tpu.memory_space<vmem>>) target(%dma_start3A_120 : memref<10000x128xf32, #tpu.memory_space<vmem_shared>>) offsets(%dma_start3A_117 : memref<128xi32, #tpu.memory_space<vmem>>) semaphore(%run_scoped3A_114 : memref<!tpu.dma_semaphore, #tpu.memory_space<semaphore_mem>>) {add = true}
        %dma_wait3A_121 = arith.constant 0 : i32
        %dma_wait3A_122 = tpu.memref_slice %arg9[%add3A_79, %dma_wait3A_121] : memref<39x128xi32, #tpu.memory_space<vmem>> -> memref<1x128xi32, #tpu.memory_space<vmem>>
        %dma_wait3A_123 = tpu.memref_squeeze %dma_wait3A_122 : memref<1x128xi32, #tpu.memory_space<vmem>> -> memref<128xi32, #tpu.memory_space<vmem>>
        %dma_wait3A_124 = arith.constant 0 : i32
        %dma_wait3A_125 = arith.constant 0 : i32
        %dma_wait3A_126 = tpu.memref_slice %arg14[%dma_wait3A_124, %dma_wait3A_125] : memref<10000x128xf32, #tpu.memory_space<vmem_shared>> -> memref<10000x128xf32, #tpu.memory_space<vmem_shared>>
        tpu.wait_indirect_dma semaphore(%run_scoped3A_114 : memref<!tpu.dma_semaphore, #tpu.memory_space<semaphore_mem>>) src(%arg12 : memref<128x128xf32, #tpu.memory_space<vmem>>) dst(%dma_wait3A_126 : memref<10000x128xf32, #tpu.memory_space<vmem_shared>>)
        tpu.yield
      }) : () -> ()
      %add3A_96 = arith.constant 0 : i32
      %add3A_97 = arith.addi %add3A_96, %add3A_79 : i32
      %add3A_98 = arith.constant 2 : i32
      %add3A_99 = arith.addi %add3A_97, %add3A_98 : i32
      %dma_start3A_100 = arith.constant 0 : i32
      %dma_start3A_101 = tpu.memref_slice %arg8[%add3A_99, %dma_start3A_100] : memref<78x128xi32, #tpu.memory_space<vmem>> -> memref<1x128xi32, #tpu.memory_space<vmem>>
      %dma_start3A_102 = tpu.memref_squeeze %dma_start3A_101 : memref<1x128xi32, #tpu.memory_space<vmem>> -> memref<128xi32, #tpu.memory_space<vmem>>
      %dma_start3A_103 = arith.constant 0 : i32
      %dma_start3A_104 = arith.constant 0 : i32
      %dma_start3A_105 = tpu.memref_slice %arg2[%dma_start3A_103, %dma_start3A_104] : memref<10000x128xf32, #tpu.memory_space<hbm>> -> memref<10000x128xf32, #tpu.memory_space<hbm>>
      tpu.enqueue_indirect_dma source(%dma_start3A_105 : memref<10000x128xf32, #tpu.memory_space<hbm>>) target(%arg12 : memref<128x128xf32, #tpu.memory_space<vmem>>) offsets(%dma_start3A_102 : memref<128xi32, #tpu.memory_space<vmem>>) semaphore(%arg15 : memref<!tpu.dma_semaphore, #tpu.memory_space<semaphore_mem>>)
      %dma_wait3A_106 = arith.constant 0 : i32
      %dma_wait3A_107 = arith.constant 0 : i32
      %dma_wait3A_108 = tpu.memref_slice %arg2[%dma_wait3A_106, %dma_wait3A_107] : memref<10000x128xf32, #tpu.memory_space<hbm>> -> memref<128x128xf32, #tpu.memory_space<hbm>>
      %dma_wait3A_109 = arith.constant 0 : i32
      %dma_wait3A_110 = arith.constant 0 : i32
      %dma_wait3A_111 = tpu.memref_slice %arg2[%dma_wait3A_109, %dma_wait3A_110] : memref<10000x128xf32, #tpu.memory_space<hbm>> -> memref<128x128xf32, #tpu.memory_space<hbm>>
      tpu.wait_dma2 semaphore(%arg16 : memref<!tpu.dma_semaphore, #tpu.memory_space<semaphore_mem>>) src(%dma_wait3A_111 : memref<128x128xf32, #tpu.memory_space<hbm>>) dst(%arg13 : memref<128x128xf32, #tpu.memory_space<vmem>>)
      %add3A_112 = arith.constant 1 : i32
      %add3A_113 = arith.addi %add3A_79, %add3A_112 : i32
      "tpu.region"() ({
        %run_scoped3A_114 = tpu.sem_alloc : memref<!tpu.dma_semaphore, #tpu.memory_space<semaphore_mem>>
        %dma_start3A_115 = arith.constant 0 : i32
        %dma_start3A_116 = tpu.memref_slice %arg9[%add3A_113, %dma_start3A_115] : memref<39x128xi32, #tpu.memory_space<vmem>> -> memref<1x128xi32, #tpu.memory_space<vmem>>
        %dma_start3A_117 = tpu.memref_squeeze %dma_start3A_116 : memref<1x128xi32, #tpu.memory_space<vmem>> -> memref<128xi32, #tpu.memory_space<vmem>>
        %dma_start3A_118 = arith.constant 0 : i32
        %dma_start3A_119 = arith.constant 0 : i32
        %dma_start3A_120 = tpu.memref_slice %arg14[%dma_start3A_118, %dma_start3A_119] : memref<10000x128xf32, #tpu.memory_space<vmem_shared>> -> memref<10000x128xf32, #tpu.memory_space<vmem_shared>>
        tpu.enqueue_indirect_dma source(%arg13 : memref<128x128xf32, #tpu.memory_space<vmem>>) target(%dma_start3A_120 : memref<10000x128xf32, #tpu.memory_space<vmem_shared>>) offsets(%dma_start3A_117 : memref<128xi32, #tpu.memory_space<vmem>>) semaphore(%run_scoped3A_114 : memref<!tpu.dma_semaphore, #tpu.memory_space<semaphore_mem>>) {add = true}
        %dma_wait3A_121 = arith.constant 0 : i32
        %dma_wait3A_122 = tpu.memref_slice %arg9[%add3A_113, %dma_wait3A_121] : memref<39x128xi32, #tpu.memory_space<vmem>> -> memref<1x128xi32, #tpu.memory_space<vmem>>
        %dma_wait3A_123 = tpu.memref_squeeze %dma_wait3A_122 : memref<1x128xi32, #tpu.memory_space<vmem>> -> memref<128xi32, #tpu.memory_space<vmem>>
        %dma_wait3A_124 = arith.constant 0 : i32
        %dma_wait3A_125 = arith.constant 0 : i32
        %dma_wait3A_126 = tpu.memref_slice %arg14[%dma_wait3A_124, %dma_wait3A_125] : memref<10000x128xf32, #tpu.memory_space<vmem_shared>> -> memref<10000x128xf32, #tpu.memory_space<vmem_shared>>
        tpu.wait_indirect_dma semaphore(%run_scoped3A_114 : memref<!tpu.dma_semaphore, #tpu.memory_space<semaphore_mem>>) src(%arg13 : memref<128x128xf32, #tpu.memory_space<vmem>>) dst(%dma_wait3A_126 : memref<10000x128xf32, #tpu.memory_space<vmem_shared>>)
        tpu.yield
      }) : () -> ()
    }
    %scan3A_30 = arith.constant 19 : i32
    %dma_start3A_31 = arith.constant 39 : i32
    %dma_start3A_32 = arith.constant 0 : i32
    %dma_start3A_33 = tpu.memref_slice %arg8[%dma_start3A_31, %dma_start3A_32] : memref<78x128xi32, #tpu.memory_space<vmem>> -> memref<1x128xi32, #tpu.memory_space<vmem>>
    %dma_start3A_34 = tpu.memref_squeeze %dma_start3A_33 : memref<1x128xi32, #tpu.memory_space<vmem>> -> memref<128xi32, #tpu.memory_space<vmem>>
    %dma_start3A_35 = arith.constant 0 : i32
    %dma_start3A_36 = arith.constant 0 : i32
    %dma_start3A_37 = tpu.memref_slice %arg2[%dma_start3A_35, %dma_start3A_36] : memref<10000x128xf32, #tpu.memory_space<hbm>> -> memref<10000x128xf32, #tpu.memory_space<hbm>>
    tpu.enqueue_indirect_dma source(%dma_start3A_37 : memref<10000x128xf32, #tpu.memory_space<hbm>>) target(%arg13 : memref<128x128xf32, #tpu.memory_space<vmem>>) offsets(%dma_start3A_34 : memref<128xi32, #tpu.memory_space<vmem>>) semaphore(%arg16 : memref<!tpu.dma_semaphore, #tpu.memory_space<semaphore_mem>>)
    %dma_wait3A = arith.constant 0 : i32
    %dma_wait3A_38 = arith.constant 0 : i32
    %dma_wait3A_39 = tpu.memref_slice %arg2[%dma_wait3A, %dma_wait3A_38] : memref<10000x128xf32, #tpu.memory_space<hbm>> -> memref<128x128xf32, #tpu.memory_space<hbm>>
    %dma_wait3A_40 = arith.constant 0 : i32
    %dma_wait3A_41 = arith.constant 0 : i32
    %dma_wait3A_42 = tpu.memref_slice %arg2[%dma_wait3A_40, %dma_wait3A_41] : memref<10000x128xf32, #tpu.memory_space<hbm>> -> memref<128x128xf32, #tpu.memory_space<hbm>>
    tpu.wait_dma2 semaphore(%arg15 : memref<!tpu.dma_semaphore, #tpu.memory_space<semaphore_mem>>) src(%dma_wait3A_42 : memref<128x128xf32, #tpu.memory_space<hbm>>) dst(%arg12 : memref<128x128xf32, #tpu.memory_space<vmem>>)
    %run_scoped3A_43 = arith.constant 38 : i32
    "tpu.region"() ({
      %run_scoped3A_75 = tpu.sem_alloc : memref<!tpu.dma_semaphore, #tpu.memory_space<semaphore_mem>>
      %dma_start3A_76 = arith.constant 0 : i32
      %dma_start3A_77 = tpu.memref_slice %arg9[%run_scoped3A_43, %dma_start3A_76] : memref<39x128xi32, #tpu.memory_space<vmem>> -> memref<1x128xi32, #tpu.memory_space<vmem>>
      %dma_start3A_78 = tpu.memref_squeeze %dma_start3A_77 : memref<1x128xi32, #tpu.memory_space<vmem>> -> memref<128xi32, #tpu.memory_space<vmem>>
      %dma_start3A_79 = arith.constant 0 : i32
      %dma_start3A_80 = arith.constant 0 : i32
      %dma_start3A_81 = tpu.memref_slice %arg14[%dma_start3A_79, %dma_start3A_80] : memref<10000x128xf32, #tpu.memory_space<vmem_shared>> -> memref<10000x128xf32, #tpu.memory_space<vmem_shared>>
      tpu.enqueue_indirect_dma source(%arg12 : memref<128x128xf32, #tpu.memory_space<vmem>>) target(%dma_start3A_81 : memref<10000x128xf32, #tpu.memory_space<vmem_shared>>) offsets(%dma_start3A_78 : memref<128xi32, #tpu.memory_space<vmem>>) semaphore(%run_scoped3A_75 : memref<!tpu.dma_semaphore, #tpu.memory_space<semaphore_mem>>) {add = true}
      %dma_wait3A_82 = arith.constant 0 : i32
      %dma_wait3A_83 = tpu.memref_slice %arg9[%run_scoped3A_43, %dma_wait3A_82] : memref<39x128xi32, #tpu.memory_space<vmem>> -> memref<1x128xi32, #tpu.memory_space<vmem>>
      %dma_wait3A_84 = tpu.memref_squeeze %dma_wait3A_83 : memref<1x128xi32, #tpu.memory_space<vmem>> -> memref<128xi32, #tpu.memory_space<vmem>>
      %dma_wait3A_85 = arith.constant 0 : i32
      %dma_wait3A_86 = arith.constant 0 : i32
      %dma_wait3A_87 = tpu.memref_slice %arg14[%dma_wait3A_85, %dma_wait3A_86] : memref<10000x128xf32, #tpu.memory_space<vmem_shared>> -> memref<10000x128xf32, #tpu.memory_space<vmem_shared>>
      tpu.wait_indirect_dma semaphore(%run_scoped3A_75 : memref<!tpu.dma_semaphore, #tpu.memory_space<semaphore_mem>>) src(%arg12 : memref<128x128xf32, #tpu.memory_space<vmem>>) dst(%dma_wait3A_87 : memref<10000x128xf32, #tpu.memory_space<vmem_shared>>)
      tpu.yield
    }) : () -> ()
    %run_scoped3A_44 = arith.constant 1 : i32
    "tpu.region"() ({
      %run_scoped3A_75 = tpu.sem_alloc : memref<!tpu.dma_semaphore, #tpu.memory_space<semaphore_mem>>
      %dma_start3A_76 = arith.constant 0 : i32
      %dma_start3A_77 = arith.constant 0 : i32
      %dma_start3A_78 = arith.constant 0 : i32
      %dma_start3A_79 = tpu.memref_slice %arg4[%add3A, %dma_start3A_76, %dma_start3A_77, %dma_start3A_78] : memref<32x2x39x128xi32, #tpu.memory_space<hbm>> -> memref<1x2x39x128xi32, #tpu.memory_space<hbm>>
      %dma_start3A_80 = tpu.memref_squeeze %dma_start3A_79 : memref<1x2x39x128xi32, #tpu.memory_space<hbm>> -> memref<2x39x128xi32, #tpu.memory_space<hbm>>
      %dma_start3A_81 = arith.constant 0 : i32
      %dma_start3A_82 = arith.constant 0 : i32
      %dma_start3A_83 = tpu.memref_slice %dma_start3A_80[%run_scoped3A_44, %dma_start3A_81, %dma_start3A_82] : memref<2x39x128xi32, #tpu.memory_space<hbm>> -> memref<1x39x128xi32, #tpu.memory_space<hbm>>
      %dma_start3A_84 = tpu.memref_squeeze %dma_start3A_83 : memref<1x39x128xi32, #tpu.memory_space<hbm>> -> memref<39x128xi32, #tpu.memory_space<hbm>>
      %dma_start3A_85 = arith.constant 0 : i32
      %dma_start3A_86 = arith.constant 0 : i32
      %dma_start3A_87 = arith.constant 0 : i32
      %dma_start3A_88 = tpu.memref_slice %arg4[%add3A, %dma_start3A_85, %dma_start3A_86, %dma_start3A_87] : memref<32x2x39x128xi32, #tpu.memory_space<hbm>> -> memref<1x2x39x128xi32, #tpu.memory_space<hbm>>
      %dma_start3A_89 = tpu.memref_squeeze %dma_start3A_88 : memref<1x2x39x128xi32, #tpu.memory_space<hbm>> -> memref<2x39x128xi32, #tpu.memory_space<hbm>>
      %dma_start3A_90 = arith.constant 0 : i32
      %dma_start3A_91 = arith.constant 0 : i32
      %dma_start3A_92 = tpu.memref_slice %dma_start3A_89[%run_scoped3A_44, %dma_start3A_90, %dma_start3A_91] : memref<2x39x128xi32, #tpu.memory_space<hbm>> -> memref<1x39x128xi32, #tpu.memory_space<hbm>>
      %dma_start3A_93 = tpu.memref_squeeze %dma_start3A_92 : memref<1x39x128xi32, #tpu.memory_space<hbm>> -> memref<39x128xi32, #tpu.memory_space<hbm>>
      tpu.enqueue_dma source(%dma_start3A_93 : memref<39x128xi32, #tpu.memory_space<hbm>>) target(%arg9 : memref<39x128xi32, #tpu.memory_space<vmem>>) target_semaphore(%run_scoped3A_75 : memref<!tpu.dma_semaphore, #tpu.memory_space<semaphore_mem>>)
      %dma_wait3A_94 = arith.constant 0 : i32
      %dma_wait3A_95 = arith.constant 0 : i32
      %dma_wait3A_96 = arith.constant 0 : i32
      %dma_wait3A_97 = tpu.memref_slice %arg4[%add3A, %dma_wait3A_94, %dma_wait3A_95, %dma_wait3A_96] : memref<32x2x39x128xi32, #tpu.memory_space<hbm>> -> memref<1x2x39x128xi32, #tpu.memory_space<hbm>>
      %dma_wait3A_98 = tpu.memref_squeeze %dma_wait3A_97 : memref<1x2x39x128xi32, #tpu.memory_space<hbm>> -> memref<2x39x128xi32, #tpu.memory_space<hbm>>
      %dma_wait3A_99 = arith.constant 0 : i32
      %dma_wait3A_100 = arith.constant 0 : i32
      %dma_wait3A_101 = tpu.memref_slice %dma_wait3A_98[%run_scoped3A_44, %dma_wait3A_99, %dma_wait3A_100] : memref<2x39x128xi32, #tpu.memory_space<hbm>> -> memref<1x39x128xi32, #tpu.memory_space<hbm>>
      %dma_wait3A_102 = tpu.memref_squeeze %dma_wait3A_101 : memref<1x39x128xi32, #tpu.memory_space<hbm>> -> memref<39x128xi32, #tpu.memory_space<hbm>>
      %dma_wait3A_103 = arith.constant 0 : i32
      %dma_wait3A_104 = arith.constant 0 : i32
      %dma_wait3A_105 = arith.constant 0 : i32
      %dma_wait3A_106 = tpu.memref_slice %arg4[%add3A, %dma_wait3A_103, %dma_wait3A_104, %dma_wait3A_105] : memref<32x2x39x128xi32, #tpu.memory_space<hbm>> -> memref<1x2x39x128xi32, #tpu.memory_space<hbm>>
      %dma_wait3A_107 = tpu.memref_squeeze %dma_wait3A_106 : memref<1x2x39x128xi32, #tpu.memory_space<hbm>> -> memref<2x39x128xi32, #tpu.memory_space<hbm>>
      %dma_wait3A_108 = arith.constant 0 : i32
      %dma_wait3A_109 = arith.constant 0 : i32
      %dma_wait3A_110 = tpu.memref_slice %dma_wait3A_107[%run_scoped3A_44, %dma_wait3A_108, %dma_wait3A_109] : memref<2x39x128xi32, #tpu.memory_space<hbm>> -> memref<1x39x128xi32, #tpu.memory_space<hbm>>
      %dma_wait3A_111 = tpu.memref_squeeze %dma_wait3A_110 : memref<1x39x128xi32, #tpu.memory_space<hbm>> -> memref<39x128xi32, #tpu.memory_space<hbm>>
      tpu.wait_dma2 semaphore(%run_scoped3A_75 : memref<!tpu.dma_semaphore, #tpu.memory_space<semaphore_mem>>) src(%dma_wait3A_111 : memref<39x128xi32, #tpu.memory_space<hbm>>) dst(%arg9 : memref<39x128xi32, #tpu.memory_space<vmem>>)
      tpu.yield
    }) : () -> ()
    %scan3A_45 = arith.constant 0 : i32
    %scan3A_46 = arith.constant 19 : i32
    %scan3A_47 = arith.addi %scan3A_45, %scan3A_46 : i32
    %scan3A_48 = arith.constant 1 : i32
    scf.for %scan3A_75 = %scan3A_45 to %scan3A_47 step %scan3A_48  : i32 {
      %mul3A_76 = arith.constant 2 : i32
      %mul3A_77 = arith.muli %scan3A_75, %mul3A_76 : i32
      %add3A_78 = arith.constant 0 : i32
      %add3A_79 = arith.addi %add3A_78, %mul3A_77 : i32
      %add3A_80 = arith.constant 39 : i32
      %add3A_81 = arith.addi %add3A_80, %add3A_79 : i32
      %add3A_82 = arith.constant 1 : i32
      %add3A_83 = arith.addi %add3A_81, %add3A_82 : i32
      %dma_start3A_84 = arith.constant 0 : i32
      %dma_start3A_85 = tpu.memref_slice %arg8[%add3A_83, %dma_start3A_84] : memref<78x128xi32, #tpu.memory_space<vmem>> -> memref<1x128xi32, #tpu.memory_space<vmem>>
      %dma_start3A_86 = tpu.memref_squeeze %dma_start3A_85 : memref<1x128xi32, #tpu.memory_space<vmem>> -> memref<128xi32, #tpu.memory_space<vmem>>
      %dma_start3A_87 = arith.constant 0 : i32
      %dma_start3A_88 = arith.constant 0 : i32
      %dma_start3A_89 = tpu.memref_slice %arg2[%dma_start3A_87, %dma_start3A_88] : memref<10000x128xf32, #tpu.memory_space<hbm>> -> memref<10000x128xf32, #tpu.memory_space<hbm>>
      tpu.enqueue_indirect_dma source(%dma_start3A_89 : memref<10000x128xf32, #tpu.memory_space<hbm>>) target(%arg12 : memref<128x128xf32, #tpu.memory_space<vmem>>) offsets(%dma_start3A_86 : memref<128xi32, #tpu.memory_space<vmem>>) semaphore(%arg15 : memref<!tpu.dma_semaphore, #tpu.memory_space<semaphore_mem>>)
      %dma_wait3A_90 = arith.constant 0 : i32
      %dma_wait3A_91 = arith.constant 0 : i32
      %dma_wait3A_92 = tpu.memref_slice %arg2[%dma_wait3A_90, %dma_wait3A_91] : memref<10000x128xf32, #tpu.memory_space<hbm>> -> memref<128x128xf32, #tpu.memory_space<hbm>>
      %dma_wait3A_93 = arith.constant 0 : i32
      %dma_wait3A_94 = arith.constant 0 : i32
      %dma_wait3A_95 = tpu.memref_slice %arg2[%dma_wait3A_93, %dma_wait3A_94] : memref<10000x128xf32, #tpu.memory_space<hbm>> -> memref<128x128xf32, #tpu.memory_space<hbm>>
      tpu.wait_dma2 semaphore(%arg16 : memref<!tpu.dma_semaphore, #tpu.memory_space<semaphore_mem>>) src(%dma_wait3A_95 : memref<128x128xf32, #tpu.memory_space<hbm>>) dst(%arg13 : memref<128x128xf32, #tpu.memory_space<vmem>>)
      "tpu.region"() ({
        %run_scoped3A_114 = tpu.sem_alloc : memref<!tpu.dma_semaphore, #tpu.memory_space<semaphore_mem>>
        %dma_start3A_115 = arith.constant 0 : i32
        %dma_start3A_116 = tpu.memref_slice %arg9[%add3A_79, %dma_start3A_115] : memref<39x128xi32, #tpu.memory_space<vmem>> -> memref<1x128xi32, #tpu.memory_space<vmem>>
        %dma_start3A_117 = tpu.memref_squeeze %dma_start3A_116 : memref<1x128xi32, #tpu.memory_space<vmem>> -> memref<128xi32, #tpu.memory_space<vmem>>
        %dma_start3A_118 = arith.constant 0 : i32
        %dma_start3A_119 = arith.constant 0 : i32
        %dma_start3A_120 = tpu.memref_slice %arg14[%dma_start3A_118, %dma_start3A_119] : memref<10000x128xf32, #tpu.memory_space<vmem_shared>> -> memref<10000x128xf32, #tpu.memory_space<vmem_shared>>
        tpu.enqueue_indirect_dma source(%arg13 : memref<128x128xf32, #tpu.memory_space<vmem>>) target(%dma_start3A_120 : memref<10000x128xf32, #tpu.memory_space<vmem_shared>>) offsets(%dma_start3A_117 : memref<128xi32, #tpu.memory_space<vmem>>) semaphore(%run_scoped3A_114 : memref<!tpu.dma_semaphore, #tpu.memory_space<semaphore_mem>>) {add = true}
        %dma_wait3A_121 = arith.constant 0 : i32
        %dma_wait3A_122 = tpu.memref_slice %arg9[%add3A_79, %dma_wait3A_121] : memref<39x128xi32, #tpu.memory_space<vmem>> -> memref<1x128xi32, #tpu.memory_space<vmem>>
        %dma_wait3A_123 = tpu.memref_squeeze %dma_wait3A_122 : memref<1x128xi32, #tpu.memory_space<vmem>> -> memref<128xi32, #tpu.memory_space<vmem>>
        %dma_wait3A_124 = arith.constant 0 : i32
        %dma_wait3A_125 = arith.constant 0 : i32
        %dma_wait3A_126 = tpu.memref_slice %arg14[%dma_wait3A_124, %dma_wait3A_125] : memref<10000x128xf32, #tpu.memory_space<vmem_shared>> -> memref<10000x128xf32, #tpu.memory_space<vmem_shared>>
        tpu.wait_indirect_dma semaphore(%run_scoped3A_114 : memref<!tpu.dma_semaphore, #tpu.memory_space<semaphore_mem>>) src(%arg13 : memref<128x128xf32, #tpu.memory_space<vmem>>) dst(%dma_wait3A_126 : memref<10000x128xf32, #tpu.memory_space<vmem_shared>>)
        tpu.yield
      }) : () -> ()
      %add3A_96 = arith.constant 39 : i32
      %add3A_97 = arith.addi %add3A_96, %add3A_79 : i32
      %add3A_98 = arith.constant 2 : i32
      %add3A_99 = arith.addi %add3A_97, %add3A_98 : i32
      %dma_start3A_100 = arith.constant 0 : i32
      %dma_start3A_101 = tpu.memref_slice %arg8[%add3A_99, %dma_start3A_100] : memref<78x128xi32, #tpu.memory_space<vmem>> -> memref<1x128xi32, #tpu.memory_space<vmem>>
      %dma_start3A_102 = tpu.memref_squeeze %dma_start3A_101 : memref<1x128xi32, #tpu.memory_space<vmem>> -> memref<128xi32, #tpu.memory_space<vmem>>
      %dma_start3A_103 = arith.constant 0 : i32
      %dma_start3A_104 = arith.constant 0 : i32
      %dma_start3A_105 = tpu.memref_slice %arg2[%dma_start3A_103, %dma_start3A_104] : memref<10000x128xf32, #tpu.memory_space<hbm>> -> memref<10000x128xf32, #tpu.memory_space<hbm>>
      tpu.enqueue_indirect_dma source(%dma_start3A_105 : memref<10000x128xf32, #tpu.memory_space<hbm>>) target(%arg13 : memref<128x128xf32, #tpu.memory_space<vmem>>) offsets(%dma_start3A_102 : memref<128xi32, #tpu.memory_space<vmem>>) semaphore(%arg16 : memref<!tpu.dma_semaphore, #tpu.memory_space<semaphore_mem>>)
      %dma_wait3A_106 = arith.constant 0 : i32
      %dma_wait3A_107 = arith.constant 0 : i32
      %dma_wait3A_108 = tpu.memref_slice %arg2[%dma_wait3A_106, %dma_wait3A_107] : memref<10000x128xf32, #tpu.memory_space<hbm>> -> memref<128x128xf32, #tpu.memory_space<hbm>>
      %dma_wait3A_109 = arith.constant 0 : i32
      %dma_wait3A_110 = arith.constant 0 : i32
      %dma_wait3A_111 = tpu.memref_slice %arg2[%dma_wait3A_109, %dma_wait3A_110] : memref<10000x128xf32, #tpu.memory_space<hbm>> -> memref<128x128xf32, #tpu.memory_space<hbm>>
      tpu.wait_dma2 semaphore(%arg15 : memref<!tpu.dma_semaphore, #tpu.memory_space<semaphore_mem>>) src(%dma_wait3A_111 : memref<128x128xf32, #tpu.memory_space<hbm>>) dst(%arg12 : memref<128x128xf32, #tpu.memory_space<vmem>>)
      %add3A_112 = arith.constant 1 : i32
      %add3A_113 = arith.addi %add3A_79, %add3A_112 : i32
      "tpu.region"() ({
        %run_scoped3A_114 = tpu.sem_alloc : memref<!tpu.dma_semaphore, #tpu.memory_space<semaphore_mem>>
        %dma_start3A_115 = arith.constant 0 : i32
        %dma_start3A_116 = tpu.memref_slice %arg9[%add3A_113, %dma_start3A_115] : memref<39x128xi32, #tpu.memory_space<vmem>> -> memref<1x128xi32, #tpu.memory_space<vmem>>
        %dma_start3A_117 = tpu.memref_squeeze %dma_start3A_116 : memref<1x128xi32, #tpu.memory_space<vmem>> -> memref<128xi32, #tpu.memory_space<vmem>>
        %dma_start3A_118 = arith.constant 0 : i32
        %dma_start3A_119 = arith.constant 0 : i32
        %dma_start3A_120 = tpu.memref_slice %arg14[%dma_start3A_118, %dma_start3A_119] : memref<10000x128xf32, #tpu.memory_space<vmem_shared>> -> memref<10000x128xf32, #tpu.memory_space<vmem_shared>>
        tpu.enqueue_indirect_dma source(%arg12 : memref<128x128xf32, #tpu.memory_space<vmem>>) target(%dma_start3A_120 : memref<10000x128xf32, #tpu.memory_space<vmem_shared>>) offsets(%dma_start3A_117 : memref<128xi32, #tpu.memory_space<vmem>>) semaphore(%run_scoped3A_114 : memref<!tpu.dma_semaphore, #tpu.memory_space<semaphore_mem>>) {add = true}
        %dma_wait3A_121 = arith.constant 0 : i32
        %dma_wait3A_122 = tpu.memref_slice %arg9[%add3A_113, %dma_wait3A_121] : memref<39x128xi32, #tpu.memory_space<vmem>> -> memref<1x128xi32, #tpu.memory_space<vmem>>
        %dma_wait3A_123 = tpu.memref_squeeze %dma_wait3A_122 : memref<1x128xi32, #tpu.memory_space<vmem>> -> memref<128xi32, #tpu.memory_space<vmem>>
        %dma_wait3A_124 = arith.constant 0 : i32
        %dma_wait3A_125 = arith.constant 0 : i32
        %dma_wait3A_126 = tpu.memref_slice %arg14[%dma_wait3A_124, %dma_wait3A_125] : memref<10000x128xf32, #tpu.memory_space<vmem_shared>> -> memref<10000x128xf32, #tpu.memory_space<vmem_shared>>
        tpu.wait_indirect_dma semaphore(%run_scoped3A_114 : memref<!tpu.dma_semaphore, #tpu.memory_space<semaphore_mem>>) src(%arg12 : memref<128x128xf32, #tpu.memory_space<vmem>>) dst(%dma_wait3A_126 : memref<10000x128xf32, #tpu.memory_space<vmem_shared>>)
        tpu.yield
      }) : () -> ()
    }
    %scan3A_49 = arith.constant 19 : i32
    %dma_wait3A_50 = arith.constant 0 : i32
    %dma_wait3A_51 = arith.constant 0 : i32
    %dma_wait3A_52 = tpu.memref_slice %arg2[%dma_wait3A_50, %dma_wait3A_51] : memref<10000x128xf32, #tpu.memory_space<hbm>> -> memref<128x128xf32, #tpu.memory_space<hbm>>
    %dma_wait3A_53 = arith.constant 0 : i32
    %dma_wait3A_54 = arith.constant 0 : i32
    %dma_wait3A_55 = tpu.memref_slice %arg2[%dma_wait3A_53, %dma_wait3A_54] : memref<10000x128xf32, #tpu.memory_space<hbm>> -> memref<128x128xf32, #tpu.memory_space<hbm>>
    tpu.wait_dma2 semaphore(%arg16 : memref<!tpu.dma_semaphore, #tpu.memory_space<semaphore_mem>>) src(%dma_wait3A_55 : memref<128x128xf32, #tpu.memory_space<hbm>>) dst(%arg13 : memref<128x128xf32, #tpu.memory_space<vmem>>)
    %run_scoped3A_56 = arith.constant 38 : i32
    "tpu.region"() ({
      %run_scoped3A_75 = tpu.sem_alloc : memref<!tpu.dma_semaphore, #tpu.memory_space<semaphore_mem>>
      %dma_start3A_76 = arith.constant 0 : i32
      %dma_start3A_77 = tpu.memref_slice %arg9[%run_scoped3A_56, %dma_start3A_76] : memref<39x128xi32, #tpu.memory_space<vmem>> -> memref<1x128xi32, #tpu.memory_space<vmem>>
      %dma_start3A_78 = tpu.memref_squeeze %dma_start3A_77 : memref<1x128xi32, #tpu.memory_space<vmem>> -> memref<128xi32, #tpu.memory_space<vmem>>
      %dma_start3A_79 = arith.constant 0 : i32
      %dma_start3A_80 = arith.constant 0 : i32
      %dma_start3A_81 = tpu.memref_slice %arg14[%dma_start3A_79, %dma_start3A_80] : memref<10000x128xf32, #tpu.memory_space<vmem_shared>> -> memref<10000x128xf32, #tpu.memory_space<vmem_shared>>
      tpu.enqueue_indirect_dma source(%arg13 : memref<128x128xf32, #tpu.memory_space<vmem>>) target(%dma_start3A_81 : memref<10000x128xf32, #tpu.memory_space<vmem_shared>>) offsets(%dma_start3A_78 : memref<128xi32, #tpu.memory_space<vmem>>) semaphore(%run_scoped3A_75 : memref<!tpu.dma_semaphore, #tpu.memory_space<semaphore_mem>>) {add = true}
      %dma_wait3A_82 = arith.constant 0 : i32
      %dma_wait3A_83 = tpu.memref_slice %arg9[%run_scoped3A_56, %dma_wait3A_82] : memref<39x128xi32, #tpu.memory_space<vmem>> -> memref<1x128xi32, #tpu.memory_space<vmem>>
      %dma_wait3A_84 = tpu.memref_squeeze %dma_wait3A_83 : memref<1x128xi32, #tpu.memory_space<vmem>> -> memref<128xi32, #tpu.memory_space<vmem>>
      %dma_wait3A_85 = arith.constant 0 : i32
      %dma_wait3A_86 = arith.constant 0 : i32
      %dma_wait3A_87 = tpu.memref_slice %arg14[%dma_wait3A_85, %dma_wait3A_86] : memref<10000x128xf32, #tpu.memory_space<vmem_shared>> -> memref<10000x128xf32, #tpu.memory_space<vmem_shared>>
      tpu.wait_indirect_dma semaphore(%run_scoped3A_75 : memref<!tpu.dma_semaphore, #tpu.memory_space<semaphore_mem>>) src(%arg13 : memref<128x128xf32, #tpu.memory_space<vmem>>) dst(%dma_wait3A_87 : memref<10000x128xf32, #tpu.memory_space<vmem_shared>>)
      tpu.yield
    }) : () -> ()
    %dma_start3A_57 = arith.constant 0 : i32
    %dma_start3A_58 = arith.constant 0 : i32
    %dma_start3A_59 = tpu.memref_slice %arg12[%dma_start3A_57, %dma_start3A_58] : memref<128x128xf32, #tpu.memory_space<vmem>> -> memref<16x128xf32, #tpu.memory_space<vmem>>
    %dma_start3A_60 = arith.constant 0 : i32
    %dma_start3A_61 = arith.constant 0 : i32
    %dma_start3A_62 = tpu.memref_slice %arg2[%dma_start3A_60, %dma_start3A_61] : memref<10000x128xf32, #tpu.memory_space<hbm>> -> memref<10000x128xf32, #tpu.memory_space<hbm>>
    tpu.enqueue_indirect_dma source(%dma_start3A_62 : memref<10000x128xf32, #tpu.memory_space<hbm>>) target(%dma_start3A_59 : memref<16x128xf32, #tpu.memory_space<vmem>>) offsets(%arg10 : memref<16xi32, #tpu.memory_space<vmem>>) semaphore(%arg15 : memref<!tpu.dma_semaphore, #tpu.memory_space<semaphore_mem>>)
    %dma_wait3A_63 = arith.constant 0 : i32
    %dma_wait3A_64 = arith.constant 0 : i32
    %dma_wait3A_65 = tpu.memref_slice %arg12[%dma_wait3A_63, %dma_wait3A_64] : memref<128x128xf32, #tpu.memory_space<vmem>> -> memref<16x128xf32, #tpu.memory_space<vmem>>
    %dma_wait3A_66 = arith.constant 0 : i32
    %dma_wait3A_67 = arith.constant 0 : i32
    %dma_wait3A_68 = tpu.memref_slice %arg2[%dma_wait3A_66, %dma_wait3A_67] : memref<10000x128xf32, #tpu.memory_space<hbm>> -> memref<10000x128xf32, #tpu.memory_space<hbm>>
    tpu.wait_indirect_dma semaphore(%arg15 : memref<!tpu.dma_semaphore, #tpu.memory_space<semaphore_mem>>) src(%dma_wait3A_68 : memref<10000x128xf32, #tpu.memory_space<hbm>>) dst(%dma_wait3A_65 : memref<16x128xf32, #tpu.memory_space<vmem>>)
    "tpu.region"() ({
      %run_scoped3A_75 = tpu.sem_alloc : memref<!tpu.dma_semaphore, #tpu.memory_space<semaphore_mem>>
      %dma_start3A_76 = arith.constant 0 : i32
      %dma_start3A_77 = arith.constant 0 : i32
      %dma_start3A_78 = tpu.memref_slice %arg12[%dma_start3A_76, %dma_start3A_77] : memref<128x128xf32, #tpu.memory_space<vmem>> -> memref<16x128xf32, #tpu.memory_space<vmem>>
      %dma_start3A_79 = arith.constant 0 : i32
      %dma_start3A_80 = arith.constant 0 : i32
      %dma_start3A_81 = tpu.memref_slice %arg14[%dma_start3A_79, %dma_start3A_80] : memref<10000x128xf32, #tpu.memory_space<vmem_shared>> -> memref<10000x128xf32, #tpu.memory_space<vmem_shared>>
      tpu.enqueue_indirect_dma source(%dma_start3A_78 : memref<16x128xf32, #tpu.memory_space<vmem>>) target(%dma_start3A_81 : memref<10000x128xf32, #tpu.memory_space<vmem_shared>>) offsets(%arg11 : memref<16xi32, #tpu.memory_space<vmem>>) semaphore(%run_scoped3A_75 : memref<!tpu.dma_semaphore, #tpu.memory_space<semaphore_mem>>) {add = true}
      %dma_wait3A_82 = arith.constant 0 : i32
      %dma_wait3A_83 = arith.constant 0 : i32
      %dma_wait3A_84 = tpu.memref_slice %arg12[%dma_wait3A_82, %dma_wait3A_83] : memref<128x128xf32, #tpu.memory_space<vmem>> -> memref<16x128xf32, #tpu.memory_space<vmem>>
      %dma_wait3A_85 = arith.constant 0 : i32
      %dma_wait3A_86 = arith.constant 0 : i32
      %dma_wait3A_87 = tpu.memref_slice %arg14[%dma_wait3A_85, %dma_wait3A_86] : memref<10000x128xf32, #tpu.memory_space<vmem_shared>> -> memref<10000x128xf32, #tpu.memory_space<vmem_shared>>
      tpu.wait_indirect_dma semaphore(%run_scoped3A_75 : memref<!tpu.dma_semaphore, #tpu.memory_space<semaphore_mem>>) src(%dma_wait3A_84 : memref<16x128xf32, #tpu.memory_space<vmem>>) dst(%dma_wait3A_87 : memref<10000x128xf32, #tpu.memory_space<vmem_shared>>)
      tpu.yield
    }) : () -> ()
    %barrier3A_69 = arith.constant 0 : index
    tpu.barrier barrier_id(%barrier3A_69)
    "tpu.region"() ({
      %run_scoped3A_75 = tpu.sem_alloc : memref<!tpu.dma_semaphore, #tpu.memory_space<semaphore_mem>>
      %dma_start3A_76 = arith.constant 0 : i32
      %dma_start3A_77 = arith.constant 0 : i32
      %dma_start3A_78 = tpu.memref_slice %arg7[%arg0, %dma_start3A_76, %dma_start3A_77] : memref<2x10000x128xf32, #tpu.memory_space<hbm>> -> memref<1x10000x128xf32, #tpu.memory_space<hbm>>
      %dma_start3A_79 = tpu.memref_squeeze %dma_start3A_78 : memref<1x10000x128xf32, #tpu.memory_space<hbm>> -> memref<10000x128xf32, #tpu.memory_space<hbm>>
      %dma_start3A_80 = arith.constant 0 : i32
      %dma_start3A_81 = tpu.memref_slice %dma_start3A_79[%mul3A_2, %dma_start3A_80] : memref<10000x128xf32, #tpu.memory_space<hbm>> -> memref<624x128xf32, #tpu.memory_space<hbm>>
      %dma_start3A_82 = arith.constant 0 : i32
      %dma_start3A_83 = tpu.memref_slice %arg14[%mul3A_2, %dma_start3A_82] : memref<10000x128xf32, #tpu.memory_space<vmem_shared>> -> memref<624x128xf32, #tpu.memory_space<vmem_shared>>
      tpu.enqueue_dma source(%dma_start3A_83 : memref<624x128xf32, #tpu.memory_space<vmem_shared>>) target(%dma_start3A_81 : memref<624x128xf32, #tpu.memory_space<hbm>>) target_semaphore(%run_scoped3A_75 : memref<!tpu.dma_semaphore, #tpu.memory_space<semaphore_mem>>)
      %dma_wait3A_84 = arith.constant 0 : i32
      %dma_wait3A_85 = arith.constant 0 : i32
      %dma_wait3A_86 = tpu.memref_slice %arg7[%arg0, %dma_wait3A_84, %dma_wait3A_85] : memref<2x10000x128xf32, #tpu.memory_space<hbm>> -> memref<1x10000x128xf32, #tpu.memory_space<hbm>>
      %dma_wait3A_87 = tpu.memref_squeeze %dma_wait3A_86 : memref<1x10000x128xf32, #tpu.memory_space<hbm>> -> memref<10000x128xf32, #tpu.memory_space<hbm>>
      %dma_wait3A_88 = arith.constant 0 : i32
      %dma_wait3A_89 = tpu.memref_slice %dma_wait3A_87[%mul3A_2, %dma_wait3A_88] : memref<10000x128xf32, #tpu.memory_space<hbm>> -> memref<624x128xf32, #tpu.memory_space<hbm>>
      %dma_wait3A_90 = arith.constant 0 : i32
      %dma_wait3A_91 = tpu.memref_slice %arg14[%mul3A_2, %dma_wait3A_90] : memref<10000x128xf32, #tpu.memory_space<vmem_shared>> -> memref<624x128xf32, #tpu.memory_space<vmem_shared>>
      tpu.wait_dma2 semaphore(%run_scoped3A_75 : memref<!tpu.dma_semaphore, #tpu.memory_space<semaphore_mem>>) src(%dma_wait3A_91 : memref<624x128xf32, #tpu.memory_space<vmem_shared>>) dst(%dma_wait3A_89 : memref<624x128xf32, #tpu.memory_space<hbm>>)
      tpu.yield
    }) : () -> ()
    %eq3A_70 = arith.constant 15 : i32
    %eq3A_71 = arith.cmpi eq, %arg1, %eq3A_70 : i32
    %convert_element_type3A_72 = arith.extui %eq3A_71 : i1 to i32
    %cond3A_73 = arith.constant 0 : i32
    %cond3A_74 = arith.cmpi ne, %convert_element_type3A_72, %cond3A_73 : i32
    scf.if %cond3A_74 {
      "tpu.region"() ({
        %run_scoped3A_75 = tpu.sem_alloc : memref<!tpu.dma_semaphore, #tpu.memory_space<semaphore_mem>>
        %dma_start3A_76 = arith.constant 0 : i32
        %dma_start3A_77 = arith.constant 0 : i32
        %dma_start3A_78 = tpu.memref_slice %arg7[%arg0, %dma_start3A_76, %dma_start3A_77] : memref<2x10000x128xf32, #tpu.memory_space<hbm>> -> memref<1x10000x128xf32, #tpu.memory_space<hbm>>
        %dma_start3A_79 = tpu.memref_squeeze %dma_start3A_78 : memref<1x10000x128xf32, #tpu.memory_space<hbm>> -> memref<10000x128xf32, #tpu.memory_space<hbm>>
        %dma_start3A_80 = arith.constant 9984 : i32
        %dma_start3A_81 = arith.constant 0 : i32
        %dma_start3A_82 = tpu.memref_slice %dma_start3A_79[%dma_start3A_80, %dma_start3A_81] : memref<10000x128xf32, #tpu.memory_space<hbm>> -> memref<16x128xf32, #tpu.memory_space<hbm>>
        %dma_start3A_83 = arith.constant 9984 : i32
        %dma_start3A_84 = arith.constant 0 : i32
        %dma_start3A_85 = tpu.memref_slice %arg14[%dma_start3A_83, %dma_start3A_84] : memref<10000x128xf32, #tpu.memory_space<vmem_shared>> -> memref<16x128xf32, #tpu.memory_space<vmem_shared>>
        tpu.enqueue_dma source(%dma_start3A_85 : memref<16x128xf32, #tpu.memory_space<vmem_shared>>) target(%dma_start3A_82 : memref<16x128xf32, #tpu.memory_space<hbm>>) target_semaphore(%run_scoped3A_75 : memref<!tpu.dma_semaphore, #tpu.memory_space<semaphore_mem>>)
        %dma_wait3A_86 = arith.constant 0 : i32
        %dma_wait3A_87 = arith.constant 0 : i32
        %dma_wait3A_88 = tpu.memref_slice %arg7[%arg0, %dma_wait3A_86, %dma_wait3A_87] : memref<2x10000x128xf32, #tpu.memory_space<hbm>> -> memref<1x10000x128xf32, #tpu.memory_space<hbm>>
        %dma_wait3A_89 = tpu.memref_squeeze %dma_wait3A_88 : memref<1x10000x128xf32, #tpu.memory_space<hbm>> -> memref<10000x128xf32, #tpu.memory_space<hbm>>
        %dma_wait3A_90 = arith.constant 9984 : i32
        %dma_wait3A_91 = arith.constant 0 : i32
        %dma_wait3A_92 = tpu.memref_slice %dma_wait3A_89[%dma_wait3A_90, %dma_wait3A_91] : memref<10000x128xf32, #tpu.memory_space<hbm>> -> memref<16x128xf32, #tpu.memory_space<hbm>>
        %dma_wait3A_93 = arith.constant 9984 : i32
        %dma_wait3A_94 = arith.constant 0 : i32
        %dma_wait3A_95 = tpu.memref_slice %arg14[%dma_wait3A_93, %dma_wait3A_94] : memref<10000x128xf32, #tpu.memory_space<vmem_shared>> -> memref<16x128xf32, #tpu.memory_space<vmem_shared>>
        tpu.wait_dma2 semaphore(%run_scoped3A_75 : memref<!tpu.dma_semaphore, #tpu.memory_space<semaphore_mem>>) src(%dma_wait3A_95 : memref<16x128xf32, #tpu.memory_space<vmem_shared>>) dst(%dma_wait3A_92 : memref<16x128xf32, #tpu.memory_space<hbm>>)
        tpu.yield
      }) : () -> ()
    } else {
    }
    return
  }
}

module attributes {stable_mosaic.version = 14 : i64} {
  func.func @body(%arg0: i32, %arg1: memref<1000x128xf32, #tpu.memory_space<vmem>>, %arg2: memref<128x128xf32, #tpu.memory_space<vmem>>, %arg3: memref<128x128xf32, #tpu.memory_space<vmem>>, %arg4: memref<128x128xf32, #tpu.memory_space<vmem>>, %arg5: memref<1x128xf32, #tpu.memory_space<vmem>>, %arg6: memref<1000x128xf32, #tpu.memory_space<vmem>>, %arg7: memref<128x128xf32, #tpu.memory_space<vmem>>) attributes {dimension_semantics = [#tpu.dimension_semantics<arbitrary>], iteration_bounds = array<i64: 10>, scalar_prefetch = 0 : i64, scratch_operands = 0 : i64, tpu.core_type = #tpu.core_type<tc>, window_params = [{transform_indices = @transform_0, window_bounds = array<i64: 1000, 128>}, {pipeline_mode = #tpu.pipeline_mode<synchronous>, transform_indices = @transform_1, window_bounds = array<i64: 128, 128>}, {pipeline_mode = #tpu.pipeline_mode<synchronous>, transform_indices = @transform_2, window_bounds = array<i64: 128, 128>}, {pipeline_mode = #tpu.pipeline_mode<synchronous>, transform_indices = @transform_3, window_bounds = array<i64: 128, 128>}, {pipeline_mode = #tpu.pipeline_mode<synchronous>, transform_indices = @transform_4, window_bounds = array<i64: 1, 128>}, {transform_indices = @transform_5, window_bounds = array<i64: 1000, 128>}, {pipeline_mode = #tpu.pipeline_mode<synchronous>, transform_indices = @transform_6, window_bounds = array<i64: 128, 128>}]} {
    %get3A = arith.constant 0 : index
    %get3A_0 = arith.constant 0 : index
    %get3A_1 = vector.load %arg1[%get3A, %get3A_0] : memref<1000x128xf32, #tpu.memory_space<vmem>>, vector<1000x128xf32>
    %get3A_2 = arith.constant 0 : index
    %get3A_3 = arith.constant 0 : index
    %get3A_4 = vector.load %arg3[%get3A_2, %get3A_3] : memref<128x128xf32, #tpu.memory_space<vmem>>, vector<128x128xf32>
    %dot_general3A = arith.constant dense<0.000000e+00> : vector<1000x128xf32>
    %dot_general3A_5 = tpu.matmul %get3A_1, %get3A_4, %dot_general3A {dimension_numbers = #tpu.dot_dimension_numbers<[1], [0], [0], [1], [0, 0, 1, 1], [], []>, transpose_lhs_hint = false} : vector<1000x128xf32>, vector<128x128xf32>, vector<1000x128xf32> -> vector<1000x128xf32>
    %get3A_6 = arith.constant 0 : index
    %get3A_7 = arith.constant 0 : index
    %get3A_8 = vector.load %arg5[%get3A_6, %get3A_7] : memref<1x128xf32, #tpu.memory_space<vmem>>, vector<1x128xf32>
    %add3A = vector.broadcast %get3A_8 : vector<1x128xf32> to vector<1000x128xf32>
    %add3A_9 = arith.addf %dot_general3A_5, %add3A : vector<1000x128xf32>
    %swap3A = arith.constant 0 : index
    %swap3A_10 = arith.constant 0 : index
    %swap3A_11 = vector.load %arg6[%swap3A, %swap3A_10] : memref<1000x128xf32, #tpu.memory_space<vmem>>, vector<1000x128xf32>
    tpu.vector_store %arg6[%swap3A, %swap3A_10], %add3A_9 {strides = array<i32>} : memref<1000x128xf32, #tpu.memory_space<vmem>>, vector<1000x128xf32>,
    %eq3A = arith.constant 0 : i32
    %eq3A_12 = arith.cmpi eq, %arg0, %eq3A : i32
    %convert_element_type3A = arith.extui %eq3A_12 : i1 to i32
    %cond3A = arith.constant 0 : i32
    %cond3A_13 = arith.cmpi ne, %convert_element_type3A, %cond3A : i32
    scf.if %cond3A_13 {
      %get3A_14 = arith.constant 0 : index
      %get3A_15 = arith.constant 0 : index
      %get3A_16 = vector.load %arg2[%get3A_14, %get3A_15] : memref<128x128xf32, #tpu.memory_space<vmem>>, vector<128x128xf32>
      %get3A_17 = arith.constant 0 : index
      %get3A_18 = arith.constant 0 : index
      %get3A_19 = vector.load %arg4[%get3A_17, %get3A_18] : memref<128x128xf32, #tpu.memory_space<vmem>>, vector<128x128xf32>
      %dot_general3A_20 = arith.constant dense<0.000000e+00> : vector<128x128xf32>
      %dot_general3A_21 = tpu.matmul %get3A_16, %get3A_19, %dot_general3A_20 {dimension_numbers = #tpu.dot_dimension_numbers<[1], [0], [0], [1], [0, 0, 1, 1], [], []>, transpose_lhs_hint = false} : vector<128x128xf32>, vector<128x128xf32>, vector<128x128xf32> -> vector<128x128xf32>
      %swap3A_22 = arith.constant 0 : index
      %swap3A_23 = arith.constant 0 : index
      %swap3A_24 = vector.load %arg7[%swap3A_22, %swap3A_23] : memref<128x128xf32, #tpu.memory_space<vmem>>, vector<128x128xf32>
      tpu.vector_store %arg7[%swap3A_22, %swap3A_23], %dot_general3A_21 {strides = array<i32>} : memref<128x128xf32, #tpu.memory_space<vmem>>, vector<128x128xf32>,
    } else {
    }
    return
  }
  func.func @transform_0(%arg0: i32) -> (i32, i32) {
    %c0_i32 = arith.constant 0 : i32
    %c0_i32_0 = arith.constant 0 : i32
    return %arg0, %c0_i32 : i32, i32
  }
  func.func @transform_1(%arg0: i32) -> (i32, i32) {
    %c0_i32 = arith.constant 0 : i32
    %c0_i32_0 = arith.constant 0 : i32
    %c0_i32_1 = arith.constant 0 : i32
    return %c0_i32, %c0_i32_0 : i32, i32
  }
  func.func @transform_2(%arg0: i32) -> (i32, i32) {
    %c0_i32 = arith.constant 0 : i32
    %c0_i32_0 = arith.constant 0 : i32
    %c0_i32_1 = arith.constant 0 : i32
    return %c0_i32, %c0_i32_0 : i32, i32
  }
  func.func @transform_3(%arg0: i32) -> (i32, i32) {
    %c0_i32 = arith.constant 0 : i32
    %c0_i32_0 = arith.constant 0 : i32
    %c0_i32_1 = arith.constant 0 : i32
    return %c0_i32, %c0_i32_0 : i32, i32
  }
  func.func @transform_4(%arg0: i32) -> (i32, i32) {
    %c0_i32 = arith.constant 0 : i32
    %c0_i32_0 = arith.constant 0 : i32
    %c0_i32_1 = arith.constant 0 : i32
    return %c0_i32, %c0_i32_0 : i32, i32
  }
  func.func @transform_5(%arg0: i32) -> (i32, i32) {
    %c0_i32 = arith.constant 0 : i32
    %c0_i32_0 = arith.constant 0 : i32
    return %arg0, %c0_i32 : i32, i32
  }
  func.func @transform_6(%arg0: i32) -> (i32, i32) {
    %c0_i32 = arith.constant 0 : i32
    %c0_i32_0 = arith.constant 0 : i32
    %c0_i32_1 = arith.constant 0 : i32
    return %c0_i32, %c0_i32_0 : i32, i32
  }
}

module attributes {stable_mosaic.version = 14 : i64} {
  func.func @body(%arg0: i32, %arg1: memref<2000x128xf32, #tpu.memory_space<vmem>>, %arg2: memref<2x2000x128xf32, #tpu.memory_space<vmem>>, %arg3: memref<128x128xf32, #tpu.memory_space<vmem>>, %arg4: memref<2000x128xf32, #tpu.memory_space<vmem>>) attributes {dimension_semantics = [#tpu.dimension_semantics<arbitrary>], iteration_bounds = array<i64: 5>, scalar_prefetch = 0 : i64, scratch_operands = 0 : i64, tpu.core_type = #tpu.core_type<tc>, window_params = [{transform_indices = @transform_0, window_bounds = array<i64: 2000, 128>}, {transform_indices = @transform_1, window_bounds = array<i64: 2, 2000, 128>}, {pipeline_mode = #tpu.pipeline_mode<synchronous>, transform_indices = @transform_2, window_bounds = array<i64: 128, 128>}, {transform_indices = @transform_3, window_bounds = array<i64: 2000, 128>}]} {
    %get3A = arith.constant 0 : index
    %get3A_0 = arith.constant 0 : index
    %get3A_1 = arith.constant 0 : index
    %get3A_2 = vector.load %arg2[%get3A, %get3A_0, %get3A_1] : memref<2x2000x128xf32, #tpu.memory_space<vmem>>, vector<1x2000x128xf32>
    %get3A_3 = vector.shape_cast %get3A_2 : vector<1x2000x128xf32> to vector<2000x128xf32>
    %get3A_4 = arith.constant 1 : index
    %get3A_5 = arith.constant 0 : index
    %get3A_6 = arith.constant 0 : index
    %get3A_7 = vector.load %arg2[%get3A_4, %get3A_5, %get3A_6] : memref<2x2000x128xf32, #tpu.memory_space<vmem>>, vector<1x2000x128xf32>
    %get3A_8 = vector.shape_cast %get3A_7 : vector<1x2000x128xf32> to vector<2000x128xf32>
    %add3A = arith.addf %get3A_3, %get3A_8 : vector<2000x128xf32>
    %get3A_9 = arith.constant 0 : index
    %get3A_10 = arith.constant 0 : index
    %get3A_11 = vector.load %arg1[%get3A_9, %get3A_10] : memref<2000x128xf32, #tpu.memory_space<vmem>>, vector<2000x128xf32>
    %get3A_12 = arith.constant 0 : index
    %get3A_13 = arith.constant 0 : index
    %get3A_14 = vector.load %arg3[%get3A_12, %get3A_13] : memref<128x128xf32, #tpu.memory_space<vmem>>, vector<128x128xf32>
    %dot_general3A = arith.constant dense<0.000000e+00> : vector<2000x128xf32>
    %dot_general3A_15 = tpu.matmul %add3A, %get3A_14, %dot_general3A {dimension_numbers = #tpu.dot_dimension_numbers<[1], [0], [0], [1], [0, 0, 1, 1], [], []>, transpose_lhs_hint = false} : vector<2000x128xf32>, vector<128x128xf32>, vector<2000x128xf32> -> vector<2000x128xf32>
    %add3A_16 = arith.addf %get3A_11, %dot_general3A_15 : vector<2000x128xf32>
    %max3A = arith.constant 0.000000e+00 : f32
    %max3A_17 = vector.broadcast %max3A : f32 to vector<2000x128xf32>
    %max3A_18 = arith.maximumf %add3A_16, %max3A_17 : vector<2000x128xf32>
    %swap3A = arith.constant 0 : index
    %swap3A_19 = arith.constant 0 : index
    %swap3A_20 = vector.load %arg4[%swap3A, %swap3A_19] : memref<2000x128xf32, #tpu.memory_space<vmem>>, vector<2000x128xf32>
    tpu.vector_store %arg4[%swap3A, %swap3A_19], %max3A_18 {strides = array<i32>} : memref<2000x128xf32, #tpu.memory_space<vmem>>, vector<2000x128xf32>,
    return
  }
  func.func @transform_0(%arg0: i32) -> (i32, i32) {
    %c0_i32 = arith.constant 0 : i32
    %c0_i32_0 = arith.constant 0 : i32
    return %arg0, %c0_i32 : i32, i32
  }
  func.func @transform_1(%arg0: i32) -> (i32, i32, i32) {
    %c0_i32 = arith.constant 0 : i32
    %c0_i32_0 = arith.constant 0 : i32
    %c0_i32_1 = arith.constant 0 : i32
    return %c0_i32, %arg0, %c0_i32_0 : i32, i32, i32
  }
  func.func @transform_2(%arg0: i32) -> (i32, i32) {
    %c0_i32 = arith.constant 0 : i32
    %c0_i32_0 = arith.constant 0 : i32
    %c0_i32_1 = arith.constant 0 : i32
    return %c0_i32, %c0_i32_0 : i32, i32
  }
  func.func @transform_3(%arg0: i32) -> (i32, i32) {
    %c0_i32 = arith.constant 0 : i32
    %c0_i32_0 = arith.constant 0 : i32
    return %arg0, %c0_i32 : i32, i32
  }
}

module attributes {stable_mosaic.version = 14 : i64} {
  func.func @body(%arg0: i32, %arg1: memref<2000x128xf32, #tpu.memory_space<vmem>>, %arg2: memref<2x2000x128xf32, #tpu.memory_space<vmem>>, %arg3: memref<128x128xf32, #tpu.memory_space<vmem>>, %arg4: memref<2000x128xf32, #tpu.memory_space<vmem>>) attributes {dimension_semantics = [#tpu.dimension_semantics<arbitrary>], iteration_bounds = array<i64: 5>, scalar_prefetch = 0 : i64, scratch_operands = 0 : i64, tpu.core_type = #tpu.core_type<tc>, window_params = [{transform_indices = @transform_0, window_bounds = array<i64: 2000, 128>}, {transform_indices = @transform_1, window_bounds = array<i64: 2, 2000, 128>}, {pipeline_mode = #tpu.pipeline_mode<synchronous>, transform_indices = @transform_2, window_bounds = array<i64: 128, 128>}, {transform_indices = @transform_3, window_bounds = array<i64: 2000, 128>}]} {
    %get3A = arith.constant 0 : index
    %get3A_0 = arith.constant 0 : index
    %get3A_1 = arith.constant 0 : index
    %get3A_2 = vector.load %arg2[%get3A, %get3A_0, %get3A_1] : memref<2x2000x128xf32, #tpu.memory_space<vmem>>, vector<1x2000x128xf32>
    %get3A_3 = vector.shape_cast %get3A_2 : vector<1x2000x128xf32> to vector<2000x128xf32>
    %get3A_4 = arith.constant 1 : index
    %get3A_5 = arith.constant 0 : index
    %get3A_6 = arith.constant 0 : index
    %get3A_7 = vector.load %arg2[%get3A_4, %get3A_5, %get3A_6] : memref<2x2000x128xf32, #tpu.memory_space<vmem>>, vector<1x2000x128xf32>
    %get3A_8 = vector.shape_cast %get3A_7 : vector<1x2000x128xf32> to vector<2000x128xf32>
    %add3A = arith.addf %get3A_3, %get3A_8 : vector<2000x128xf32>
    %get3A_9 = arith.constant 0 : index
    %get3A_10 = arith.constant 0 : index
    %get3A_11 = vector.load %arg1[%get3A_9, %get3A_10] : memref<2000x128xf32, #tpu.memory_space<vmem>>, vector<2000x128xf32>
    %get3A_12 = arith.constant 0 : index
    %get3A_13 = arith.constant 0 : index
    %get3A_14 = vector.load %arg3[%get3A_12, %get3A_13] : memref<128x128xf32, #tpu.memory_space<vmem>>, vector<128x128xf32>
    %dot_general3A = arith.constant dense<0.000000e+00> : vector<2000x128xf32>
    %dot_general3A_15 = tpu.matmul %add3A, %get3A_14, %dot_general3A {dimension_numbers = #tpu.dot_dimension_numbers<[1], [0], [0], [1], [0, 0, 1, 1], [], []>, transpose_lhs_hint = false} : vector<2000x128xf32>, vector<128x128xf32>, vector<2000x128xf32> -> vector<2000x128xf32>
    %add3A_16 = arith.addf %get3A_11, %dot_general3A_15 : vector<2000x128xf32>
    %max3A = arith.constant 0.000000e+00 : f32
    %max3A_17 = vector.broadcast %max3A : f32 to vector<2000x128xf32>
    %max3A_18 = arith.maximumf %add3A_16, %max3A_17 : vector<2000x128xf32>
    %swap3A = arith.constant 0 : index
    %swap3A_19 = arith.constant 0 : index
    %swap3A_20 = vector.load %arg4[%swap3A, %swap3A_19] : memref<2000x128xf32, #tpu.memory_space<vmem>>, vector<2000x128xf32>
    tpu.vector_store %arg4[%swap3A, %swap3A_19], %max3A_18 {strides = array<i32>} : memref<2000x128xf32, #tpu.memory_space<vmem>>, vector<2000x128xf32>,
    return
  }
  func.func @transform_0(%arg0: i32) -> (i32, i32) {
    %c0_i32 = arith.constant 0 : i32
    %c0_i32_0 = arith.constant 0 : i32
    return %arg0, %c0_i32 : i32, i32
  }
  func.func @transform_1(%arg0: i32) -> (i32, i32, i32) {
    %c0_i32 = arith.constant 0 : i32
    %c0_i32_0 = arith.constant 0 : i32
    %c0_i32_1 = arith.constant 0 : i32
    return %c0_i32, %arg0, %c0_i32_0 : i32, i32, i32
  }
  func.func @transform_2(%arg0: i32) -> (i32, i32) {
    %c0_i32 = arith.constant 0 : i32
    %c0_i32_0 = arith.constant 0 : i32
    %c0_i32_1 = arith.constant 0 : i32
    return %c0_i32, %c0_i32_0 : i32, i32
  }
  func.func @transform_3(%arg0: i32) -> (i32, i32) {
    %c0_i32 = arith.constant 0 : i32
    %c0_i32_0 = arith.constant 0 : i32
    return %arg0, %c0_i32 : i32, i32
  }
}

</mosaic_0001>

<sc_bundles>
// kernel: kernel.11.cloned.1.call-start
scs
__scs_entry_jumppad:
0x0: {  	(pc) =	sbr.rel $0x88, $3  }
0x1: {  	(tag) =	ssettag $0x0;
	lr =	simm.s32 $0x1  }
0x2: {  	[smem:$0x3F9B] =	sst lr;
	_ =	strace $0xD0000000  }
0x3: {  	_ = 	snop  }
0x4: {  	_ = 	snop  }
0x5: {  	_ = 	snop  }
0x6: {  	_ = 	snop  }
0x7: {  	_ = 	snop  }
__scs_overlays_trampoline_lowered:
0x8: {  	[smem:$0x3FAA] =	sst s0  }
0x9: {  	[smem:$0x3FAB] =	sst s1  }
0xa: {  	[smem:$0x3FAC] =	sst s2  }
0xb: {  	[smem:$0x3FAD] =	sst s3  }
0xc: {  	[smem:$0x3FAE] =	sst s4  }
0xd: {  	[smem:$0x3FAF] =	sst s5  }
0xe: {  	[smem:$0x3FB0] =	sst s6  }
0xf: {  	[smem:$0x3FB1] =	sst s7  }
0x10: {  	[smem:$0x3FB2] =	sst s8  }
0x11: {  	[smem:$0x3FB3] =	sst s9;
	s0 =	simm.s32 @!p0 $0x0  }
0x12: {  	s1 =	sld [smem:$0x3F99];
	s0 =	simm.s32 @p0 $0x1  }
0x13: {  	[smem:$0x3FB4] =	sst s0;
	s0 =	simm.s32 @!p1 $0x0  }
0x14: {  	s2 =	sld [smem:$0x3F98];
	s0 =	simm.s32 @p1 $0x1  }
0x15: {  	[smem:$0x3FB5] =	sst s0;
	s0 =	simm.s32 @!p2 $0x0  }
0x16: {  	s3 =	sld [smem:$0x3FDB];
	s0 =	simm.s32 @p2 $0x1  }
0x17: {  	s4 =	simm.s32 $0x1BF5;
	[smem:$0x3FB7] =	sst s0  }
0x18: {  	s0 =	sld [smem:$0x3F9A];
	_ =	swait.ge [sflag:s4], $0x0  }
0x19: {  	s7 =	sld [smem:$0x3F9B]  }
0x1a: {  	s8 =	sadd.s32 $0xFFFFE003, lr  }
0x1b: {  	s9 =	sadd.s32 $0xFFFFFEF7, lr;
	s5 =	simm.s32 $0xFFFFFFFF;
	p2 =	slt.u32 s8, $0xFFFFF086  }
0x1c: {  	p1 =	slt.u32 s9, $0xF7A;
	s5 =	simm.s32 @!p2 $0x0  }
0x1d: {  	s5 =	simm.s32 @p1 $0x1;
	p0 =	seq.s32 s7, s2  }
0x1e: {  	s7 =	smul.u32 @!p0 $0xF7A, s2;
	p2 =	seq.s32 @!p0 s5, $0x0  }
0x1f: {  	s9 =	smul.u32 $0xF7A, s1;
	s8 =	simm.s32 @!p0 $0x1BF5;
	p2 =	por !p2, p0  }
0x20: {  	[sflag:s8] =	ssyncset.s32 @!p0 $0xFFFFF086;
	s6 =	sadd.s32 @!p0 s3, s7;
	s7 =	simm.s32 @!p0 $0x108  }
0x21: {  	s3 =	sadd.s32 s3, s9;
	s6 =	sadd.s32 @!p0 $0x88, s6;
	s7 =	simm.s32 @p2 $0x1082  }
0x22: {  	[simem:s7], [sflag:s8] =	dma.local @!p0 [hbm:s6], $0xF7A  }
0x23: {  	s9 =	sor.u32 $0xD0000000, s2;
	s6 =	simm.s32 $0x108;
	_ =	swait.ge @!p0 [sflag:s8], $0x0  }
0x24: {  	s3 =	sadd.s32 $0x88, s3;
	s6 =	simm.s32 @!p1 $0x1082;
	[sflag:s4] =	ssyncset.s32 $0xFFFFF086  }
0x25: {  	[simem:s6], [sflag:s4] =	dma.local [hbm:s3], $0xF7A  }
0x26: {  	[smem:$0x3F9B] =	sst s1;
	(tag) =	ssettag s2;
	_ =	strace s9  }
0x27: {  	s1 =	sld [smem:$0x3FAB]  }
0x28: {  	s2 =	sld [smem:$0x3FAC]  }
0x29: {  	s4 =	sld [smem:$0x3FAE]  }
0x2a: {  	p0 =	seq.s32 s5, $0x0;
	s5 =	sld [smem:$0x3FAF]  }
0x2b: {  	s6 =	sld [smem:$0x3FB0]  }
0x2c: {  	s7 =	sld [smem:$0x3FB1]  }
0x2d: {  	s3 =	simm.s32 $0x108;
	s8 =	sld [smem:$0x3FB2]  }
0x2e: {  	s3 =	simm.s32 @!p0 $0x1082;
	s9 =	sld [smem:$0x3FB3]  }
0x2f: {  	lr =	sadd.s32 s0, s3;
	s0 =	sld [smem:$0x3FAA]  }
0x30: {  	s3 =	sld [smem:$0x3FAD]  }
0x31: {  	[smem:$0x3FB6] =	sst s10  }
0x32: {  	s10 =	sld [smem:$0x3FB4];
	_ =	sdelay $0x3  }
0x33: {  	p0 =	seq.s32 s10, $0x1;
	s10 =	sld [smem:$0x3FB6];
	_ =	sdelay $0x3  }
0x34: {  	[smem:$0x3FB6] =	sst s10  }
0x35: {  	s10 =	sld [smem:$0x3FB5];
	_ =	sdelay $0x3  }
0x36: {  	p1 =	seq.s32 s10, $0x1;
	s10 =	sld [smem:$0x3FB6];
	_ =	sdelay $0x3  }
0x37: {  	[smem:$0x3FB6] =	sst s10  }
0x38: {  	s10 =	sld [smem:$0x3FB7]  }
0x39: {  	_ = 	snop;
	(pc) =	sbr.ind lr, $3  }
0x3a: {  	_ = 	snop  }
0x3b: {  	_ = 	snop  }
0x3c: {  	p2 =	seq.s32 s10, $0x1;
	s10 =	sld [smem:$0x3FB6]  }
0x3d: {  	_ =	shalt  }
0x3e: {  	_ =	shalt  }
0x3f: {  	_ =	shalt  }
0x40: {  	_ =	shalt  }
0x41: {  	_ =	shalt  }
0x42: {  	_ =	shalt  }
0x43: {  	_ =	shalt  }
0x44: {  	_ =	shalt  }
0x45: {  	_ =	shalt  }
0x46: {  	_ =	shalt  }
0x47: {  	_ =	shalt  }
0x48: {  	_ =	shalt  }
0x49: {  	_ =	shalt  }
0x4a: {  	_ =	shalt  }
0x4b: {  	_ =	shalt  }
0x4c: {  	_ =	shalt  }
0x4d: {  	_ =	shalt  }
0x4e: {  	_ =	shalt  }
0x4f: {  	_ =	shalt  }
0x50: {  	_ =	shalt  }
0x51: {  	_ =	shalt  }
0x52: {  	_ =	shalt  }
0x53: {  	_ =	shalt  }
0x54: {  	_ =	shalt  }
0x55: {  	_ =	shalt  }
0x56: {  	_ =	shalt  }
0x57: {  	_ =	shalt  }
0x58: {  	_ =	shalt  }
0x59: {  	_ =	shalt  }
0x5a: {  	_ =	shalt  }
0x5b: {  	_ =	shalt  }
0x5c: {  	_ =	shalt  }
0x5d: {  	_ =	shalt  }
0x5e: {  	_ =	shalt  }
0x5f: {  	_ =	shalt  }
0x60: {  	_ =	shalt  }
0x61: {  	_ =	shalt  }
0x62: {  	_ =	shalt  }
0x63: {  	_ =	shalt  }
0x64: {  	_ =	shalt  }
0x65: {  	_ =	shalt  }
0x66: {  	_ =	shalt  }
0x67: {  	_ =	shalt  }
0x68: {  	_ =	shalt  }
0x69: {  	_ =	shalt  }
0x6a: {  	_ =	shalt  }
0x6b: {  	_ =	shalt  }
0x6c: {  	_ =	shalt  }
0x6d: {  	_ =	shalt  }
0x6e: {  	_ =	shalt  }
0x6f: {  	_ =	shalt  }
0x70: {  	_ =	shalt  }
0x71: {  	_ =	shalt  }
0x72: {  	_ =	shalt  }
0x73: {  	_ =	shalt  }
0x74: {  	_ =	shalt  }
0x75: {  	_ =	shalt  }
0x76: {  	_ =	shalt  }
0x77: {  	_ =	shalt  }
0x78: {  	_ =	shalt  }
0x79: {  	_ =	shalt  }
0x7a: {  	_ =	shalt  }
0x7b: {  	_ =	shalt  }
0x7c: {  	_ =	shalt  }
0x7d: {  	_ =	shalt  }
0x7e: {  	_ =	shalt  }
0x7f: {  	_ =	shalt  }
0x80: {  	_ =	shalt  }
0x81: {  	_ =	shalt  }
0x82: {  	_ =	shalt  }
0x83: {  	_ =	shalt  }
0x84: {  	_ =	shalt  }
0x85: {  	_ =	shalt  }
0x86: {  	_ =	shalt  }
0x87: {  	_ =	shalt  }
.Lfunc_end0:
.L_simem_size_0:
called_computation_lowered:
.L_overlay_start_0:
0x88: {  	s2 =	sld [smem:$0x3FD9]  }
0x89: {  	s3 =	sld [smem:$0x3FFE];
	_ =	sdelay $0x1  }
0x8a: {  	s1 =	srdreg.scid  }
0x8b: {  	s0 =	sand.u32 $0x1, s1  }
0x8c: {  	s17 =	sshll.u32 s0, $0xA;
	s2 =	sadd.s32 s3, s2  }
0x8d: {  	s2 =	sadd.s32 s2, s17  }
0x8e: {  	[smem:$0x3FC2] =	sst s2  }
0x8f: {  	_ = 	snop  }
0x90: {  	s2 =	sld [smem:$0x3FC9];
	(tm) =	ssettm $0x1  }
0x91: {  	s18 =	sld [smem:$0x3FFB];
	_ =	sdelay $0x3  }
0x92: {  	_ =	strace s18  }
0x93: {  	s3 =	sld [smem:$0x3FFC];
	_ =	sdelay $0x3  }
0x94: {  	_ =	strace s3  }
0x95: {  	s3 =	sld [smem:$0x3FFD];
	_ =	sdelay $0x3  }
0x96: {  	_ =	strace s3  }
0x97: {  	_ =	strace $0x8FFFFFFF  }
0x98: {  	s19 =	sld [smem:$0x3FDB];
	_ =	sdelay $0x1  }
0x99: {  	s4 =	simm.s32 $_scs_section_size  }
0x9a: {  	s5 =	simm.s32 $_size__tile_overlayer_lowered;
	s6 =	simm.s32 $_tile_overlayer_lowered  }
0x9b: {  	s22 =	simm.s32 $0x1BFF;
	s21 =	sshll.u32 s6, $0x1;
	s3 =	sadd.s32 s4, s19  }
0x9c: {  	s7 =	simm.s32 $0x0;
	s20 =	sshll.u32 s5, $0x1;
	s5 =	sadd.s32 s21, s3  }
0x9d: {  	[timem:s7], [sflag:s22] =	dma.local [hbm:s5], s20  }
0x9e: {  	_ =	swait.ge [sflag:s22], s20  }
0x9f: {  	s4 =	ssub.s32 $0x0, s20;
	[sflag:s22] =	ssyncset.done $0x0  }
0xa0: {  	[sflag:s22] =	ssyncadd.s32 s4;
	_ =	sdelay $0x1  }
0xa1: {  	s23 =	simm.s32 $0x1B8B  }
0xa2: {  	_ =	swait.ge [sflag:s23], $0x1  }
0xa3: {  	[sflag:s23] =	ssyncset.done $0x0  }
0xa4: {  	s25 =	simm.s32 $0x1B8E;
	s24 =	sld [smem:$0x3FFE];
	[sflag:s23] =	ssyncadd.s32 $0xFFFFFFFF  }
0xa5: {  	s26 =	simm.s32 $execute0_lowered;
	[smem:$0x3FD2] =	sst s25  }
0xa6: {  	s5 =	sshll.u32 s26, $0x1;
	_ =	strace $0x80000046;
	[dreg:$0x1] =	wrdreg $0xFFFFFFFF  }
0xa7: {  	s28 =	simm.s32 $_size_execute0_lowered;
	s3 =	sadd.s32 s3, s5;
	[dreg:$0x0] =	wrdreg $0x0  }
0xa8: {  	s5 =	sshll.u32 s28, $0x1;
	[dreg:$0x2] =	wrdreg s3  }
0xa9: {  	[dreg:$0x3] =	wrdreg s5  }
0xaa: {  	[dreg:$0x4] =	wrdreg $0xC0  }
0xab: {  	_ =	task [dreg:s7], $0x5FFFF  }
0xac: {  	[dreg:$0x1] =	wrdreg $0xFFFFFFFF  }
0xad: {  	[dreg:$0x0] =	wrdreg $0x60  }
0xae: {  	[dreg:$0x2] =	wrdreg s2  }
0xaf: {  	[dreg:$0x3] =	wrdreg s24  }
0xb0: {  	[dreg:$0x4] =	wrdreg $0xBD000  }
0xb1: {  	[dreg:$0x5] =	wrdreg $0x9  }
0xb2: {  	_ =	task.clear_ibuf [dreg:s7], $0x6FFFF;
	_ =	strace $0x90000046  }
0xb3: {  	s29 =	simm.s32 $0x9;
	_ =	strace $0x80000048  }
0xb4: {  	_ =	swait.ge [sflag:s29], $0x1  }
0xb5: {  	[sflag:s29] =	ssyncadd.s32 $0xFFFFFFFF  }
0xb6: {  	_ =	strace $0x90000048  }
0xb7: {  	_ =	sfence  }
0xb8: {  	s30 =	sld [smem:$0x0];
	_ =	sdelay $0x2  }
0xb9: {  	s31 =	sshll.u32 s1, $0xD;
	s1 =	sshrl.u32 s1, $0x2  }
0xba: {  	s3 =	sand.u32 $0x4000, s31;
	s1 =	sadd.s32 s1, s30  }
0xbb: {  	s0 =	sor.u32 s3, s0;
	s1 =	sshll.u32 s1, $0x11  }
0xbc: {  	s0 =	sor.u32 s1, s0  }
0xbd: {  	s0 =	sadd.s32 $0x8F2B, s0  }
0xbe: {  	[sflag:s0] =	ssyncadd.remote.s32 $0x1  }
0xbf: {  	_ =	sfence.sel $0xFFFF  }
0xc0: {  	[dreg:$0x0] =	wrdreg $0xFFFFFFFF;
	(pc) =	sbr.abs _section_cstart, $3  }
0xc1: {  	[dreg:$0x1] =	wrdreg $0xFFFFFFFF  }
0xc2: {  	_ =	task.clear_ibuf [dreg:s7], $0x2FFFF;
	_ =	strace $0x9FFFFFFF  }
0xc3: {  	(tm) =	ssettm $0x7FFFFFFF  }
tec
execute0_lowered:
.L_overlay_start_1:
0x0: {  	(tag) =	ssettag $0x1  }
0x1: {  	s0 =	rddreg [dreg:$0x0]  }
0x2: {  	s5 =	rddreg [dreg:$0x1]  }
0x3: {  	s1 =	srdreg.scid;
	s3 =	rddreg [dreg:$0x2]  }
0x4: {  	s2 =	stileid.u32;
	s4 =	simm.s32 $0x0;
	s17 =	simm.s32 $0x3  }
0x5: {  	s18 =	simm.s32 $0x3C00;
	s19 =	simm.s32 $0x3C80;
	s20 =	simm.s32 $0x80  }
0x6: {  	s21 =	simm.s32 $0x3D00;
	s29 =	simm.s32 $0x3B00;
	s30 =	simm.s32 $0x10  }
0x7: {  	s31 =	simm.s32 $0x0;
	s1 =	sand.u32 $0x1, s1;
	[smem:$0x7FF] =	sst s4  }
0x8: {  	s22 =	sshll.u32 s2, $0x4;
	s23 =	smul.u32 $0x4E000, s2;
	s13 =	sadd.s32 $0x138000, s3  }
0x9: {  	p0 =	sne.s32 s2, $0xF;
	s6 =	sshll.u32 s1, $0x4;
	_ =	strace $0x80000047  }
0xa: {  	s8 =	smul.u32 $0x27100, s1;
	s1 =	ssub.s32 $0x2, s1;
	s6 =	sor.u32 s2, s6  }
0xb: {  	s24 =	sshrl.u32 s1, $0x1;
	s26 =	sshrl.u32 s23, $0x2;
	s23 =	simm.s32 $0x2800  }
0xc: {  	s7 =	smul.u32 $0x500, s6;
	s6 =	sshll.u32 s6, $0x4;
	s15 =	sadd.s32 s8, s5  }
0xd: {  	s1 =	ssub.s32 s1, s24;
	s8 =	sadd.s32 s26, s3;
	s24 =	simm.s32 $0x1  }
0xe: {  	s26 =	simm.s32 $0x2;
	s6 =	sand.u32 $0x180, s6;
	s10 =	sadd.s32 $0x8000, s8  }
0xf: {  	s11 =	sadd.s32 $0xC000, s8;
	s12 =	sadd.s32 $0x10000, s8;
	s15 =	sadd.s32 $0x17E00, s15  }
0x10: {  	s16 =	smax.u32 s1, $0x1;
	s14 =	sadd.s32 s7, s5;
	s7 =	sand.u32 $0x70, s22  }
0x11: {  	s22 =	simm.s32 $0x7D00;
	s6 =	sor.u32 s7, s6;
	s25 =	sadd.s32 $0x3E00, s14  }
0x12: {  	s9 =	sadd.s32 s6, s5;
	[dreg:$0x4] =	wrdreg s25;
	s25 =	smul.u32 $0x2700, s2  }
0x13: {  	s14 =	sadd.s32 $0xDE00, s14;
	s28 =	sadd.s32 $0x3C00, s9;
	s7 =	sadd.s32 $0x3A00, s9  }
0x14: {  	v0 =	vimm.f32 $0.0e+00;
	s9 =	sadd.s32 $0x4000, s8;
	[dreg:$0x5] =	wrdreg s28;
	s25 =	sadd.s32 s25, s15  }
.LBB2_1:
0x15: {  	s1 =	rddreg [dreg:$0x4]  }
0x16: {  	[tilespmem:s4], [sflag:$0x3] =	stream.linear.gather [hbm4b:s1+s4], $0x2700, $0x38;
	[tilespmem:$0x1F580] =	vst v63  }
0x17: {  	_ =	swait.ge [sflag:s17], $0x2700  }
0x18: {  	[sflag:s17] =	ssyncset.done $0x0  }
0x19: {  	s6 =	rddreg [dreg:$0x5];
	[sflag:s17] =	ssyncadd.s32 $0xFFFFD900  }
0x1a: {  	[tilespmem:s18], [sflag:$0x3] =	stream.linear.gather [hbm4b:s6+s4], $0x80, $0x38;
	[tilespmem:$0x1F580] =	vst v63  }
0x1b: {  	_ =	swait.ge [sflag:s17], $0x80  }
0x1c: {  	[sflag:s17] =	ssyncset.done $0x0  }
0x1d: {  	[sflag:s17] =	ssyncadd.s32 $0xFFFFFF80  }
0x1e: {  	[tilespmem:s19], [sflag:$0x3] =	stream.linear.gather [hbm4b:s7+s4], $0x80, $0x38;
	[tilespmem:$0x1F580] =	vst v63  }
0x1f: {  	_ =	swait.ge [sflag:s17], $0x80  }
0x20: {  	[sflag:s17] =	ssyncset.done $0x0  }
0x21: {  	s28 =	simm.s32 $0x200;
	s1 =	simm.s32 $0x0;
	[sflag:s17] =	ssyncadd.s32 $0xFFFFFF80  }
0x22: {  	[tilespmem:s21], [sflag:$0x1] =	stream.indirect.gather [hbm4b:s0+s20], $0x80, s4, s20, $0xb8;
	[tilespmem:$0x1F580] =	vst v63  }
.LBB2_2:
0x23: {  	p1 =	sne.s32 s28, $0xFE00;
	[tilespmem:s1+$0x7D70] =	vst v0  }
0x24: {  	[tilespmem:s1+$0x7D00] =	vst v0  }
0x25: {  	[tilespmem:s1+$0x7D10] =	vst v0  }
.Ltmp0:
0x26: {  	[tilespmem:s1+$0x7D20] =	vst v0;
	(pc) =	sbr.rel @p1 .LBB2_2-.Ltmp0, $4  }
0x27: {  	[tilespmem:s1+$0x7D30] =	vst v0  }
0x28: {  	[tilespmem:s1+$0x7D40] =	vst v0  }
0x29: {  	[tilespmem:s1+$0x7D50] =	vst v0  }
0x2a: {  	[tilespmem:s1+$0x7D60] =	vst v0;
	s1 =	sshra.s32 s28, $0x2;
	s28 =	sadd.s32 $0x200, s28  }
0x2b: {  	[tilespmem:s1+$0x7D70] =	vst v0  }
0x2c: {  	[tilespmem:s1+$0x7D00] =	vst v0  }
0x2d: {  	[tilespmem:s1+$0x7D10] =	vst v0  }
0x2e: {  	[tilespmem:s1+$0x7D20] =	vst v0  }
0x2f: {  	[tilespmem:s1+$0x7D30] =	vst v0  }
0x30: {  	[tilespmem:s1+$0x7D40] =	vst v0  }
0x31: {  	[tilespmem:s1+$0x7D50] =	vst v0  }
0x32: {  	[tilespmem:s1+$0x7D60] =	vst v0  }
0x33: {  	[spmem:s8] =	stream.linear.scatter [tilespmem:s22], [sflag:$0x3], $0x4000, $0x38;
	[tilespmem:$0x1F580] =	vst v63  }
0x34: {  	_ =	swait.ge [sflag:s17], $0x4000  }
0x35: {  	[sflag:s17] =	ssyncset.done $0x0  }
0x36: {  	[sflag:s17] =	ssyncadd.s32 $0xFFFFC000  }
0x37: {  	[spmem:s9] =	stream.linear.scatter [tilespmem:s22], [sflag:$0x3], $0x4000, $0x38;
	[tilespmem:$0x1F580] =	vst v63  }
0x38: {  	_ =	swait.ge [sflag:s17], $0x4000  }
0x39: {  	[sflag:s17] =	ssyncset.done $0x0  }
0x3a: {  	[sflag:s17] =	ssyncadd.s32 $0xFFFFC000  }
0x3b: {  	[spmem:s10] =	stream.linear.scatter [tilespmem:s22], [sflag:$0x3], $0x4000, $0x38;
	[tilespmem:$0x1F580] =	vst v63  }
0x3c: {  	_ =	swait.ge [sflag:s17], $0x4000  }
0x3d: {  	[sflag:s17] =	ssyncset.done $0x0  }
0x3e: {  	[sflag:s17] =	ssyncadd.s32 $0xFFFFC000  }
0x3f: {  	[spmem:s11] =	stream.linear.scatter [tilespmem:s22], [sflag:$0x3], $0x4000, $0x38;
	[tilespmem:$0x1F580] =	vst v63  }
0x40: {  	_ =	swait.ge [sflag:s17], $0x4000  }
0x41: {  	[sflag:s17] =	ssyncset.done $0x0  }
0x42: {  	[sflag:s17] =	ssyncadd.s32 $0xFFFFC000  }
0x43: {  	[spmem:s12] =	stream.linear.scatter [tilespmem:s22], [sflag:$0x3], $0x3800, $0x38;
	[tilespmem:$0x1F580] =	vst v63  }
0x44: {  	_ =	swait.ge [sflag:s17], $0x3800  }
0x45: {  	[sflag:s17] =	ssyncset.done $0x0  }
0x46: {  	s1 =	simm.s32 @!p0 $0x7D00;
	[sflag:s17] =	ssyncadd.s32 $0xFFFFC800  }
0x47: {  	[spmem:s13] =	stream.linear.scatter @!p0 [tilespmem:s1], [sflag:$0x3], $0x800, $0x38;
	[tilespmem:$0x1F580] =	vst v63  }
0x48: {  	s1 =	simm.s32 @!p0 $0x3  }
0x49: {  	_ =	swait.ge @!p0 [sflag:s1], $0x800  }
0x4a: {  	[sflag:s1] =	ssyncset.done @!p0 $0x0  }
0x4b: {  	[sflag:s1] =	ssyncadd.s32 @!p0 $0xFFFFF800  }
0x4c: {  	s5 =	simm.s32 $0x0;
	[bflag:$0x0] =	sbarrier.arrive $0xFFFF  }
0x4d: {  	[tilespmem:s23], [sflag:$0x3] =	stream.linear.gather [hbm4b:s14+s5], $0x1380, $0x38;
	[tilespmem:$0x1F580] =	vst v63  }
0x4e: {  	_ =	swait.ge [sflag:s17], $0x1380  }
0x4f: {  	[sflag:s17] =	ssyncset.done $0x0  }
0x50: {  	s6 =	simm.s32 $0x80;
	[sflag:s17] =	ssyncadd.s32 $0xFFFFEC80  }
0x51: {  	[tilespmem:s22], [sflag:$0x2] =	stream.indirect.gather [hbm4b:s0+s20], $0x80, s6, s20, $0xb8;
	[tilespmem:$0x1F580] =	vst v63  }
0x52: {  	_ =	swait.ge [sflag:s24], $0x4000  }
0x53: {  	[sflag:s24] =	ssyncset.done $0x0  }
0x54: {  	s2 =	simm.s32 $0x2800;
	[sflag:s24] =	ssyncadd.s32 $0xFFFFC000  }
0x55: {  	[spmem:s3] =	stream.indirect.scatter.add.f32 [tilespmem:s21], [sflag:$0x3], $0x80, s2, s20, $0xb8;
	[tilespmem:$0x1F580] =	vst v63  }
0x56: {  	_ =	swait.ge [sflag:s17], $0x4000  }
0x57: {  	[sflag:s17] =	ssyncset.done $0x0  }
0x58: {  	s5 =	simm.s32 $0x100;
	[sflag:s17] =	ssyncadd.s32 $0xFFFFC000  }
0x59: {  	[tilespmem:s21], [sflag:$0x1] =	stream.indirect.gather [hbm4b:s0+s20], $0x80, s5, s20, $0xb8;
	[tilespmem:$0x1F580] =	vst v63  }
0x5a: {  	_ =	swait.ge [sflag:s26], $0x4000  }
0x5b: {  	[sflag:s26] =	ssyncset.done $0x0  }
0x5c: {  	s6 =	simm.s32 $0x2880;
	[sflag:s26] =	ssyncadd.s32 $0xFFFFC000  }
0x5d: {  	[spmem:s3] =	stream.indirect.scatter.add.f32 [tilespmem:s22], [sflag:$0x3], $0x80, s6, s20, $0xb8;
	[tilespmem:$0x1F580] =	vst v63  }
0x5e: {  	_ =	swait.ge [sflag:s17], $0x4000  }
0x5f: {  	s28 =	simm.s32 $0x800;
	s1 =	simm.s32 $0x100;
	[sflag:s17] =	ssyncset.done $0x0  }
.LBB2_4:
0x60: {  	s2 =	sadd.s32 $0x80, s1  }
0x61: {  	[sflag:s17] =	ssyncadd.s32 $0xFFFFC000;
	s5 =	smov.u32 s28;
	s6 =	sadd.s32 $0x400, s28  }
0x62: {  	[tilespmem:s22], [sflag:$0x2] =	stream.indirect.gather [hbm4b:s0+s20], $0x80, s2, s20, $0xb8;
	[tilespmem:$0x1F580] =	vst v63  }
0x63: {  	p1 =	sne.s32 s28, $0x4800;
	_ =	swait.ge [sflag:s24], $0x4000  }
0x64: {  	[sflag:s24] =	ssyncset.done $0x0  }
0x65: {  	s2 =	sadd.s32 $0x2800, s1;
	[sflag:s24] =	ssyncadd.s32 $0xFFFFC000  }
0x66: {  	[spmem:s3] =	stream.indirect.scatter.add.f32 [tilespmem:s21], [sflag:$0x3], $0x80, s2, s20, $0xb8;
	[tilespmem:$0x1F580] =	vst v63  }
0x67: {  	_ =	swait.ge [sflag:s17], $0x4000  }
0x68: {  	[sflag:s17] =	ssyncset.done $0x0  }
0x69: {  	s2 =	sadd.s32 $0x100, s1;
	[sflag:s17] =	ssyncadd.s32 $0xFFFFC000  }
0x6a: {  	[tilespmem:s21], [sflag:$0x1] =	stream.indirect.gather [hbm4b:s0+s20], $0x80, s2, s20, $0xb8;
	[tilespmem:$0x1F580] =	vst v63  }
0x6b: {  	_ =	swait.ge [sflag:s26], $0x4000  }
.Ltmp1:
0x6c: {  	[sflag:s26] =	ssyncset.done $0x0;
	(pc) =	sbr.rel @p1 .LBB2_4-.Ltmp1, $4  }
0x6d: {  	s1 =	sadd.s32 $0x2880, s1;
	[sflag:s26] =	ssyncadd.s32 $0xFFFFC000  }
0x6e: {  	[spmem:s3] =	stream.indirect.scatter.add.f32 [tilespmem:s22], [sflag:$0x3], $0x80, s1, s20, $0xb8;
	[tilespmem:$0x1F580] =	vst v63  }
0x6f: {  	_ =	swait.ge [sflag:s17], $0x4000  }
0x70: {  	s28 =	smov.u32 s6;
	s1 =	sshra.s32 s5, $0x2;
	[sflag:s17] =	ssyncset.done $0x0  }
0x71: {  	s2 =	sadd.s32 $0x80, s1;
	[sflag:s17] =	ssyncadd.s32 $0xFFFFC000  }
0x72: {  	[tilespmem:s22], [sflag:$0x2] =	stream.indirect.gather [hbm4b:s0+s20], $0x80, s2, s20, $0xb8;
	[tilespmem:$0x1F580] =	vst v63  }
0x73: {  	_ =	swait.ge [sflag:s24], $0x4000  }
0x74: {  	[sflag:s24] =	ssyncset.done $0x0  }
0x75: {  	s5 =	sadd.s32 $0x2800, s1;
	[sflag:s24] =	ssyncadd.s32 $0xFFFFC000  }
0x76: {  	[spmem:s3] =	stream.indirect.scatter.add.f32 [tilespmem:s21], [sflag:$0x3], $0x80, s5, s20, $0xb8;
	[tilespmem:$0x1F580] =	vst v63  }
0x77: {  	_ =	swait.ge [sflag:s17], $0x4000  }
0x78: {  	[sflag:s17] =	ssyncset.done $0x0  }
0x79: {  	s6 =	sadd.s32 $0x100, s1;
	[sflag:s17] =	ssyncadd.s32 $0xFFFFC000  }
0x7a: {  	[tilespmem:s21], [sflag:$0x1] =	stream.indirect.gather [hbm4b:s0+s20], $0x80, s6, s20, $0xb8;
	[tilespmem:$0x1F580] =	vst v63  }
0x7b: {  	_ =	swait.ge [sflag:s26], $0x4000  }
0x7c: {  	[sflag:s26] =	ssyncset.done $0x0  }
0x7d: {  	s5 =	sadd.s32 $0x2880, s1;
	[sflag:s26] =	ssyncadd.s32 $0xFFFFC000  }
0x7e: {  	[spmem:s3] =	stream.indirect.scatter.add.f32 [tilespmem:s22], [sflag:$0x3], $0x80, s5, s20, $0xb8;
	[tilespmem:$0x1F580] =	vst v63  }
0x7f: {  	_ =	swait.ge [sflag:s17], $0x4000  }
0x80: {  	[sflag:s17] =	ssyncset.done $0x0  }
0x81: {  	s6 =	simm.s32 $0x1380;
	[sflag:s17] =	ssyncadd.s32 $0xFFFFC000  }
0x82: {  	[tilespmem:s22], [sflag:$0x2] =	stream.indirect.gather [hbm4b:s0+s20], $0x80, s6, s20, $0xb8;
	[tilespmem:$0x1F580] =	vst v63  }
0x83: {  	_ =	swait.ge [sflag:s24], $0x4000  }
0x84: {  	[sflag:s24] =	ssyncset.done $0x0  }
0x85: {  	[sflag:s24] =	ssyncadd.s32 $0xFFFFC000  }
0x86: {  	[spmem:s3] =	stream.indirect.scatter.add.f32 [tilespmem:s21], [sflag:$0x3], $0x80, s29, s20, $0xb8;
	[tilespmem:$0x1F580] =	vst v63  }
0x87: {  	_ =	swait.ge [sflag:s17], $0x4000  }
0x88: {  	[sflag:s17] =	ssyncset.done $0x0  }
0x89: {  	s2 =	sadd.s32 $0x280, s14;
	s5 =	simm.s32 $0x0;
	[sflag:s17] =	ssyncadd.s32 $0xFFFFC000  }
0x8a: {  	[tilespmem:s23], [sflag:$0x3] =	stream.linear.gather [hbm4b:s2+s5], $0x1380, $0x38;
	[tilespmem:$0x1F580] =	vst v63  }
0x8b: {  	_ =	swait.ge [sflag:s17], $0x1380  }
0x8c: {  	[sflag:s17] =	ssyncset.done $0x0  }
0x8d: {  	s6 =	simm.s32 $0x1400;
	[sflag:s17] =	ssyncadd.s32 $0xFFFFEC80  }
0x8e: {  	[tilespmem:s21], [sflag:$0x1] =	stream.indirect.gather [hbm4b:s0+s20], $0x80, s6, s20, $0xb8;
	[tilespmem:$0x1F580] =	vst v63  }
0x8f: {  	_ =	swait.ge [sflag:s26], $0x4000  }
0x90: {  	[sflag:s26] =	ssyncset.done $0x0  }
0x91: {  	s2 =	simm.s32 $0x2800;
	[sflag:s26] =	ssyncadd.s32 $0xFFFFC000  }
0x92: {  	[spmem:s3] =	stream.indirect.scatter.add.f32 [tilespmem:s22], [sflag:$0x3], $0x80, s2, s20, $0xb8;
	[tilespmem:$0x1F580] =	vst v63  }
0x93: {  	_ =	swait.ge [sflag:s17], $0x4000  }
0x94: {  	[sflag:s17] =	ssyncset.done $0x0  }
0x95: {  	s5 =	simm.s32 $0x1480;
	[sflag:s17] =	ssyncadd.s32 $0xFFFFC000  }
0x96: {  	[tilespmem:s22], [sflag:$0x2] =	stream.indirect.gather [hbm4b:s0+s20], $0x80, s5, s20, $0xb8;
	[tilespmem:$0x1F580] =	vst v63  }
0x97: {  	_ =	swait.ge [sflag:s24], $0x4000  }
0x98: {  	[sflag:s24] =	ssyncset.done $0x0  }
0x99: {  	s6 =	simm.s32 $0x2880;
	[sflag:s24] =	ssyncadd.s32 $0xFFFFC000  }
0x9a: {  	[spmem:s3] =	stream.indirect.scatter.add.f32 [tilespmem:s21], [sflag:$0x3], $0x80, s6, s20, $0xb8;
	[tilespmem:$0x1F580] =	vst v63  }
0x9b: {  	_ =	swait.ge [sflag:s17], $0x4000  }
0x9c: {  	s28 =	simm.s32 $0x800;
	s1 =	simm.s32 $0x100;
	[sflag:s17] =	ssyncset.done $0x0  }
.LBB2_6:
0x9d: {  	s2 =	sadd.s32 $0x1400, s1  }
0x9e: {  	[sflag:s17] =	ssyncadd.s32 $0xFFFFC000;
	s5 =	smov.u32 s28;
	s6 =	sadd.s32 $0x400, s28  }
0x9f: {  	[tilespmem:s21], [sflag:$0x1] =	stream.indirect.gather [hbm4b:s0+s20], $0x80, s2, s20, $0xb8;
	[tilespmem:$0x1F580] =	vst v63  }
0xa0: {  	p1 =	sne.s32 s28, $0x4800;
	_ =	swait.ge [sflag:s26], $0x4000  }
0xa1: {  	[sflag:s26] =	ssyncset.done $0x0  }
0xa2: {  	s2 =	sadd.s32 $0x2800, s1;
	[sflag:s26] =	ssyncadd.s32 $0xFFFFC000  }
0xa3: {  	[spmem:s3] =	stream.indirect.scatter.add.f32 [tilespmem:s22], [sflag:$0x3], $0x80, s2, s20, $0xb8;
	[tilespmem:$0x1F580] =	vst v63  }
0xa4: {  	_ =	swait.ge [sflag:s17], $0x4000  }
0xa5: {  	[sflag:s17] =	ssyncset.done $0x0  }
0xa6: {  	s2 =	sadd.s32 $0x1480, s1;
	[sflag:s17] =	ssyncadd.s32 $0xFFFFC000  }
0xa7: {  	[tilespmem:s22], [sflag:$0x2] =	stream.indirect.gather [hbm4b:s0+s20], $0x80, s2, s20, $0xb8;
	[tilespmem:$0x1F580] =	vst v63  }
0xa8: {  	_ =	swait.ge [sflag:s24], $0x4000  }
.Ltmp2:
0xa9: {  	[sflag:s24] =	ssyncset.done $0x0;
	(pc) =	sbr.rel @p1 .LBB2_6-.Ltmp2, $4  }
0xaa: {  	s1 =	sadd.s32 $0x2880, s1;
	[sflag:s24] =	ssyncadd.s32 $0xFFFFC000  }
0xab: {  	[spmem:s3] =	stream.indirect.scatter.add.f32 [tilespmem:s21], [sflag:$0x3], $0x80, s1, s20, $0xb8;
	[tilespmem:$0x1F580] =	vst v63  }
0xac: {  	_ =	swait.ge [sflag:s17], $0x4000  }
0xad: {  	s28 =	smov.u32 s6;
	s1 =	sshra.s32 s5, $0x2;
	[sflag:s17] =	ssyncset.done $0x0  }
0xae: {  	s2 =	sadd.s32 $0x1400, s1;
	[sflag:s17] =	ssyncadd.s32 $0xFFFFC000  }
0xaf: {  	[tilespmem:s21], [sflag:$0x1] =	stream.indirect.gather [hbm4b:s0+s20], $0x80, s2, s20, $0xb8;
	[tilespmem:$0x1F580] =	vst v63  }
0xb0: {  	_ =	swait.ge [sflag:s26], $0x4000  }
0xb1: {  	[sflag:s26] =	ssyncset.done $0x0  }
0xb2: {  	s6 =	sadd.s32 $0x2800, s1;
	[sflag:s26] =	ssyncadd.s32 $0xFFFFC000  }
0xb3: {  	[spmem:s3] =	stream.indirect.scatter.add.f32 [tilespmem:s22], [sflag:$0x3], $0x80, s6, s20, $0xb8;
	[tilespmem:$0x1F580] =	vst v63  }
0xb4: {  	_ =	swait.ge [sflag:s17], $0x4000  }
0xb5: {  	[sflag:s17] =	ssyncset.done $0x0  }
0xb6: {  	s28 =	sadd.s32 $0x1480, s1;
	[sflag:s17] =	ssyncadd.s32 $0xFFFFC000  }
0xb7: {  	[tilespmem:s22], [sflag:$0x2] =	stream.indirect.gather [hbm4b:s0+s20], $0x80, s28, s20, $0xb8;
	[tilespmem:$0x1F580] =	vst v63  }
0xb8: {  	_ =	swait.ge [sflag:s24], $0x4000  }
0xb9: {  	[sflag:s24] =	ssyncset.done $0x0  }
0xba: {  	s5 =	sadd.s32 $0x2880, s1;
	[sflag:s24] =	ssyncadd.s32 $0xFFFFC000  }
0xbb: {  	[spmem:s3] =	stream.indirect.scatter.add.f32 [tilespmem:s21], [sflag:$0x3], $0x80, s5, s20, $0xb8;
	[tilespmem:$0x1F580] =	vst v63  }
0xbc: {  	_ =	swait.ge [sflag:s17], $0x4000  }
0xbd: {  	[sflag:s17] =	ssyncset.done $0x0  }
0xbe: {  	[sflag:s17] =	ssyncadd.s32 $0xFFFFC000  }
0xbf: {  	_ =	swait.ge [sflag:s26], $0x4000  }
0xc0: {  	[sflag:s26] =	ssyncset.done $0x0  }
0xc1: {  	[sflag:s26] =	ssyncadd.s32 $0xFFFFC000  }
0xc2: {  	[spmem:s3] =	stream.indirect.scatter.add.f32 [tilespmem:s22], [sflag:$0x3], $0x80, s29, s20, $0xb8;
	[tilespmem:$0x1F580] =	vst v63  }
0xc3: {  	_ =	swait.ge [sflag:s17], $0x4000  }
0xc4: {  	[sflag:s17] =	ssyncset.done $0x0  }
0xc5: {  	[sflag:s17] =	ssyncadd.s32 $0xFFFFC000  }
0xc6: {  	[tilespmem:s21], [sflag:$0x1] =	stream.indirect.gather [hbm4b:s0+s30], $0x80, s18, s30, $0xb8;
	[tilespmem:$0x1F580] =	vst v63  }
0xc7: {  	_ =	swait.ge [sflag:s24], $0x800  }
0xc8: {  	[sflag:s24] =	ssyncset.done $0x0  }
0xc9: {  	[sflag:s24] =	ssyncadd.s32 $0xFFFFF800  }
0xca: {  	[spmem:s3] =	stream.indirect.scatter.add.f32 [tilespmem:s21], [sflag:$0x3], $0x80, s19, s30, $0xb8;
	[tilespmem:$0x1F580] =	vst v63  }
0xcb: {  	_ =	swait.ge [sflag:s17], $0x800  }
0xcc: {  	s6 =	stileid.u32;
	[sflag:s17] =	ssyncset.done $0x0  }
0xcd: {  	s1 =	sshll.u32 s6, $0x6;
	[sflag:s17] =	ssyncadd.s32 $0xFFFFF800  }
0xce: {  	s1 =	sor.u32 $0x1C03, s1;
	s28 =	sshrl.u32 s8, $0x3;
	[bflag:$0x0] =	sbarrier.arrive $0xFFFF  }
0xcf: {  	[hbm:s25], [sflag:s1] =	dma.local [spmem:s28], $0x2700  }
0xd0: {  	_ =	swait.ge [sflag:s17], $0x2700  }
0xd1: {  	s31 =	sadd.s32 $0x1, s31;
	s2 =	sadd.s32 @!p0 $0x27000, s15;
	[sflag:s17] =	ssyncset.done $0x0  }
0xd2: {  	p1 =	sne.s32 s31, s16;
	s5 =	sshrl.u32 @!p0 s13, $0x3;
	[sflag:s17] =	ssyncadd.s32 $0xFFFFD900  }
0xd3: {  	[hbm:s2], [sflag:s1] =	dma.local @!p0 [spmem:s5], $0x100  }
.Ltmp3:
0xd4: {  	_ = 	snop;
	(pc) =	sbr.rel @p1 .LBB2_1-.Ltmp3, $4  }
0xd5: {  	s1 =	simm.s32 @!p0 $0x3  }
0xd6: {  	_ =	swait.ge @!p0 [sflag:s1], $0x100  }
0xd7: {  	[sflag:s1] =	ssyncset.done @!p0 $0x0  }
0xd8: {  	[sflag:s1] =	ssyncadd.s32 @!p0 $0xFFFFFF00  }
0xd9: {  	_ =	sfence.sel $0x180000  }
0xda: {  	[bflag:$0x0] =	sbarrier.arrive $0xFFFF  }
0xdb: {  	_ =	strace $0x90000047  }
0xdc: {  	s0 =	stileid.u32;
	[bflag:$0x2] =	sbarrier.arrive $0xFFFF  }
0xdd: {  	p0 =	sne.s32 s0, $0x0;
	s0 =	rddreg [dreg:$0x3]  }
0xde: {  	s0 =	sadd.s32 @!p0 $0x100000, s0  }
0xdf: {  	[sflag:s0] =	ssyncadd.tile.s32 @!p0 $0x1;
	_ =	shalt  }
.Lfunc_end2:
_tile_overlayer_lowered:
.L_overlay_start_2:
0xe0: {  	(tag) =	ssettag $0x2  }
0xe1: {  	s0 =	rddreg [dreg:$0x0];
	s2 =	stileid.u32  }
0xe2: {  	s1 =	rddreg [dreg:$0x1];
	p0 =	sne.s32 s2, $0x0  }
0xe3: {  	s3 =	rddreg [dreg:$0x2];
	[bflag:$0x3] =	sbarrier.arrive $0xFFFF;
	s2 =	simm.s32 @!p0 $0x1C03  }
0xe4: {  	[timem:s3], [sflag:s2] =	dma.local @!p0 [hbm:s0], s1  }
0xe5: {  	s0 =	simm.s32 @!p0 $0x3  }
0xe6: {  	_ =	swait.ge @!p0 [sflag:s0], s1  }
0xe7: {  	s1 =	ssub.s32 @!p0 $0x0, s1;
	[sflag:s0] =	ssyncset.done @!p0 $0x0  }
0xe8: {  	[sflag:s0] =	ssyncadd.s32 @!p0 s1  }
0xe9: {  	[bflag:$0x3] =	sbarrier.arrive $0xFFFF  }
0xea: {  	_ =	shalt  }

// kernel: kernel.14.cloned.1.call-start
scs
__scs_entry_jumppad:
0x0: {  	(pc) =	sbr.rel $0x88, $3  }
0x1: {  	(tag) =	ssettag $0x0;
	lr =	simm.s32 $0x1  }
0x2: {  	[smem:$0x3F9B] =	sst lr;
	_ =	strace $0xD0000000  }
0x3: {  	_ = 	snop  }
0x4: {  	_ = 	snop  }
0x5: {  	_ = 	snop  }
0x6: {  	_ = 	snop  }
0x7: {  	_ = 	snop  }
__scs_overlays_trampoline_lowered:
0x8: {  	[smem:$0x3FAA] =	sst s0  }
0x9: {  	[smem:$0x3FAB] =	sst s1  }
0xa: {  	[smem:$0x3FAC] =	sst s2  }
0xb: {  	[smem:$0x3FAD] =	sst s3  }
0xc: {  	[smem:$0x3FAE] =	sst s4  }
0xd: {  	[smem:$0x3FAF] =	sst s5  }
0xe: {  	[smem:$0x3FB0] =	sst s6  }
0xf: {  	[smem:$0x3FB1] =	sst s7  }
0x10: {  	[smem:$0x3FB2] =	sst s8  }
0x11: {  	[smem:$0x3FB3] =	sst s9;
	s0 =	simm.s32 @!p0 $0x0  }
0x12: {  	s1 =	sld [smem:$0x3F99];
	s0 =	simm.s32 @p0 $0x1  }
0x13: {  	[smem:$0x3FB4] =	sst s0;
	s0 =	simm.s32 @!p1 $0x0  }
0x14: {  	s2 =	sld [smem:$0x3F98];
	s0 =	simm.s32 @p1 $0x1  }
0x15: {  	[smem:$0x3FB5] =	sst s0;
	s0 =	simm.s32 @!p2 $0x0  }
0x16: {  	s3 =	sld [smem:$0x3FDB];
	s0 =	simm.s32 @p2 $0x1  }
0x17: {  	s4 =	simm.s32 $0x1BF5;
	[smem:$0x3FB7] =	sst s0  }
0x18: {  	s0 =	sld [smem:$0x3F9A];
	_ =	swait.ge [sflag:s4], $0x0  }
0x19: {  	s7 =	sld [smem:$0x3F9B]  }
0x1a: {  	s8 =	sadd.s32 $0xFFFFE003, lr  }
0x1b: {  	s9 =	sadd.s32 $0xFFFFFEF7, lr;
	s5 =	simm.s32 $0xFFFFFFFF;
	p2 =	slt.u32 s8, $0xFFFFF086  }
0x1c: {  	p1 =	slt.u32 s9, $0xF7A;
	s5 =	simm.s32 @!p2 $0x0  }
0x1d: {  	s5 =	simm.s32 @p1 $0x1;
	p0 =	seq.s32 s7, s2  }
0x1e: {  	s7 =	smul.u32 @!p0 $0xF7A, s2;
	p2 =	seq.s32 @!p0 s5, $0x0  }
0x1f: {  	s9 =	smul.u32 $0xF7A, s1;
	s8 =	simm.s32 @!p0 $0x1BF5;
	p2 =	por !p2, p0  }
0x20: {  	[sflag:s8] =	ssyncset.s32 @!p0 $0xFFFFF086;
	s6 =	sadd.s32 @!p0 s3, s7;
	s7 =	simm.s32 @!p0 $0x108  }
0x21: {  	s3 =	sadd.s32 s3, s9;
	s6 =	sadd.s32 @!p0 $0x88, s6;
	s7 =	simm.s32 @p2 $0x1082  }
0x22: {  	[simem:s7], [sflag:s8] =	dma.local @!p0 [hbm:s6], $0xF7A  }
0x23: {  	s9 =	sor.u32 $0xD0000000, s2;
	s6 =	simm.s32 $0x108;
	_ =	swait.ge @!p0 [sflag:s8], $0x0  }
0x24: {  	s3 =	sadd.s32 $0x88, s3;
	s6 =	simm.s32 @!p1 $0x1082;
	[sflag:s4] =	ssyncset.s32 $0xFFFFF086  }
0x25: {  	[simem:s6], [sflag:s4] =	dma.local [hbm:s3], $0xF7A  }
0x26: {  	[smem:$0x3F9B] =	sst s1;
	(tag) =	ssettag s2;
	_ =	strace s9  }
0x27: {  	s1 =	sld [smem:$0x3FAB]  }
0x28: {  	s2 =	sld [smem:$0x3FAC]  }
0x29: {  	s4 =	sld [smem:$0x3FAE]  }
0x2a: {  	p0 =	seq.s32 s5, $0x0;
	s5 =	sld [smem:$0x3FAF]  }
0x2b: {  	s6 =	sld [smem:$0x3FB0]  }
0x2c: {  	s7 =	sld [smem:$0x3FB1]  }
0x2d: {  	s3 =	simm.s32 $0x108;
	s8 =	sld [smem:$0x3FB2]  }
0x2e: {  	s3 =	simm.s32 @!p0 $0x1082;
	s9 =	sld [smem:$0x3FB3]  }
0x2f: {  	lr =	sadd.s32 s0, s3;
	s0 =	sld [smem:$0x3FAA]  }
0x30: {  	s3 =	sld [smem:$0x3FAD]  }
0x31: {  	[smem:$0x3FB6] =	sst s10  }
0x32: {  	s10 =	sld [smem:$0x3FB4];
	_ =	sdelay $0x3  }
0x33: {  	p0 =	seq.s32 s10, $0x1;
	s10 =	sld [smem:$0x3FB6];
	_ =	sdelay $0x3  }
0x34: {  	[smem:$0x3FB6] =	sst s10  }
0x35: {  	s10 =	sld [smem:$0x3FB5];
	_ =	sdelay $0x3  }
0x36: {  	p1 =	seq.s32 s10, $0x1;
	s10 =	sld [smem:$0x3FB6];
	_ =	sdelay $0x3  }
0x37: {  	[smem:$0x3FB6] =	sst s10  }
0x38: {  	s10 =	sld [smem:$0x3FB7]  }
0x39: {  	_ = 	snop;
	(pc) =	sbr.ind lr, $3  }
0x3a: {  	_ = 	snop  }
0x3b: {  	_ = 	snop  }
0x3c: {  	p2 =	seq.s32 s10, $0x1;
	s10 =	sld [smem:$0x3FB6]  }
0x3d: {  	_ =	shalt  }
0x3e: {  	_ =	shalt  }
0x3f: {  	_ =	shalt  }
0x40: {  	_ =	shalt  }
0x41: {  	_ =	shalt  }
0x42: {  	_ =	shalt  }
0x43: {  	_ =	shalt  }
0x44: {  	_ =	shalt  }
0x45: {  	_ =	shalt  }
0x46: {  	_ =	shalt  }
0x47: {  	_ =	shalt  }
0x48: {  	_ =	shalt  }
0x49: {  	_ =	shalt  }
0x4a: {  	_ =	shalt  }
0x4b: {  	_ =	shalt  }
0x4c: {  	_ =	shalt  }
0x4d: {  	_ =	shalt  }
0x4e: {  	_ =	shalt  }
0x4f: {  	_ =	shalt  }
0x50: {  	_ =	shalt  }
0x51: {  	_ =	shalt  }
0x52: {  	_ =	shalt  }
0x53: {  	_ =	shalt  }
0x54: {  	_ =	shalt  }
0x55: {  	_ =	shalt  }
0x56: {  	_ =	shalt  }
0x57: {  	_ =	shalt  }
0x58: {  	_ =	shalt  }
0x59: {  	_ =	shalt  }
0x5a: {  	_ =	shalt  }
0x5b: {  	_ =	shalt  }
0x5c: {  	_ =	shalt  }
0x5d: {  	_ =	shalt  }
0x5e: {  	_ =	shalt  }
0x5f: {  	_ =	shalt  }
0x60: {  	_ =	shalt  }
0x61: {  	_ =	shalt  }
0x62: {  	_ =	shalt  }
0x63: {  	_ =	shalt  }
0x64: {  	_ =	shalt  }
0x65: {  	_ =	shalt  }
0x66: {  	_ =	shalt  }
0x67: {  	_ =	shalt  }
0x68: {  	_ =	shalt  }
0x69: {  	_ =	shalt  }
0x6a: {  	_ =	shalt  }
0x6b: {  	_ =	shalt  }
0x6c: {  	_ =	shalt  }
0x6d: {  	_ =	shalt  }
0x6e: {  	_ =	shalt  }
0x6f: {  	_ =	shalt  }
0x70: {  	_ =	shalt  }
0x71: {  	_ =	shalt  }
0x72: {  	_ =	shalt  }
0x73: {  	_ =	shalt  }
0x74: {  	_ =	shalt  }
0x75: {  	_ =	shalt  }
0x76: {  	_ =	shalt  }
0x77: {  	_ =	shalt  }
0x78: {  	_ =	shalt  }
0x79: {  	_ =	shalt  }
0x7a: {  	_ =	shalt  }
0x7b: {  	_ =	shalt  }
0x7c: {  	_ =	shalt  }
0x7d: {  	_ =	shalt  }
0x7e: {  	_ =	shalt  }
0x7f: {  	_ =	shalt  }
0x80: {  	_ =	shalt  }
0x81: {  	_ =	shalt  }
0x82: {  	_ =	shalt  }
0x83: {  	_ =	shalt  }
0x84: {  	_ =	shalt  }
0x85: {  	_ =	shalt  }
0x86: {  	_ =	shalt  }
0x87: {  	_ =	shalt  }
.Lfunc_end0:
.L_simem_size_0:
called_computation.1_lowered:
.L_overlay_start_0:
0x88: {  	s2 =	sld [smem:$0x3FD9]  }
0x89: {  	s3 =	sld [smem:$0x3FFE];
	_ =	sdelay $0x1  }
0x8a: {  	s1 =	srdreg.scid  }
0x8b: {  	s0 =	sand.u32 $0x1, s1  }
0x8c: {  	s17 =	sshll.u32 s0, $0xA;
	s2 =	sadd.s32 s3, s2  }
0x8d: {  	s2 =	sadd.s32 s2, s17  }
0x8e: {  	[smem:$0x3FC2] =	sst s2  }
0x8f: {  	_ = 	snop  }
0x90: {  	s2 =	sld [smem:$0x3FD0];
	(tm) =	ssettm $0x1  }
0x91: {  	s18 =	sld [smem:$0x3FFB];
	_ =	sdelay $0x3  }
0x92: {  	_ =	strace s18  }
0x93: {  	s3 =	sld [smem:$0x3FFC];
	_ =	sdelay $0x3  }
0x94: {  	_ =	strace s3  }
0x95: {  	s3 =	sld [smem:$0x3FFD];
	_ =	sdelay $0x3  }
0x96: {  	_ =	strace s3  }
0x97: {  	_ =	strace $0x8FFFFFFF  }
0x98: {  	s19 =	sld [smem:$0x3FDB];
	_ =	sdelay $0x1  }
0x99: {  	s4 =	simm.s32 $_scs_section_size  }
0x9a: {  	s5 =	simm.s32 $_size__tile_overlayer_lowered;
	s6 =	simm.s32 $_tile_overlayer_lowered  }
0x9b: {  	s22 =	simm.s32 $0x1BFF;
	s21 =	sshll.u32 s6, $0x1;
	s3 =	sadd.s32 s4, s19  }
0x9c: {  	s7 =	simm.s32 $0x0;
	s20 =	sshll.u32 s5, $0x1;
	s5 =	sadd.s32 s21, s3  }
0x9d: {  	[timem:s7], [sflag:s22] =	dma.local [hbm:s5], s20  }
0x9e: {  	_ =	swait.ge [sflag:s22], s20  }
0x9f: {  	s4 =	ssub.s32 $0x0, s20;
	[sflag:s22] =	ssyncset.done $0x0  }
0xa0: {  	[sflag:s22] =	ssyncadd.s32 s4;
	_ =	sdelay $0x1  }
0xa1: {  	s23 =	simm.s32 $0x1B8B  }
0xa2: {  	_ =	swait.ge [sflag:s23], $0x1  }
0xa3: {  	[sflag:s23] =	ssyncset.done $0x0  }
0xa4: {  	s25 =	simm.s32 $0x1B8E;
	s24 =	sld [smem:$0x3FFE];
	[sflag:s23] =	ssyncadd.s32 $0xFFFFFFFF  }
0xa5: {  	s26 =	simm.s32 $execute0_lowered;
	[smem:$0x3FD2] =	sst s25  }
0xa6: {  	s5 =	sshll.u32 s26, $0x1;
	_ =	strace $0x80000049;
	[dreg:$0x1] =	wrdreg $0xFFFFFFFF  }
0xa7: {  	s28 =	simm.s32 $_size_execute0_lowered;
	s3 =	sadd.s32 s3, s5;
	[dreg:$0x0] =	wrdreg $0x0  }
0xa8: {  	s5 =	sshll.u32 s28, $0x1;
	[dreg:$0x2] =	wrdreg s3  }
0xa9: {  	[dreg:$0x3] =	wrdreg s5  }
0xaa: {  	[dreg:$0x4] =	wrdreg $0xC0  }
0xab: {  	_ =	task [dreg:s7], $0x5FFFF  }
0xac: {  	[dreg:$0x1] =	wrdreg $0xFFFFFFFF  }
0xad: {  	[dreg:$0x0] =	wrdreg $0x60  }
0xae: {  	[dreg:$0x2] =	wrdreg s2  }
0xaf: {  	[dreg:$0x3] =	wrdreg s24  }
0xb0: {  	[dreg:$0x4] =	wrdreg $0xBD000  }
0xb1: {  	[dreg:$0x5] =	wrdreg $0x9  }
0xb2: {  	_ =	task.clear_ibuf [dreg:s7], $0x6FFFF;
	_ =	strace $0x90000049  }
0xb3: {  	s29 =	simm.s32 $0x9;
	_ =	strace $0x8000004B  }
0xb4: {  	_ =	swait.ge [sflag:s29], $0x1  }
0xb5: {  	[sflag:s29] =	ssyncadd.s32 $0xFFFFFFFF  }
0xb6: {  	_ =	strace $0x9000004B  }
0xb7: {  	_ =	sfence  }
0xb8: {  	s30 =	sld [smem:$0x0];
	_ =	sdelay $0x2  }
0xb9: {  	s31 =	sshll.u32 s1, $0xD;
	s1 =	sshrl.u32 s1, $0x2  }
0xba: {  	s3 =	sand.u32 $0x4000, s31;
	s1 =	sadd.s32 s1, s30  }
0xbb: {  	s0 =	sor.u32 s3, s0;
	s1 =	sshll.u32 s1, $0x11  }
0xbc: {  	s0 =	sor.u32 s1, s0  }
0xbd: {  	s0 =	sadd.s32 $0x8F2B, s0  }
0xbe: {  	[sflag:s0] =	ssyncadd.remote.s32 $0x1  }
0xbf: {  	_ =	sfence.sel $0xFFFF  }
0xc0: {  	[dreg:$0x0] =	wrdreg $0xFFFFFFFF;
	(pc) =	sbr.abs _section_cstart, $3  }
0xc1: {  	[dreg:$0x1] =	wrdreg $0xFFFFFFFF  }
0xc2: {  	_ =	task.clear_ibuf [dreg:s7], $0x2FFFF;
	_ =	strace $0x9FFFFFFF  }
0xc3: {  	(tm) =	ssettm $0x7FFFFFFF  }
tec
execute0_lowered:
.L_overlay_start_1:
0x0: {  	(tag) =	ssettag $0x1  }
0x1: {  	s0 =	rddreg [dreg:$0x0]  }
0x2: {  	s5 =	rddreg [dreg:$0x1]  }
0x3: {  	s1 =	srdreg.scid;
	s3 =	rddreg [dreg:$0x2]  }
0x4: {  	s2 =	stileid.u32;
	s4 =	simm.s32 $0x0;
	s17 =	simm.s32 $0x3  }
0x5: {  	s18 =	simm.s32 $0x3C00;
	s19 =	simm.s32 $0x3C80;
	s20 =	simm.s32 $0x80  }
0x6: {  	s21 =	simm.s32 $0x3D00;
	s29 =	simm.s32 $0x3B00;
	s30 =	simm.s32 $0x10  }
0x7: {  	s31 =	simm.s32 $0x0;
	s1 =	sand.u32 $0x1, s1;
	[smem:$0x7FF] =	sst s4  }
0x8: {  	s22 =	sshll.u32 s2, $0x4;
	s23 =	smul.u32 $0x4E000, s2;
	s13 =	sadd.s32 $0x138000, s3  }
0x9: {  	p0 =	sne.s32 s2, $0xF;
	s6 =	sshll.u32 s1, $0x4;
	_ =	strace $0x8000004A  }
0xa: {  	s8 =	smul.u32 $0x27100, s1;
	s1 =	ssub.s32 $0x2, s1;
	s6 =	sor.u32 s2, s6  }
0xb: {  	s24 =	sshrl.u32 s1, $0x1;
	s26 =	sshrl.u32 s23, $0x2;
	s23 =	simm.s32 $0x2800  }
0xc: {  	s7 =	smul.u32 $0x500, s6;
	s6 =	sshll.u32 s6, $0x4;
	s15 =	sadd.s32 s8, s5  }
0xd: {  	s1 =	ssub.s32 s1, s24;
	s8 =	sadd.s32 s26, s3;
	s24 =	simm.s32 $0x1  }
0xe: {  	s26 =	simm.s32 $0x2;
	s6 =	sand.u32 $0x180, s6;
	s10 =	sadd.s32 $0x8000, s8  }
0xf: {  	s11 =	sadd.s32 $0xC000, s8;
	s12 =	sadd.s32 $0x10000, s8;
	s15 =	sadd.s32 $0x17E00, s15  }
0x10: {  	s16 =	smax.u32 s1, $0x1;
	s14 =	sadd.s32 s7, s5;
	s7 =	sand.u32 $0x70, s22  }
0x11: {  	s22 =	simm.s32 $0x7D00;
	s6 =	sor.u32 s7, s6;
	s25 =	sadd.s32 $0x3E00, s14  }
0x12: {  	s9 =	sadd.s32 s6, s5;
	[dreg:$0x4] =	wrdreg s25;
	s25 =	smul.u32 $0x2700, s2  }
0x13: {  	s14 =	sadd.s32 $0xDE00, s14;
	s28 =	sadd.s32 $0x3C00, s9;
	s7 =	sadd.s32 $0x3A00, s9  }
0x14: {  	v0 =	vimm.f32 $0.0e+00;
	s9 =	sadd.s32 $0x4000, s8;
	[dreg:$0x5] =	wrdreg s28;
	s25 =	sadd.s32 s25, s15  }
.LBB2_1:
0x15: {  	s1 =	rddreg [dreg:$0x4]  }
0x16: {  	[tilespmem:s4], [sflag:$0x3] =	stream.linear.gather [hbm4b:s1+s4], $0x2700, $0x38;
	[tilespmem:$0x1F580] =	vst v63  }
0x17: {  	_ =	swait.ge [sflag:s17], $0x2700  }
0x18: {  	[sflag:s17] =	ssyncset.done $0x0  }
0x19: {  	s6 =	rddreg [dreg:$0x5];
	[sflag:s17] =	ssyncadd.s32 $0xFFFFD900  }
0x1a: {  	[tilespmem:s18], [sflag:$0x3] =	stream.linear.gather [hbm4b:s6+s4], $0x80, $0x38;
	[tilespmem:$0x1F580] =	vst v63  }
0x1b: {  	_ =	swait.ge [sflag:s17], $0x80  }
0x1c: {  	[sflag:s17] =	ssyncset.done $0x0  }
0x1d: {  	[sflag:s17] =	ssyncadd.s32 $0xFFFFFF80  }
0x1e: {  	[tilespmem:s19], [sflag:$0x3] =	stream.linear.gather [hbm4b:s7+s4], $0x80, $0x38;
	[tilespmem:$0x1F580] =	vst v63  }
0x1f: {  	_ =	swait.ge [sflag:s17], $0x80  }
0x20: {  	[sflag:s17] =	ssyncset.done $0x0  }
0x21: {  	s28 =	simm.s32 $0x200;
	s1 =	simm.s32 $0x0;
	[sflag:s17] =	ssyncadd.s32 $0xFFFFFF80  }
0x22: {  	[tilespmem:s21], [sflag:$0x1] =	stream.indirect.gather [hbm4b:s0+s20], $0x80, s4, s20, $0xb8;
	[tilespmem:$0x1F580] =	vst v63  }
.LBB2_2:
0x23: {  	p1 =	sne.s32 s28, $0xFE00;
	[tilespmem:s1+$0x7D70] =	vst v0  }
0x24: {  	[tilespmem:s1+$0x7D00] =	vst v0  }
0x25: {  	[tilespmem:s1+$0x7D10] =	vst v0  }
.Ltmp0:
0x26: {  	[tilespmem:s1+$0x7D20] =	vst v0;
	(pc) =	sbr.rel @p1 .LBB2_2-.Ltmp0, $4  }
0x27: {  	[tilespmem:s1+$0x7D30] =	vst v0  }
0x28: {  	[tilespmem:s1+$0x7D40] =	vst v0  }
0x29: {  	[tilespmem:s1+$0x7D50] =	vst v0  }
0x2a: {  	[tilespmem:s1+$0x7D60] =	vst v0;
	s1 =	sshra.s32 s28, $0x2;
	s28 =	sadd.s32 $0x200, s28  }
0x2b: {  	[tilespmem:s1+$0x7D70] =	vst v0  }
0x2c: {  	[tilespmem:s1+$0x7D00] =	vst v0  }
0x2d: {  	[tilespmem:s1+$0x7D10] =	vst v0  }
0x2e: {  	[tilespmem:s1+$0x7D20] =	vst v0  }
0x2f: {  	[tilespmem:s1+$0x7D30] =	vst v0  }
0x30: {  	[tilespmem:s1+$0x7D40] =	vst v0  }
0x31: {  	[tilespmem:s1+$0x7D50] =	vst v0  }
0x32: {  	[tilespmem:s1+$0x7D60] =	vst v0  }
0x33: {  	[spmem:s8] =	stream.linear.scatter [tilespmem:s22], [sflag:$0x3], $0x4000, $0x38;
	[tilespmem:$0x1F580] =	vst v63  }
0x34: {  	_ =	swait.ge [sflag:s17], $0x4000  }
0x35: {  	[sflag:s17] =	ssyncset.done $0x0  }
0x36: {  	[sflag:s17] =	ssyncadd.s32 $0xFFFFC000  }
0x37: {  	[spmem:s9] =	stream.linear.scatter [tilespmem:s22], [sflag:$0x3], $0x4000, $0x38;
	[tilespmem:$0x1F580] =	vst v63  }
0x38: {  	_ =	swait.ge [sflag:s17], $0x4000  }
0x39: {  	[sflag:s17] =	ssyncset.done $0x0  }
0x3a: {  	[sflag:s17] =	ssyncadd.s32 $0xFFFFC000  }
0x3b: {  	[spmem:s10] =	stream.linear.scatter [tilespmem:s22], [sflag:$0x3], $0x4000, $0x38;
	[tilespmem:$0x1F580] =	vst v63  }
0x3c: {  	_ =	swait.ge [sflag:s17], $0x4000  }
0x3d: {  	[sflag:s17] =	ssyncset.done $0x0  }
0x3e: {  	[sflag:s17] =	ssyncadd.s32 $0xFFFFC000  }
0x3f: {  	[spmem:s11] =	stream.linear.scatter [tilespmem:s22], [sflag:$0x3], $0x4000, $0x38;
	[tilespmem:$0x1F580] =	vst v63  }
0x40: {  	_ =	swait.ge [sflag:s17], $0x4000  }
0x41: {  	[sflag:s17] =	ssyncset.done $0x0  }
0x42: {  	[sflag:s17] =	ssyncadd.s32 $0xFFFFC000  }
0x43: {  	[spmem:s12] =	stream.linear.scatter [tilespmem:s22], [sflag:$0x3], $0x3800, $0x38;
	[tilespmem:$0x1F580] =	vst v63  }
0x44: {  	_ =	swait.ge [sflag:s17], $0x3800  }
0x45: {  	[sflag:s17] =	ssyncset.done $0x0  }
0x46: {  	s1 =	simm.s32 @!p0 $0x7D00;
	[sflag:s17] =	ssyncadd.s32 $0xFFFFC800  }
0x47: {  	[spmem:s13] =	stream.linear.scatter @!p0 [tilespmem:s1], [sflag:$0x3], $0x800, $0x38;
	[tilespmem:$0x1F580] =	vst v63  }
0x48: {  	s1 =	simm.s32 @!p0 $0x3  }
0x49: {  	_ =	swait.ge @!p0 [sflag:s1], $0x800  }
0x4a: {  	[sflag:s1] =	ssyncset.done @!p0 $0x0  }
0x4b: {  	[sflag:s1] =	ssyncadd.s32 @!p0 $0xFFFFF800  }
0x4c: {  	s5 =	simm.s32 $0x0;
	[bflag:$0x0] =	sbarrier.arrive $0xFFFF  }
0x4d: {  	[tilespmem:s23], [sflag:$0x3] =	stream.linear.gather [hbm4b:s14+s5], $0x1380, $0x38;
	[tilespmem:$0x1F580] =	vst v63  }
0x4e: {  	_ =	swait.ge [sflag:s17], $0x1380  }
0x4f: {  	[sflag:s17] =	ssyncset.done $0x0  }
0x50: {  	s6 =	simm.s32 $0x80;
	[sflag:s17] =	ssyncadd.s32 $0xFFFFEC80  }
0x51: {  	[tilespmem:s22], [sflag:$0x2] =	stream.indirect.gather [hbm4b:s0+s20], $0x80, s6, s20, $0xb8;
	[tilespmem:$0x1F580] =	vst v63  }
0x52: {  	_ =	swait.ge [sflag:s24], $0x4000  }
0x53: {  	[sflag:s24] =	ssyncset.done $0x0  }
0x54: {  	s2 =	simm.s32 $0x2800;
	[sflag:s24] =	ssyncadd.s32 $0xFFFFC000  }
0x55: {  	[spmem:s3] =	stream.indirect.scatter.add.f32 [tilespmem:s21], [sflag:$0x3], $0x80, s2, s20, $0xb8;
	[tilespmem:$0x1F580] =	vst v63  }
0x56: {  	_ =	swait.ge [sflag:s17], $0x4000  }
0x57: {  	[sflag:s17] =	ssyncset.done $0x0  }
0x58: {  	s5 =	simm.s32 $0x100;
	[sflag:s17] =	ssyncadd.s32 $0xFFFFC000  }
0x59: {  	[tilespmem:s21], [sflag:$0x1] =	stream.indirect.gather [hbm4b:s0+s20], $0x80, s5, s20, $0xb8;
	[tilespmem:$0x1F580] =	vst v63  }
0x5a: {  	_ =	swait.ge [sflag:s26], $0x4000  }
0x5b: {  	[sflag:s26] =	ssyncset.done $0x0  }
0x5c: {  	s6 =	simm.s32 $0x2880;
	[sflag:s26] =	ssyncadd.s32 $0xFFFFC000  }
0x5d: {  	[spmem:s3] =	stream.indirect.scatter.add.f32 [tilespmem:s22], [sflag:$0x3], $0x80, s6, s20, $0xb8;
	[tilespmem:$0x1F580] =	vst v63  }
0x5e: {  	_ =	swait.ge [sflag:s17], $0x4000  }
0x5f: {  	s28 =	simm.s32 $0x800;
	s1 =	simm.s32 $0x100;
	[sflag:s17] =	ssyncset.done $0x0  }
.LBB2_4:
0x60: {  	s2 =	sadd.s32 $0x80, s1  }
0x61: {  	[sflag:s17] =	ssyncadd.s32 $0xFFFFC000;
	s5 =	smov.u32 s28;
	s6 =	sadd.s32 $0x400, s28  }
0x62: {  	[tilespmem:s22], [sflag:$0x2] =	stream.indirect.gather [hbm4b:s0+s20], $0x80, s2, s20, $0xb8;
	[tilespmem:$0x1F580] =	vst v63  }
0x63: {  	p1 =	sne.s32 s28, $0x4800;
	_ =	swait.ge [sflag:s24], $0x4000  }
0x64: {  	[sflag:s24] =	ssyncset.done $0x0  }
0x65: {  	s2 =	sadd.s32 $0x2800, s1;
	[sflag:s24] =	ssyncadd.s32 $0xFFFFC000  }
0x66: {  	[spmem:s3] =	stream.indirect.scatter.add.f32 [tilespmem:s21], [sflag:$0x3], $0x80, s2, s20, $0xb8;
	[tilespmem:$0x1F580] =	vst v63  }
0x67: {  	_ =	swait.ge [sflag:s17], $0x4000  }
0x68: {  	[sflag:s17] =	ssyncset.done $0x0  }
0x69: {  	s2 =	sadd.s32 $0x100, s1;
	[sflag:s17] =	ssyncadd.s32 $0xFFFFC000  }
0x6a: {  	[tilespmem:s21], [sflag:$0x1] =	stream.indirect.gather [hbm4b:s0+s20], $0x80, s2, s20, $0xb8;
	[tilespmem:$0x1F580] =	vst v63  }
0x6b: {  	_ =	swait.ge [sflag:s26], $0x4000  }
.Ltmp1:
0x6c: {  	[sflag:s26] =	ssyncset.done $0x0;
	(pc) =	sbr.rel @p1 .LBB2_4-.Ltmp1, $4  }
0x6d: {  	s1 =	sadd.s32 $0x2880, s1;
	[sflag:s26] =	ssyncadd.s32 $0xFFFFC000  }
0x6e: {  	[spmem:s3] =	stream.indirect.scatter.add.f32 [tilespmem:s22], [sflag:$0x3], $0x80, s1, s20, $0xb8;
	[tilespmem:$0x1F580] =	vst v63  }
0x6f: {  	_ =	swait.ge [sflag:s17], $0x4000  }
0x70: {  	s28 =	smov.u32 s6;
	s1 =	sshra.s32 s5, $0x2;
	[sflag:s17] =	ssyncset.done $0x0  }
0x71: {  	s2 =	sadd.s32 $0x80, s1;
	[sflag:s17] =	ssyncadd.s32 $0xFFFFC000  }
0x72: {  	[tilespmem:s22], [sflag:$0x2] =	stream.indirect.gather [hbm4b:s0+s20], $0x80, s2, s20, $0xb8;
	[tilespmem:$0x1F580] =	vst v63  }
0x73: {  	_ =	swait.ge [sflag:s24], $0x4000  }
0x74: {  	[sflag:s24] =	ssyncset.done $0x0  }
0x75: {  	s5 =	sadd.s32 $0x2800, s1;
	[sflag:s24] =	ssyncadd.s32 $0xFFFFC000  }
0x76: {  	[spmem:s3] =	stream.indirect.scatter.add.f32 [tilespmem:s21], [sflag:$0x3], $0x80, s5, s20, $0xb8;
	[tilespmem:$0x1F580] =	vst v63  }
0x77: {  	_ =	swait.ge [sflag:s17], $0x4000  }
0x78: {  	[sflag:s17] =	ssyncset.done $0x0  }
0x79: {  	s6 =	sadd.s32 $0x100, s1;
	[sflag:s17] =	ssyncadd.s32 $0xFFFFC000  }
0x7a: {  	[tilespmem:s21], [sflag:$0x1] =	stream.indirect.gather [hbm4b:s0+s20], $0x80, s6, s20, $0xb8;
	[tilespmem:$0x1F580] =	vst v63  }
0x7b: {  	_ =	swait.ge [sflag:s26], $0x4000  }
0x7c: {  	[sflag:s26] =	ssyncset.done $0x0  }
0x7d: {  	s5 =	sadd.s32 $0x2880, s1;
	[sflag:s26] =	ssyncadd.s32 $0xFFFFC000  }
0x7e: {  	[spmem:s3] =	stream.indirect.scatter.add.f32 [tilespmem:s22], [sflag:$0x3], $0x80, s5, s20, $0xb8;
	[tilespmem:$0x1F580] =	vst v63  }
0x7f: {  	_ =	swait.ge [sflag:s17], $0x4000  }
0x80: {  	[sflag:s17] =	ssyncset.done $0x0  }
0x81: {  	s6 =	simm.s32 $0x1380;
	[sflag:s17] =	ssyncadd.s32 $0xFFFFC000  }
0x82: {  	[tilespmem:s22], [sflag:$0x2] =	stream.indirect.gather [hbm4b:s0+s20], $0x80, s6, s20, $0xb8;
	[tilespmem:$0x1F580] =	vst v63  }
0x83: {  	_ =	swait.ge [sflag:s24], $0x4000  }
0x84: {  	[sflag:s24] =	ssyncset.done $0x0  }
0x85: {  	[sflag:s24] =	ssyncadd.s32 $0xFFFFC000  }
0x86: {  	[spmem:s3] =	stream.indirect.scatter.add.f32 [tilespmem:s21], [sflag:$0x3], $0x80, s29, s20, $0xb8;
	[tilespmem:$0x1F580] =	vst v63  }
0x87: {  	_ =	swait.ge [sflag:s17], $0x4000  }
0x88: {  	[sflag:s17] =	ssyncset.done $0x0  }
0x89: {  	s2 =	sadd.s32 $0x280, s14;
	s5 =	simm.s32 $0x0;
	[sflag:s17] =	ssyncadd.s32 $0xFFFFC000  }
0x8a: {  	[tilespmem:s23], [sflag:$0x3] =	stream.linear.gather [hbm4b:s2+s5], $0x1380, $0x38;
	[tilespmem:$0x1F580] =	vst v63  }
0x8b: {  	_ =	swait.ge [sflag:s17], $0x1380  }
0x8c: {  	[sflag:s17] =	ssyncset.done $0x0  }
0x8d: {  	s6 =	simm.s32 $0x1400;
	[sflag:s17] =	ssyncadd.s32 $0xFFFFEC80  }
0x8e: {  	[tilespmem:s21], [sflag:$0x1] =	stream.indirect.gather [hbm4b:s0+s20], $0x80, s6, s20, $0xb8;
	[tilespmem:$0x1F580] =	vst v63  }
0x8f: {  	_ =	swait.ge [sflag:s26], $0x4000  }
0x90: {  	[sflag:s26] =	ssyncset.done $0x0  }
0x91: {  	s2 =	simm.s32 $0x2800;
	[sflag:s26] =	ssyncadd.s32 $0xFFFFC000  }
0x92: {  	[spmem:s3] =	stream.indirect.scatter.add.f32 [tilespmem:s22], [sflag:$0x3], $0x80, s2, s20, $0xb8;
	[tilespmem:$0x1F580] =	vst v63  }
0x93: {  	_ =	swait.ge [sflag:s17], $0x4000  }
0x94: {  	[sflag:s17] =	ssyncset.done $0x0  }
0x95: {  	s5 =	simm.s32 $0x1480;
	[sflag:s17] =	ssyncadd.s32 $0xFFFFC000  }
0x96: {  	[tilespmem:s22], [sflag:$0x2] =	stream.indirect.gather [hbm4b:s0+s20], $0x80, s5, s20, $0xb8;
	[tilespmem:$0x1F580] =	vst v63  }
0x97: {  	_ =	swait.ge [sflag:s24], $0x4000  }
0x98: {  	[sflag:s24] =	ssyncset.done $0x0  }
0x99: {  	s6 =	simm.s32 $0x2880;
	[sflag:s24] =	ssyncadd.s32 $0xFFFFC000  }
0x9a: {  	[spmem:s3] =	stream.indirect.scatter.add.f32 [tilespmem:s21], [sflag:$0x3], $0x80, s6, s20, $0xb8;
	[tilespmem:$0x1F580] =	vst v63  }
0x9b: {  	_ =	swait.ge [sflag:s17], $0x4000  }
0x9c: {  	s28 =	simm.s32 $0x800;
	s1 =	simm.s32 $0x100;
	[sflag:s17] =	ssyncset.done $0x0  }
.LBB2_6:
0x9d: {  	s2 =	sadd.s32 $0x1400, s1  }
0x9e: {  	[sflag:s17] =	ssyncadd.s32 $0xFFFFC000;
	s5 =	smov.u32 s28;
	s6 =	sadd.s32 $0x400, s28  }
0x9f: {  	[tilespmem:s21], [sflag:$0x1] =	stream.indirect.gather [hbm4b:s0+s20], $0x80, s2, s20, $0xb8;
	[tilespmem:$0x1F580] =	vst v63  }
0xa0: {  	p1 =	sne.s32 s28, $0x4800;
	_ =	swait.ge [sflag:s26], $0x4000  }
0xa1: {  	[sflag:s26] =	ssyncset.done $0x0  }
0xa2: {  	s2 =	sadd.s32 $0x2800, s1;
	[sflag:s26] =	ssyncadd.s32 $0xFFFFC000  }
0xa3: {  	[spmem:s3] =	stream.indirect.scatter.add.f32 [tilespmem:s22], [sflag:$0x3], $0x80, s2, s20, $0xb8;
	[tilespmem:$0x1F580] =	vst v63  }
0xa4: {  	_ =	swait.ge [sflag:s17], $0x4000  }
0xa5: {  	[sflag:s17] =	ssyncset.done $0x0  }
0xa6: {  	s2 =	sadd.s32 $0x1480, s1;
	[sflag:s17] =	ssyncadd.s32 $0xFFFFC000  }
0xa7: {  	[tilespmem:s22], [sflag:$0x2] =	stream.indirect.gather [hbm4b:s0+s20], $0x80, s2, s20, $0xb8;
	[tilespmem:$0x1F580] =	vst v63  }
0xa8: {  	_ =	swait.ge [sflag:s24], $0x4000  }
.Ltmp2:
0xa9: {  	[sflag:s24] =	ssyncset.done $0x0;
	(pc) =	sbr.rel @p1 .LBB2_6-.Ltmp2, $4  }
0xaa: {  	s1 =	sadd.s32 $0x2880, s1;
	[sflag:s24] =	ssyncadd.s32 $0xFFFFC000  }
0xab: {  	[spmem:s3] =	stream.indirect.scatter.add.f32 [tilespmem:s21], [sflag:$0x3], $0x80, s1, s20, $0xb8;
	[tilespmem:$0x1F580] =	vst v63  }
0xac: {  	_ =	swait.ge [sflag:s17], $0x4000  }
0xad: {  	s28 =	smov.u32 s6;
	s1 =	sshra.s32 s5, $0x2;
	[sflag:s17] =	ssyncset.done $0x0  }
0xae: {  	s2 =	sadd.s32 $0x1400, s1;
	[sflag:s17] =	ssyncadd.s32 $0xFFFFC000  }
0xaf: {  	[tilespmem:s21], [sflag:$0x1] =	stream.indirect.gather [hbm4b:s0+s20], $0x80, s2, s20, $0xb8;
	[tilespmem:$0x1F580] =	vst v63  }
0xb0: {  	_ =	swait.ge [sflag:s26], $0x4000  }
0xb1: {  	[sflag:s26] =	ssyncset.done $0x0  }
0xb2: {  	s6 =	sadd.s32 $0x2800, s1;
	[sflag:s26] =	ssyncadd.s32 $0xFFFFC000  }
0xb3: {  	[spmem:s3] =	stream.indirect.scatter.add.f32 [tilespmem:s22], [sflag:$0x3], $0x80, s6, s20, $0xb8;
	[tilespmem:$0x1F580] =	vst v63  }
0xb4: {  	_ =	swait.ge [sflag:s17], $0x4000  }
0xb5: {  	[sflag:s17] =	ssyncset.done $0x0  }
0xb6: {  	s28 =	sadd.s32 $0x1480, s1;
	[sflag:s17] =	ssyncadd.s32 $0xFFFFC000  }
0xb7: {  	[tilespmem:s22], [sflag:$0x2] =	stream.indirect.gather [hbm4b:s0+s20], $0x80, s28, s20, $0xb8;
	[tilespmem:$0x1F580] =	vst v63  }
0xb8: {  	_ =	swait.ge [sflag:s24], $0x4000  }
0xb9: {  	[sflag:s24] =	ssyncset.done $0x0  }
0xba: {  	s5 =	sadd.s32 $0x2880, s1;
	[sflag:s24] =	ssyncadd.s32 $0xFFFFC000  }
0xbb: {  	[spmem:s3] =	stream.indirect.scatter.add.f32 [tilespmem:s21], [sflag:$0x3], $0x80, s5, s20, $0xb8;
	[tilespmem:$0x1F580] =	vst v63  }
0xbc: {  	_ =	swait.ge [sflag:s17], $0x4000  }
0xbd: {  	[sflag:s17] =	ssyncset.done $0x0  }
0xbe: {  	[sflag:s17] =	ssyncadd.s32 $0xFFFFC000  }
0xbf: {  	_ =	swait.ge [sflag:s26], $0x4000  }
0xc0: {  	[sflag:s26] =	ssyncset.done $0x0  }
0xc1: {  	[sflag:s26] =	ssyncadd.s32 $0xFFFFC000  }
0xc2: {  	[spmem:s3] =	stream.indirect.scatter.add.f32 [tilespmem:s22], [sflag:$0x3], $0x80, s29, s20, $0xb8;
	[tilespmem:$0x1F580] =	vst v63  }
0xc3: {  	_ =	swait.ge [sflag:s17], $0x4000  }
0xc4: {  	[sflag:s17] =	ssyncset.done $0x0  }
0xc5: {  	[sflag:s17] =	ssyncadd.s32 $0xFFFFC000  }
0xc6: {  	[tilespmem:s21], [sflag:$0x1] =	stream.indirect.gather [hbm4b:s0+s30], $0x80, s18, s30, $0xb8;
	[tilespmem:$0x1F580] =	vst v63  }
0xc7: {  	_ =	swait.ge [sflag:s24], $0x800  }
0xc8: {  	[sflag:s24] =	ssyncset.done $0x0  }
0xc9: {  	[sflag:s24] =	ssyncadd.s32 $0xFFFFF800  }
0xca: {  	[spmem:s3] =	stream.indirect.scatter.add.f32 [tilespmem:s21], [sflag:$0x3], $0x80, s19, s30, $0xb8;
	[tilespmem:$0x1F580] =	vst v63  }
0xcb: {  	_ =	swait.ge [sflag:s17], $0x800  }
0xcc: {  	s6 =	stileid.u32;
	[sflag:s17] =	ssyncset.done $0x0  }
0xcd: {  	s1 =	sshll.u32 s6, $0x6;
	[sflag:s17] =	ssyncadd.s32 $0xFFFFF800  }
0xce: {  	s1 =	sor.u32 $0x1C03, s1;
	s28 =	sshrl.u32 s8, $0x3;
	[bflag:$0x0] =	sbarrier.arrive $0xFFFF  }
0xcf: {  	[hbm:s25], [sflag:s1] =	dma.local [spmem:s28], $0x2700  }
0xd0: {  	_ =	swait.ge [sflag:s17], $0x2700  }
0xd1: {  	s31 =	sadd.s32 $0x1, s31;
	s2 =	sadd.s32 @!p0 $0x27000, s15;
	[sflag:s17] =	ssyncset.done $0x0  }
0xd2: {  	p1 =	sne.s32 s31, s16;
	s5 =	sshrl.u32 @!p0 s13, $0x3;
	[sflag:s17] =	ssyncadd.s32 $0xFFFFD900  }
0xd3: {  	[hbm:s2], [sflag:s1] =	dma.local @!p0 [spmem:s5], $0x100  }
.Ltmp3:
0xd4: {  	_ = 	snop;
	(pc) =	sbr.rel @p1 .LBB2_1-.Ltmp3, $4  }
0xd5: {  	s1 =	simm.s32 @!p0 $0x3  }
0xd6: {  	_ =	swait.ge @!p0 [sflag:s1], $0x100  }
0xd7: {  	[sflag:s1] =	ssyncset.done @!p0 $0x0  }
0xd8: {  	[sflag:s1] =	ssyncadd.s32 @!p0 $0xFFFFFF00  }
0xd9: {  	_ =	sfence.sel $0x180000  }
0xda: {  	[bflag:$0x0] =	sbarrier.arrive $0xFFFF  }
0xdb: {  	_ =	strace $0x9000004A  }
0xdc: {  	s0 =	stileid.u32;
	[bflag:$0x2] =	sbarrier.arrive $0xFFFF  }
0xdd: {  	p0 =	sne.s32 s0, $0x0;
	s0 =	rddreg [dreg:$0x3]  }
0xde: {  	s0 =	sadd.s32 @!p0 $0x100000, s0  }
0xdf: {  	[sflag:s0] =	ssyncadd.tile.s32 @!p0 $0x1;
	_ =	shalt  }
.Lfunc_end2:
_tile_overlayer_lowered:
.L_overlay_start_2:
0xe0: {  	(tag) =	ssettag $0x2  }
0xe1: {  	s0 =	rddreg [dreg:$0x0];
	s2 =	stileid.u32  }
0xe2: {  	s1 =	rddreg [dreg:$0x1];
	p0 =	sne.s32 s2, $0x0  }
0xe3: {  	s3 =	rddreg [dreg:$0x2];
	[bflag:$0x3] =	sbarrier.arrive $0xFFFF;
	s2 =	simm.s32 @!p0 $0x1C03  }
0xe4: {  	[timem:s3], [sflag:s2] =	dma.local @!p0 [hbm:s0], s1  }
0xe5: {  	s0 =	simm.s32 @!p0 $0x3  }
0xe6: {  	_ =	swait.ge @!p0 [sflag:s0], s1  }
0xe7: {  	s1 =	ssub.s32 @!p0 $0x0, s1;
	[sflag:s0] =	ssyncset.done @!p0 $0x0  }
0xe8: {  	[sflag:s0] =	ssyncadd.s32 @!p0 s1  }
0xe9: {  	[bflag:$0x3] =	sbarrier.arrive $0xFFFF  }
0xea: {  	_ =	shalt  }

// kernel: kernel.17.cloned.1.call-start
scs
__scs_entry_jumppad:
0x0: {  	(pc) =	sbr.rel $0x88, $3  }
0x1: {  	(tag) =	ssettag $0x0;
	lr =	simm.s32 $0x1  }
0x2: {  	[smem:$0x3F9B] =	sst lr;
	_ =	strace $0xD0000000  }
0x3: {  	_ = 	snop  }
0x4: {  	_ = 	snop  }
0x5: {  	_ = 	snop  }
0x6: {  	_ = 	snop  }
0x7: {  	_ = 	snop  }
__scs_overlays_trampoline_lowered:
0x8: {  	[smem:$0x3FAA] =	sst s0  }
0x9: {  	[smem:$0x3FAB] =	sst s1  }
0xa: {  	[smem:$0x3FAC] =	sst s2  }
0xb: {  	[smem:$0x3FAD] =	sst s3  }
0xc: {  	[smem:$0x3FAE] =	sst s4  }
0xd: {  	[smem:$0x3FAF] =	sst s5  }
0xe: {  	[smem:$0x3FB0] =	sst s6  }
0xf: {  	[smem:$0x3FB1] =	sst s7  }
0x10: {  	[smem:$0x3FB2] =	sst s8  }
0x11: {  	[smem:$0x3FB3] =	sst s9;
	s0 =	simm.s32 @!p0 $0x0  }
0x12: {  	s1 =	sld [smem:$0x3F99];
	s0 =	simm.s32 @p0 $0x1  }
0x13: {  	[smem:$0x3FB4] =	sst s0;
	s0 =	simm.s32 @!p1 $0x0  }
0x14: {  	s2 =	sld [smem:$0x3F98];
	s0 =	simm.s32 @p1 $0x1  }
0x15: {  	[smem:$0x3FB5] =	sst s0;
	s0 =	simm.s32 @!p2 $0x0  }
0x16: {  	s3 =	sld [smem:$0x3FDB];
	s0 =	simm.s32 @p2 $0x1  }
0x17: {  	s4 =	simm.s32 $0x1BF5;
	[smem:$0x3FB7] =	sst s0  }
0x18: {  	s0 =	sld [smem:$0x3F9A];
	_ =	swait.ge [sflag:s4], $0x0  }
0x19: {  	s7 =	sld [smem:$0x3F9B]  }
0x1a: {  	s8 =	sadd.s32 $0xFFFFE003, lr  }
0x1b: {  	s9 =	sadd.s32 $0xFFFFFEF7, lr;
	s5 =	simm.s32 $0xFFFFFFFF;
	p2 =	slt.u32 s8, $0xFFFFF086  }
0x1c: {  	p1 =	slt.u32 s9, $0xF7A;
	s5 =	simm.s32 @!p2 $0x0  }
0x1d: {  	s5 =	simm.s32 @p1 $0x1;
	p0 =	seq.s32 s7, s2  }
0x1e: {  	s7 =	smul.u32 @!p0 $0xF7A, s2;
	p2 =	seq.s32 @!p0 s5, $0x0  }
0x1f: {  	s9 =	smul.u32 $0xF7A, s1;
	s8 =	simm.s32 @!p0 $0x1BF5;
	p2 =	por !p2, p0  }
0x20: {  	[sflag:s8] =	ssyncset.s32 @!p0 $0xFFFFF086;
	s6 =	sadd.s32 @!p0 s3, s7;
	s7 =	simm.s32 @!p0 $0x108  }
0x21: {  	s3 =	sadd.s32 s3, s9;
	s6 =	sadd.s32 @!p0 $0x88, s6;
	s7 =	simm.s32 @p2 $0x1082  }
0x22: {  	[simem:s7], [sflag:s8] =	dma.local @!p0 [hbm:s6], $0xF7A  }
0x23: {  	s9 =	sor.u32 $0xD0000000, s2;
	s6 =	simm.s32 $0x108;
	_ =	swait.ge @!p0 [sflag:s8], $0x0  }
0x24: {  	s3 =	sadd.s32 $0x88, s3;
	s6 =	simm.s32 @!p1 $0x1082;
	[sflag:s4] =	ssyncset.s32 $0xFFFFF086  }
0x25: {  	[simem:s6], [sflag:s4] =	dma.local [hbm:s3], $0xF7A  }
0x26: {  	[smem:$0x3F9B] =	sst s1;
	(tag) =	ssettag s2;
	_ =	strace s9  }
0x27: {  	s1 =	sld [smem:$0x3FAB]  }
0x28: {  	s2 =	sld [smem:$0x3FAC]  }
0x29: {  	s4 =	sld [smem:$0x3FAE]  }
0x2a: {  	p0 =	seq.s32 s5, $0x0;
	s5 =	sld [smem:$0x3FAF]  }
0x2b: {  	s6 =	sld [smem:$0x3FB0]  }
0x2c: {  	s7 =	sld [smem:$0x3FB1]  }
0x2d: {  	s3 =	simm.s32 $0x108;
	s8 =	sld [smem:$0x3FB2]  }
0x2e: {  	s3 =	simm.s32 @!p0 $0x1082;
	s9 =	sld [smem:$0x3FB3]  }
0x2f: {  	lr =	sadd.s32 s0, s3;
	s0 =	sld [smem:$0x3FAA]  }
0x30: {  	s3 =	sld [smem:$0x3FAD]  }
0x31: {  	[smem:$0x3FB6] =	sst s10  }
0x32: {  	s10 =	sld [smem:$0x3FB4];
	_ =	sdelay $0x3  }
0x33: {  	p0 =	seq.s32 s10, $0x1;
	s10 =	sld [smem:$0x3FB6];
	_ =	sdelay $0x3  }
0x34: {  	[smem:$0x3FB6] =	sst s10  }
0x35: {  	s10 =	sld [smem:$0x3FB5];
	_ =	sdelay $0x3  }
0x36: {  	p1 =	seq.s32 s10, $0x1;
	s10 =	sld [smem:$0x3FB6];
	_ =	sdelay $0x3  }
0x37: {  	[smem:$0x3FB6] =	sst s10  }
0x38: {  	s10 =	sld [smem:$0x3FB7]  }
0x39: {  	_ = 	snop;
	(pc) =	sbr.ind lr, $3  }
0x3a: {  	_ = 	snop  }
0x3b: {  	_ = 	snop  }
0x3c: {  	p2 =	seq.s32 s10, $0x1;
	s10 =	sld [smem:$0x3FB6]  }
0x3d: {  	_ =	shalt  }
0x3e: {  	_ =	shalt  }
0x3f: {  	_ =	shalt  }
0x40: {  	_ =	shalt  }
0x41: {  	_ =	shalt  }
0x42: {  	_ =	shalt  }
0x43: {  	_ =	shalt  }
0x44: {  	_ =	shalt  }
0x45: {  	_ =	shalt  }
0x46: {  	_ =	shalt  }
0x47: {  	_ =	shalt  }
0x48: {  	_ =	shalt  }
0x49: {  	_ =	shalt  }
0x4a: {  	_ =	shalt  }
0x4b: {  	_ =	shalt  }
0x4c: {  	_ =	shalt  }
0x4d: {  	_ =	shalt  }
0x4e: {  	_ =	shalt  }
0x4f: {  	_ =	shalt  }
0x50: {  	_ =	shalt  }
0x51: {  	_ =	shalt  }
0x52: {  	_ =	shalt  }
0x53: {  	_ =	shalt  }
0x54: {  	_ =	shalt  }
0x55: {  	_ =	shalt  }
0x56: {  	_ =	shalt  }
0x57: {  	_ =	shalt  }
0x58: {  	_ =	shalt  }
0x59: {  	_ =	shalt  }
0x5a: {  	_ =	shalt  }
0x5b: {  	_ =	shalt  }
0x5c: {  	_ =	shalt  }
0x5d: {  	_ =	shalt  }
0x5e: {  	_ =	shalt  }
0x5f: {  	_ =	shalt  }
0x60: {  	_ =	shalt  }
0x61: {  	_ =	shalt  }
0x62: {  	_ =	shalt  }
0x63: {  	_ =	shalt  }
0x64: {  	_ =	shalt  }
0x65: {  	_ =	shalt  }
0x66: {  	_ =	shalt  }
0x67: {  	_ =	shalt  }
0x68: {  	_ =	shalt  }
0x69: {  	_ =	shalt  }
0x6a: {  	_ =	shalt  }
0x6b: {  	_ =	shalt  }
0x6c: {  	_ =	shalt  }
0x6d: {  	_ =	shalt  }
0x6e: {  	_ =	shalt  }
0x6f: {  	_ =	shalt  }
0x70: {  	_ =	shalt  }
0x71: {  	_ =	shalt  }
0x72: {  	_ =	shalt  }
0x73: {  	_ =	shalt  }
0x74: {  	_ =	shalt  }
0x75: {  	_ =	shalt  }
0x76: {  	_ =	shalt  }
0x77: {  	_ =	shalt  }
0x78: {  	_ =	shalt  }
0x79: {  	_ =	shalt  }
0x7a: {  	_ =	shalt  }
0x7b: {  	_ =	shalt  }
0x7c: {  	_ =	shalt  }
0x7d: {  	_ =	shalt  }
0x7e: {  	_ =	shalt  }
0x7f: {  	_ =	shalt  }
0x80: {  	_ =	shalt  }
0x81: {  	_ =	shalt  }
0x82: {  	_ =	shalt  }
0x83: {  	_ =	shalt  }
0x84: {  	_ =	shalt  }
0x85: {  	_ =	shalt  }
0x86: {  	_ =	shalt  }
0x87: {  	_ =	shalt  }
.Lfunc_end0:
.L_simem_size_0:
called_computation.2_lowered:
.L_overlay_start_0:
0x88: {  	s2 =	sld [smem:$0x3FD9]  }
0x89: {  	s3 =	sld [smem:$0x3FFE];
	_ =	sdelay $0x1  }
0x8a: {  	s1 =	srdreg.scid  }
0x8b: {  	s0 =	sand.u32 $0x1, s1  }
0x8c: {  	s17 =	sshll.u32 s0, $0xA;
	s2 =	sadd.s32 s3, s2  }
0x8d: {  	s2 =	sadd.s32 s2, s17  }
0x8e: {  	[smem:$0x3FC2] =	sst s2  }
0x8f: {  	_ = 	snop  }
0x90: {  	s2 =	sld [smem:$0x3FD0];
	(tm) =	ssettm $0x1  }
0x91: {  	s18 =	sld [smem:$0x3FFB];
	_ =	sdelay $0x3  }
0x92: {  	_ =	strace s18  }
0x93: {  	s3 =	sld [smem:$0x3FFC];
	_ =	sdelay $0x3  }
0x94: {  	_ =	strace s3  }
0x95: {  	s3 =	sld [smem:$0x3FFD];
	_ =	sdelay $0x3  }
0x96: {  	_ =	strace s3  }
0x97: {  	_ =	strace $0x8FFFFFFF  }
0x98: {  	s19 =	sld [smem:$0x3FDB];
	_ =	sdelay $0x1  }
0x99: {  	s4 =	simm.s32 $_scs_section_size  }
0x9a: {  	s5 =	simm.s32 $_size__tile_overlayer_lowered;
	s6 =	simm.s32 $_tile_overlayer_lowered  }
0x9b: {  	s22 =	simm.s32 $0x1BFF;
	s21 =	sshll.u32 s6, $0x1;
	s3 =	sadd.s32 s4, s19  }
0x9c: {  	s7 =	simm.s32 $0x0;
	s20 =	sshll.u32 s5, $0x1;
	s5 =	sadd.s32 s21, s3  }
0x9d: {  	[timem:s7], [sflag:s22] =	dma.local [hbm:s5], s20  }
0x9e: {  	_ =	swait.ge [sflag:s22], s20  }
0x9f: {  	s4 =	ssub.s32 $0x0, s20;
	[sflag:s22] =	ssyncset.done $0x0  }
0xa0: {  	[sflag:s22] =	ssyncadd.s32 s4;
	_ =	sdelay $0x1  }
0xa1: {  	s23 =	simm.s32 $0x1B8B  }
0xa2: {  	_ =	swait.ge [sflag:s23], $0x1  }
0xa3: {  	[sflag:s23] =	ssyncset.done $0x0  }
0xa4: {  	s25 =	simm.s32 $0x1B8E;
	s24 =	sld [smem:$0x3FFE];
	[sflag:s23] =	ssyncadd.s32 $0xFFFFFFFF  }
0xa5: {  	s26 =	simm.s32 $execute0_lowered;
	[smem:$0x3FD2] =	sst s25  }
0xa6: {  	s5 =	sshll.u32 s26, $0x1;
	_ =	strace $0x8000004C;
	[dreg:$0x1] =	wrdreg $0xFFFFFFFF  }
0xa7: {  	s28 =	simm.s32 $_size_execute0_lowered;
	s3 =	sadd.s32 s3, s5;
	[dreg:$0x0] =	wrdreg $0x0  }
0xa8: {  	s5 =	sshll.u32 s28, $0x1;
	[dreg:$0x2] =	wrdreg s3  }
0xa9: {  	[dreg:$0x3] =	wrdreg s5  }
0xaa: {  	[dreg:$0x4] =	wrdreg $0xC0  }
0xab: {  	_ =	task [dreg:s7], $0x5FFFF  }
0xac: {  	[dreg:$0x1] =	wrdreg $0xFFFFFFFF  }
0xad: {  	[dreg:$0x0] =	wrdreg $0x60  }
0xae: {  	[dreg:$0x2] =	wrdreg s2  }
0xaf: {  	[dreg:$0x3] =	wrdreg s24  }
0xb0: {  	[dreg:$0x4] =	wrdreg $0xBD000  }
0xb1: {  	[dreg:$0x5] =	wrdreg $0x9  }
0xb2: {  	_ =	task.clear_ibuf [dreg:s7], $0x6FFFF;
	_ =	strace $0x9000004C  }
0xb3: {  	s29 =	simm.s32 $0x9;
	_ =	strace $0x8000004E  }
0xb4: {  	_ =	swait.ge [sflag:s29], $0x1  }
0xb5: {  	[sflag:s29] =	ssyncadd.s32 $0xFFFFFFFF  }
0xb6: {  	_ =	strace $0x9000004E  }
0xb7: {  	_ =	sfence  }
0xb8: {  	s30 =	sld [smem:$0x0];
	_ =	sdelay $0x2  }
0xb9: {  	s31 =	sshll.u32 s1, $0xD;
	s1 =	sshrl.u32 s1, $0x2  }
0xba: {  	s3 =	sand.u32 $0x4000, s31;
	s1 =	sadd.s32 s1, s30  }
0xbb: {  	s0 =	sor.u32 s3, s0;
	s1 =	sshll.u32 s1, $0x11  }
0xbc: {  	s0 =	sor.u32 s1, s0  }
0xbd: {  	s0 =	sadd.s32 $0x8F2B, s0  }
0xbe: {  	[sflag:s0] =	ssyncadd.remote.s32 $0x1  }
0xbf: {  	_ =	sfence.sel $0xFFFF  }
0xc0: {  	[dreg:$0x0] =	wrdreg $0xFFFFFFFF;
	(pc) =	sbr.abs _section_cstart, $3  }
0xc1: {  	[dreg:$0x1] =	wrdreg $0xFFFFFFFF  }
0xc2: {  	_ =	task.clear_ibuf [dreg:s7], $0x2FFFF;
	_ =	strace $0x9FFFFFFF  }
0xc3: {  	(tm) =	ssettm $0x7FFFFFFF  }
tec
execute0_lowered:
.L_overlay_start_1:
0x0: {  	(tag) =	ssettag $0x1  }
0x1: {  	s0 =	rddreg [dreg:$0x0]  }
0x2: {  	s5 =	rddreg [dreg:$0x1]  }
0x3: {  	s1 =	srdreg.scid;
	s3 =	rddreg [dreg:$0x2]  }
0x4: {  	s2 =	stileid.u32;
	s4 =	simm.s32 $0x0;
	s17 =	simm.s32 $0x3  }
0x5: {  	s18 =	simm.s32 $0x3C00;
	s19 =	simm.s32 $0x3C80;
	s20 =	simm.s32 $0x80  }
0x6: {  	s21 =	simm.s32 $0x3D00;
	s29 =	simm.s32 $0x3B00;
	s30 =	simm.s32 $0x10  }
0x7: {  	s31 =	simm.s32 $0x0;
	s1 =	sand.u32 $0x1, s1;
	[smem:$0x7FF] =	sst s4  }
0x8: {  	s22 =	sshll.u32 s2, $0x4;
	s23 =	smul.u32 $0x4E000, s2;
	s13 =	sadd.s32 $0x138000, s3  }
0x9: {  	p0 =	sne.s32 s2, $0xF;
	s6 =	sshll.u32 s1, $0x4;
	_ =	strace $0x8000004D  }
0xa: {  	s8 =	smul.u32 $0x27100, s1;
	s1 =	ssub.s32 $0x2, s1;
	s6 =	sor.u32 s2, s6  }
0xb: {  	s24 =	sshrl.u32 s1, $0x1;
	s26 =	sshrl.u32 s23, $0x2;
	s23 =	simm.s32 $0x2800  }
0xc: {  	s7 =	smul.u32 $0x500, s6;
	s6 =	sshll.u32 s6, $0x4;
	s15 =	sadd.s32 s8, s5  }
0xd: {  	s1 =	ssub.s32 s1, s24;
	s8 =	sadd.s32 s26, s3;
	s24 =	simm.s32 $0x1  }
0xe: {  	s26 =	simm.s32 $0x2;
	s6 =	sand.u32 $0x180, s6;
	s10 =	sadd.s32 $0x8000, s8  }
0xf: {  	s11 =	sadd.s32 $0xC000, s8;
	s12 =	sadd.s32 $0x10000, s8;
	s15 =	sadd.s32 $0x17E00, s15  }
0x10: {  	s16 =	smax.u32 s1, $0x1;
	s14 =	sadd.s32 s7, s5;
	s7 =	sand.u32 $0x70, s22  }
0x11: {  	s22 =	simm.s32 $0x7D00;
	s6 =	sor.u32 s7, s6;
	s25 =	sadd.s32 $0x3E00, s14  }
0x12: {  	s9 =	sadd.s32 s6, s5;
	[dreg:$0x4] =	wrdreg s25;
	s25 =	smul.u32 $0x2700, s2  }
0x13: {  	s14 =	sadd.s32 $0xDE00, s14;
	s28 =	sadd.s32 $0x3C00, s9;
	s7 =	sadd.s32 $0x3A00, s9  }
0x14: {  	v0 =	vimm.f32 $0.0e+00;
	s9 =	sadd.s32 $0x4000, s8;
	[dreg:$0x5] =	wrdreg s28;
	s25 =	sadd.s32 s25, s15  }
.LBB2_1:
0x15: {  	s1 =	rddreg [dreg:$0x4]  }
0x16: {  	[tilespmem:s4], [sflag:$0x3] =	stream.linear.gather [hbm4b:s1+s4], $0x2700, $0x38;
	[tilespmem:$0x1F580] =	vst v63  }
0x17: {  	_ =	swait.ge [sflag:s17], $0x2700  }
0x18: {  	[sflag:s17] =	ssyncset.done $0x0  }
0x19: {  	s6 =	rddreg [dreg:$0x5];
	[sflag:s17] =	ssyncadd.s32 $0xFFFFD900  }
0x1a: {  	[tilespmem:s18], [sflag:$0x3] =	stream.linear.gather [hbm4b:s6+s4], $0x80, $0x38;
	[tilespmem:$0x1F580] =	vst v63  }
0x1b: {  	_ =	swait.ge [sflag:s17], $0x80  }
0x1c: {  	[sflag:s17] =	ssyncset.done $0x0  }
0x1d: {  	[sflag:s17] =	ssyncadd.s32 $0xFFFFFF80  }
0x1e: {  	[tilespmem:s19], [sflag:$0x3] =	stream.linear.gather [hbm4b:s7+s4], $0x80, $0x38;
	[tilespmem:$0x1F580] =	vst v63  }
0x1f: {  	_ =	swait.ge [sflag:s17], $0x80  }
0x20: {  	[sflag:s17] =	ssyncset.done $0x0  }
0x21: {  	s28 =	simm.s32 $0x200;
	s1 =	simm.s32 $0x0;
	[sflag:s17] =	ssyncadd.s32 $0xFFFFFF80  }
0x22: {  	[tilespmem:s21], [sflag:$0x1] =	stream.indirect.gather [hbm4b:s0+s20], $0x80, s4, s20, $0xb8;
	[tilespmem:$0x1F580] =	vst v63  }
.LBB2_2:
0x23: {  	p1 =	sne.s32 s28, $0xFE00;
	[tilespmem:s1+$0x7D70] =	vst v0  }
0x24: {  	[tilespmem:s1+$0x7D00] =	vst v0  }
0x25: {  	[tilespmem:s1+$0x7D10] =	vst v0  }
.Ltmp0:
0x26: {  	[tilespmem:s1+$0x7D20] =	vst v0;
	(pc) =	sbr.rel @p1 .LBB2_2-.Ltmp0, $4  }
0x27: {  	[tilespmem:s1+$0x7D30] =	vst v0  }
0x28: {  	[tilespmem:s1+$0x7D40] =	vst v0  }
0x29: {  	[tilespmem:s1+$0x7D50] =	vst v0  }
0x2a: {  	[tilespmem:s1+$0x7D60] =	vst v0;
	s1 =	sshra.s32 s28, $0x2;
	s28 =	sadd.s32 $0x200, s28  }
0x2b: {  	[tilespmem:s1+$0x7D70] =	vst v0  }
0x2c: {  	[tilespmem:s1+$0x7D00] =	vst v0  }
0x2d: {  	[tilespmem:s1+$0x7D10] =	vst v0  }
0x2e: {  	[tilespmem:s1+$0x7D20] =	vst v0  }
0x2f: {  	[tilespmem:s1+$0x7D30] =	vst v0  }
0x30: {  	[tilespmem:s1+$0x7D40] =	vst v0  }
0x31: {  	[tilespmem:s1+$0x7D50] =	vst v0  }
0x32: {  	[tilespmem:s1+$0x7D60] =	vst v0  }
0x33: {  	[spmem:s8] =	stream.linear.scatter [tilespmem:s22], [sflag:$0x3], $0x4000, $0x38;
	[tilespmem:$0x1F580] =	vst v63  }
0x34: {  	_ =	swait.ge [sflag:s17], $0x4000  }
0x35: {  	[sflag:s17] =	ssyncset.done $0x0  }
0x36: {  	[sflag:s17] =	ssyncadd.s32 $0xFFFFC000  }
0x37: {  	[spmem:s9] =	stream.linear.scatter [tilespmem:s22], [sflag:$0x3], $0x4000, $0x38;
	[tilespmem:$0x1F580] =	vst v63  }
0x38: {  	_ =	swait.ge [sflag:s17], $0x4000  }
0x39: {  	[sflag:s17] =	ssyncset.done $0x0  }
0x3a: {  	[sflag:s17] =	ssyncadd.s32 $0xFFFFC000  }
0x3b: {  	[spmem:s10] =	stream.linear.scatter [tilespmem:s22], [sflag:$0x3], $0x4000, $0x38;
	[tilespmem:$0x1F580] =	vst v63  }
0x3c: {  	_ =	swait.ge [sflag:s17], $0x4000  }
0x3d: {  	[sflag:s17] =	ssyncset.done $0x0  }
0x3e: {  	[sflag:s17] =	ssyncadd.s32 $0xFFFFC000  }
0x3f: {  	[spmem:s11] =	stream.linear.scatter [tilespmem:s22], [sflag:$0x3], $0x4000, $0x38;
	[tilespmem:$0x1F580] =	vst v63  }
0x40: {  	_ =	swait.ge [sflag:s17], $0x4000  }
0x41: {  	[sflag:s17] =	ssyncset.done $0x0  }
0x42: {  	[sflag:s17] =	ssyncadd.s32 $0xFFFFC000  }
0x43: {  	[spmem:s12] =	stream.linear.scatter [tilespmem:s22], [sflag:$0x3], $0x3800, $0x38;
	[tilespmem:$0x1F580] =	vst v63  }
0x44: {  	_ =	swait.ge [sflag:s17], $0x3800  }
0x45: {  	[sflag:s17] =	ssyncset.done $0x0  }
0x46: {  	s1 =	simm.s32 @!p0 $0x7D00;
	[sflag:s17] =	ssyncadd.s32 $0xFFFFC800  }
0x47: {  	[spmem:s13] =	stream.linear.scatter @!p0 [tilespmem:s1], [sflag:$0x3], $0x800, $0x38;
	[tilespmem:$0x1F580] =	vst v63  }
0x48: {  	s1 =	simm.s32 @!p0 $0x3  }
0x49: {  	_ =	swait.ge @!p0 [sflag:s1], $0x800  }
0x4a: {  	[sflag:s1] =	ssyncset.done @!p0 $0x0  }
0x4b: {  	[sflag:s1] =	ssyncadd.s32 @!p0 $0xFFFFF800  }
0x4c: {  	s5 =	simm.s32 $0x0;
	[bflag:$0x0] =	sbarrier.arrive $0xFFFF  }
0x4d: {  	[tilespmem:s23], [sflag:$0x3] =	stream.linear.gather [hbm4b:s14+s5], $0x1380, $0x38;
	[tilespmem:$0x1F580] =	vst v63  }
0x4e: {  	_ =	swait.ge [sflag:s17], $0x1380  }
0x4f: {  	[sflag:s17] =	ssyncset.done $0x0  }
0x50: {  	s6 =	simm.s32 $0x80;
	[sflag:s17] =	ssyncadd.s32 $0xFFFFEC80  }
0x51: {  	[tilespmem:s22], [sflag:$0x2] =	stream.indirect.gather [hbm4b:s0+s20], $0x80, s6, s20, $0xb8;
	[tilespmem:$0x1F580] =	vst v63  }
0x52: {  	_ =	swait.ge [sflag:s24], $0x4000  }
0x53: {  	[sflag:s24] =	ssyncset.done $0x0  }
0x54: {  	s2 =	simm.s32 $0x2800;
	[sflag:s24] =	ssyncadd.s32 $0xFFFFC000  }
0x55: {  	[spmem:s3] =	stream.indirect.scatter.add.f32 [tilespmem:s21], [sflag:$0x3], $0x80, s2, s20, $0xb8;
	[tilespmem:$0x1F580] =	vst v63  }
0x56: {  	_ =	swait.ge [sflag:s17], $0x4000  }
0x57: {  	[sflag:s17] =	ssyncset.done $0x0  }
0x58: {  	s5 =	simm.s32 $0x100;
	[sflag:s17] =	ssyncadd.s32 $0xFFFFC000  }
0x59: {  	[tilespmem:s21], [sflag:$0x1] =	stream.indirect.gather [hbm4b:s0+s20], $0x80, s5, s20, $0xb8;
	[tilespmem:$0x1F580] =	vst v63  }
0x5a: {  	_ =	swait.ge [sflag:s26], $0x4000  }
0x5b: {  	[sflag:s26] =	ssyncset.done $0x0  }
0x5c: {  	s6 =	simm.s32 $0x2880;
	[sflag:s26] =	ssyncadd.s32 $0xFFFFC000  }
0x5d: {  	[spmem:s3] =	stream.indirect.scatter.add.f32 [tilespmem:s22], [sflag:$0x3], $0x80, s6, s20, $0xb8;
	[tilespmem:$0x1F580] =	vst v63  }
0x5e: {  	_ =	swait.ge [sflag:s17], $0x4000  }
0x5f: {  	s28 =	simm.s32 $0x800;
	s1 =	simm.s32 $0x100;
	[sflag:s17] =	ssyncset.done $0x0  }
.LBB2_4:
0x60: {  	s2 =	sadd.s32 $0x80, s1  }
0x61: {  	[sflag:s17] =	ssyncadd.s32 $0xFFFFC000;
	s5 =	smov.u32 s28;
	s6 =	sadd.s32 $0x400, s28  }
0x62: {  	[tilespmem:s22], [sflag:$0x2] =	stream.indirect.gather [hbm4b:s0+s20], $0x80, s2, s20, $0xb8;
	[tilespmem:$0x1F580] =	vst v63  }
0x63: {  	p1 =	sne.s32 s28, $0x4800;
	_ =	swait.ge [sflag:s24], $0x4000  }
0x64: {  	[sflag:s24] =	ssyncset.done $0x0  }
0x65: {  	s2 =	sadd.s32 $0x2800, s1;
	[sflag:s24] =	ssyncadd.s32 $0xFFFFC000  }
0x66: {  	[spmem:s3] =	stream.indirect.scatter.add.f32 [tilespmem:s21], [sflag:$0x3], $0x80, s2, s20, $0xb8;
	[tilespmem:$0x1F580] =	vst v63  }
0x67: {  	_ =	swait.ge [sflag:s17], $0x4000  }
0x68: {  	[sflag:s17] =	ssyncset.done $0x0  }
0x69: {  	s2 =	sadd.s32 $0x100, s1;
	[sflag:s17] =	ssyncadd.s32 $0xFFFFC000  }
0x6a: {  	[tilespmem:s21], [sflag:$0x1] =	stream.indirect.gather [hbm4b:s0+s20], $0x80, s2, s20, $0xb8;
	[tilespmem:$0x1F580] =	vst v63  }
0x6b: {  	_ =	swait.ge [sflag:s26], $0x4000  }
.Ltmp1:
0x6c: {  	[sflag:s26] =	ssyncset.done $0x0;
	(pc) =	sbr.rel @p1 .LBB2_4-.Ltmp1, $4  }
0x6d: {  	s1 =	sadd.s32 $0x2880, s1;
	[sflag:s26] =	ssyncadd.s32 $0xFFFFC000  }
0x6e: {  	[spmem:s3] =	stream.indirect.scatter.add.f32 [tilespmem:s22], [sflag:$0x3], $0x80, s1, s20, $0xb8;
	[tilespmem:$0x1F580] =	vst v63  }
0x6f: {  	_ =	swait.ge [sflag:s17], $0x4000  }
0x70: {  	s28 =	smov.u32 s6;
	s1 =	sshra.s32 s5, $0x2;
	[sflag:s17] =	ssyncset.done $0x0  }
0x71: {  	s2 =	sadd.s32 $0x80, s1;
	[sflag:s17] =	ssyncadd.s32 $0xFFFFC000  }
0x72: {  	[tilespmem:s22], [sflag:$0x2] =	stream.indirect.gather [hbm4b:s0+s20], $0x80, s2, s20, $0xb8;
	[tilespmem:$0x1F580] =	vst v63  }
0x73: {  	_ =	swait.ge [sflag:s24], $0x4000  }
0x74: {  	[sflag:s24] =	ssyncset.done $0x0  }
0x75: {  	s5 =	sadd.s32 $0x2800, s1;
	[sflag:s24] =	ssyncadd.s32 $0xFFFFC000  }
0x76: {  	[spmem:s3] =	stream.indirect.scatter.add.f32 [tilespmem:s21], [sflag:$0x3], $0x80, s5, s20, $0xb8;
	[tilespmem:$0x1F580] =	vst v63  }
0x77: {  	_ =	swait.ge [sflag:s17], $0x4000  }
0x78: {  	[sflag:s17] =	ssyncset.done $0x0  }
0x79: {  	s6 =	sadd.s32 $0x100, s1;
	[sflag:s17] =	ssyncadd.s32 $0xFFFFC000  }
0x7a: {  	[tilespmem:s21], [sflag:$0x1] =	stream.indirect.gather [hbm4b:s0+s20], $0x80, s6, s20, $0xb8;
	[tilespmem:$0x1F580] =	vst v63  }
0x7b: {  	_ =	swait.ge [sflag:s26], $0x4000  }
0x7c: {  	[sflag:s26] =	ssyncset.done $0x0  }
0x7d: {  	s5 =	sadd.s32 $0x2880, s1;
	[sflag:s26] =	ssyncadd.s32 $0xFFFFC000  }
0x7e: {  	[spmem:s3] =	stream.indirect.scatter.add.f32 [tilespmem:s22], [sflag:$0x3], $0x80, s5, s20, $0xb8;
	[tilespmem:$0x1F580] =	vst v63  }
0x7f: {  	_ =	swait.ge [sflag:s17], $0x4000  }
0x80: {  	[sflag:s17] =	ssyncset.done $0x0  }
0x81: {  	s6 =	simm.s32 $0x1380;
	[sflag:s17] =	ssyncadd.s32 $0xFFFFC000  }
0x82: {  	[tilespmem:s22], [sflag:$0x2] =	stream.indirect.gather [hbm4b:s0+s20], $0x80, s6, s20, $0xb8;
	[tilespmem:$0x1F580] =	vst v63  }
0x83: {  	_ =	swait.ge [sflag:s24], $0x4000  }
0x84: {  	[sflag:s24] =	ssyncset.done $0x0  }
0x85: {  	[sflag:s24] =	ssyncadd.s32 $0xFFFFC000  }
0x86: {  	[spmem:s3] =	stream.indirect.scatter.add.f32 [tilespmem:s21], [sflag:$0x3], $0x80, s29, s20, $0xb8;
	[tilespmem:$0x1F580] =	vst v63  }
0x87: {  	_ =	swait.ge [sflag:s17], $0x4000  }
0x88: {  	[sflag:s17] =	ssyncset.done $0x0  }
0x89: {  	s2 =	sadd.s32 $0x280, s14;
	s5 =	simm.s32 $0x0;
	[sflag:s17] =	ssyncadd.s32 $0xFFFFC000  }
0x8a: {  	[tilespmem:s23], [sflag:$0x3] =	stream.linear.gather [hbm4b:s2+s5], $0x1380, $0x38;
	[tilespmem:$0x1F580] =	vst v63  }
0x8b: {  	_ =	swait.ge [sflag:s17], $0x1380  }
0x8c: {  	[sflag:s17] =	ssyncset.done $0x0  }
0x8d: {  	s6 =	simm.s32 $0x1400;
	[sflag:s17] =	ssyncadd.s32 $0xFFFFEC80  }
0x8e: {  	[tilespmem:s21], [sflag:$0x1] =	stream.indirect.gather [hbm4b:s0+s20], $0x80, s6, s20, $0xb8;
	[tilespmem:$0x1F580] =	vst v63  }
0x8f: {  	_ =	swait.ge [sflag:s26], $0x4000  }
0x90: {  	[sflag:s26] =	ssyncset.done $0x0  }
0x91: {  	s2 =	simm.s32 $0x2800;
	[sflag:s26] =	ssyncadd.s32 $0xFFFFC000  }
0x92: {  	[spmem:s3] =	stream.indirect.scatter.add.f32 [tilespmem:s22], [sflag:$0x3], $0x80, s2, s20, $0xb8;
	[tilespmem:$0x1F580] =	vst v63  }
0x93: {  	_ =	swait.ge [sflag:s17], $0x4000  }
0x94: {  	[sflag:s17] =	ssyncset.done $0x0  }
0x95: {  	s5 =	simm.s32 $0x1480;
	[sflag:s17] =	ssyncadd.s32 $0xFFFFC000  }
0x96: {  	[tilespmem:s22], [sflag:$0x2] =	stream.indirect.gather [hbm4b:s0+s20], $0x80, s5, s20, $0xb8;
	[tilespmem:$0x1F580] =	vst v63  }
0x97: {  	_ =	swait.ge [sflag:s24], $0x4000  }
0x98: {  	[sflag:s24] =	ssyncset.done $0x0  }
0x99: {  	s6 =	simm.s32 $0x2880;
	[sflag:s24] =	ssyncadd.s32 $0xFFFFC000  }
0x9a: {  	[spmem:s3] =	stream.indirect.scatter.add.f32 [tilespmem:s21], [sflag:$0x3], $0x80, s6, s20, $0xb8;
	[tilespmem:$0x1F580] =	vst v63  }
0x9b: {  	_ =	swait.ge [sflag:s17], $0x4000  }
0x9c: {  	s28 =	simm.s32 $0x800;
	s1 =	simm.s32 $0x100;
	[sflag:s17] =	ssyncset.done $0x0  }
.LBB2_6:
0x9d: {  	s2 =	sadd.s32 $0x1400, s1  }
0x9e: {  	[sflag:s17] =	ssyncadd.s32 $0xFFFFC000;
	s5 =	smov.u32 s28;
	s6 =	sadd.s32 $0x400, s28  }
0x9f: {  	[tilespmem:s21], [sflag:$0x1] =	stream.indirect.gather [hbm4b:s0+s20], $0x80, s2, s20, $0xb8;
	[tilespmem:$0x1F580] =	vst v63  }
0xa0: {  	p1 =	sne.s32 s28, $0x4800;
	_ =	swait.ge [sflag:s26], $0x4000  }
0xa1: {  	[sflag:s26] =	ssyncset.done $0x0  }
0xa2: {  	s2 =	sadd.s32 $0x2800, s1;
	[sflag:s26] =	ssyncadd.s32 $0xFFFFC000  }
0xa3: {  	[spmem:s3] =	stream.indirect.scatter.add.f32 [tilespmem:s22], [sflag:$0x3], $0x80, s2, s20, $0xb8;
	[tilespmem:$0x1F580] =	vst v63  }
0xa4: {  	_ =	swait.ge [sflag:s17], $0x4000  }
0xa5: {  	[sflag:s17] =	ssyncset.done $0x0  }
0xa6: {  	s2 =	sadd.s32 $0x1480, s1;
	[sflag:s17] =	ssyncadd.s32 $0xFFFFC000  }
0xa7: {  	[tilespmem:s22], [sflag:$0x2] =	stream.indirect.gather [hbm4b:s0+s20], $0x80, s2, s20, $0xb8;
	[tilespmem:$0x1F580] =	vst v63  }
0xa8: {  	_ =	swait.ge [sflag:s24], $0x4000  }
.Ltmp2:
0xa9: {  	[sflag:s24] =	ssyncset.done $0x0;
	(pc) =	sbr.rel @p1 .LBB2_6-.Ltmp2, $4  }
0xaa: {  	s1 =	sadd.s32 $0x2880, s1;
	[sflag:s24] =	ssyncadd.s32 $0xFFFFC000  }
0xab: {  	[spmem:s3] =	stream.indirect.scatter.add.f32 [tilespmem:s21], [sflag:$0x3], $0x80, s1, s20, $0xb8;
	[tilespmem:$0x1F580] =	vst v63  }
0xac: {  	_ =	swait.ge [sflag:s17], $0x4000  }
0xad: {  	s28 =	smov.u32 s6;
	s1 =	sshra.s32 s5, $0x2;
	[sflag:s17] =	ssyncset.done $0x0  }
0xae: {  	s2 =	sadd.s32 $0x1400, s1;
	[sflag:s17] =	ssyncadd.s32 $0xFFFFC000  }
0xaf: {  	[tilespmem:s21], [sflag:$0x1] =	stream.indirect.gather [hbm4b:s0+s20], $0x80, s2, s20, $0xb8;
	[tilespmem:$0x1F580] =	vst v63  }
0xb0: {  	_ =	swait.ge [sflag:s26], $0x4000  }
0xb1: {  	[sflag:s26] =	ssyncset.done $0x0  }
0xb2: {  	s6 =	sadd.s32 $0x2800, s1;
	[sflag:s26] =	ssyncadd.s32 $0xFFFFC000  }
0xb3: {  	[spmem:s3] =	stream.indirect.scatter.add.f32 [tilespmem:s22], [sflag:$0x3], $0x80, s6, s20, $0xb8;
	[tilespmem:$0x1F580] =	vst v63  }
0xb4: {  	_ =	swait.ge [sflag:s17], $0x4000  }
0xb5: {  	[sflag:s17] =	ssyncset.done $0x0  }
0xb6: {  	s28 =	sadd.s32 $0x1480, s1;
	[sflag:s17] =	ssyncadd.s32 $0xFFFFC000  }
0xb7: {  	[tilespmem:s22], [sflag:$0x2] =	stream.indirect.gather [hbm4b:s0+s20], $0x80, s28, s20, $0xb8;
	[tilespmem:$0x1F580] =	vst v63  }
0xb8: {  	_ =	swait.ge [sflag:s24], $0x4000  }
0xb9: {  	[sflag:s24] =	ssyncset.done $0x0  }
0xba: {  	s5 =	sadd.s32 $0x2880, s1;
	[sflag:s24] =	ssyncadd.s32 $0xFFFFC000  }
0xbb: {  	[spmem:s3] =	stream.indirect.scatter.add.f32 [tilespmem:s21], [sflag:$0x3], $0x80, s5, s20, $0xb8;
	[tilespmem:$0x1F580] =	vst v63  }
0xbc: {  	_ =	swait.ge [sflag:s17], $0x4000  }
0xbd: {  	[sflag:s17] =	ssyncset.done $0x0  }
0xbe: {  	[sflag:s17] =	ssyncadd.s32 $0xFFFFC000  }
0xbf: {  	_ =	swait.ge [sflag:s26], $0x4000  }
0xc0: {  	[sflag:s26] =	ssyncset.done $0x0  }
0xc1: {  	[sflag:s26] =	ssyncadd.s32 $0xFFFFC000  }
0xc2: {  	[spmem:s3] =	stream.indirect.scatter.add.f32 [tilespmem:s22], [sflag:$0x3], $0x80, s29, s20, $0xb8;
	[tilespmem:$0x1F580] =	vst v63  }
0xc3: {  	_ =	swait.ge [sflag:s17], $0x4000  }
0xc4: {  	[sflag:s17] =	ssyncset.done $0x0  }
0xc5: {  	[sflag:s17] =	ssyncadd.s32 $0xFFFFC000  }
0xc6: {  	[tilespmem:s21], [sflag:$0x1] =	stream.indirect.gather [hbm4b:s0+s30], $0x80, s18, s30, $0xb8;
	[tilespmem:$0x1F580] =	vst v63  }
0xc7: {  	_ =	swait.ge [sflag:s24], $0x800  }
0xc8: {  	[sflag:s24] =	ssyncset.done $0x0  }
0xc9: {  	[sflag:s24] =	ssyncadd.s32 $0xFFFFF800  }
0xca: {  	[spmem:s3] =	stream.indirect.scatter.add.f32 [tilespmem:s21], [sflag:$0x3], $0x80, s19, s30, $0xb8;
	[tilespmem:$0x1F580] =	vst v63  }
0xcb: {  	_ =	swait.ge [sflag:s17], $0x800  }
0xcc: {  	s6 =	stileid.u32;
	[sflag:s17] =	ssyncset.done $0x0  }
0xcd: {  	s1 =	sshll.u32 s6, $0x6;
	[sflag:s17] =	ssyncadd.s32 $0xFFFFF800  }
0xce: {  	s1 =	sor.u32 $0x1C03, s1;
	s28 =	sshrl.u32 s8, $0x3;
	[bflag:$0x0] =	sbarrier.arrive $0xFFFF  }
0xcf: {  	[hbm:s25], [sflag:s1] =	dma.local [spmem:s28], $0x2700  }
0xd0: {  	_ =	swait.ge [sflag:s17], $0x2700  }
0xd1: {  	s31 =	sadd.s32 $0x1, s31;
	s2 =	sadd.s32 @!p0 $0x27000, s15;
	[sflag:s17] =	ssyncset.done $0x0  }
0xd2: {  	p1 =	sne.s32 s31, s16;
	s5 =	sshrl.u32 @!p0 s13, $0x3;
	[sflag:s17] =	ssyncadd.s32 $0xFFFFD900  }
0xd3: {  	[hbm:s2], [sflag:s1] =	dma.local @!p0 [spmem:s5], $0x100  }
.Ltmp3:
0xd4: {  	_ = 	snop;
	(pc) =	sbr.rel @p1 .LBB2_1-.Ltmp3, $4  }
0xd5: {  	s1 =	simm.s32 @!p0 $0x3  }
0xd6: {  	_ =	swait.ge @!p0 [sflag:s1], $0x100  }
0xd7: {  	[sflag:s1] =	ssyncset.done @!p0 $0x0  }
0xd8: {  	[sflag:s1] =	ssyncadd.s32 @!p0 $0xFFFFFF00  }
0xd9: {  	_ =	sfence.sel $0x180000  }
0xda: {  	[bflag:$0x0] =	sbarrier.arrive $0xFFFF  }
0xdb: {  	_ =	strace $0x9000004D  }
0xdc: {  	s0 =	stileid.u32;
	[bflag:$0x2] =	sbarrier.arrive $0xFFFF  }
0xdd: {  	p0 =	sne.s32 s0, $0x0;
	s0 =	rddreg [dreg:$0x3]  }
0xde: {  	s0 =	sadd.s32 @!p0 $0x100000, s0  }
0xdf: {  	[sflag:s0] =	ssyncadd.tile.s32 @!p0 $0x1;
	_ =	shalt  }
.Lfunc_end2:
_tile_overlayer_lowered:
.L_overlay_start_2:
0xe0: {  	(tag) =	ssettag $0x2  }
0xe1: {  	s0 =	rddreg [dreg:$0x0];
	s2 =	stileid.u32  }
0xe2: {  	s1 =	rddreg [dreg:$0x1];
	p0 =	sne.s32 s2, $0x0  }
0xe3: {  	s3 =	rddreg [dreg:$0x2];
	[bflag:$0x3] =	sbarrier.arrive $0xFFFF;
	s2 =	simm.s32 @!p0 $0x1C03  }
0xe4: {  	[timem:s3], [sflag:s2] =	dma.local @!p0 [hbm:s0], s1  }
0xe5: {  	s0 =	simm.s32 @!p0 $0x3  }
0xe6: {  	_ =	swait.ge @!p0 [sflag:s0], s1  }
0xe7: {  	s1 =	ssub.s32 @!p0 $0x0, s1;
	[sflag:s0] =	ssyncset.done @!p0 $0x0  }
0xe8: {  	[sflag:s0] =	ssyncadd.s32 @!p0 s1  }
0xe9: {  	[bflag:$0x3] =	sbarrier.arrive $0xFFFF  }
0xea: {  	_ =	shalt  }

</sc_bundles>
